<compile_context>
chip_gen: v7x
topology: tpu7x:2x2x1
jax: 0.10.2.dev20260603
libtpu: 0.0.44.dev20260713+nightly
codegen_flags: <defaults>
</compile_context>

<pallas_src>
import functools

import jax
import jax.numpy as jnp
from jax import lax
from jax.experimental import pallas as pl
from jax.experimental.pallas import tpu as pltpu
from jax.experimental.pallas import tpu_sc as plsc

N_NODES = 10000
N_EDGES = 320000
N_GRAPHS = 16
HID = 128
HEADS = 4
LAYERS = 4
CODE_DIM = 768
CODE_LAYERS = 2
CODE_HEADS = 4
SEQ = 256
NODE_FIELDS = 3
NODE_VOCAB = 64
EDGE_FIELDS = 2
EDGE_VOCAB = 16
N_SCALARS = 5
N_TARGETS = 4

C = HID // HEADS
NB = 256
N_PAD = 10240
NBLK = N_PAD // NB
ECH = 512
NECH = N_EDGES // ECH
ROWB = 512

_NEG = -1e30



def _sc_gather(table, idx):
    B = idx.shape[0]
    NW = 32
    bpw = B // NW
    CH = 80
    assert B % NW == 0 and bpw % CH == 0 and table.shape[1] == HID

    mesh = plsc.VectorSubcoreMesh(core_axis_name="c", subcore_axis_name="s")

    @functools.partial(
        pl.kernel, mesh=mesh,
        out_type=jax.ShapeDtypeStruct((B, HID), jnp.float32),
        scratch_types=[
            pltpu.VMEM((CH,), jnp.int32),
            pltpu.VMEM((CH, HID), jnp.float32),
            pltpu.SemaphoreType.DMA,
        ],
    )
    def k(table_hbm, idx_hbm, out_hbm, idx_v, rows_v, sem):
        wid = lax.axis_index("s") * 2 + lax.axis_index("c")
        base = wid * bpw

        @pl.loop(0, bpw // CH)
        def _(j):
            off = base + j * CH
            pltpu.sync_copy(idx_hbm.at[pl.ds(off, CH)], idx_v)
            pltpu.async_copy(table_hbm.at[idx_v], rows_v, sem).wait()
            pltpu.sync_copy(rows_v, out_hbm.at[pl.ds(off, CH)])

    return k(table, idx)



def _linear(x, W, b, relu=False, blk=ROWB):
    R, Din = x.shape
    Dout = W.shape[0]
    assert R % blk == 0

    def body(x_ref, w_ref, b_ref, o_ref):
        y = lax.dot_general(x_ref[...], w_ref[...], (((1,), (1,)), ((), ())),
                            preferred_element_type=jnp.float32, precision=lax.Precision.HIGHEST)
        y = y + b_ref[...]
        if relu:
            y = jnp.maximum(y, 0.0)
        o_ref[...] = y

    return pl.pallas_call(
        body,
        grid=(R // blk,),
        in_specs=[
            pl.BlockSpec((blk, Din), lambda i: (i, 0)),
            pl.BlockSpec((Dout, Din), lambda i: (0, 0)),
            pl.BlockSpec((1, Dout), lambda i: (0, 0)),
        ],
        out_specs=pl.BlockSpec((blk, Dout), lambda i: (i, 0)),
        out_shape=jax.ShapeDtypeStruct((R, Dout), jnp.float32),
    )(x, W, b.reshape(1, -1))



def _embed(fields, tables, rows, vocab, blk):
    F = len(fields)

    def body(*refs):
        o_ref = refs[-1]
        tab_ref = refs[F]
        acc = jnp.zeros((blk, HID), jnp.float32)
        for i in range(F):
            v = refs[i][0, 0, :].reshape(blk, 1)
            oh = (jax.lax.broadcasted_iota(jnp.int32, (blk, vocab), 1) == v)
            acc = acc + lax.dot_general(
                oh.astype(jnp.float32), tab_ref[i],
                (((1,), (0,)), ((), ())), preferred_element_type=jnp.float32, precision=lax.Precision.HIGHEST)
        o_ref[...] = acc

    return pl.pallas_call(
        body,
        grid=(rows // blk,),
        in_specs=[pl.BlockSpec((1, 1, blk), lambda i: (i, 0, 0))] * F
        + [pl.BlockSpec((F, vocab, HID), lambda i: (0, 0, 0))],
        out_specs=pl.BlockSpec((blk, HID), lambda i: (i, 0)),
        out_shape=jax.ShapeDtypeStruct((rows, HID), jnp.float32),
    )(*fields, tables)



def _segment_attn(q, kjb, vjb, es, dst3, blk_ptr):
    inv_sqrt_c = 1.0 / (C ** 0.5)

    def body(ptr_ref, q_ref, kj_hbm, vj_hbm, e_hbm, dst_hbm, o_ref,
             bk, bv, be, bd, sem):
        nb = pl.program_id(0)
        s = ptr_ref[nb]
        t = ptr_ref[nb + 1]
        c0 = s // ECH
        c1 = lax.div(t + ECH - 1, ECH)
        nodebase = nb * NB
        qb = q_ref[...]
        ones_row = jnp.ones((1, NB), jnp.float32)

        def chunk(c, carry):
            m, den, acc = carry
            for hbm, buf in ((kj_hbm, bk), (vj_hbm, bv), (e_hbm, be),
                             (dst_hbm, bd)):
                cp = pltpu.make_async_copy(hbm.at[c], buf, sem)
                cp.start()
                cp.wait()
            dloc = bd[0, :] - nodebase
            valid = (dloc >= 0) & (dloc < NB)
            mask = ((jax.lax.broadcasted_iota(jnp.int32, (NB, ECH), 0)
                     == dloc[None, :]) & valid[None, :])
            mf = mask.astype(jnp.float32)
            kj = bk[...] + be[...]
            vj = bv[...] + be[...]
            m_parts, den_parts, acc_parts = [], [], []
            for h in range(HEADS):
                sl = slice(h * C, (h + 1) * C)
                qh = qb[:, sl]
                P = lax.dot_general(qh, kj[:, sl], (((1,), (1,)), ((), ())),
                                    preferred_element_type=jnp.float32)
                P = P * inv_sqrt_c
                Pm = jnp.where(mask, P, _NEG)
                mh = jnp.maximum(m[:, h:h + 1],
                                 jnp.max(Pm, axis=1, keepdims=True))
                scale = jnp.exp(m[:, h:h + 1] - mh)
                alpha_e = lax.dot_general(ones_row, mf * P,
                                          (((1,), (0,)), ((), ())),
                                          preferred_element_type=jnp.float32)
                m_e = lax.dot_general(ones_row, mf * mh,
                                      (((1,), (0,)), ((), ())),
                                      preferred_element_type=jnp.float32)
                ex_e = jnp.exp(alpha_e - m_e) * valid[None, :].astype(
                    jnp.float32)
                w = mf * ex_e
                denh = den[:, h:h + 1] * scale + jnp.sum(w, axis=1,
                                                         keepdims=True)
                acch = acc[:, sl] * scale + lax.dot_general(
                    w, vj[:, sl], (((1,), (0,)), ((), ())),
                    preferred_element_type=jnp.float32)
                m_parts.append(mh)
                den_parts.append(denh)
                acc_parts.append(acch)
            return (jnp.concatenate(m_parts, axis=1),
                    jnp.concatenate(den_parts, axis=1),
                    jnp.concatenate(acc_parts, axis=1))

        init = (jnp.full((NB, HEADS), _NEG, jnp.float32),
                jnp.zeros((NB, HEADS), jnp.float32),
                jnp.zeros((NB, HID), jnp.float32))
        m, den, acc = lax.fori_loop(c0, c1, chunk, init)
        den_full = jnp.concatenate(
            [jnp.broadcast_to(den[:, h:h + 1], (NB, C)) for h in range(HEADS)],
            axis=1)
        o_ref[...] = acc / (den_full + 1e-16)

    grid_spec = pltpu.PrefetchScalarGridSpec(
        num_scalar_prefetch=1,
        grid=(NBLK,),
        in_specs=[
            pl.BlockSpec((NB, HID), lambda i, ptr: (i, 0)),
            pl.BlockSpec(memory_space=pltpu.MemorySpace.HBM),
            pl.BlockSpec(memory_space=pltpu.MemorySpace.HBM),
            pl.BlockSpec(memory_space=pltpu.MemorySpace.HBM),
            pl.BlockSpec(memory_space=pltpu.MemorySpace.HBM),
        ],
        out_specs=pl.BlockSpec((NB, HID), lambda i, ptr: (i, 0)),
        scratch_shapes=[
            pltpu.VMEM((ECH, HID), jnp.float32),
            pltpu.VMEM((ECH, HID), jnp.float32),
            pltpu.VMEM((ECH, HID), jnp.float32),
            pltpu.VMEM((1, ECH), jnp.int32),
            pltpu.SemaphoreType.DMA,
        ],
    )
    return pl.pallas_call(
        body, grid_spec=grid_spec,
        out_shape=jax.ShapeDtypeStruct((N_PAD, HID), jnp.float32),
    )(blk_ptr, q, kjb, vjb, es, dst3)



def _conv_epilogue(h, agg, wskip, bskip, wa, wb, g, bta):
    def body(h_ref, a_ref, ws_ref, bs_ref, wa_ref, wb_ref, g_ref, b_ref,
             o_ref):
        hb = h_ref[...]
        out = a_ref[...]
        xr = lax.dot_general(hb, ws_ref[...], (((1,), (1,)), ((), ())),
                             preferred_element_type=jnp.float32, precision=lax.Precision.HIGHEST) + bs_ref[...]
        logit = (jnp.sum(out * wa_ref[...], axis=1, keepdims=True)
                 + jnp.sum(xr * wb_ref[...], axis=1, keepdims=True))
        bg = 1.0 / (1.0 + jnp.exp(-logit))
        z = jnp.maximum(bg * xr + (1.0 - bg) * out, 0.0)
        mu = jnp.mean(z, axis=1, keepdims=True)
        var = jnp.mean((z - mu) ** 2, axis=1, keepdims=True)
        zn = (z - mu) / jnp.sqrt(var + 1e-5) * g_ref[...] + b_ref[...]
        o_ref[...] = hb + zn

    full = lambda i: (0, 0)
    return pl.pallas_call(
        body,
        grid=(NBLK,),
        in_specs=[
            pl.BlockSpec((NB, HID), lambda i: (i, 0)),
            pl.BlockSpec((NB, HID), lambda i: (i, 0)),
            pl.BlockSpec((HID, HID), full),
            pl.BlockSpec((1, HID), full),
            pl.BlockSpec((1, HID), full),
            pl.BlockSpec((1, HID), full),
            pl.BlockSpec((1, HID), full),
            pl.BlockSpec((1, HID), full),
        ],
        out_specs=pl.BlockSpec((NB, HID), lambda i: (i, 0)),
        out_shape=jax.ShapeDtypeStruct((N_PAD, HID), jnp.float32),
    )(h, agg, wskip, bskip, wa, wb, g, bta)



def _pool(h, batch3):
    def body(h_ref, b_ref, o_ref):
        i = pl.program_id(0)

        @pl.when(i == 0)
        def _():
            o_ref[...] = jnp.zeros((N_GRAPHS, HID), jnp.float32)

        v = b_ref[0, 0, :].reshape(NB, 1)
        oh = (jax.lax.broadcasted_iota(jnp.int32, (NB, N_GRAPHS), 1) == v)
        o_ref[...] += lax.dot_general(
            oh.astype(jnp.float32), h_ref[...], (((0,), (0,)), ((), ())),
            preferred_element_type=jnp.float32, precision=lax.Precision.HIGHEST)

    return pl.pallas_call(
        body,
        grid=(NBLK,),
        in_specs=[
            pl.BlockSpec((NB, HID), lambda i: (i, 0)),
            pl.BlockSpec((1, 1, NB), lambda i: (i, 0, 0)),
        ],
        out_specs=pl.BlockSpec((N_GRAPHS, HID), lambda i: (0, 0)),
        out_shape=jax.ShapeDtypeStruct((N_GRAPHS, HID), jnp.float32),
    )(h, batch3)



def _enc_layer(t, w_in, b_in, w_out, b_out, w_ff1, b_ff1, w_ff2, b_ff2,
               ln1g, ln1b, ln2g, ln2b):
    ch = HID // CODE_HEADS
    inv_sqrt = 1.0 / (ch ** 0.5)

    def ln(z, g, b):
        mu = jnp.mean(z, axis=1, keepdims=True)
        var = jnp.mean((z - mu) ** 2, axis=1, keepdims=True)
        return (z - mu) / jnp.sqrt(var + 1e-5) * g + b

    def body(t_ref, win_ref, bin_ref, wout_ref, bout_ref, wf1_ref, bf1_ref,
             wf2_ref, bf2_ref, g1_ref, be1_ref, g2_ref, be2_ref, o_ref):
        tb = t_ref[0]
        qkv = lax.dot_general(tb, win_ref[...], (((1,), (1,)), ((), ())),
                              preferred_element_type=jnp.float32, precision=lax.Precision.HIGHEST) + bin_ref[...]
        outs = []
        for h in range(CODE_HEADS):
            qh = qkv[:, h * ch:(h + 1) * ch]
            kh = qkv[:, HID + h * ch:HID + (h + 1) * ch]
            vh = qkv[:, 2 * HID + h * ch:2 * HID + (h + 1) * ch]
            sc = lax.dot_general(qh, kh, (((1,), (1,)), ((), ())),
                                 preferred_element_type=jnp.float32, precision=lax.Precision.HIGHEST) * inv_sqrt
            sc = sc - jnp.max(sc, axis=1, keepdims=True)
            ex = jnp.exp(sc)
            attn = ex / jnp.sum(ex, axis=1, keepdims=True)
            outs.append(lax.dot_general(attn, vh, (((1,), (0,)), ((), ())),
                                        preferred_element_type=jnp.float32, precision=lax.Precision.HIGHEST))
        o = jnp.concatenate(outs, axis=1)
        o = lax.dot_general(o, wout_ref[...], (((1,), (1,)), ((), ())),
                            preferred_element_type=jnp.float32, precision=lax.Precision.HIGHEST) + bout_ref[...]
        t1 = ln(tb + o, g1_ref[...], be1_ref[...])
        ff = lax.dot_general(t1, wf1_ref[...], (((1,), (1,)), ((), ())),
                             preferred_element_type=jnp.float32, precision=lax.Precision.HIGHEST) + bf1_ref[...]
        ff = jnp.maximum(ff, 0.0)
        ff = lax.dot_general(ff, wf2_ref[...], (((1,), (1,)), ((), ())),
                             preferred_element_type=jnp.float32, precision=lax.Precision.HIGHEST) + bf2_ref[...]
        o_ref[0] = ln(t1 + ff, g2_ref[...], be2_ref[...])

    full = lambda i: (0, 0)
    return pl.pallas_call(
        body,
        grid=(N_GRAPHS,),
        in_specs=[
            pl.BlockSpec((1, SEQ, HID), lambda i: (i, 0, 0)),
            pl.BlockSpec((3 * HID, HID), full),
            pl.BlockSpec((1, 3 * HID), full),
            pl.BlockSpec((HID, HID), full),
            pl.BlockSpec((1, HID), full),
            pl.BlockSpec((4 * HID, HID), full),
            pl.BlockSpec((1, 4 * HID), full),
            pl.BlockSpec((HID, 4 * HID), full),
            pl.BlockSpec((1, HID), full),
            pl.BlockSpec((1, HID), full),
            pl.BlockSpec((1, HID), full),
            pl.BlockSpec((1, HID), full),
            pl.BlockSpec((1, HID), full),
        ],
        out_specs=pl.BlockSpec((1, SEQ, HID), lambda i: (i, 0, 0)),
        out_shape=jax.ShapeDtypeStruct((N_GRAPHS, SEQ, HID), jnp.float32),
    )(t, w_in, b_in, w_out, b_out, w_ff1, b_ff1, w_ff2, b_ff2,
      ln1g, ln1b, ln2g, ln2b)



def _readout(t, pooled, prag_p, w_p1, b_p1, w_p2, b_p2, w1a, w1b, b1,
             w2, b2, w3p, b3p):
    def body(t_ref, pool_ref, pr_ref, wp1_ref, bp1_ref, wp2_ref, bp2_ref,
             w1a_ref, w1b_ref, b1_ref, w2_ref, b2_ref, w3_ref, b3_ref,
             o_ref):
        code_emb = jnp.mean(t_ref[...], axis=1)
        s = lax.dot_general(pr_ref[...], wp1_ref[...], (((1,), (1,)), ((), ())),
                            preferred_element_type=jnp.float32, precision=lax.Precision.HIGHEST) + bp1_ref[...]
        s = jnp.maximum(s, 0.0)
        s = lax.dot_general(s, wp2_ref[...], (((1,), (1,)), ((), ())),
                            preferred_element_type=jnp.float32, precision=lax.Precision.HIGHEST) + bp2_ref[...]
        pooled_s = pool_ref[...] + s
        y = (lax.dot_general(pooled_s, w1a_ref[...], (((1,), (1,)), ((), ())),
                             preferred_element_type=jnp.float32, precision=lax.Precision.HIGHEST)
             + lax.dot_general(code_emb, w1b_ref[...], (((1,), (1,)), ((), ())),
                               preferred_element_type=jnp.float32, precision=lax.Precision.HIGHEST)
             + b1_ref[...])
        y = jnp.maximum(y, 0.0)
        y = lax.dot_general(y, w2_ref[...], (((1,), (1,)), ((), ())),
                            preferred_element_type=jnp.float32, precision=lax.Precision.HIGHEST) + b2_ref[...]
        y = jnp.maximum(y, 0.0)
        y = lax.dot_general(y, w3_ref[...], (((1,), (1,)), ((), ())),
                            preferred_element_type=jnp.float32, precision=lax.Precision.HIGHEST) + b3_ref[...]
        o_ref[...] = y

    return pl.pallas_call(
        body,
        in_specs=[pl.BlockSpec(x.shape, None) for x in
                  (t, pooled, prag_p, w_p1, b_p1, w_p2, b_p2, w1a, w1b, b1,
                   w2, b2, w3p, b3p)],
        out_specs=pl.BlockSpec((N_GRAPHS, HID), None),
        out_shape=jax.ShapeDtypeStruct((N_GRAPHS, HID), jnp.float32),
    )(t, pooled, prag_p, w_p1, b_p1, w_p2, b_p2, w1a, w1b, b1, w2, b2,
      w3p, b3p)



def kernel(x, edge_index, edge_attr, batch, code_embeddings, pragma_scalars,
           params):
    p = params
    src = edge_index[0].astype(jnp.int32)
    dst = edge_index[1].astype(jnp.int32)
    perm = jnp.argsort(dst).astype(jnp.int32)
    src_s = src[perm]
    dst_s = dst[perm]
    blk_ptr = jnp.searchsorted(
        dst_s, jnp.arange(0, N_PAD + 1, NB, dtype=jnp.int32)).astype(jnp.int32)
    dst3 = dst_s.reshape(NECH, 1, ECH)

    xp = jnp.pad(x.astype(jnp.int32), ((0, N_PAD - N_NODES), (0, 0)))
    xf = [xp[:, i].reshape(NBLK, 1, NB) for i in range(NODE_FIELDS)]
    ef = [edge_attr[:, i].astype(jnp.int32).reshape(NECH, 1, ECH).reshape(
        N_EDGES // ROWB, 1, ROWB) for i in range(EDGE_FIELDS)]
    batch3 = jnp.pad(batch.astype(jnp.int32), (0, N_PAD - N_NODES),
                     constant_values=N_GRAPHS).reshape(NBLK, 1, NB)

    h = _embed(xf, p['node_emb'], N_PAD, NODE_VOCAB, NB)
    eemb = _embed(ef, p['edge_emb'], N_EDGES, EDGE_VOCAB, ROWB)

    for l in range(LAYERS):
        w_qkv = jnp.concatenate(
            [p[f'conv{l}_q_W'], p[f'conv{l}_k_W'], p[f'conv{l}_v_W']], axis=0)
        b_qkv = jnp.concatenate(
            [p[f'conv{l}_q_b'], p[f'conv{l}_k_b'], p[f'conv{l}_v_b']])
        qkv = _linear(h, w_qkv, b_qkv, blk=NB)
        q = qkv[:, :HID]
        k = qkv[:, HID:2 * HID]
        v = qkv[:, 2 * HID:]
        e = _linear(eemb, p[f'conv{l}_e_W'], p[f'conv{l}_e_b'])

        kjb = _sc_gather(k, src_s).reshape(NECH, ECH, HID)
        vjb = _sc_gather(v, src_s).reshape(NECH, ECH, HID)
        es = _sc_gather(e, perm).reshape(NECH, ECH, HID)

        agg = _segment_attn(q, kjb, vjb, es, dst3, blk_ptr)

        bw = p[f'conv{l}_beta_W']
        wa = (bw[:, :HID] + bw[:, 2 * HID:])
        wb = (bw[:, HID:2 * HID] - bw[:, 2 * HID:])
        h = _conv_epilogue(
            h, agg, p[f'conv{l}_skip_W'],
            p[f'conv{l}_skip_b'].reshape(1, HID), wa, wb,
            p[f'norm{l}_g'].reshape(1, HID), p[f'norm{l}_b'].reshape(1, HID))

    pooled = _pool(h, batch3)

    t = _linear(code_embeddings.reshape(N_GRAPHS * SEQ, CODE_DIM),
                p['codeproj_W'], p['codeproj_b']).reshape(N_GRAPHS, SEQ, HID)
    for l in range(CODE_LAYERS):
        t = _enc_layer(
            t, p[f'enc{l}_in_W'], p[f'enc{l}_in_b'].reshape(1, -1),
            p[f'enc{l}_out_W'], p[f'enc{l}_out_b'].reshape(1, -1),
            p[f'enc{l}_ff1_W'], p[f'enc{l}_ff1_b'].reshape(1, -1),
            p[f'enc{l}_ff2_W'], p[f'enc{l}_ff2_b'].reshape(1, -1),
            p[f'enc{l}_ln1_g'].reshape(1, -1), p[f'enc{l}_ln1_b'].reshape(1, -1),
            p[f'enc{l}_ln2_g'].reshape(1, -1), p[f'enc{l}_ln2_b'].reshape(1, -1))

    prag_p = jnp.pad(pragma_scalars, ((0, 0), (0, HID - N_SCALARS)))
    w_p1 = jnp.pad(p['prag1_W'], ((0, 0), (0, HID - N_SCALARS)))
    w3p = jnp.pad(p['fuse3_W'], ((0, HID - N_TARGETS), (0, 0)))
    b3p = jnp.pad(p['fuse3_b'], (0, HID - N_TARGETS)).reshape(1, HID)
    w1 = p['fuse1_W']
    y = _readout(
        t, pooled, prag_p, w_p1, p['prag1_b'].reshape(1, -1),
        p['prag2_W'], p['prag2_b'].reshape(1, -1),
        w1[:, :HID], w1[:, HID:], p['fuse1_b'].reshape(1, -1),
        p['fuse2_W'], p['fuse2_b'].reshape(1, HID // 2),
        w3p, b3p)
    return y[:, :N_TARGETS]

# --- scband reference (transcript-rebuilt; emitter-appended) ---
"""Pipeline reference for scband-prog-sgmultimodal-model-37434934952304 (READ-ONLY COPY).

The authoritative reference and input builder live on the scoring server;
editing this copy changes nothing except your own understanding.
"""

import jax, jax.numpy as jnp
import numpy as np

N_NODES = 10000
N_EDGES = 320000
N_GRAPHS = 16
HID = 128
HEADS = 4
LAYERS = 4
CODE_DIM = 768
CODE_LAYERS = 2
CODE_HEADS = 4
SEQ = 256
NODE_FIELDS = 3
NODE_VOCAB = 64
EDGE_FIELDS = 2
EDGE_VOCAB = 16
N_SCALARS = 5
N_TARGETS = 4


def _make_params():
    rng = np.random.default_rng(0)
    p = {}
    def lin(name, fi, fo, bias=True):
        s = (6.0 / (fi + fo)) ** 0.5
        p[name + '_W'] = jnp.asarray(rng.uniform(-s, s, (fo, fi)), jnp.float32)
        if bias:
            p[name + '_b'] = jnp.zeros((fo,), jnp.float32)
    p['node_emb'] = jnp.asarray(rng.uniform(-0.1, 0.1, (NODE_FIELDS, NODE_VOCAB, HID)), jnp.float32)
    p['edge_emb'] = jnp.asarray(rng.uniform(-0.1, 0.1, (EDGE_FIELDS, EDGE_VOCAB, HID)), jnp.float32)
    for l in range(LAYERS):
        lin(f'conv{l}_q', HID, HID)
        lin(f'conv{l}_k', HID, HID)
        lin(f'conv{l}_v', HID, HID)
        lin(f'conv{l}_e', HID, HID)
        lin(f'conv{l}_skip', HID, HID)
        lin(f'conv{l}_beta', 3 * HID, 1, bias=False)
        p[f'norm{l}_g'] = jnp.ones((HID,), jnp.float32)
        p[f'norm{l}_b'] = jnp.zeros((HID,), jnp.float32)
    lin('prag1', N_SCALARS, HID)
    lin('prag2', HID, HID)
    lin('codeproj', CODE_DIM, HID)
    for l in range(CODE_LAYERS):
        lin(f'enc{l}_in', HID, 3 * HID)
        lin(f'enc{l}_out', HID, HID)
        lin(f'enc{l}_ff1', HID, 4 * HID)
        lin(f'enc{l}_ff2', 4 * HID, HID)
        for nm in ('ln1', 'ln2'):
            p[f'enc{l}_{nm}_g'] = jnp.ones((HID,), jnp.float32)
            p[f'enc{l}_{nm}_b'] = jnp.zeros((HID,), jnp.float32)
    lin('fuse1', 2 * HID, HID)
    lin('fuse2', HID, HID // 2)
    lin('fuse3', HID // 2, N_TARGETS)
    return p


def _ln(z, g, b):
    m = z.mean(axis=-1, keepdims=True)
    v = jnp.var(z, axis=-1, keepdims=True)
    return (z - m) / jnp.sqrt(v + 1e-5) * g + b


def _forward(x, edge_index, edge_attr, batch, code_embeddings, pragma_scalars, p):
    N = x.shape[0]
    E = edge_index.shape[1]
    C = HID // HEADS
    h = jnp.zeros((N, HID), jnp.float32)
    for i in range(NODE_FIELDS):
        h = h + p['node_emb'][i][x[:, i]]
    eemb = jnp.zeros((E, HID), jnp.float32)
    for i in range(EDGE_FIELDS):
        eemb = eemb + p['edge_emb'][i][edge_attr[:, i]]
    src = edge_index[0]
    dst = edge_index[1]
    for l in range(LAYERS):
        q = (h @ p[f'conv{l}_q_W'].T + p[f'conv{l}_q_b']).reshape(N, HEADS, C)
        k = (h @ p[f'conv{l}_k_W'].T + p[f'conv{l}_k_b']).reshape(N, HEADS, C)
        v = (h @ p[f'conv{l}_v_W'].T + p[f'conv{l}_v_b']).reshape(N, HEADS, C)
        e = (eemb @ p[f'conv{l}_e_W'].T + p[f'conv{l}_e_b']).reshape(E, HEADS, C)
        kj = k[src] + e
        vj = v[src] + e
        qi = q[dst]
        alpha = (qi * kj).sum(axis=-1) / jnp.sqrt(float(C))
        amax = jax.ops.segment_max(alpha, dst, num_segments=N)
        amax = jnp.where(jnp.isfinite(amax), amax, 0.0)
        ex = jnp.exp(alpha - amax[dst])
        den = jax.ops.segment_sum(ex, dst, num_segments=N)
        a = ex / (den[dst] + 1e-16)
        out = jax.ops.segment_sum(vj * a[:, :, None], dst, num_segments=N).reshape(N, HID)
        xr = h @ p[f'conv{l}_skip_W'].T + p[f'conv{l}_skip_b']
        bg = jax.nn.sigmoid(jnp.concatenate([out, xr, out - xr], axis=-1) @ p[f'conv{l}_beta_W'].T)
        out = bg * xr + (1.0 - bg) * out
        hn = jax.nn.relu(out)
        hn = _ln(hn, p[f'norm{l}_g'], p[f'norm{l}_b'])
        h = h + hn
    pooled = jax.ops.segment_sum(h, batch, num_segments=N_GRAPHS)
    s = jax.nn.relu(pragma_scalars @ p['prag1_W'].T + p['prag1_b']) @ p['prag2_W'].T + p['prag2_b']
    pooled = pooled + s
    t = code_embeddings @ p['codeproj_W'].T + p['codeproj_b']
    G, S, _ = t.shape
    Ch = HID // CODE_HEADS
    for l in range(CODE_LAYERS):
        qkv = t @ p[f'enc{l}_in_W'].T + p[f'enc{l}_in_b']
        q, k, v = jnp.split(qkv, 3, axis=-1)
        q = q.reshape(G, S, CODE_HEADS, Ch).transpose(0, 2, 1, 3)
        k = k.reshape(G, S, CODE_HEADS, Ch).transpose(0, 2, 1, 3)
        v = v.reshape(G, S, CODE_HEADS, Ch).transpose(0, 2, 1, 3)
        attn = jax.nn.softmax(q @ k.transpose(0, 1, 3, 2) / jnp.sqrt(float(Ch)), axis=-1)
        o = (attn @ v).transpose(0, 2, 1, 3).reshape(G, S, HID)
        o = o @ p[f'enc{l}_out_W'].T + p[f'enc{l}_out_b']
        t = _ln(t + o, p[f'enc{l}_ln1_g'], p[f'enc{l}_ln1_b'])
        ff = jax.nn.relu(t @ p[f'enc{l}_ff1_W'].T + p[f'enc{l}_ff1_b']) @ p[f'enc{l}_ff2_W'].T + p[f'enc{l}_ff2_b']
        t = _ln(t + ff, p[f'enc{l}_ln2_g'], p[f'enc{l}_ln2_b'])
    code_emb = t.mean(axis=1)
    fused = jnp.concatenate([pooled, code_emb], axis=-1)
    y = jax.nn.relu(fused @ p['fuse1_W'].T + p['fuse1_b'])
    y = jax.nn.relu(y @ p['fuse2_W'].T + p['fuse2_b'])
    return y @ p['fuse3_W'].T + p['fuse3_b']


def setup_inputs(seed: int = 0):
    key = jax.random.key(seed)
    ks = jax.random.split(key, 6)
    x = jax.random.randint(ks[0], (N_NODES, NODE_FIELDS), 0, NODE_VOCAB)
    edge_index = jax.random.randint(ks[1], (2, N_EDGES), 0, N_NODES)
    edge_attr = jax.random.randint(ks[2], (N_EDGES, EDGE_FIELDS), 0, EDGE_VOCAB)
    batch = jnp.sort(jax.random.randint(ks[3], (N_NODES,), 0, N_GRAPHS))
    code_embeddings = jax.random.normal(ks[4], (N_GRAPHS, SEQ, CODE_DIM), jnp.float32)
    pragma_scalars = jax.random.normal(ks[5], (N_GRAPHS, N_SCALARS), jnp.float32)
    params = _make_params()
    return {'x': x, 'edge_index': edge_index, 'edge_attr': edge_attr, 'batch': batch, 'code_embeddings': code_embeddings, 'pragma_scalars': pragma_scalars, 'params': params}


def reference(x, edge_index, edge_attr, batch, code_embeddings, pragma_scalars, params):
    return _forward(x, edge_index, edge_attr, batch, code_embeddings, pragma_scalars, params)

if __name__ == "__main__":
    import jax
    _d = setup_inputs()
    print(jax.jit(kernel)(*tuple(_d.values())))

</pallas_src>

<mosaic_0001>
#map = affine_map<(d0, d1) -> (0, 0)>
#map1 = affine_map<(d0, d1) -> (0)>
module attributes {stable_mosaic.version = 14 : i64} {
  func.func @k(%arg0: i32, %arg1: i32, %arg2: memref<10240x128xf32, #tpu.memory_space<hbm>>, %arg3: memref<320000xi32, #tpu.memory_space<hbm>>, %arg4: memref<320000x128xf32, #tpu.memory_space<hbm>>, %arg5: memref<80xi32, #tpu.memory_space<vmem>>, %arg6: memref<80x128xf32, #tpu.memory_space<vmem>>, %arg7: memref<!tpu.dma_semaphore, #tpu.memory_space<semaphore_mem>>) attributes {dimension_semantics = [#tpu.dimension_semantics<core_parallel>, #tpu.dimension_semantics<subcore_parallel>], iteration_bounds = array<i64: 2, 16>, scalar_prefetch = 0 : i64, scratch_operands = 3 : i64, tpu.core_type = #tpu.core_type<sc_vector_subcore>, window_params = [{transform_indices = #map}, {transform_indices = #map1}, {transform_indices = #map}]} {
    %mul3A = arith.constant 2 : i32
    %mul3A_0 = arith.muli %arg1, %mul3A : i32
    %add3A = arith.addi %mul3A_0, %arg0 : i32
    %mul3A_1 = arith.constant 10000 : i32
    %mul3A_2 = arith.muli %add3A, %mul3A_1 : i32
    %scan3A = arith.constant 0 : i32
    %scan3A_3 = arith.constant 125 : i32
    %scan3A_4 = arith.addi %scan3A, %scan3A_3 : i32
    %scan3A_5 = arith.constant 1 : i32
    scf.for %scan3A_7 = %scan3A to %scan3A_4 step %scan3A_5  : i32 {
      %mul3A_8 = arith.constant 1 : i32
      %mul3A_9 = arith.muli %scan3A_7, %mul3A_8 : i32
      %add3A_10 = arith.constant 0 : i32
      %add3A_11 = arith.addi %add3A_10, %mul3A_9 : i32
      %mul3A_12 = arith.constant 80 : i32
      %mul3A_13 = arith.muli %add3A_11, %mul3A_12 : i32
      %add3A_14 = arith.addi %mul3A_2, %mul3A_13 : i32
      "tpu.region"() ({
        %run_scoped3A = tpu.sem_alloc : memref<!tpu.dma_semaphore, #tpu.memory_space<semaphore_mem>>
        %dma_start3A_19 = tpu.memref_slice %arg3[%add3A_14] : memref<320000xi32, #tpu.memory_space<hbm>> -> memref<80xi32, #tpu.memory_space<hbm>>
        %dma_start3A_20 = tpu.memref_slice %arg3[%add3A_14] : memref<320000xi32, #tpu.memory_space<hbm>> -> memref<80xi32, #tpu.memory_space<hbm>>
        tpu.enqueue_dma source(%dma_start3A_20 : memref<80xi32, #tpu.memory_space<hbm>>) target(%arg5 : memref<80xi32, #tpu.memory_space<vmem>>) target_semaphore(%run_scoped3A : memref<!tpu.dma_semaphore, #tpu.memory_space<semaphore_mem>>)
        %dma_wait3A_21 = tpu.memref_slice %arg3[%add3A_14] : memref<320000xi32, #tpu.memory_space<hbm>> -> memref<80xi32, #tpu.memory_space<hbm>>
        %dma_wait3A_22 = tpu.memref_slice %arg3[%add3A_14] : memref<320000xi32, #tpu.memory_space<hbm>> -> memref<80xi32, #tpu.memory_space<hbm>>
        tpu.wait_dma2 semaphore(%run_scoped3A : memref<!tpu.dma_semaphore, #tpu.memory_space<semaphore_mem>>) src(%dma_wait3A_22 : memref<80xi32, #tpu.memory_space<hbm>>) dst(%arg5 : memref<80xi32, #tpu.memory_space<vmem>>)
        tpu.yield
      }) : () -> ()
      %dma_start3A = arith.constant 0 : i32
      %dma_start3A_15 = arith.constant 0 : i32
      %dma_start3A_16 = tpu.memref_slice %arg2[%dma_start3A, %dma_start3A_15] : memref<10240x128xf32, #tpu.memory_space<hbm>> -> memref<10240x128xf32, #tpu.memory_space<hbm>>
      tpu.enqueue_indirect_dma source(%dma_start3A_16 : memref<10240x128xf32, #tpu.memory_space<hbm>>) target(%arg6 : memref<80x128xf32, #tpu.memory_space<vmem>>) offsets(%arg5 : memref<80xi32, #tpu.memory_space<vmem>>) semaphore(%arg7 : memref<!tpu.dma_semaphore, #tpu.memory_space<semaphore_mem>>)
      %dma_wait3A = arith.constant 0 : i32
      %dma_wait3A_17 = arith.constant 0 : i32
      %dma_wait3A_18 = tpu.memref_slice %arg2[%dma_wait3A, %dma_wait3A_17] : memref<10240x128xf32, #tpu.memory_space<hbm>> -> memref<10240x128xf32, #tpu.memory_space<hbm>>
      tpu.wait_indirect_dma semaphore(%arg7 : memref<!tpu.dma_semaphore, #tpu.memory_space<semaphore_mem>>) src(%dma_wait3A_18 : memref<10240x128xf32, #tpu.memory_space<hbm>>) dst(%arg6 : memref<80x128xf32, #tpu.memory_space<vmem>>)
      "tpu.region"() ({
        %run_scoped3A = tpu.sem_alloc : memref<!tpu.dma_semaphore, #tpu.memory_space<semaphore_mem>>
        %dma_start3A_19 = arith.constant 0 : i32
        %dma_start3A_20 = tpu.memref_slice %arg4[%add3A_14, %dma_start3A_19] : memref<320000x128xf32, #tpu.memory_space<hbm>> -> memref<80x128xf32, #tpu.memory_space<hbm>>
        %dma_start3A_21 = arith.constant 0 : i32
        %dma_start3A_22 = tpu.memref_slice %arg4[%add3A_14, %dma_start3A_21] : memref<320000x128xf32, #tpu.memory_space<hbm>> -> memref<80x128xf32, #tpu.memory_space<hbm>>
        tpu.enqueue_dma source(%arg6 : memref<80x128xf32, #tpu.memory_space<vmem>>) target(%dma_start3A_22 : memref<80x128xf32, #tpu.memory_space<hbm>>) target_semaphore(%run_scoped3A : memref<!tpu.dma_semaphore, #tpu.memory_space<semaphore_mem>>)
        %dma_wait3A_23 = arith.constant 0 : i32
        %dma_wait3A_24 = tpu.memref_slice %arg4[%add3A_14, %dma_wait3A_23] : memref<320000x128xf32, #tpu.memory_space<hbm>> -> memref<80x128xf32, #tpu.memory_space<hbm>>
        %dma_wait3A_25 = arith.constant 0 : i32
        %dma_wait3A_26 = tpu.memref_slice %arg4[%add3A_14, %dma_wait3A_25] : memref<320000x128xf32, #tpu.memory_space<hbm>> -> memref<80x128xf32, #tpu.memory_space<hbm>>
        tpu.wait_dma2 semaphore(%run_scoped3A : memref<!tpu.dma_semaphore, #tpu.memory_space<semaphore_mem>>) src(%arg6 : memref<80x128xf32, #tpu.memory_space<vmem>>) dst(%dma_wait3A_26 : memref<80x128xf32, #tpu.memory_space<hbm>>)
        tpu.yield
      }) : () -> ()
    }
    %scan3A_6 = arith.constant 125 : i32
    return
  }
}

#map = affine_map<(d0, d1) -> (0, 0)>
#map1 = affine_map<(d0, d1) -> (0)>
module attributes {stable_mosaic.version = 14 : i64} {
  func.func @k(%arg0: i32, %arg1: i32, %arg2: memref<320000x128xf32, #tpu.memory_space<hbm>>, %arg3: memref<320000xi32, #tpu.memory_space<hbm>>, %arg4: memref<320000x128xf32, #tpu.memory_space<hbm>>, %arg5: memref<80xi32, #tpu.memory_space<vmem>>, %arg6: memref<80x128xf32, #tpu.memory_space<vmem>>, %arg7: memref<!tpu.dma_semaphore, #tpu.memory_space<semaphore_mem>>) attributes {dimension_semantics = [#tpu.dimension_semantics<core_parallel>, #tpu.dimension_semantics<subcore_parallel>], iteration_bounds = array<i64: 2, 16>, scalar_prefetch = 0 : i64, scratch_operands = 3 : i64, tpu.core_type = #tpu.core_type<sc_vector_subcore>, window_params = [{transform_indices = #map}, {transform_indices = #map1}, {transform_indices = #map}]} {
    %mul3A = arith.constant 2 : i32
    %mul3A_0 = arith.muli %arg1, %mul3A : i32
    %add3A = arith.addi %mul3A_0, %arg0 : i32
    %mul3A_1 = arith.constant 10000 : i32
    %mul3A_2 = arith.muli %add3A, %mul3A_1 : i32
    %scan3A = arith.constant 0 : i32
    %scan3A_3 = arith.constant 125 : i32
    %scan3A_4 = arith.addi %scan3A, %scan3A_3 : i32
    %scan3A_5 = arith.constant 1 : i32
    scf.for %scan3A_7 = %scan3A to %scan3A_4 step %scan3A_5  : i32 {
      %mul3A_8 = arith.constant 1 : i32
      %mul3A_9 = arith.muli %scan3A_7, %mul3A_8 : i32
      %add3A_10 = arith.constant 0 : i32
      %add3A_11 = arith.addi %add3A_10, %mul3A_9 : i32
      %mul3A_12 = arith.constant 80 : i32
      %mul3A_13 = arith.muli %add3A_11, %mul3A_12 : i32
      %add3A_14 = arith.addi %mul3A_2, %mul3A_13 : i32
      "tpu.region"() ({
        %run_scoped3A = tpu.sem_alloc : memref<!tpu.dma_semaphore, #tpu.memory_space<semaphore_mem>>
        %dma_start3A_19 = tpu.memref_slice %arg3[%add3A_14] : memref<320000xi32, #tpu.memory_space<hbm>> -> memref<80xi32, #tpu.memory_space<hbm>>
        %dma_start3A_20 = tpu.memref_slice %arg3[%add3A_14] : memref<320000xi32, #tpu.memory_space<hbm>> -> memref<80xi32, #tpu.memory_space<hbm>>
        tpu.enqueue_dma source(%dma_start3A_20 : memref<80xi32, #tpu.memory_space<hbm>>) target(%arg5 : memref<80xi32, #tpu.memory_space<vmem>>) target_semaphore(%run_scoped3A : memref<!tpu.dma_semaphore, #tpu.memory_space<semaphore_mem>>)
        %dma_wait3A_21 = tpu.memref_slice %arg3[%add3A_14] : memref<320000xi32, #tpu.memory_space<hbm>> -> memref<80xi32, #tpu.memory_space<hbm>>
        %dma_wait3A_22 = tpu.memref_slice %arg3[%add3A_14] : memref<320000xi32, #tpu.memory_space<hbm>> -> memref<80xi32, #tpu.memory_space<hbm>>
        tpu.wait_dma2 semaphore(%run_scoped3A : memref<!tpu.dma_semaphore, #tpu.memory_space<semaphore_mem>>) src(%dma_wait3A_22 : memref<80xi32, #tpu.memory_space<hbm>>) dst(%arg5 : memref<80xi32, #tpu.memory_space<vmem>>)
        tpu.yield
      }) : () -> ()
      %dma_start3A = arith.constant 0 : i32
      %dma_start3A_15 = arith.constant 0 : i32
      %dma_start3A_16 = tpu.memref_slice %arg2[%dma_start3A, %dma_start3A_15] : memref<320000x128xf32, #tpu.memory_space<hbm>> -> memref<320000x128xf32, #tpu.memory_space<hbm>>
      tpu.enqueue_indirect_dma source(%dma_start3A_16 : memref<320000x128xf32, #tpu.memory_space<hbm>>) target(%arg6 : memref<80x128xf32, #tpu.memory_space<vmem>>) offsets(%arg5 : memref<80xi32, #tpu.memory_space<vmem>>) semaphore(%arg7 : memref<!tpu.dma_semaphore, #tpu.memory_space<semaphore_mem>>)
      %dma_wait3A = arith.constant 0 : i32
      %dma_wait3A_17 = arith.constant 0 : i32
      %dma_wait3A_18 = tpu.memref_slice %arg2[%dma_wait3A, %dma_wait3A_17] : memref<320000x128xf32, #tpu.memory_space<hbm>> -> memref<320000x128xf32, #tpu.memory_space<hbm>>
      tpu.wait_indirect_dma semaphore(%arg7 : memref<!tpu.dma_semaphore, #tpu.memory_space<semaphore_mem>>) src(%dma_wait3A_18 : memref<320000x128xf32, #tpu.memory_space<hbm>>) dst(%arg6 : memref<80x128xf32, #tpu.memory_space<vmem>>)
      "tpu.region"() ({
        %run_scoped3A = tpu.sem_alloc : memref<!tpu.dma_semaphore, #tpu.memory_space<semaphore_mem>>
        %dma_start3A_19 = arith.constant 0 : i32
        %dma_start3A_20 = tpu.memref_slice %arg4[%add3A_14, %dma_start3A_19] : memref<320000x128xf32, #tpu.memory_space<hbm>> -> memref<80x128xf32, #tpu.memory_space<hbm>>
        %dma_start3A_21 = arith.constant 0 : i32
        %dma_start3A_22 = tpu.memref_slice %arg4[%add3A_14, %dma_start3A_21] : memref<320000x128xf32, #tpu.memory_space<hbm>> -> memref<80x128xf32, #tpu.memory_space<hbm>>
        tpu.enqueue_dma source(%arg6 : memref<80x128xf32, #tpu.memory_space<vmem>>) target(%dma_start3A_22 : memref<80x128xf32, #tpu.memory_space<hbm>>) target_semaphore(%run_scoped3A : memref<!tpu.dma_semaphore, #tpu.memory_space<semaphore_mem>>)
        %dma_wait3A_23 = arith.constant 0 : i32
        %dma_wait3A_24 = tpu.memref_slice %arg4[%add3A_14, %dma_wait3A_23] : memref<320000x128xf32, #tpu.memory_space<hbm>> -> memref<80x128xf32, #tpu.memory_space<hbm>>
        %dma_wait3A_25 = arith.constant 0 : i32
        %dma_wait3A_26 = tpu.memref_slice %arg4[%add3A_14, %dma_wait3A_25] : memref<320000x128xf32, #tpu.memory_space<hbm>> -> memref<80x128xf32, #tpu.memory_space<hbm>>
        tpu.wait_dma2 semaphore(%run_scoped3A : memref<!tpu.dma_semaphore, #tpu.memory_space<semaphore_mem>>) src(%arg6 : memref<80x128xf32, #tpu.memory_space<vmem>>) dst(%dma_wait3A_26 : memref<80x128xf32, #tpu.memory_space<hbm>>)
        tpu.yield
      }) : () -> ()
    }
    %scan3A_6 = arith.constant 125 : i32
    return
  }
}

#map = affine_map<(d0, d1) -> (0, 0)>
#map1 = affine_map<(d0, d1) -> (0)>
module attributes {stable_mosaic.version = 14 : i64} {
  func.func @k(%arg0: i32, %arg1: i32, %arg2: memref<10240x128xf32, #tpu.memory_space<hbm>>, %arg3: memref<320000xi32, #tpu.memory_space<hbm>>, %arg4: memref<320000x128xf32, #tpu.memory_space<hbm>>, %arg5: memref<80xi32, #tpu.memory_space<vmem>>, %arg6: memref<80x128xf32, #tpu.memory_space<vmem>>, %arg7: memref<!tpu.dma_semaphore, #tpu.memory_space<semaphore_mem>>) attributes {dimension_semantics = [#tpu.dimension_semantics<core_parallel>, #tpu.dimension_semantics<subcore_parallel>], iteration_bounds = array<i64: 2, 16>, scalar_prefetch = 0 : i64, scratch_operands = 3 : i64, tpu.core_type = #tpu.core_type<sc_vector_subcore>, window_params = [{transform_indices = #map}, {transform_indices = #map1}, {transform_indices = #map}]} {
    %mul3A = arith.constant 2 : i32
    %mul3A_0 = arith.muli %arg1, %mul3A : i32
    %add3A = arith.addi %mul3A_0, %arg0 : i32
    %mul3A_1 = arith.constant 10000 : i32
    %mul3A_2 = arith.muli %add3A, %mul3A_1 : i32
    %scan3A = arith.constant 0 : i32
    %scan3A_3 = arith.constant 125 : i32
    %scan3A_4 = arith.addi %scan3A, %scan3A_3 : i32
    %scan3A_5 = arith.constant 1 : i32
    scf.for %scan3A_7 = %scan3A to %scan3A_4 step %scan3A_5  : i32 {
      %mul3A_8 = arith.constant 1 : i32
      %mul3A_9 = arith.muli %scan3A_7, %mul3A_8 : i32
      %add3A_10 = arith.constant 0 : i32
      %add3A_11 = arith.addi %add3A_10, %mul3A_9 : i32
      %mul3A_12 = arith.constant 80 : i32
      %mul3A_13 = arith.muli %add3A_11, %mul3A_12 : i32
      %add3A_14 = arith.addi %mul3A_2, %mul3A_13 : i32
      "tpu.region"() ({
        %run_scoped3A = tpu.sem_alloc : memref<!tpu.dma_semaphore, #tpu.memory_space<semaphore_mem>>
        %dma_start3A_19 = tpu.memref_slice %arg3[%add3A_14] : memref<320000xi32, #tpu.memory_space<hbm>> -> memref<80xi32, #tpu.memory_space<hbm>>
        %dma_start3A_20 = tpu.memref_slice %arg3[%add3A_14] : memref<320000xi32, #tpu.memory_space<hbm>> -> memref<80xi32, #tpu.memory_space<hbm>>
        tpu.enqueue_dma source(%dma_start3A_20 : memref<80xi32, #tpu.memory_space<hbm>>) target(%arg5 : memref<80xi32, #tpu.memory_space<vmem>>) target_semaphore(%run_scoped3A : memref<!tpu.dma_semaphore, #tpu.memory_space<semaphore_mem>>)
        %dma_wait3A_21 = tpu.memref_slice %arg3[%add3A_14] : memref<320000xi32, #tpu.memory_space<hbm>> -> memref<80xi32, #tpu.memory_space<hbm>>
        %dma_wait3A_22 = tpu.memref_slice %arg3[%add3A_14] : memref<320000xi32, #tpu.memory_space<hbm>> -> memref<80xi32, #tpu.memory_space<hbm>>
        tpu.wait_dma2 semaphore(%run_scoped3A : memref<!tpu.dma_semaphore, #tpu.memory_space<semaphore_mem>>) src(%dma_wait3A_22 : memref<80xi32, #tpu.memory_space<hbm>>) dst(%arg5 : memref<80xi32, #tpu.memory_space<vmem>>)
        tpu.yield
      }) : () -> ()
      %dma_start3A = arith.constant 0 : i32
      %dma_start3A_15 = arith.constant 0 : i32
      %dma_start3A_16 = tpu.memref_slice %arg2[%dma_start3A, %dma_start3A_15] : memref<10240x128xf32, #tpu.memory_space<hbm>> -> memref<10240x128xf32, #tpu.memory_space<hbm>>
      tpu.enqueue_indirect_dma source(%dma_start3A_16 : memref<10240x128xf32, #tpu.memory_space<hbm>>) target(%arg6 : memref<80x128xf32, #tpu.memory_space<vmem>>) offsets(%arg5 : memref<80xi32, #tpu.memory_space<vmem>>) semaphore(%arg7 : memref<!tpu.dma_semaphore, #tpu.memory_space<semaphore_mem>>)
      %dma_wait3A = arith.constant 0 : i32
      %dma_wait3A_17 = arith.constant 0 : i32
      %dma_wait3A_18 = tpu.memref_slice %arg2[%dma_wait3A, %dma_wait3A_17] : memref<10240x128xf32, #tpu.memory_space<hbm>> -> memref<10240x128xf32, #tpu.memory_space<hbm>>
      tpu.wait_indirect_dma semaphore(%arg7 : memref<!tpu.dma_semaphore, #tpu.memory_space<semaphore_mem>>) src(%dma_wait3A_18 : memref<10240x128xf32, #tpu.memory_space<hbm>>) dst(%arg6 : memref<80x128xf32, #tpu.memory_space<vmem>>)
      "tpu.region"() ({
        %run_scoped3A = tpu.sem_alloc : memref<!tpu.dma_semaphore, #tpu.memory_space<semaphore_mem>>
        %dma_start3A_19 = arith.constant 0 : i32
        %dma_start3A_20 = tpu.memref_slice %arg4[%add3A_14, %dma_start3A_19] : memref<320000x128xf32, #tpu.memory_space<hbm>> -> memref<80x128xf32, #tpu.memory_space<hbm>>
        %dma_start3A_21 = arith.constant 0 : i32
        %dma_start3A_22 = tpu.memref_slice %arg4[%add3A_14, %dma_start3A_21] : memref<320000x128xf32, #tpu.memory_space<hbm>> -> memref<80x128xf32, #tpu.memory_space<hbm>>
        tpu.enqueue_dma source(%arg6 : memref<80x128xf32, #tpu.memory_space<vmem>>) target(%dma_start3A_22 : memref<80x128xf32, #tpu.memory_space<hbm>>) target_semaphore(%run_scoped3A : memref<!tpu.dma_semaphore, #tpu.memory_space<semaphore_mem>>)
        %dma_wait3A_23 = arith.constant 0 : i32
        %dma_wait3A_24 = tpu.memref_slice %arg4[%add3A_14, %dma_wait3A_23] : memref<320000x128xf32, #tpu.memory_space<hbm>> -> memref<80x128xf32, #tpu.memory_space<hbm>>
        %dma_wait3A_25 = arith.constant 0 : i32
        %dma_wait3A_26 = tpu.memref_slice %arg4[%add3A_14, %dma_wait3A_25] : memref<320000x128xf32, #tpu.memory_space<hbm>> -> memref<80x128xf32, #tpu.memory_space<hbm>>
        tpu.wait_dma2 semaphore(%run_scoped3A : memref<!tpu.dma_semaphore, #tpu.memory_space<semaphore_mem>>) src(%arg6 : memref<80x128xf32, #tpu.memory_space<vmem>>) dst(%dma_wait3A_26 : memref<80x128xf32, #tpu.memory_space<hbm>>)
        tpu.yield
      }) : () -> ()
    }
    %scan3A_6 = arith.constant 125 : i32
    return
  }
}

#map = affine_map<(d0, d1) -> (0, 0)>
#map1 = affine_map<(d0, d1) -> (0)>
module attributes {stable_mosaic.version = 14 : i64} {
  func.func @k(%arg0: i32, %arg1: i32, %arg2: memref<320000x128xf32, #tpu.memory_space<hbm>>, %arg3: memref<320000xi32, #tpu.memory_space<hbm>>, %arg4: memref<320000x128xf32, #tpu.memory_space<hbm>>, %arg5: memref<80xi32, #tpu.memory_space<vmem>>, %arg6: memref<80x128xf32, #tpu.memory_space<vmem>>, %arg7: memref<!tpu.dma_semaphore, #tpu.memory_space<semaphore_mem>>) attributes {dimension_semantics = [#tpu.dimension_semantics<core_parallel>, #tpu.dimension_semantics<subcore_parallel>], iteration_bounds = array<i64: 2, 16>, scalar_prefetch = 0 : i64, scratch_operands = 3 : i64, tpu.core_type = #tpu.core_type<sc_vector_subcore>, window_params = [{transform_indices = #map}, {transform_indices = #map1}, {transform_indices = #map}]} {
    %mul3A = arith.constant 2 : i32
    %mul3A_0 = arith.muli %arg1, %mul3A : i32
    %add3A = arith.addi %mul3A_0, %arg0 : i32
    %mul3A_1 = arith.constant 10000 : i32
    %mul3A_2 = arith.muli %add3A, %mul3A_1 : i32
    %scan3A = arith.constant 0 : i32
    %scan3A_3 = arith.constant 125 : i32
    %scan3A_4 = arith.addi %scan3A, %scan3A_3 : i32
    %scan3A_5 = arith.constant 1 : i32
    scf.for %scan3A_7 = %scan3A to %scan3A_4 step %scan3A_5  : i32 {
      %mul3A_8 = arith.constant 1 : i32
      %mul3A_9 = arith.muli %scan3A_7, %mul3A_8 : i32
      %add3A_10 = arith.constant 0 : i32
      %add3A_11 = arith.addi %add3A_10, %mul3A_9 : i32
      %mul3A_12 = arith.constant 80 : i32
      %mul3A_13 = arith.muli %add3A_11, %mul3A_12 : i32
      %add3A_14 = arith.addi %mul3A_2, %mul3A_13 : i32
      "tpu.region"() ({
        %run_scoped3A = tpu.sem_alloc : memref<!tpu.dma_semaphore, #tpu.memory_space<semaphore_mem>>
        %dma_start3A_19 = tpu.memref_slice %arg3[%add3A_14] : memref<320000xi32, #tpu.memory_space<hbm>> -> memref<80xi32, #tpu.memory_space<hbm>>
        %dma_start3A_20 = tpu.memref_slice %arg3[%add3A_14] : memref<320000xi32, #tpu.memory_space<hbm>> -> memref<80xi32, #tpu.memory_space<hbm>>
        tpu.enqueue_dma source(%dma_start3A_20 : memref<80xi32, #tpu.memory_space<hbm>>) target(%arg5 : memref<80xi32, #tpu.memory_space<vmem>>) target_semaphore(%run_scoped3A : memref<!tpu.dma_semaphore, #tpu.memory_space<semaphore_mem>>)
        %dma_wait3A_21 = tpu.memref_slice %arg3[%add3A_14] : memref<320000xi32, #tpu.memory_space<hbm>> -> memref<80xi32, #tpu.memory_space<hbm>>
        %dma_wait3A_22 = tpu.memref_slice %arg3[%add3A_14] : memref<320000xi32, #tpu.memory_space<hbm>> -> memref<80xi32, #tpu.memory_space<hbm>>
        tpu.wait_dma2 semaphore(%run_scoped3A : memref<!tpu.dma_semaphore, #tpu.memory_space<semaphore_mem>>) src(%dma_wait3A_22 : memref<80xi32, #tpu.memory_space<hbm>>) dst(%arg5 : memref<80xi32, #tpu.memory_space<vmem>>)
        tpu.yield
      }) : () -> ()
      %dma_start3A = arith.constant 0 : i32
      %dma_start3A_15 = arith.constant 0 : i32
      %dma_start3A_16 = tpu.memref_slice %arg2[%dma_start3A, %dma_start3A_15] : memref<320000x128xf32, #tpu.memory_space<hbm>> -> memref<320000x128xf32, #tpu.memory_space<hbm>>
      tpu.enqueue_indirect_dma source(%dma_start3A_16 : memref<320000x128xf32, #tpu.memory_space<hbm>>) target(%arg6 : memref<80x128xf32, #tpu.memory_space<vmem>>) offsets(%arg5 : memref<80xi32, #tpu.memory_space<vmem>>) semaphore(%arg7 : memref<!tpu.dma_semaphore, #tpu.memory_space<semaphore_mem>>)
      %dma_wait3A = arith.constant 0 : i32
      %dma_wait3A_17 = arith.constant 0 : i32
      %dma_wait3A_18 = tpu.memref_slice %arg2[%dma_wait3A, %dma_wait3A_17] : memref<320000x128xf32, #tpu.memory_space<hbm>> -> memref<320000x128xf32, #tpu.memory_space<hbm>>
      tpu.wait_indirect_dma semaphore(%arg7 : memref<!tpu.dma_semaphore, #tpu.memory_space<semaphore_mem>>) src(%dma_wait3A_18 : memref<320000x128xf32, #tpu.memory_space<hbm>>) dst(%arg6 : memref<80x128xf32, #tpu.memory_space<vmem>>)
      "tpu.region"() ({
        %run_scoped3A = tpu.sem_alloc : memref<!tpu.dma_semaphore, #tpu.memory_space<semaphore_mem>>
        %dma_start3A_19 = arith.constant 0 : i32
        %dma_start3A_20 = tpu.memref_slice %arg4[%add3A_14, %dma_start3A_19] : memref<320000x128xf32, #tpu.memory_space<hbm>> -> memref<80x128xf32, #tpu.memory_space<hbm>>
        %dma_start3A_21 = arith.constant 0 : i32
        %dma_start3A_22 = tpu.memref_slice %arg4[%add3A_14, %dma_start3A_21] : memref<320000x128xf32, #tpu.memory_space<hbm>> -> memref<80x128xf32, #tpu.memory_space<hbm>>
        tpu.enqueue_dma source(%arg6 : memref<80x128xf32, #tpu.memory_space<vmem>>) target(%dma_start3A_22 : memref<80x128xf32, #tpu.memory_space<hbm>>) target_semaphore(%run_scoped3A : memref<!tpu.dma_semaphore, #tpu.memory_space<semaphore_mem>>)
        %dma_wait3A_23 = arith.constant 0 : i32
        %dma_wait3A_24 = tpu.memref_slice %arg4[%add3A_14, %dma_wait3A_23] : memref<320000x128xf32, #tpu.memory_space<hbm>> -> memref<80x128xf32, #tpu.memory_space<hbm>>
        %dma_wait3A_25 = arith.constant 0 : i32
        %dma_wait3A_26 = tpu.memref_slice %arg4[%add3A_14, %dma_wait3A_25] : memref<320000x128xf32, #tpu.memory_space<hbm>> -> memref<80x128xf32, #tpu.memory_space<hbm>>
        tpu.wait_dma2 semaphore(%run_scoped3A : memref<!tpu.dma_semaphore, #tpu.memory_space<semaphore_mem>>) src(%arg6 : memref<80x128xf32, #tpu.memory_space<vmem>>) dst(%dma_wait3A_26 : memref<80x128xf32, #tpu.memory_space<hbm>>)
        tpu.yield
      }) : () -> ()
    }
    %scan3A_6 = arith.constant 125 : i32
    return
  }
}

#map = affine_map<(d0, d1) -> (0, 0)>
#map1 = affine_map<(d0, d1) -> (0)>
module attributes {stable_mosaic.version = 14 : i64} {
  func.func @k(%arg0: i32, %arg1: i32, %arg2: memref<10240x128xf32, #tpu.memory_space<hbm>>, %arg3: memref<320000xi32, #tpu.memory_space<hbm>>, %arg4: memref<320000x128xf32, #tpu.memory_space<hbm>>, %arg5: memref<80xi32, #tpu.memory_space<vmem>>, %arg6: memref<80x128xf32, #tpu.memory_space<vmem>>, %arg7: memref<!tpu.dma_semaphore, #tpu.memory_space<semaphore_mem>>) attributes {dimension_semantics = [#tpu.dimension_semantics<core_parallel>, #tpu.dimension_semantics<subcore_parallel>], iteration_bounds = array<i64: 2, 16>, scalar_prefetch = 0 : i64, scratch_operands = 3 : i64, tpu.core_type = #tpu.core_type<sc_vector_subcore>, window_params = [{transform_indices = #map}, {transform_indices = #map1}, {transform_indices = #map}]} {
    %mul3A = arith.constant 2 : i32
    %mul3A_0 = arith.muli %arg1, %mul3A : i32
    %add3A = arith.addi %mul3A_0, %arg0 : i32
    %mul3A_1 = arith.constant 10000 : i32
    %mul3A_2 = arith.muli %add3A, %mul3A_1 : i32
    %scan3A = arith.constant 0 : i32
    %scan3A_3 = arith.constant 125 : i32
    %scan3A_4 = arith.addi %scan3A, %scan3A_3 : i32
    %scan3A_5 = arith.constant 1 : i32
    scf.for %scan3A_7 = %scan3A to %scan3A_4 step %scan3A_5  : i32 {
      %mul3A_8 = arith.constant 1 : i32
      %mul3A_9 = arith.muli %scan3A_7, %mul3A_8 : i32
      %add3A_10 = arith.constant 0 : i32
      %add3A_11 = arith.addi %add3A_10, %mul3A_9 : i32
      %mul3A_12 = arith.constant 80 : i32
      %mul3A_13 = arith.muli %add3A_11, %mul3A_12 : i32
      %add3A_14 = arith.addi %mul3A_2, %mul3A_13 : i32
      "tpu.region"() ({
        %run_scoped3A = tpu.sem_alloc : memref<!tpu.dma_semaphore, #tpu.memory_space<semaphore_mem>>
        %dma_start3A_19 = tpu.memref_slice %arg3[%add3A_14] : memref<320000xi32, #tpu.memory_space<hbm>> -> memref<80xi32, #tpu.memory_space<hbm>>
        %dma_start3A_20 = tpu.memref_slice %arg3[%add3A_14] : memref<320000xi32, #tpu.memory_space<hbm>> -> memref<80xi32, #tpu.memory_space<hbm>>
        tpu.enqueue_dma source(%dma_start3A_20 : memref<80xi32, #tpu.memory_space<hbm>>) target(%arg5 : memref<80xi32, #tpu.memory_space<vmem>>) target_semaphore(%run_scoped3A : memref<!tpu.dma_semaphore, #tpu.memory_space<semaphore_mem>>)
        %dma_wait3A_21 = tpu.memref_slice %arg3[%add3A_14] : memref<320000xi32, #tpu.memory_space<hbm>> -> memref<80xi32, #tpu.memory_space<hbm>>
        %dma_wait3A_22 = tpu.memref_slice %arg3[%add3A_14] : memref<320000xi32, #tpu.memory_space<hbm>> -> memref<80xi32, #tpu.memory_space<hbm>>
        tpu.wait_dma2 semaphore(%run_scoped3A : memref<!tpu.dma_semaphore, #tpu.memory_space<semaphore_mem>>) src(%dma_wait3A_22 : memref<80xi32, #tpu.memory_space<hbm>>) dst(%arg5 : memref<80xi32, #tpu.memory_space<vmem>>)
        tpu.yield
      }) : () -> ()
      %dma_start3A = arith.constant 0 : i32
      %dma_start3A_15 = arith.constant 0 : i32
      %dma_start3A_16 = tpu.memref_slice %arg2[%dma_start3A, %dma_start3A_15] : memref<10240x128xf32, #tpu.memory_space<hbm>> -> memref<10240x128xf32, #tpu.memory_space<hbm>>
      tpu.enqueue_indirect_dma source(%dma_start3A_16 : memref<10240x128xf32, #tpu.memory_space<hbm>>) target(%arg6 : memref<80x128xf32, #tpu.memory_space<vmem>>) offsets(%arg5 : memref<80xi32, #tpu.memory_space<vmem>>) semaphore(%arg7 : memref<!tpu.dma_semaphore, #tpu.memory_space<semaphore_mem>>)
      %dma_wait3A = arith.constant 0 : i32
      %dma_wait3A_17 = arith.constant 0 : i32
      %dma_wait3A_18 = tpu.memref_slice %arg2[%dma_wait3A, %dma_wait3A_17] : memref<10240x128xf32, #tpu.memory_space<hbm>> -> memref<10240x128xf32, #tpu.memory_space<hbm>>
      tpu.wait_indirect_dma semaphore(%arg7 : memref<!tpu.dma_semaphore, #tpu.memory_space<semaphore_mem>>) src(%dma_wait3A_18 : memref<10240x128xf32, #tpu.memory_space<hbm>>) dst(%arg6 : memref<80x128xf32, #tpu.memory_space<vmem>>)
      "tpu.region"() ({
        %run_scoped3A = tpu.sem_alloc : memref<!tpu.dma_semaphore, #tpu.memory_space<semaphore_mem>>
        %dma_start3A_19 = arith.constant 0 : i32
        %dma_start3A_20 = tpu.memref_slice %arg4[%add3A_14, %dma_start3A_19] : memref<320000x128xf32, #tpu.memory_space<hbm>> -> memref<80x128xf32, #tpu.memory_space<hbm>>
        %dma_start3A_21 = arith.constant 0 : i32
        %dma_start3A_22 = tpu.memref_slice %arg4[%add3A_14, %dma_start3A_21] : memref<320000x128xf32, #tpu.memory_space<hbm>> -> memref<80x128xf32, #tpu.memory_space<hbm>>
        tpu.enqueue_dma source(%arg6 : memref<80x128xf32, #tpu.memory_space<vmem>>) target(%dma_start3A_22 : memref<80x128xf32, #tpu.memory_space<hbm>>) target_semaphore(%run_scoped3A : memref<!tpu.dma_semaphore, #tpu.memory_space<semaphore_mem>>)
        %dma_wait3A_23 = arith.constant 0 : i32
        %dma_wait3A_24 = tpu.memref_slice %arg4[%add3A_14, %dma_wait3A_23] : memref<320000x128xf32, #tpu.memory_space<hbm>> -> memref<80x128xf32, #tpu.memory_space<hbm>>
        %dma_wait3A_25 = arith.constant 0 : i32
        %dma_wait3A_26 = tpu.memref_slice %arg4[%add3A_14, %dma_wait3A_25] : memref<320000x128xf32, #tpu.memory_space<hbm>> -> memref<80x128xf32, #tpu.memory_space<hbm>>
        tpu.wait_dma2 semaphore(%run_scoped3A : memref<!tpu.dma_semaphore, #tpu.memory_space<semaphore_mem>>) src(%arg6 : memref<80x128xf32, #tpu.memory_space<vmem>>) dst(%dma_wait3A_26 : memref<80x128xf32, #tpu.memory_space<hbm>>)
        tpu.yield
      }) : () -> ()
    }
    %scan3A_6 = arith.constant 125 : i32
    return
  }
}

#map = affine_map<(d0, d1) -> (0, 0)>
#map1 = affine_map<(d0, d1) -> (0)>
module attributes {stable_mosaic.version = 14 : i64} {
  func.func @k(%arg0: i32, %arg1: i32, %arg2: memref<10240x128xf32, #tpu.memory_space<hbm>>, %arg3: memref<320000xi32, #tpu.memory_space<hbm>>, %arg4: memref<320000x128xf32, #tpu.memory_space<hbm>>, %arg5: memref<80xi32, #tpu.memory_space<vmem>>, %arg6: memref<80x128xf32, #tpu.memory_space<vmem>>, %arg7: memref<!tpu.dma_semaphore, #tpu.memory_space<semaphore_mem>>) attributes {dimension_semantics = [#tpu.dimension_semantics<core_parallel>, #tpu.dimension_semantics<subcore_parallel>], iteration_bounds = array<i64: 2, 16>, scalar_prefetch = 0 : i64, scratch_operands = 3 : i64, tpu.core_type = #tpu.core_type<sc_vector_subcore>, window_params = [{transform_indices = #map}, {transform_indices = #map1}, {transform_indices = #map}]} {
    %mul3A = arith.constant 2 : i32
    %mul3A_0 = arith.muli %arg1, %mul3A : i32
    %add3A = arith.addi %mul3A_0, %arg0 : i32
    %mul3A_1 = arith.constant 10000 : i32
    %mul3A_2 = arith.muli %add3A, %mul3A_1 : i32
    %scan3A = arith.constant 0 : i32
    %scan3A_3 = arith.constant 125 : i32
    %scan3A_4 = arith.addi %scan3A, %scan3A_3 : i32
    %scan3A_5 = arith.constant 1 : i32
    scf.for %scan3A_7 = %scan3A to %scan3A_4 step %scan3A_5  : i32 {
      %mul3A_8 = arith.constant 1 : i32
      %mul3A_9 = arith.muli %scan3A_7, %mul3A_8 : i32
      %add3A_10 = arith.constant 0 : i32
      %add3A_11 = arith.addi %add3A_10, %mul3A_9 : i32
      %mul3A_12 = arith.constant 80 : i32
      %mul3A_13 = arith.muli %add3A_11, %mul3A_12 : i32
      %add3A_14 = arith.addi %mul3A_2, %mul3A_13 : i32
      "tpu.region"() ({
        %run_scoped3A = tpu.sem_alloc : memref<!tpu.dma_semaphore, #tpu.memory_space<semaphore_mem>>
        %dma_start3A_19 = tpu.memref_slice %arg3[%add3A_14] : memref<320000xi32, #tpu.memory_space<hbm>> -> memref<80xi32, #tpu.memory_space<hbm>>
        %dma_start3A_20 = tpu.memref_slice %arg3[%add3A_14] : memref<320000xi32, #tpu.memory_space<hbm>> -> memref<80xi32, #tpu.memory_space<hbm>>
        tpu.enqueue_dma source(%dma_start3A_20 : memref<80xi32, #tpu.memory_space<hbm>>) target(%arg5 : memref<80xi32, #tpu.memory_space<vmem>>) target_semaphore(%run_scoped3A : memref<!tpu.dma_semaphore, #tpu.memory_space<semaphore_mem>>)
        %dma_wait3A_21 = tpu.memref_slice %arg3[%add3A_14] : memref<320000xi32, #tpu.memory_space<hbm>> -> memref<80xi32, #tpu.memory_space<hbm>>
        %dma_wait3A_22 = tpu.memref_slice %arg3[%add3A_14] : memref<320000xi32, #tpu.memory_space<hbm>> -> memref<80xi32, #tpu.memory_space<hbm>>
        tpu.wait_dma2 semaphore(%run_scoped3A : memref<!tpu.dma_semaphore, #tpu.memory_space<semaphore_mem>>) src(%dma_wait3A_22 : memref<80xi32, #tpu.memory_space<hbm>>) dst(%arg5 : memref<80xi32, #tpu.memory_space<vmem>>)
        tpu.yield
      }) : () -> ()
      %dma_start3A = arith.constant 0 : i32
      %dma_start3A_15 = arith.constant 0 : i32
      %dma_start3A_16 = tpu.memref_slice %arg2[%dma_start3A, %dma_start3A_15] : memref<10240x128xf32, #tpu.memory_space<hbm>> -> memref<10240x128xf32, #tpu.memory_space<hbm>>
      tpu.enqueue_indirect_dma source(%dma_start3A_16 : memref<10240x128xf32, #tpu.memory_space<hbm>>) target(%arg6 : memref<80x128xf32, #tpu.memory_space<vmem>>) offsets(%arg5 : memref<80xi32, #tpu.memory_space<vmem>>) semaphore(%arg7 : memref<!tpu.dma_semaphore, #tpu.memory_space<semaphore_mem>>)
      %dma_wait3A = arith.constant 0 : i32
      %dma_wait3A_17 = arith.constant 0 : i32
      %dma_wait3A_18 = tpu.memref_slice %arg2[%dma_wait3A, %dma_wait3A_17] : memref<10240x128xf32, #tpu.memory_space<hbm>> -> memref<10240x128xf32, #tpu.memory_space<hbm>>
      tpu.wait_indirect_dma semaphore(%arg7 : memref<!tpu.dma_semaphore, #tpu.memory_space<semaphore_mem>>) src(%dma_wait3A_18 : memref<10240x128xf32, #tpu.memory_space<hbm>>) dst(%arg6 : memref<80x128xf32, #tpu.memory_space<vmem>>)
      "tpu.region"() ({
        %run_scoped3A = tpu.sem_alloc : memref<!tpu.dma_semaphore, #tpu.memory_space<semaphore_mem>>
        %dma_start3A_19 = arith.constant 0 : i32
        %dma_start3A_20 = tpu.memref_slice %arg4[%add3A_14, %dma_start3A_19] : memref<320000x128xf32, #tpu.memory_space<hbm>> -> memref<80x128xf32, #tpu.memory_space<hbm>>
        %dma_start3A_21 = arith.constant 0 : i32
        %dma_start3A_22 = tpu.memref_slice %arg4[%add3A_14, %dma_start3A_21] : memref<320000x128xf32, #tpu.memory_space<hbm>> -> memref<80x128xf32, #tpu.memory_space<hbm>>
        tpu.enqueue_dma source(%arg6 : memref<80x128xf32, #tpu.memory_space<vmem>>) target(%dma_start3A_22 : memref<80x128xf32, #tpu.memory_space<hbm>>) target_semaphore(%run_scoped3A : memref<!tpu.dma_semaphore, #tpu.memory_space<semaphore_mem>>)
        %dma_wait3A_23 = arith.constant 0 : i32
        %dma_wait3A_24 = tpu.memref_slice %arg4[%add3A_14, %dma_wait3A_23] : memref<320000x128xf32, #tpu.memory_space<hbm>> -> memref<80x128xf32, #tpu.memory_space<hbm>>
        %dma_wait3A_25 = arith.constant 0 : i32
        %dma_wait3A_26 = tpu.memref_slice %arg4[%add3A_14, %dma_wait3A_25] : memref<320000x128xf32, #tpu.memory_space<hbm>> -> memref<80x128xf32, #tpu.memory_space<hbm>>
        tpu.wait_dma2 semaphore(%run_scoped3A : memref<!tpu.dma_semaphore, #tpu.memory_space<semaphore_mem>>) src(%arg6 : memref<80x128xf32, #tpu.memory_space<vmem>>) dst(%dma_wait3A_26 : memref<80x128xf32, #tpu.memory_space<hbm>>)
        tpu.yield
      }) : () -> ()
    }
    %scan3A_6 = arith.constant 125 : i32
    return
  }
}

#map = affine_map<(d0, d1) -> (0, 0)>
#map1 = affine_map<(d0, d1) -> (0)>
module attributes {stable_mosaic.version = 14 : i64} {
  func.func @k(%arg0: i32, %arg1: i32, %arg2: memref<320000x128xf32, #tpu.memory_space<hbm>>, %arg3: memref<320000xi32, #tpu.memory_space<hbm>>, %arg4: memref<320000x128xf32, #tpu.memory_space<hbm>>, %arg5: memref<80xi32, #tpu.memory_space<vmem>>, %arg6: memref<80x128xf32, #tpu.memory_space<vmem>>, %arg7: memref<!tpu.dma_semaphore, #tpu.memory_space<semaphore_mem>>) attributes {dimension_semantics = [#tpu.dimension_semantics<core_parallel>, #tpu.dimension_semantics<subcore_parallel>], iteration_bounds = array<i64: 2, 16>, scalar_prefetch = 0 : i64, scratch_operands = 3 : i64, tpu.core_type = #tpu.core_type<sc_vector_subcore>, window_params = [{transform_indices = #map}, {transform_indices = #map1}, {transform_indices = #map}]} {
    %mul3A = arith.constant 2 : i32
    %mul3A_0 = arith.muli %arg1, %mul3A : i32
    %add3A = arith.addi %mul3A_0, %arg0 : i32
    %mul3A_1 = arith.constant 10000 : i32
    %mul3A_2 = arith.muli %add3A, %mul3A_1 : i32
    %scan3A = arith.constant 0 : i32
    %scan3A_3 = arith.constant 125 : i32
    %scan3A_4 = arith.addi %scan3A, %scan3A_3 : i32
    %scan3A_5 = arith.constant 1 : i32
    scf.for %scan3A_7 = %scan3A to %scan3A_4 step %scan3A_5  : i32 {
      %mul3A_8 = arith.constant 1 : i32
      %mul3A_9 = arith.muli %scan3A_7, %mul3A_8 : i32
      %add3A_10 = arith.constant 0 : i32
      %add3A_11 = arith.addi %add3A_10, %mul3A_9 : i32
      %mul3A_12 = arith.constant 80 : i32
      %mul3A_13 = arith.muli %add3A_11, %mul3A_12 : i32
      %add3A_14 = arith.addi %mul3A_2, %mul3A_13 : i32
      "tpu.region"() ({
        %run_scoped3A = tpu.sem_alloc : memref<!tpu.dma_semaphore, #tpu.memory_space<semaphore_mem>>
        %dma_start3A_19 = tpu.memref_slice %arg3[%add3A_14] : memref<320000xi32, #tpu.memory_space<hbm>> -> memref<80xi32, #tpu.memory_space<hbm>>
        %dma_start3A_20 = tpu.memref_slice %arg3[%add3A_14] : memref<320000xi32, #tpu.memory_space<hbm>> -> memref<80xi32, #tpu.memory_space<hbm>>
        tpu.enqueue_dma source(%dma_start3A_20 : memref<80xi32, #tpu.memory_space<hbm>>) target(%arg5 : memref<80xi32, #tpu.memory_space<vmem>>) target_semaphore(%run_scoped3A : memref<!tpu.dma_semaphore, #tpu.memory_space<semaphore_mem>>)
        %dma_wait3A_21 = tpu.memref_slice %arg3[%add3A_14] : memref<320000xi32, #tpu.memory_space<hbm>> -> memref<80xi32, #tpu.memory_space<hbm>>
        %dma_wait3A_22 = tpu.memref_slice %arg3[%add3A_14] : memref<320000xi32, #tpu.memory_space<hbm>> -> memref<80xi32, #tpu.memory_space<hbm>>
        tpu.wait_dma2 semaphore(%run_scoped3A : memref<!tpu.dma_semaphore, #tpu.memory_space<semaphore_mem>>) src(%dma_wait3A_22 : memref<80xi32, #tpu.memory_space<hbm>>) dst(%arg5 : memref<80xi32, #tpu.memory_space<vmem>>)
        tpu.yield
      }) : () -> ()
      %dma_start3A = arith.constant 0 : i32
      %dma_start3A_15 = arith.constant 0 : i32
      %dma_start3A_16 = tpu.memref_slice %arg2[%dma_start3A, %dma_start3A_15] : memref<320000x128xf32, #tpu.memory_space<hbm>> -> memref<320000x128xf32, #tpu.memory_space<hbm>>
      tpu.enqueue_indirect_dma source(%dma_start3A_16 : memref<320000x128xf32, #tpu.memory_space<hbm>>) target(%arg6 : memref<80x128xf32, #tpu.memory_space<vmem>>) offsets(%arg5 : memref<80xi32, #tpu.memory_space<vmem>>) semaphore(%arg7 : memref<!tpu.dma_semaphore, #tpu.memory_space<semaphore_mem>>)
      %dma_wait3A = arith.constant 0 : i32
      %dma_wait3A_17 = arith.constant 0 : i32
      %dma_wait3A_18 = tpu.memref_slice %arg2[%dma_wait3A, %dma_wait3A_17] : memref<320000x128xf32, #tpu.memory_space<hbm>> -> memref<320000x128xf32, #tpu.memory_space<hbm>>
      tpu.wait_indirect_dma semaphore(%arg7 : memref<!tpu.dma_semaphore, #tpu.memory_space<semaphore_mem>>) src(%dma_wait3A_18 : memref<320000x128xf32, #tpu.memory_space<hbm>>) dst(%arg6 : memref<80x128xf32, #tpu.memory_space<vmem>>)
      "tpu.region"() ({
        %run_scoped3A = tpu.sem_alloc : memref<!tpu.dma_semaphore, #tpu.memory_space<semaphore_mem>>
        %dma_start3A_19 = arith.constant 0 : i32
        %dma_start3A_20 = tpu.memref_slice %arg4[%add3A_14, %dma_start3A_19] : memref<320000x128xf32, #tpu.memory_space<hbm>> -> memref<80x128xf32, #tpu.memory_space<hbm>>
        %dma_start3A_21 = arith.constant 0 : i32
        %dma_start3A_22 = tpu.memref_slice %arg4[%add3A_14, %dma_start3A_21] : memref<320000x128xf32, #tpu.memory_space<hbm>> -> memref<80x128xf32, #tpu.memory_space<hbm>>
        tpu.enqueue_dma source(%arg6 : memref<80x128xf32, #tpu.memory_space<vmem>>) target(%dma_start3A_22 : memref<80x128xf32, #tpu.memory_space<hbm>>) target_semaphore(%run_scoped3A : memref<!tpu.dma_semaphore, #tpu.memory_space<semaphore_mem>>)
        %dma_wait3A_23 = arith.constant 0 : i32
        %dma_wait3A_24 = tpu.memref_slice %arg4[%add3A_14, %dma_wait3A_23] : memref<320000x128xf32, #tpu.memory_space<hbm>> -> memref<80x128xf32, #tpu.memory_space<hbm>>
        %dma_wait3A_25 = arith.constant 0 : i32
        %dma_wait3A_26 = tpu.memref_slice %arg4[%add3A_14, %dma_wait3A_25] : memref<320000x128xf32, #tpu.memory_space<hbm>> -> memref<80x128xf32, #tpu.memory_space<hbm>>
        tpu.wait_dma2 semaphore(%run_scoped3A : memref<!tpu.dma_semaphore, #tpu.memory_space<semaphore_mem>>) src(%arg6 : memref<80x128xf32, #tpu.memory_space<vmem>>) dst(%dma_wait3A_26 : memref<80x128xf32, #tpu.memory_space<hbm>>)
        tpu.yield
      }) : () -> ()
    }
    %scan3A_6 = arith.constant 125 : i32
    return
  }
}

#map = affine_map<(d0, d1) -> (0, 0)>
#map1 = affine_map<(d0, d1) -> (0)>
module attributes {stable_mosaic.version = 14 : i64} {
  func.func @k(%arg0: i32, %arg1: i32, %arg2: memref<10240x128xf32, #tpu.memory_space<hbm>>, %arg3: memref<320000xi32, #tpu.memory_space<hbm>>, %arg4: memref<320000x128xf32, #tpu.memory_space<hbm>>, %arg5: memref<80xi32, #tpu.memory_space<vmem>>, %arg6: memref<80x128xf32, #tpu.memory_space<vmem>>, %arg7: memref<!tpu.dma_semaphore, #tpu.memory_space<semaphore_mem>>) attributes {dimension_semantics = [#tpu.dimension_semantics<core_parallel>, #tpu.dimension_semantics<subcore_parallel>], iteration_bounds = array<i64: 2, 16>, scalar_prefetch = 0 : i64, scratch_operands = 3 : i64, tpu.core_type = #tpu.core_type<sc_vector_subcore>, window_params = [{transform_indices = #map}, {transform_indices = #map1}, {transform_indices = #map}]} {
    %mul3A = arith.constant 2 : i32
    %mul3A_0 = arith.muli %arg1, %mul3A : i32
    %add3A = arith.addi %mul3A_0, %arg0 : i32
    %mul3A_1 = arith.constant 10000 : i32
    %mul3A_2 = arith.muli %add3A, %mul3A_1 : i32
    %scan3A = arith.constant 0 : i32
    %scan3A_3 = arith.constant 125 : i32
    %scan3A_4 = arith.addi %scan3A, %scan3A_3 : i32
    %scan3A_5 = arith.constant 1 : i32
    scf.for %scan3A_7 = %scan3A to %scan3A_4 step %scan3A_5  : i32 {
      %mul3A_8 = arith.constant 1 : i32
      %mul3A_9 = arith.muli %scan3A_7, %mul3A_8 : i32
      %add3A_10 = arith.constant 0 : i32
      %add3A_11 = arith.addi %add3A_10, %mul3A_9 : i32
      %mul3A_12 = arith.constant 80 : i32
      %mul3A_13 = arith.muli %add3A_11, %mul3A_12 : i32
      %add3A_14 = arith.addi %mul3A_2, %mul3A_13 : i32
      "tpu.region"() ({
        %run_scoped3A = tpu.sem_alloc : memref<!tpu.dma_semaphore, #tpu.memory_space<semaphore_mem>>
        %dma_start3A_19 = tpu.memref_slice %arg3[%add3A_14] : memref<320000xi32, #tpu.memory_space<hbm>> -> memref<80xi32, #tpu.memory_space<hbm>>
        %dma_start3A_20 = tpu.memref_slice %arg3[%add3A_14] : memref<320000xi32, #tpu.memory_space<hbm>> -> memref<80xi32, #tpu.memory_space<hbm>>
        tpu.enqueue_dma source(%dma_start3A_20 : memref<80xi32, #tpu.memory_space<hbm>>) target(%arg5 : memref<80xi32, #tpu.memory_space<vmem>>) target_semaphore(%run_scoped3A : memref<!tpu.dma_semaphore, #tpu.memory_space<semaphore_mem>>)
        %dma_wait3A_21 = tpu.memref_slice %arg3[%add3A_14] : memref<320000xi32, #tpu.memory_space<hbm>> -> memref<80xi32, #tpu.memory_space<hbm>>
        %dma_wait3A_22 = tpu.memref_slice %arg3[%add3A_14] : memref<320000xi32, #tpu.memory_space<hbm>> -> memref<80xi32, #tpu.memory_space<hbm>>
        tpu.wait_dma2 semaphore(%run_scoped3A : memref<!tpu.dma_semaphore, #tpu.memory_space<semaphore_mem>>) src(%dma_wait3A_22 : memref<80xi32, #tpu.memory_space<hbm>>) dst(%arg5 : memref<80xi32, #tpu.memory_space<vmem>>)
        tpu.yield
      }) : () -> ()
      %dma_start3A = arith.constant 0 : i32
      %dma_start3A_15 = arith.constant 0 : i32
      %dma_start3A_16 = tpu.memref_slice %arg2[%dma_start3A, %dma_start3A_15] : memref<10240x128xf32, #tpu.memory_space<hbm>> -> memref<10240x128xf32, #tpu.memory_space<hbm>>
      tpu.enqueue_indirect_dma source(%dma_start3A_16 : memref<10240x128xf32, #tpu.memory_space<hbm>>) target(%arg6 : memref<80x128xf32, #tpu.memory_space<vmem>>) offsets(%arg5 : memref<80xi32, #tpu.memory_space<vmem>>) semaphore(%arg7 : memref<!tpu.dma_semaphore, #tpu.memory_space<semaphore_mem>>)
      %dma_wait3A = arith.constant 0 : i32
      %dma_wait3A_17 = arith.constant 0 : i32
      %dma_wait3A_18 = tpu.memref_slice %arg2[%dma_wait3A, %dma_wait3A_17] : memref<10240x128xf32, #tpu.memory_space<hbm>> -> memref<10240x128xf32, #tpu.memory_space<hbm>>
      tpu.wait_indirect_dma semaphore(%arg7 : memref<!tpu.dma_semaphore, #tpu.memory_space<semaphore_mem>>) src(%dma_wait3A_18 : memref<10240x128xf32, #tpu.memory_space<hbm>>) dst(%arg6 : memref<80x128xf32, #tpu.memory_space<vmem>>)
      "tpu.region"() ({
        %run_scoped3A = tpu.sem_alloc : memref<!tpu.dma_semaphore, #tpu.memory_space<semaphore_mem>>
        %dma_start3A_19 = arith.constant 0 : i32
        %dma_start3A_20 = tpu.memref_slice %arg4[%add3A_14, %dma_start3A_19] : memref<320000x128xf32, #tpu.memory_space<hbm>> -> memref<80x128xf32, #tpu.memory_space<hbm>>
        %dma_start3A_21 = arith.constant 0 : i32
        %dma_start3A_22 = tpu.memref_slice %arg4[%add3A_14, %dma_start3A_21] : memref<320000x128xf32, #tpu.memory_space<hbm>> -> memref<80x128xf32, #tpu.memory_space<hbm>>
        tpu.enqueue_dma source(%arg6 : memref<80x128xf32, #tpu.memory_space<vmem>>) target(%dma_start3A_22 : memref<80x128xf32, #tpu.memory_space<hbm>>) target_semaphore(%run_scoped3A : memref<!tpu.dma_semaphore, #tpu.memory_space<semaphore_mem>>)
        %dma_wait3A_23 = arith.constant 0 : i32
        %dma_wait3A_24 = tpu.memref_slice %arg4[%add3A_14, %dma_wait3A_23] : memref<320000x128xf32, #tpu.memory_space<hbm>> -> memref<80x128xf32, #tpu.memory_space<hbm>>
        %dma_wait3A_25 = arith.constant 0 : i32
        %dma_wait3A_26 = tpu.memref_slice %arg4[%add3A_14, %dma_wait3A_25] : memref<320000x128xf32, #tpu.memory_space<hbm>> -> memref<80x128xf32, #tpu.memory_space<hbm>>
        tpu.wait_dma2 semaphore(%run_scoped3A : memref<!tpu.dma_semaphore, #tpu.memory_space<semaphore_mem>>) src(%arg6 : memref<80x128xf32, #tpu.memory_space<vmem>>) dst(%dma_wait3A_26 : memref<80x128xf32, #tpu.memory_space<hbm>>)
        tpu.yield
      }) : () -> ()
    }
    %scan3A_6 = arith.constant 125 : i32
    return
  }
}

#map = affine_map<(d0, d1) -> (0, 0)>
#map1 = affine_map<(d0, d1) -> (0)>
module attributes {stable_mosaic.version = 14 : i64} {
  func.func @k(%arg0: i32, %arg1: i32, %arg2: memref<10240x128xf32, #tpu.memory_space<hbm>>, %arg3: memref<320000xi32, #tpu.memory_space<hbm>>, %arg4: memref<320000x128xf32, #tpu.memory_space<hbm>>, %arg5: memref<80xi32, #tpu.memory_space<vmem>>, %arg6: memref<80x128xf32, #tpu.memory_space<vmem>>, %arg7: memref<!tpu.dma_semaphore, #tpu.memory_space<semaphore_mem>>) attributes {dimension_semantics = [#tpu.dimension_semantics<core_parallel>, #tpu.dimension_semantics<subcore_parallel>], iteration_bounds = array<i64: 2, 16>, scalar_prefetch = 0 : i64, scratch_operands = 3 : i64, tpu.core_type = #tpu.core_type<sc_vector_subcore>, window_params = [{transform_indices = #map}, {transform_indices = #map1}, {transform_indices = #map}]} {
    %mul3A = arith.constant 2 : i32
    %mul3A_0 = arith.muli %arg1, %mul3A : i32
    %add3A = arith.addi %mul3A_0, %arg0 : i32
    %mul3A_1 = arith.constant 10000 : i32
    %mul3A_2 = arith.muli %add3A, %mul3A_1 : i32
    %scan3A = arith.constant 0 : i32
    %scan3A_3 = arith.constant 125 : i32
    %scan3A_4 = arith.addi %scan3A, %scan3A_3 : i32
    %scan3A_5 = arith.constant 1 : i32
    scf.for %scan3A_7 = %scan3A to %scan3A_4 step %scan3A_5  : i32 {
      %mul3A_8 = arith.constant 1 : i32
      %mul3A_9 = arith.muli %scan3A_7, %mul3A_8 : i32
      %add3A_10 = arith.constant 0 : i32
      %add3A_11 = arith.addi %add3A_10, %mul3A_9 : i32
      %mul3A_12 = arith.constant 80 : i32
      %mul3A_13 = arith.muli %add3A_11, %mul3A_12 : i32
      %add3A_14 = arith.addi %mul3A_2, %mul3A_13 : i32
      "tpu.region"() ({
        %run_scoped3A = tpu.sem_alloc : memref<!tpu.dma_semaphore, #tpu.memory_space<semaphore_mem>>
        %dma_start3A_19 = tpu.memref_slice %arg3[%add3A_14] : memref<320000xi32, #tpu.memory_space<hbm>> -> memref<80xi32, #tpu.memory_space<hbm>>
        %dma_start3A_20 = tpu.memref_slice %arg3[%add3A_14] : memref<320000xi32, #tpu.memory_space<hbm>> -> memref<80xi32, #tpu.memory_space<hbm>>
        tpu.enqueue_dma source(%dma_start3A_20 : memref<80xi32, #tpu.memory_space<hbm>>) target(%arg5 : memref<80xi32, #tpu.memory_space<vmem>>) target_semaphore(%run_scoped3A : memref<!tpu.dma_semaphore, #tpu.memory_space<semaphore_mem>>)
        %dma_wait3A_21 = tpu.memref_slice %arg3[%add3A_14] : memref<320000xi32, #tpu.memory_space<hbm>> -> memref<80xi32, #tpu.memory_space<hbm>>
        %dma_wait3A_22 = tpu.memref_slice %arg3[%add3A_14] : memref<320000xi32, #tpu.memory_space<hbm>> -> memref<80xi32, #tpu.memory_space<hbm>>
        tpu.wait_dma2 semaphore(%run_scoped3A : memref<!tpu.dma_semaphore, #tpu.memory_space<semaphore_mem>>) src(%dma_wait3A_22 : memref<80xi32, #tpu.memory_space<hbm>>) dst(%arg5 : memref<80xi32, #tpu.memory_space<vmem>>)
        tpu.yield
      }) : () -> ()
      %dma_start3A = arith.constant 0 : i32
      %dma_start3A_15 = arith.constant 0 : i32
      %dma_start3A_16 = tpu.memref_slice %arg2[%dma_start3A, %dma_start3A_15] : memref<10240x128xf32, #tpu.memory_space<hbm>> -> memref<10240x128xf32, #tpu.memory_space<hbm>>
      tpu.enqueue_indirect_dma source(%dma_start3A_16 : memref<10240x128xf32, #tpu.memory_space<hbm>>) target(%arg6 : memref<80x128xf32, #tpu.memory_space<vmem>>) offsets(%arg5 : memref<80xi32, #tpu.memory_space<vmem>>) semaphore(%arg7 : memref<!tpu.dma_semaphore, #tpu.memory_space<semaphore_mem>>)
      %dma_wait3A = arith.constant 0 : i32
      %dma_wait3A_17 = arith.constant 0 : i32
      %dma_wait3A_18 = tpu.memref_slice %arg2[%dma_wait3A, %dma_wait3A_17] : memref<10240x128xf32, #tpu.memory_space<hbm>> -> memref<10240x128xf32, #tpu.memory_space<hbm>>
      tpu.wait_indirect_dma semaphore(%arg7 : memref<!tpu.dma_semaphore, #tpu.memory_space<semaphore_mem>>) src(%dma_wait3A_18 : memref<10240x128xf32, #tpu.memory_space<hbm>>) dst(%arg6 : memref<80x128xf32, #tpu.memory_space<vmem>>)
      "tpu.region"() ({
        %run_scoped3A = tpu.sem_alloc : memref<!tpu.dma_semaphore, #tpu.memory_space<semaphore_mem>>
        %dma_start3A_19 = arith.constant 0 : i32
        %dma_start3A_20 = tpu.memref_slice %arg4[%add3A_14, %dma_start3A_19] : memref<320000x128xf32, #tpu.memory_space<hbm>> -> memref<80x128xf32, #tpu.memory_space<hbm>>
        %dma_start3A_21 = arith.constant 0 : i32
        %dma_start3A_22 = tpu.memref_slice %arg4[%add3A_14, %dma_start3A_21] : memref<320000x128xf32, #tpu.memory_space<hbm>> -> memref<80x128xf32, #tpu.memory_space<hbm>>
        tpu.enqueue_dma source(%arg6 : memref<80x128xf32, #tpu.memory_space<vmem>>) target(%dma_start3A_22 : memref<80x128xf32, #tpu.memory_space<hbm>>) target_semaphore(%run_scoped3A : memref<!tpu.dma_semaphore, #tpu.memory_space<semaphore_mem>>)
        %dma_wait3A_23 = arith.constant 0 : i32
        %dma_wait3A_24 = tpu.memref_slice %arg4[%add3A_14, %dma_wait3A_23] : memref<320000x128xf32, #tpu.memory_space<hbm>> -> memref<80x128xf32, #tpu.memory_space<hbm>>
        %dma_wait3A_25 = arith.constant 0 : i32
        %dma_wait3A_26 = tpu.memref_slice %arg4[%add3A_14, %dma_wait3A_25] : memref<320000x128xf32, #tpu.memory_space<hbm>> -> memref<80x128xf32, #tpu.memory_space<hbm>>
        tpu.wait_dma2 semaphore(%run_scoped3A : memref<!tpu.dma_semaphore, #tpu.memory_space<semaphore_mem>>) src(%arg6 : memref<80x128xf32, #tpu.memory_space<vmem>>) dst(%dma_wait3A_26 : memref<80x128xf32, #tpu.memory_space<hbm>>)
        tpu.yield
      }) : () -> ()
    }
    %scan3A_6 = arith.constant 125 : i32
    return
  }
}

#map = affine_map<(d0, d1) -> (0, 0)>
#map1 = affine_map<(d0, d1) -> (0)>
module attributes {stable_mosaic.version = 14 : i64} {
  func.func @k(%arg0: i32, %arg1: i32, %arg2: memref<320000x128xf32, #tpu.memory_space<hbm>>, %arg3: memref<320000xi32, #tpu.memory_space<hbm>>, %arg4: memref<320000x128xf32, #tpu.memory_space<hbm>>, %arg5: memref<80xi32, #tpu.memory_space<vmem>>, %arg6: memref<80x128xf32, #tpu.memory_space<vmem>>, %arg7: memref<!tpu.dma_semaphore, #tpu.memory_space<semaphore_mem>>) attributes {dimension_semantics = [#tpu.dimension_semantics<core_parallel>, #tpu.dimension_semantics<subcore_parallel>], iteration_bounds = array<i64: 2, 16>, scalar_prefetch = 0 : i64, scratch_operands = 3 : i64, tpu.core_type = #tpu.core_type<sc_vector_subcore>, window_params = [{transform_indices = #map}, {transform_indices = #map1}, {transform_indices = #map}]} {
    %mul3A = arith.constant 2 : i32
    %mul3A_0 = arith.muli %arg1, %mul3A : i32
    %add3A = arith.addi %mul3A_0, %arg0 : i32
    %mul3A_1 = arith.constant 10000 : i32
    %mul3A_2 = arith.muli %add3A, %mul3A_1 : i32
    %scan3A = arith.constant 0 : i32
    %scan3A_3 = arith.constant 125 : i32
    %scan3A_4 = arith.addi %scan3A, %scan3A_3 : i32
    %scan3A_5 = arith.constant 1 : i32
    scf.for %scan3A_7 = %scan3A to %scan3A_4 step %scan3A_5  : i32 {
      %mul3A_8 = arith.constant 1 : i32
      %mul3A_9 = arith.muli %scan3A_7, %mul3A_8 : i32
      %add3A_10 = arith.constant 0 : i32
      %add3A_11 = arith.addi %add3A_10, %mul3A_9 : i32
      %mul3A_12 = arith.constant 80 : i32
      %mul3A_13 = arith.muli %add3A_11, %mul3A_12 : i32
      %add3A_14 = arith.addi %mul3A_2, %mul3A_13 : i32
      "tpu.region"() ({
        %run_scoped3A = tpu.sem_alloc : memref<!tpu.dma_semaphore, #tpu.memory_space<semaphore_mem>>
        %dma_start3A_19 = tpu.memref_slice %arg3[%add3A_14] : memref<320000xi32, #tpu.memory_space<hbm>> -> memref<80xi32, #tpu.memory_space<hbm>>
        %dma_start3A_20 = tpu.memref_slice %arg3[%add3A_14] : memref<320000xi32, #tpu.memory_space<hbm>> -> memref<80xi32, #tpu.memory_space<hbm>>
        tpu.enqueue_dma source(%dma_start3A_20 : memref<80xi32, #tpu.memory_space<hbm>>) target(%arg5 : memref<80xi32, #tpu.memory_space<vmem>>) target_semaphore(%run_scoped3A : memref<!tpu.dma_semaphore, #tpu.memory_space<semaphore_mem>>)
        %dma_wait3A_21 = tpu.memref_slice %arg3[%add3A_14] : memref<320000xi32, #tpu.memory_space<hbm>> -> memref<80xi32, #tpu.memory_space<hbm>>
        %dma_wait3A_22 = tpu.memref_slice %arg3[%add3A_14] : memref<320000xi32, #tpu.memory_space<hbm>> -> memref<80xi32, #tpu.memory_space<hbm>>
        tpu.wait_dma2 semaphore(%run_scoped3A : memref<!tpu.dma_semaphore, #tpu.memory_space<semaphore_mem>>) src(%dma_wait3A_22 : memref<80xi32, #tpu.memory_space<hbm>>) dst(%arg5 : memref<80xi32, #tpu.memory_space<vmem>>)
        tpu.yield
      }) : () -> ()
      %dma_start3A = arith.constant 0 : i32
      %dma_start3A_15 = arith.constant 0 : i32
      %dma_start3A_16 = tpu.memref_slice %arg2[%dma_start3A, %dma_start3A_15] : memref<320000x128xf32, #tpu.memory_space<hbm>> -> memref<320000x128xf32, #tpu.memory_space<hbm>>
      tpu.enqueue_indirect_dma source(%dma_start3A_16 : memref<320000x128xf32, #tpu.memory_space<hbm>>) target(%arg6 : memref<80x128xf32, #tpu.memory_space<vmem>>) offsets(%arg5 : memref<80xi32, #tpu.memory_space<vmem>>) semaphore(%arg7 : memref<!tpu.dma_semaphore, #tpu.memory_space<semaphore_mem>>)
      %dma_wait3A = arith.constant 0 : i32
      %dma_wait3A_17 = arith.constant 0 : i32
      %dma_wait3A_18 = tpu.memref_slice %arg2[%dma_wait3A, %dma_wait3A_17] : memref<320000x128xf32, #tpu.memory_space<hbm>> -> memref<320000x128xf32, #tpu.memory_space<hbm>>
      tpu.wait_indirect_dma semaphore(%arg7 : memref<!tpu.dma_semaphore, #tpu.memory_space<semaphore_mem>>) src(%dma_wait3A_18 : memref<320000x128xf32, #tpu.memory_space<hbm>>) dst(%arg6 : memref<80x128xf32, #tpu.memory_space<vmem>>)
      "tpu.region"() ({
        %run_scoped3A = tpu.sem_alloc : memref<!tpu.dma_semaphore, #tpu.memory_space<semaphore_mem>>
        %dma_start3A_19 = arith.constant 0 : i32
        %dma_start3A_20 = tpu.memref_slice %arg4[%add3A_14, %dma_start3A_19] : memref<320000x128xf32, #tpu.memory_space<hbm>> -> memref<80x128xf32, #tpu.memory_space<hbm>>
        %dma_start3A_21 = arith.constant 0 : i32
        %dma_start3A_22 = tpu.memref_slice %arg4[%add3A_14, %dma_start3A_21] : memref<320000x128xf32, #tpu.memory_space<hbm>> -> memref<80x128xf32, #tpu.memory_space<hbm>>
        tpu.enqueue_dma source(%arg6 : memref<80x128xf32, #tpu.memory_space<vmem>>) target(%dma_start3A_22 : memref<80x128xf32, #tpu.memory_space<hbm>>) target_semaphore(%run_scoped3A : memref<!tpu.dma_semaphore, #tpu.memory_space<semaphore_mem>>)
        %dma_wait3A_23 = arith.constant 0 : i32
        %dma_wait3A_24 = tpu.memref_slice %arg4[%add3A_14, %dma_wait3A_23] : memref<320000x128xf32, #tpu.memory_space<hbm>> -> memref<80x128xf32, #tpu.memory_space<hbm>>
        %dma_wait3A_25 = arith.constant 0 : i32
        %dma_wait3A_26 = tpu.memref_slice %arg4[%add3A_14, %dma_wait3A_25] : memref<320000x128xf32, #tpu.memory_space<hbm>> -> memref<80x128xf32, #tpu.memory_space<hbm>>
        tpu.wait_dma2 semaphore(%run_scoped3A : memref<!tpu.dma_semaphore, #tpu.memory_space<semaphore_mem>>) src(%arg6 : memref<80x128xf32, #tpu.memory_space<vmem>>) dst(%dma_wait3A_26 : memref<80x128xf32, #tpu.memory_space<hbm>>)
        tpu.yield
      }) : () -> ()
    }
    %scan3A_6 = arith.constant 125 : i32
    return
  }
}

#map = affine_map<(d0, d1) -> (0, 0)>
#map1 = affine_map<(d0, d1) -> (0)>
module attributes {stable_mosaic.version = 14 : i64} {
  func.func @k(%arg0: i32, %arg1: i32, %arg2: memref<10240x128xf32, #tpu.memory_space<hbm>>, %arg3: memref<320000xi32, #tpu.memory_space<hbm>>, %arg4: memref<320000x128xf32, #tpu.memory_space<hbm>>, %arg5: memref<80xi32, #tpu.memory_space<vmem>>, %arg6: memref<80x128xf32, #tpu.memory_space<vmem>>, %arg7: memref<!tpu.dma_semaphore, #tpu.memory_space<semaphore_mem>>) attributes {dimension_semantics = [#tpu.dimension_semantics<core_parallel>, #tpu.dimension_semantics<subcore_parallel>], iteration_bounds = array<i64: 2, 16>, scalar_prefetch = 0 : i64, scratch_operands = 3 : i64, tpu.core_type = #tpu.core_type<sc_vector_subcore>, window_params = [{transform_indices = #map}, {transform_indices = #map1}, {transform_indices = #map}]} {
    %mul3A = arith.constant 2 : i32
    %mul3A_0 = arith.muli %arg1, %mul3A : i32
    %add3A = arith.addi %mul3A_0, %arg0 : i32
    %mul3A_1 = arith.constant 10000 : i32
    %mul3A_2 = arith.muli %add3A, %mul3A_1 : i32
    %scan3A = arith.constant 0 : i32
    %scan3A_3 = arith.constant 125 : i32
    %scan3A_4 = arith.addi %scan3A, %scan3A_3 : i32
    %scan3A_5 = arith.constant 1 : i32
    scf.for %scan3A_7 = %scan3A to %scan3A_4 step %scan3A_5  : i32 {
      %mul3A_8 = arith.constant 1 : i32
      %mul3A_9 = arith.muli %scan3A_7, %mul3A_8 : i32
      %add3A_10 = arith.constant 0 : i32
      %add3A_11 = arith.addi %add3A_10, %mul3A_9 : i32
      %mul3A_12 = arith.constant 80 : i32
      %mul3A_13 = arith.muli %add3A_11, %mul3A_12 : i32
      %add3A_14 = arith.addi %mul3A_2, %mul3A_13 : i32
      "tpu.region"() ({
        %run_scoped3A = tpu.sem_alloc : memref<!tpu.dma_semaphore, #tpu.memory_space<semaphore_mem>>
        %dma_start3A_19 = tpu.memref_slice %arg3[%add3A_14] : memref<320000xi32, #tpu.memory_space<hbm>> -> memref<80xi32, #tpu.memory_space<hbm>>
        %dma_start3A_20 = tpu.memref_slice %arg3[%add3A_14] : memref<320000xi32, #tpu.memory_space<hbm>> -> memref<80xi32, #tpu.memory_space<hbm>>
        tpu.enqueue_dma source(%dma_start3A_20 : memref<80xi32, #tpu.memory_space<hbm>>) target(%arg5 : memref<80xi32, #tpu.memory_space<vmem>>) target_semaphore(%run_scoped3A : memref<!tpu.dma_semaphore, #tpu.memory_space<semaphore_mem>>)
        %dma_wait3A_21 = tpu.memref_slice %arg3[%add3A_14] : memref<320000xi32, #tpu.memory_space<hbm>> -> memref<80xi32, #tpu.memory_space<hbm>>
        %dma_wait3A_22 = tpu.memref_slice %arg3[%add3A_14] : memref<320000xi32, #tpu.memory_space<hbm>> -> memref<80xi32, #tpu.memory_space<hbm>>
        tpu.wait_dma2 semaphore(%run_scoped3A : memref<!tpu.dma_semaphore, #tpu.memory_space<semaphore_mem>>) src(%dma_wait3A_22 : memref<80xi32, #tpu.memory_space<hbm>>) dst(%arg5 : memref<80xi32, #tpu.memory_space<vmem>>)
        tpu.yield
      }) : () -> ()
      %dma_start3A = arith.constant 0 : i32
      %dma_start3A_15 = arith.constant 0 : i32
      %dma_start3A_16 = tpu.memref_slice %arg2[%dma_start3A, %dma_start3A_15] : memref<10240x128xf32, #tpu.memory_space<hbm>> -> memref<10240x128xf32, #tpu.memory_space<hbm>>
      tpu.enqueue_indirect_dma source(%dma_start3A_16 : memref<10240x128xf32, #tpu.memory_space<hbm>>) target(%arg6 : memref<80x128xf32, #tpu.memory_space<vmem>>) offsets(%arg5 : memref<80xi32, #tpu.memory_space<vmem>>) semaphore(%arg7 : memref<!tpu.dma_semaphore, #tpu.memory_space<semaphore_mem>>)
      %dma_wait3A = arith.constant 0 : i32
      %dma_wait3A_17 = arith.constant 0 : i32
      %dma_wait3A_18 = tpu.memref_slice %arg2[%dma_wait3A, %dma_wait3A_17] : memref<10240x128xf32, #tpu.memory_space<hbm>> -> memref<10240x128xf32, #tpu.memory_space<hbm>>
      tpu.wait_indirect_dma semaphore(%arg7 : memref<!tpu.dma_semaphore, #tpu.memory_space<semaphore_mem>>) src(%dma_wait3A_18 : memref<10240x128xf32, #tpu.memory_space<hbm>>) dst(%arg6 : memref<80x128xf32, #tpu.memory_space<vmem>>)
      "tpu.region"() ({
        %run_scoped3A = tpu.sem_alloc : memref<!tpu.dma_semaphore, #tpu.memory_space<semaphore_mem>>
        %dma_start3A_19 = arith.constant 0 : i32
        %dma_start3A_20 = tpu.memref_slice %arg4[%add3A_14, %dma_start3A_19] : memref<320000x128xf32, #tpu.memory_space<hbm>> -> memref<80x128xf32, #tpu.memory_space<hbm>>
        %dma_start3A_21 = arith.constant 0 : i32
        %dma_start3A_22 = tpu.memref_slice %arg4[%add3A_14, %dma_start3A_21] : memref<320000x128xf32, #tpu.memory_space<hbm>> -> memref<80x128xf32, #tpu.memory_space<hbm>>
        tpu.enqueue_dma source(%arg6 : memref<80x128xf32, #tpu.memory_space<vmem>>) target(%dma_start3A_22 : memref<80x128xf32, #tpu.memory_space<hbm>>) target_semaphore(%run_scoped3A : memref<!tpu.dma_semaphore, #tpu.memory_space<semaphore_mem>>)
        %dma_wait3A_23 = arith.constant 0 : i32
        %dma_wait3A_24 = tpu.memref_slice %arg4[%add3A_14, %dma_wait3A_23] : memref<320000x128xf32, #tpu.memory_space<hbm>> -> memref<80x128xf32, #tpu.memory_space<hbm>>
        %dma_wait3A_25 = arith.constant 0 : i32
        %dma_wait3A_26 = tpu.memref_slice %arg4[%add3A_14, %dma_wait3A_25] : memref<320000x128xf32, #tpu.memory_space<hbm>> -> memref<80x128xf32, #tpu.memory_space<hbm>>
        tpu.wait_dma2 semaphore(%run_scoped3A : memref<!tpu.dma_semaphore, #tpu.memory_space<semaphore_mem>>) src(%arg6 : memref<80x128xf32, #tpu.memory_space<vmem>>) dst(%dma_wait3A_26 : memref<80x128xf32, #tpu.memory_space<hbm>>)
        tpu.yield
      }) : () -> ()
    }
    %scan3A_6 = arith.constant 125 : i32
    return
  }
}

#map = affine_map<(d0, d1) -> (0, 0)>
#map1 = affine_map<(d0, d1) -> (0)>
module attributes {stable_mosaic.version = 14 : i64} {
  func.func @k(%arg0: i32, %arg1: i32, %arg2: memref<10240x128xf32, #tpu.memory_space<hbm>>, %arg3: memref<320000xi32, #tpu.memory_space<hbm>>, %arg4: memref<320000x128xf32, #tpu.memory_space<hbm>>, %arg5: memref<80xi32, #tpu.memory_space<vmem>>, %arg6: memref<80x128xf32, #tpu.memory_space<vmem>>, %arg7: memref<!tpu.dma_semaphore, #tpu.memory_space<semaphore_mem>>) attributes {dimension_semantics = [#tpu.dimension_semantics<core_parallel>, #tpu.dimension_semantics<subcore_parallel>], iteration_bounds = array<i64: 2, 16>, scalar_prefetch = 0 : i64, scratch_operands = 3 : i64, tpu.core_type = #tpu.core_type<sc_vector_subcore>, window_params = [{transform_indices = #map}, {transform_indices = #map1}, {transform_indices = #map}]} {
    %mul3A = arith.constant 2 : i32
    %mul3A_0 = arith.muli %arg1, %mul3A : i32
    %add3A = arith.addi %mul3A_0, %arg0 : i32
    %mul3A_1 = arith.constant 10000 : i32
    %mul3A_2 = arith.muli %add3A, %mul3A_1 : i32
    %scan3A = arith.constant 0 : i32
    %scan3A_3 = arith.constant 125 : i32
    %scan3A_4 = arith.addi %scan3A, %scan3A_3 : i32
    %scan3A_5 = arith.constant 1 : i32
    scf.for %scan3A_7 = %scan3A to %scan3A_4 step %scan3A_5  : i32 {
      %mul3A_8 = arith.constant 1 : i32
      %mul3A_9 = arith.muli %scan3A_7, %mul3A_8 : i32
      %add3A_10 = arith.constant 0 : i32
      %add3A_11 = arith.addi %add3A_10, %mul3A_9 : i32
      %mul3A_12 = arith.constant 80 : i32
      %mul3A_13 = arith.muli %add3A_11, %mul3A_12 : i32
      %add3A_14 = arith.addi %mul3A_2, %mul3A_13 : i32
      "tpu.region"() ({
        %run_scoped3A = tpu.sem_alloc : memref<!tpu.dma_semaphore, #tpu.memory_space<semaphore_mem>>
        %dma_start3A_19 = tpu.memref_slice %arg3[%add3A_14] : memref<320000xi32, #tpu.memory_space<hbm>> -> memref<80xi32, #tpu.memory_space<hbm>>
        %dma_start3A_20 = tpu.memref_slice %arg3[%add3A_14] : memref<320000xi32, #tpu.memory_space<hbm>> -> memref<80xi32, #tpu.memory_space<hbm>>
        tpu.enqueue_dma source(%dma_start3A_20 : memref<80xi32, #tpu.memory_space<hbm>>) target(%arg5 : memref<80xi32, #tpu.memory_space<vmem>>) target_semaphore(%run_scoped3A : memref<!tpu.dma_semaphore, #tpu.memory_space<semaphore_mem>>)
        %dma_wait3A_21 = tpu.memref_slice %arg3[%add3A_14] : memref<320000xi32, #tpu.memory_space<hbm>> -> memref<80xi32, #tpu.memory_space<hbm>>
        %dma_wait3A_22 = tpu.memref_slice %arg3[%add3A_14] : memref<320000xi32, #tpu.memory_space<hbm>> -> memref<80xi32, #tpu.memory_space<hbm>>
        tpu.wait_dma2 semaphore(%run_scoped3A : memref<!tpu.dma_semaphore, #tpu.memory_space<semaphore_mem>>) src(%dma_wait3A_22 : memref<80xi32, #tpu.memory_space<hbm>>) dst(%arg5 : memref<80xi32, #tpu.memory_space<vmem>>)
        tpu.yield
      }) : () -> ()
      %dma_start3A = arith.constant 0 : i32
      %dma_start3A_15 = arith.constant 0 : i32
      %dma_start3A_16 = tpu.memref_slice %arg2[%dma_start3A, %dma_start3A_15] : memref<10240x128xf32, #tpu.memory_space<hbm>> -> memref<10240x128xf32, #tpu.memory_space<hbm>>
      tpu.enqueue_indirect_dma source(%dma_start3A_16 : memref<10240x128xf32, #tpu.memory_space<hbm>>) target(%arg6 : memref<80x128xf32, #tpu.memory_space<vmem>>) offsets(%arg5 : memref<80xi32, #tpu.memory_space<vmem>>) semaphore(%arg7 : memref<!tpu.dma_semaphore, #tpu.memory_space<semaphore_mem>>)
      %dma_wait3A = arith.constant 0 : i32
      %dma_wait3A_17 = arith.constant 0 : i32
      %dma_wait3A_18 = tpu.memref_slice %arg2[%dma_wait3A, %dma_wait3A_17] : memref<10240x128xf32, #tpu.memory_space<hbm>> -> memref<10240x128xf32, #tpu.memory_space<hbm>>
      tpu.wait_indirect_dma semaphore(%arg7 : memref<!tpu.dma_semaphore, #tpu.memory_space<semaphore_mem>>) src(%dma_wait3A_18 : memref<10240x128xf32, #tpu.memory_space<hbm>>) dst(%arg6 : memref<80x128xf32, #tpu.memory_space<vmem>>)
      "tpu.region"() ({
        %run_scoped3A = tpu.sem_alloc : memref<!tpu.dma_semaphore, #tpu.memory_space<semaphore_mem>>
        %dma_start3A_19 = arith.constant 0 : i32
        %dma_start3A_20 = tpu.memref_slice %arg4[%add3A_14, %dma_start3A_19] : memref<320000x128xf32, #tpu.memory_space<hbm>> -> memref<80x128xf32, #tpu.memory_space<hbm>>
        %dma_start3A_21 = arith.constant 0 : i32
        %dma_start3A_22 = tpu.memref_slice %arg4[%add3A_14, %dma_start3A_21] : memref<320000x128xf32, #tpu.memory_space<hbm>> -> memref<80x128xf32, #tpu.memory_space<hbm>>
        tpu.enqueue_dma source(%arg6 : memref<80x128xf32, #tpu.memory_space<vmem>>) target(%dma_start3A_22 : memref<80x128xf32, #tpu.memory_space<hbm>>) target_semaphore(%run_scoped3A : memref<!tpu.dma_semaphore, #tpu.memory_space<semaphore_mem>>)
        %dma_wait3A_23 = arith.constant 0 : i32
        %dma_wait3A_24 = tpu.memref_slice %arg4[%add3A_14, %dma_wait3A_23] : memref<320000x128xf32, #tpu.memory_space<hbm>> -> memref<80x128xf32, #tpu.memory_space<hbm>>
        %dma_wait3A_25 = arith.constant 0 : i32
        %dma_wait3A_26 = tpu.memref_slice %arg4[%add3A_14, %dma_wait3A_25] : memref<320000x128xf32, #tpu.memory_space<hbm>> -> memref<80x128xf32, #tpu.memory_space<hbm>>
        tpu.wait_dma2 semaphore(%run_scoped3A : memref<!tpu.dma_semaphore, #tpu.memory_space<semaphore_mem>>) src(%arg6 : memref<80x128xf32, #tpu.memory_space<vmem>>) dst(%dma_wait3A_26 : memref<80x128xf32, #tpu.memory_space<hbm>>)
        tpu.yield
      }) : () -> ()
    }
    %scan3A_6 = arith.constant 125 : i32
    return
  }
}

module attributes {stable_mosaic.version = 14 : i64} {
  func.func @body(%arg0: i32, %arg1: memref<1x1x512xi32, #tpu.memory_space<vmem>>, %arg2: memref<1x1x512xi32, #tpu.memory_space<vmem>>, %arg3: memref<2x16x128xf32, #tpu.memory_space<vmem>>, %arg4: memref<512x128xf32, #tpu.memory_space<vmem>>) attributes {dimension_semantics = [#tpu.dimension_semantics<arbitrary>], iteration_bounds = array<i64: 625>, scalar_prefetch = 0 : i64, scratch_operands = 0 : i64, tpu.core_type = #tpu.core_type<tc>, window_params = [{transform_indices = @transform_0, window_bounds = array<i64: 1, 1, 512>}, {transform_indices = @transform_1, window_bounds = array<i64: 1, 1, 512>}, {pipeline_mode = #tpu.pipeline_mode<synchronous>, transform_indices = @transform_2, window_bounds = array<i64: 2, 16, 128>}, {transform_indices = @transform_3, window_bounds = array<i64: 512, 128>}]} {
    %broadcast_in_dim3A = arith.constant 0.000000e+00 : f32
    %broadcast_in_dim3A_0 = vector.broadcast %broadcast_in_dim3A : f32 to vector<512x128xf32>
    %get3A = arith.constant 0 : index
    %get3A_1 = arith.constant 0 : index
    %get3A_2 = arith.constant 0 : index
    %get3A_3 = vector.load %arg1[%get3A, %get3A_1, %get3A_2] : memref<1x1x512xi32, #tpu.memory_space<vmem>>, vector<1x1x512xi32>
    %get3A_4 = vector.shape_cast %get3A_3 : vector<1x1x512xi32> to vector<512xi32>
    %reshape3A = vector.shape_cast %get3A_4 : vector<512xi32> to vector<512x1xi32>
    %iota3A = tpu.iota {dimensions = array<i32: 1>} : vector<512x16xi32>
    %eq3A = vector.broadcast %reshape3A : vector<512x1xi32> to vector<512x16xi32>
    %eq3A_5 = arith.cmpi eq, %iota3A, %eq3A : vector<512x16xi32>
    %convert_element_type3A = arith.extui %eq3A_5 : vector<512x16xi1> to vector<512x16xi32>
    %convert_element_type3A_6 = arith.sitofp %convert_element_type3A : vector<512x16xi32> to vector<512x16xf32>
    %get3A_7 = arith.constant 0 : index
    %get3A_8 = arith.constant 0 : index
    %get3A_9 = arith.constant 0 : index
    %get3A_10 = vector.load %arg3[%get3A_7, %get3A_8, %get3A_9] : memref<2x16x128xf32, #tpu.memory_space<vmem>>, vector<1x16x128xf32>
    %get3A_11 = vector.shape_cast %get3A_10 : vector<1x16x128xf32> to vector<16x128xf32>
    %dot_general3A = arith.constant dense<0.000000e+00> : vector<512x128xf32>
    %dot_general3A_12 = tpu.matmul %convert_element_type3A_6, %get3A_11, %dot_general3A {dimension_numbers = #tpu.dot_dimension_numbers<[1], [0], [0], [1], [0, 0, 1, 1], [], []>, precision = #tpu.contract_precision<fp32>, transpose_lhs_hint = false} : vector<512x16xf32>, vector<16x128xf32>, vector<512x128xf32> -> vector<512x128xf32>
    %add3A = arith.addf %broadcast_in_dim3A_0, %dot_general3A_12 : vector<512x128xf32>
    %get3A_13 = arith.constant 0 : index
    %get3A_14 = arith.constant 0 : index
    %get3A_15 = arith.constant 0 : index
    %get3A_16 = vector.load %arg2[%get3A_13, %get3A_14, %get3A_15] : memref<1x1x512xi32, #tpu.memory_space<vmem>>, vector<1x1x512xi32>
    %get3A_17 = vector.shape_cast %get3A_16 : vector<1x1x512xi32> to vector<512xi32>
    %reshape3A_18 = vector.shape_cast %get3A_17 : vector<512xi32> to vector<512x1xi32>
    %iota3A_19 = tpu.iota {dimensions = array<i32: 1>} : vector<512x16xi32>
    %eq3A_20 = vector.broadcast %reshape3A_18 : vector<512x1xi32> to vector<512x16xi32>
    %eq3A_21 = arith.cmpi eq, %iota3A_19, %eq3A_20 : vector<512x16xi32>
    %convert_element_type3A_22 = arith.extui %eq3A_21 : vector<512x16xi1> to vector<512x16xi32>
    %convert_element_type3A_23 = arith.sitofp %convert_element_type3A_22 : vector<512x16xi32> to vector<512x16xf32>
    %get3A_24 = arith.constant 1 : index
    %get3A_25 = arith.constant 0 : index
    %get3A_26 = arith.constant 0 : index
    %get3A_27 = vector.load %arg3[%get3A_24, %get3A_25, %get3A_26] : memref<2x16x128xf32, #tpu.memory_space<vmem>>, vector<1x16x128xf32>
    %get3A_28 = vector.shape_cast %get3A_27 : vector<1x16x128xf32> to vector<16x128xf32>
    %dot_general3A_29 = arith.constant dense<0.000000e+00> : vector<512x128xf32>
    %dot_general3A_30 = tpu.matmul %convert_element_type3A_23, %get3A_28, %dot_general3A_29 {dimension_numbers = #tpu.dot_dimension_numbers<[1], [0], [0], [1], [0, 0, 1, 1], [], []>, precision = #tpu.contract_precision<fp32>, transpose_lhs_hint = false} : vector<512x16xf32>, vector<16x128xf32>, vector<512x128xf32> -> vector<512x128xf32>
    %add3A_31 = arith.addf %add3A, %dot_general3A_30 : vector<512x128xf32>
    %swap3A = arith.constant 0 : index
    %swap3A_32 = arith.constant 0 : index
    %swap3A_33 = vector.load %arg4[%swap3A, %swap3A_32] : memref<512x128xf32, #tpu.memory_space<vmem>>, vector<512x128xf32>
    tpu.vector_store %arg4[%swap3A, %swap3A_32], %add3A_31 {strides = array<i32>} : memref<512x128xf32, #tpu.memory_space<vmem>>, vector<512x128xf32>,
    return
  }
  func.func @transform_0(%arg0: i32) -> (i32, i32, i32) {
    %c0_i32 = arith.constant 0 : i32
    %c0_i32_0 = arith.constant 0 : i32
    %c0_i32_1 = arith.constant 0 : i32
    return %arg0, %c0_i32, %c0_i32_0 : i32, i32, i32
  }
  func.func @transform_1(%arg0: i32) -> (i32, i32, i32) {
    %c0_i32 = arith.constant 0 : i32
    %c0_i32_0 = arith.constant 0 : i32
    %c0_i32_1 = arith.constant 0 : i32
    return %arg0, %c0_i32, %c0_i32_0 : i32, i32, i32
  }
  func.func @transform_2(%arg0: i32) -> (i32, i32, i32) {
    %c0_i32 = arith.constant 0 : i32
    %c0_i32_0 = arith.constant 0 : i32
    %c0_i32_1 = arith.constant 0 : i32
    %c0_i32_2 = arith.constant 0 : i32
    return %c0_i32, %c0_i32_0, %c0_i32_1 : i32, i32, i32
  }
  func.func @transform_3(%arg0: i32) -> (i32, i32) {
    %c0_i32 = arith.constant 0 : i32
    %c0_i32_0 = arith.constant 0 : i32
    return %arg0, %c0_i32 : i32, i32
  }
}

module attributes {stable_mosaic.version = 14 : i64} {
  func.func @body(%arg0: i32, %arg1: memref<512x128xf32, #tpu.memory_space<vmem>>, %arg2: memref<128x128xf32, #tpu.memory_space<vmem>>, %arg3: memref<1x128xf32, #tpu.memory_space<vmem>>, %arg4: memref<512x128xf32, #tpu.memory_space<vmem>>) attributes {dimension_semantics = [#tpu.dimension_semantics<arbitrary>], iteration_bounds = array<i64: 625>, scalar_prefetch = 0 : i64, scratch_operands = 0 : i64, tpu.core_type = #tpu.core_type<tc>, window_params = [{transform_indices = @transform_0, window_bounds = array<i64: 512, 128>}, {pipeline_mode = #tpu.pipeline_mode<synchronous>, transform_indices = @transform_1, window_bounds = array<i64: 128, 128>}, {pipeline_mode = #tpu.pipeline_mode<synchronous>, transform_indices = @transform_2, window_bounds = array<i64: 1, 128>}, {transform_indices = @transform_3, window_bounds = array<i64: 512, 128>}]} {
    %get3A = arith.constant 0 : index
    %get3A_0 = arith.constant 0 : index
    %get3A_1 = vector.load %arg1[%get3A, %get3A_0] : memref<512x128xf32, #tpu.memory_space<vmem>>, vector<512x128xf32>
    %get3A_2 = arith.constant 0 : index
    %get3A_3 = arith.constant 0 : index
    %get3A_4 = vector.load %arg2[%get3A_2, %get3A_3] : memref<128x128xf32, #tpu.memory_space<vmem>>, vector<128x128xf32>
    %dot_general3A = arith.constant dense<0.000000e+00> : vector<512x128xf32>
    %dot_general3A_5 = tpu.matmul %get3A_1, %get3A_4, %dot_general3A {dimension_numbers = #tpu.dot_dimension_numbers<[1], [1], [0], [0], [0, 0, 1, 0], [], []>, precision = #tpu.contract_precision<fp32>, transpose_lhs_hint = false} : vector<512x128xf32>, vector<128x128xf32>, vector<512x128xf32> -> vector<512x128xf32>
    %get3A_6 = arith.constant 0 : index
    %get3A_7 = arith.constant 0 : index
    %get3A_8 = vector.load %arg3[%get3A_6, %get3A_7] : memref<1x128xf32, #tpu.memory_space<vmem>>, vector<1x128xf32>
    %add3A = vector.broadcast %get3A_8 : vector<1x128xf32> to vector<512x128xf32>
    %add3A_9 = arith.addf %dot_general3A_5, %add3A : vector<512x128xf32>
    %swap3A = arith.constant 0 : index
    %swap3A_10 = arith.constant 0 : index
    %swap3A_11 = vector.load %arg4[%swap3A, %swap3A_10] : memref<512x128xf32, #tpu.memory_space<vmem>>, vector<512x128xf32>
    tpu.vector_store %arg4[%swap3A, %swap3A_10], %add3A_9 {strides = array<i32>} : memref<512x128xf32, #tpu.memory_space<vmem>>, vector<512x128xf32>,
    return
  }
  func.func @transform_0(%arg0: i32) -> (i32, i32) {
    %c0_i32 = arith.constant 0 : i32
    %c0_i32_0 = arith.constant 0 : i32
    return %arg0, %c0_i32 : i32, i32
  }
  func.func @transform_1(%arg0: i32) -> (i32, i32) {
    %c0_i32 = arith.constant 0 : i32
    %c0_i32_0 = arith.constant 0 : i32
    %c0_i32_1 = arith.constant 0 : i32
    return %c0_i32, %c0_i32_0 : i32, i32
  }
  func.func @transform_2(%arg0: i32) -> (i32, i32) {
    %c0_i32 = arith.constant 0 : i32
    %c0_i32_0 = arith.constant 0 : i32
    %c0_i32_1 = arith.constant 0 : i32
    return %c0_i32, %c0_i32_0 : i32, i32
  }
  func.func @transform_3(%arg0: i32) -> (i32, i32) {
    %c0_i32 = arith.constant 0 : i32
    %c0_i32_0 = arith.constant 0 : i32
    return %arg0, %c0_i32 : i32, i32
  }
}

module attributes {stable_mosaic.version = 14 : i64} {
  func.func @body(%arg0: i32, %arg1: memref<1x1x256xi32, #tpu.memory_space<vmem>>, %arg2: memref<1x1x256xi32, #tpu.memory_space<vmem>>, %arg3: memref<1x1x256xi32, #tpu.memory_space<vmem>>, %arg4: memref<3x64x128xf32, #tpu.memory_space<vmem>>, %arg5: memref<256x128xf32, #tpu.memory_space<vmem>>) attributes {dimension_semantics = [#tpu.dimension_semantics<arbitrary>], iteration_bounds = array<i64: 40>, scalar_prefetch = 0 : i64, scratch_operands = 0 : i64, tpu.core_type = #tpu.core_type<tc>, window_params = [{transform_indices = @transform_0, window_bounds = array<i64: 1, 1, 256>}, {transform_indices = @transform_1, window_bounds = array<i64: 1, 1, 256>}, {transform_indices = @transform_2, window_bounds = array<i64: 1, 1, 256>}, {pipeline_mode = #tpu.pipeline_mode<synchronous>, transform_indices = @transform_3, window_bounds = array<i64: 3, 64, 128>}, {transform_indices = @transform_4, window_bounds = array<i64: 256, 128>}]} {
    %broadcast_in_dim3A = arith.constant 0.000000e+00 : f32
    %broadcast_in_dim3A_0 = vector.broadcast %broadcast_in_dim3A : f32 to vector<256x128xf32>
    %get3A = arith.constant 0 : index
    %get3A_1 = arith.constant 0 : index
    %get3A_2 = arith.constant 0 : index
    %get3A_3 = vector.load %arg1[%get3A, %get3A_1, %get3A_2] : memref<1x1x256xi32, #tpu.memory_space<vmem>>, vector<1x1x256xi32>
    %get3A_4 = vector.shape_cast %get3A_3 : vector<1x1x256xi32> to vector<256xi32>
    %reshape3A = vector.shape_cast %get3A_4 : vector<256xi32> to vector<256x1xi32>
    %iota3A = tpu.iota {dimensions = array<i32: 1>} : vector<256x64xi32>
    %eq3A = vector.broadcast %reshape3A : vector<256x1xi32> to vector<256x64xi32>
    %eq3A_5 = arith.cmpi eq, %iota3A, %eq3A : vector<256x64xi32>
    %convert_element_type3A = arith.extui %eq3A_5 : vector<256x64xi1> to vector<256x64xi32>
    %convert_element_type3A_6 = arith.sitofp %convert_element_type3A : vector<256x64xi32> to vector<256x64xf32>
    %get3A_7 = arith.constant 0 : index
    %get3A_8 = arith.constant 0 : index
    %get3A_9 = arith.constant 0 : index
    %get3A_10 = vector.load %arg4[%get3A_7, %get3A_8, %get3A_9] : memref<3x64x128xf32, #tpu.memory_space<vmem>>, vector<1x64x128xf32>
    %get3A_11 = vector.shape_cast %get3A_10 : vector<1x64x128xf32> to vector<64x128xf32>
    %dot_general3A = arith.constant dense<0.000000e+00> : vector<256x128xf32>
    %dot_general3A_12 = tpu.matmul %convert_element_type3A_6, %get3A_11, %dot_general3A {dimension_numbers = #tpu.dot_dimension_numbers<[1], [0], [0], [1], [0, 0, 1, 1], [], []>, precision = #tpu.contract_precision<fp32>, transpose_lhs_hint = false} : vector<256x64xf32>, vector<64x128xf32>, vector<256x128xf32> -> vector<256x128xf32>
    %add3A = arith.addf %broadcast_in_dim3A_0, %dot_general3A_12 : vector<256x128xf32>
    %get3A_13 = arith.constant 0 : index
    %get3A_14 = arith.constant 0 : index
    %get3A_15 = arith.constant 0 : index
    %get3A_16 = vector.load %arg2[%get3A_13, %get3A_14, %get3A_15] : memref<1x1x256xi32, #tpu.memory_space<vmem>>, vector<1x1x256xi32>
    %get3A_17 = vector.shape_cast %get3A_16 : vector<1x1x256xi32> to vector<256xi32>
    %reshape3A_18 = vector.shape_cast %get3A_17 : vector<256xi32> to vector<256x1xi32>
    %iota3A_19 = tpu.iota {dimensions = array<i32: 1>} : vector<256x64xi32>
    %eq3A_20 = vector.broadcast %reshape3A_18 : vector<256x1xi32> to vector<256x64xi32>
    %eq3A_21 = arith.cmpi eq, %iota3A_19, %eq3A_20 : vector<256x64xi32>
    %convert_element_type3A_22 = arith.extui %eq3A_21 : vector<256x64xi1> to vector<256x64xi32>
    %convert_element_type3A_23 = arith.sitofp %convert_element_type3A_22 : vector<256x64xi32> to vector<256x64xf32>
    %get3A_24 = arith.constant 1 : index
    %get3A_25 = arith.constant 0 : index
    %get3A_26 = arith.constant 0 : index
    %get3A_27 = vector.load %arg4[%get3A_24, %get3A_25, %get3A_26] : memref<3x64x128xf32, #tpu.memory_space<vmem>>, vector<1x64x128xf32>
    %get3A_28 = vector.shape_cast %get3A_27 : vector<1x64x128xf32> to vector<64x128xf32>
    %dot_general3A_29 = arith.constant dense<0.000000e+00> : vector<256x128xf32>
    %dot_general3A_30 = tpu.matmul %convert_element_type3A_23, %get3A_28, %dot_general3A_29 {dimension_numbers = #tpu.dot_dimension_numbers<[1], [0], [0], [1], [0, 0, 1, 1], [], []>, precision = #tpu.contract_precision<fp32>, transpose_lhs_hint = false} : vector<256x64xf32>, vector<64x128xf32>, vector<256x128xf32> -> vector<256x128xf32>
    %add3A_31 = arith.addf %add3A, %dot_general3A_30 : vector<256x128xf32>
    %get3A_32 = arith.constant 0 : index
    %get3A_33 = arith.constant 0 : index
    %get3A_34 = arith.constant 0 : index
    %get3A_35 = vector.load %arg3[%get3A_32, %get3A_33, %get3A_34] : memref<1x1x256xi32, #tpu.memory_space<vmem>>, vector<1x1x256xi32>
    %get3A_36 = vector.shape_cast %get3A_35 : vector<1x1x256xi32> to vector<256xi32>
    %reshape3A_37 = vector.shape_cast %get3A_36 : vector<256xi32> to vector<256x1xi32>
    %iota3A_38 = tpu.iota {dimensions = array<i32: 1>} : vector<256x64xi32>
    %eq3A_39 = vector.broadcast %reshape3A_37 : vector<256x1xi32> to vector<256x64xi32>
    %eq3A_40 = arith.cmpi eq, %iota3A_38, %eq3A_39 : vector<256x64xi32>
    %convert_element_type3A_41 = arith.extui %eq3A_40 : vector<256x64xi1> to vector<256x64xi32>
    %convert_element_type3A_42 = arith.sitofp %convert_element_type3A_41 : vector<256x64xi32> to vector<256x64xf32>
    %get3A_43 = arith.constant 2 : index
    %get3A_44 = arith.constant 0 : index
    %get3A_45 = arith.constant 0 : index
    %get3A_46 = vector.load %arg4[%get3A_43, %get3A_44, %get3A_45] : memref<3x64x128xf32, #tpu.memory_space<vmem>>, vector<1x64x128xf32>
    %get3A_47 = vector.shape_cast %get3A_46 : vector<1x64x128xf32> to vector<64x128xf32>
    %dot_general3A_48 = arith.constant dense<0.000000e+00> : vector<256x128xf32>
    %dot_general3A_49 = tpu.matmul %convert_element_type3A_42, %get3A_47, %dot_general3A_48 {dimension_numbers = #tpu.dot_dimension_numbers<[1], [0], [0], [1], [0, 0, 1, 1], [], []>, precision = #tpu.contract_precision<fp32>, transpose_lhs_hint = false} : vector<256x64xf32>, vector<64x128xf32>, vector<256x128xf32> -> vector<256x128xf32>
    %add3A_50 = arith.addf %add3A_31, %dot_general3A_49 : vector<256x128xf32>
    %swap3A = arith.constant 0 : index
    %swap3A_51 = arith.constant 0 : index
    %swap3A_52 = vector.load %arg5[%swap3A, %swap3A_51] : memref<256x128xf32, #tpu.memory_space<vmem>>, vector<256x128xf32>
    tpu.vector_store %arg5[%swap3A, %swap3A_51], %add3A_50 {strides = array<i32>} : memref<256x128xf32, #tpu.memory_space<vmem>>, vector<256x128xf32>,
    return
  }
  func.func @transform_0(%arg0: i32) -> (i32, i32, i32) {
    %c0_i32 = arith.constant 0 : i32
    %c0_i32_0 = arith.constant 0 : i32
    %c0_i32_1 = arith.constant 0 : i32
    return %arg0, %c0_i32, %c0_i32_0 : i32, i32, i32
  }
  func.func @transform_1(%arg0: i32) -> (i32, i32, i32) {
    %c0_i32 = arith.constant 0 : i32
    %c0_i32_0 = arith.constant 0 : i32
    %c0_i32_1 = arith.constant 0 : i32
    return %arg0, %c0_i32, %c0_i32_0 : i32, i32, i32
  }
  func.func @transform_2(%arg0: i32) -> (i32, i32, i32) {
    %c0_i32 = arith.constant 0 : i32
    %c0_i32_0 = arith.constant 0 : i32
    %c0_i32_1 = arith.constant 0 : i32
    return %arg0, %c0_i32, %c0_i32_0 : i32, i32, i32
  }
  func.func @transform_3(%arg0: i32) -> (i32, i32, i32) {
    %c0_i32 = arith.constant 0 : i32
    %c0_i32_0 = arith.constant 0 : i32
    %c0_i32_1 = arith.constant 0 : i32
    %c0_i32_2 = arith.constant 0 : i32
    return %c0_i32, %c0_i32_0, %c0_i32_1 : i32, i32, i32
  }
  func.func @transform_4(%arg0: i32) -> (i32, i32) {
    %c0_i32 = arith.constant 0 : i32
    %c0_i32_0 = arith.constant 0 : i32
    return %arg0, %c0_i32 : i32, i32
  }
}

module attributes {stable_mosaic.version = 14 : i64} {
  func.func @body(%arg0: i32, %arg1: memref<256x128xf32, #tpu.memory_space<vmem>>, %arg2: memref<384x128xf32, #tpu.memory_space<vmem>>, %arg3: memref<1x384xf32, #tpu.memory_space<vmem>>, %arg4: memref<256x384xf32, #tpu.memory_space<vmem>>) attributes {dimension_semantics = [#tpu.dimension_semantics<arbitrary>], iteration_bounds = array<i64: 40>, scalar_prefetch = 0 : i64, scratch_operands = 0 : i64, tpu.core_type = #tpu.core_type<tc>, window_params = [{transform_indices = @transform_0, window_bounds = array<i64: 256, 128>}, {pipeline_mode = #tpu.pipeline_mode<synchronous>, transform_indices = @transform_1, window_bounds = array<i64: 384, 128>}, {pipeline_mode = #tpu.pipeline_mode<synchronous>, transform_indices = @transform_2, window_bounds = array<i64: 1, 384>}, {transform_indices = @transform_3, window_bounds = array<i64: 256, 384>}]} {
    %get3A = arith.constant 0 : index
    %get3A_0 = arith.constant 0 : index
    %get3A_1 = vector.load %arg1[%get3A, %get3A_0] : memref<256x128xf32, #tpu.memory_space<vmem>>, vector<256x128xf32>
    %get3A_2 = arith.constant 0 : index
    %get3A_3 = arith.constant 0 : index
    %get3A_4 = vector.load %arg2[%get3A_2, %get3A_3] : memref<384x128xf32, #tpu.memory_space<vmem>>, vector<384x128xf32>
    %dot_general3A = arith.constant dense<0.000000e+00> : vector<256x384xf32>
    %dot_general3A_5 = tpu.matmul %get3A_1, %get3A_4, %dot_general3A {dimension_numbers = #tpu.dot_dimension_numbers<[1], [1], [0], [0], [0, 0, 1, 0], [], []>, precision = #tpu.contract_precision<fp32>, transpose_lhs_hint = false} : vector<256x128xf32>, vector<384x128xf32>, vector<256x384xf32> -> vector<256x384xf32>
    %get3A_6 = arith.constant 0 : index
    %get3A_7 = arith.constant 0 : index
    %get3A_8 = vector.load %arg3[%get3A_6, %get3A_7] : memref<1x384xf32, #tpu.memory_space<vmem>>, vector<1x384xf32>
    %add3A = vector.broadcast %get3A_8 : vector<1x384xf32> to vector<256x384xf32>
    %add3A_9 = arith.addf %dot_general3A_5, %add3A : vector<256x384xf32>
    %swap3A = arith.constant 0 : index
    %swap3A_10 = arith.constant 0 : index
    %swap3A_11 = vector.load %arg4[%swap3A, %swap3A_10] : memref<256x384xf32, #tpu.memory_space<vmem>>, vector<256x384xf32>
    tpu.vector_store %arg4[%swap3A, %swap3A_10], %add3A_9 {strides = array<i32>} : memref<256x384xf32, #tpu.memory_space<vmem>>, vector<256x384xf32>,
    return
  }
  func.func @transform_0(%arg0: i32) -> (i32, i32) {
    %c0_i32 = arith.constant 0 : i32
    %c0_i32_0 = arith.constant 0 : i32
    return %arg0, %c0_i32 : i32, i32
  }
  func.func @transform_1(%arg0: i32) -> (i32, i32) {
    %c0_i32 = arith.constant 0 : i32
    %c0_i32_0 = arith.constant 0 : i32
    %c0_i32_1 = arith.constant 0 : i32
    return %c0_i32, %c0_i32_0 : i32, i32
  }
  func.func @transform_2(%arg0: i32) -> (i32, i32) {
    %c0_i32 = arith.constant 0 : i32
    %c0_i32_0 = arith.constant 0 : i32
    %c0_i32_1 = arith.constant 0 : i32
    return %c0_i32, %c0_i32_0 : i32, i32
  }
  func.func @transform_3(%arg0: i32) -> (i32, i32) {
    %c0_i32 = arith.constant 0 : i32
    %c0_i32_0 = arith.constant 0 : i32
    return %arg0, %c0_i32 : i32, i32
  }
}

module attributes {stable_mosaic.version = 14 : i64} {
  func.func @body(%arg0: i32, %arg1: memref<41xi32, #tpu.memory_space<smem>>, %arg2: memref<256x128xf32, #tpu.memory_space<vmem>>, %arg3: memref<625x512x128xf32, #tpu.memory_space<hbm>>, %arg4: memref<625x512x128xf32, #tpu.memory_space<hbm>>, %arg5: memref<625x512x128xf32, #tpu.memory_space<hbm>>, %arg6: memref<625x1x512xi32, #tpu.memory_space<hbm>>, %arg7: memref<256x128xf32, #tpu.memory_space<vmem>>, %arg8: memref<512x128xf32, #tpu.memory_space<vmem>>, %arg9: memref<512x128xf32, #tpu.memory_space<vmem>>, %arg10: memref<512x128xf32, #tpu.memory_space<vmem>>, %arg11: memref<1x512xi32, #tpu.memory_space<vmem>>, %arg12: memref<!tpu.dma_semaphore, #tpu.memory_space<semaphore_mem>>) attributes {dimension_semantics = [#tpu.dimension_semantics<arbitrary>], iteration_bounds = array<i64: 40>, scalar_prefetch = 1 : i64, scratch_operands = 5 : i64, tpu.core_type = #tpu.core_type<tc>, window_params = [{transform_indices = @transform_0, window_bounds = array<i64: 256, 128>}, {}, {}, {}, {}, {transform_indices = @transform_5, window_bounds = array<i64: 256, 128>}]} {
    %get3A = arith.index_cast %arg0 : i32 to index
    %get3A_0 = memref.load %arg1[%get3A] : memref<41xi32, #tpu.memory_space<smem>>
    %add3A = arith.constant 1 : i32
    %add3A_1 = arith.addi %arg0, %add3A : i32
    %get3A_2 = arith.index_cast %add3A_1 : i32 to index
    %get3A_3 = memref.load %arg1[%get3A_2] : memref<41xi32, #tpu.memory_space<smem>>
    %jit3A = arith.constant 512 : i32
    %div3A = arith.divsi %get3A_0, %jit3A : i32
    %sign3A = arith.constant 0 : i32
    %sign3A_4 = arith.cmpi sgt, %get3A_0, %sign3A : i32
    %sign3A_5 = arith.extui %sign3A_4 : i1 to i32
    %sign3A_6 = arith.constant 0 : i32
    %sign3A_7 = arith.cmpi slt, %get3A_0, %sign3A_6 : i32
    %sign3A_8 = arith.extui %sign3A_7 : i1 to i32
    %sign3A_9 = arith.subi %sign3A_5, %sign3A_8 : i32
    %sign3A_10 = arith.constant 0 : i32
    %sign3A_11 = arith.cmpi sgt, %jit3A, %sign3A_10 : i32
    %sign3A_12 = arith.extui %sign3A_11 : i1 to i32
    %sign3A_13 = arith.constant 0 : i32
    %sign3A_14 = arith.cmpi slt, %jit3A, %sign3A_13 : i32
    %sign3A_15 = arith.extui %sign3A_14 : i1 to i32
    %sign3A_16 = arith.subi %sign3A_12, %sign3A_15 : i32
    %ne3A = arith.cmpi ne, %sign3A_9, %sign3A_16 : i32
    %rem3A = arith.remsi %get3A_0, %jit3A : i32
    %ne3A_17 = arith.constant 0 : i32
    %ne3A_18 = arith.cmpi ne, %rem3A, %ne3A_17 : i32
    %and3A = arith.andi %ne3A, %ne3A_18 : i1
    %sub3A = arith.constant 1 : i32
    %sub3A_19 = arith.subi %div3A, %sub3A : i32
    %select_n3A = arith.select %and3A, %sub3A_19, %div3A : i32
    %add3A_20 = arith.constant 512 : i32
    %add3A_21 = arith.addi %get3A_3, %add3A_20 : i32
    %sub3A_22 = arith.constant 1 : i32
    %sub3A_23 = arith.subi %add3A_21, %sub3A_22 : i32
    %div3A_24 = arith.constant 512 : i32
    %div3A_25 = arith.divsi %sub3A_23, %div3A_24 : i32
    %mul3A = arith.constant 256 : i32
    %mul3A_26 = arith.muli %arg0, %mul3A : i32
    %get3A_27 = arith.constant 0 : index
    %get3A_28 = arith.constant 0 : index
    %get3A_29 = vector.load %arg2[%get3A_27, %get3A_28] : memref<256x128xf32, #tpu.memory_space<vmem>>, vector<256x128xf32>
    %broadcast_in_dim3A = arith.constant 1.000000e+00 : f32
    %broadcast_in_dim3A_30 = vector.broadcast %broadcast_in_dim3A : f32 to vector<1x256xf32>
    %broadcast_in_dim3A_31 = arith.constant -1.000000e+30 : f32
    %broadcast_in_dim3A_32 = vector.broadcast %broadcast_in_dim3A_31 : f32 to vector<256x4xf32>
    %broadcast_in_dim3A_33 = arith.constant 0.000000e+00 : f32
    %broadcast_in_dim3A_34 = vector.broadcast %broadcast_in_dim3A_33 : f32 to vector<256x4xf32>
    %broadcast_in_dim3A_35 = arith.constant 0.000000e+00 : f32
    %broadcast_in_dim3A_36 = vector.broadcast %broadcast_in_dim3A_35 : f32 to vector<256x128xf32>
    %while3A = arith.subi %div3A_25, %select_n3A : i32
    %while3A_37 = arith.addi %select_n3A, %while3A : i32
    %while3A_38 = arith.constant 1 : i32
    %while3A_39 = arith.divsi %while3A, %while3A_38 : i32
    %while3A_40 = arith.muli %while3A_39, %while3A_38 : i32
    %while3A_41 = arith.addi %select_n3A, %while3A_40 : i32
    %while3A_42 = arith.constant 1 : i32
    %while3A_43:3 = scf.for %while3A_63 = %select_n3A to %while3A_41 step %while3A_42 iter_args(%while3A_64 = %broadcast_in_dim3A_32, %while3A_65 = %broadcast_in_dim3A_34, %while3A_66 = %broadcast_in_dim3A_36) -> (vector<256x4xf32>, vector<256x4xf32>, vector<256x128xf32>)  : i32 {
      %dma_start3A = arith.constant 0 : i32
      %dma_start3A_67 = arith.constant 0 : i32
      %dma_start3A_68 = tpu.memref_slice %arg3[%while3A_63, %dma_start3A, %dma_start3A_67] : memref<625x512x128xf32, #tpu.memory_space<hbm>> -> memref<1x512x128xf32, #tpu.memory_space<hbm>>
      %dma_start3A_69 = tpu.memref_squeeze %dma_start3A_68 : memref<1x512x128xf32, #tpu.memory_space<hbm>> -> memref<512x128xf32, #tpu.memory_space<hbm>>
      tpu.enqueue_dma source(%dma_start3A_69 : memref<512x128xf32, #tpu.memory_space<hbm>>) target(%arg8 : memref<512x128xf32, #tpu.memory_space<vmem>>) target_semaphore(%arg12 : memref<!tpu.dma_semaphore, #tpu.memory_space<semaphore_mem>>)
      %dma_wait3A = arith.constant 0 : i32
      %dma_wait3A_70 = arith.constant 0 : i32
      %dma_wait3A_71 = tpu.memref_slice %arg3[%while3A_63, %dma_wait3A, %dma_wait3A_70] : memref<625x512x128xf32, #tpu.memory_space<hbm>> -> memref<1x512x128xf32, #tpu.memory_space<hbm>>
      %dma_wait3A_72 = tpu.memref_squeeze %dma_wait3A_71 : memref<1x512x128xf32, #tpu.memory_space<hbm>> -> memref<512x128xf32, #tpu.memory_space<hbm>>
      tpu.wait_dma2 semaphore(%arg12 : memref<!tpu.dma_semaphore, #tpu.memory_space<semaphore_mem>>) src(%dma_wait3A_72 : memref<512x128xf32, #tpu.memory_space<hbm>>) dst(%arg8 : memref<512x128xf32, #tpu.memory_space<vmem>>)
      %dma_start3A_73 = arith.constant 0 : i32
      %dma_start3A_74 = arith.constant 0 : i32
      %dma_start3A_75 = tpu.memref_slice %arg4[%while3A_63, %dma_start3A_73, %dma_start3A_74] : memref<625x512x128xf32, #tpu.memory_space<hbm>> -> memref<1x512x128xf32, #tpu.memory_space<hbm>>
      %dma_start3A_76 = tpu.memref_squeeze %dma_start3A_75 : memref<1x512x128xf32, #tpu.memory_space<hbm>> -> memref<512x128xf32, #tpu.memory_space<hbm>>
      tpu.enqueue_dma source(%dma_start3A_76 : memref<512x128xf32, #tpu.memory_space<hbm>>) target(%arg9 : memref<512x128xf32, #tpu.memory_space<vmem>>) target_semaphore(%arg12 : memref<!tpu.dma_semaphore, #tpu.memory_space<semaphore_mem>>)
      %dma_wait3A_77 = arith.constant 0 : i32
      %dma_wait3A_78 = arith.constant 0 : i32
      %dma_wait3A_79 = tpu.memref_slice %arg4[%while3A_63, %dma_wait3A_77, %dma_wait3A_78] : memref<625x512x128xf32, #tpu.memory_space<hbm>> -> memref<1x512x128xf32, #tpu.memory_space<hbm>>
      %dma_wait3A_80 = tpu.memref_squeeze %dma_wait3A_79 : memref<1x512x128xf32, #tpu.memory_space<hbm>> -> memref<512x128xf32, #tpu.memory_space<hbm>>
      tpu.wait_dma2 semaphore(%arg12 : memref<!tpu.dma_semaphore, #tpu.memory_space<semaphore_mem>>) src(%dma_wait3A_80 : memref<512x128xf32, #tpu.memory_space<hbm>>) dst(%arg9 : memref<512x128xf32, #tpu.memory_space<vmem>>)
      %dma_start3A_81 = arith.constant 0 : i32
      %dma_start3A_82 = arith.constant 0 : i32
      %dma_start3A_83 = tpu.memref_slice %arg5[%while3A_63, %dma_start3A_81, %dma_start3A_82] : memref<625x512x128xf32, #tpu.memory_space<hbm>> -> memref<1x512x128xf32, #tpu.memory_space<hbm>>
      %dma_start3A_84 = tpu.memref_squeeze %dma_start3A_83 : memref<1x512x128xf32, #tpu.memory_space<hbm>> -> memref<512x128xf32, #tpu.memory_space<hbm>>
      tpu.enqueue_dma source(%dma_start3A_84 : memref<512x128xf32, #tpu.memory_space<hbm>>) target(%arg10 : memref<512x128xf32, #tpu.memory_space<vmem>>) target_semaphore(%arg12 : memref<!tpu.dma_semaphore, #tpu.memory_space<semaphore_mem>>)
      %dma_wait3A_85 = arith.constant 0 : i32
      %dma_wait3A_86 = arith.constant 0 : i32
      %dma_wait3A_87 = tpu.memref_slice %arg5[%while3A_63, %dma_wait3A_85, %dma_wait3A_86] : memref<625x512x128xf32, #tpu.memory_space<hbm>> -> memref<1x512x128xf32, #tpu.memory_space<hbm>>
      %dma_wait3A_88 = tpu.memref_squeeze %dma_wait3A_87 : memref<1x512x128xf32, #tpu.memory_space<hbm>> -> memref<512x128xf32, #tpu.memory_space<hbm>>
      tpu.wait_dma2 semaphore(%arg12 : memref<!tpu.dma_semaphore, #tpu.memory_space<semaphore_mem>>) src(%dma_wait3A_88 : memref<512x128xf32, #tpu.memory_space<hbm>>) dst(%arg10 : memref<512x128xf32, #tpu.memory_space<vmem>>)
      %dma_start3A_89 = arith.constant 0 : i32
      %dma_start3A_90 = arith.constant 0 : i32
      %dma_start3A_91 = tpu.memref_slice %arg6[%while3A_63, %dma_start3A_89, %dma_start3A_90] : memref<625x1x512xi32, #tpu.memory_space<hbm>> -> memref<1x1x512xi32, #tpu.memory_space<hbm>>
      %dma_start3A_92 = tpu.memref_squeeze %dma_start3A_91 : memref<1x1x512xi32, #tpu.memory_space<hbm>> -> memref<1x512xi32, #tpu.memory_space<hbm>>
      tpu.enqueue_dma source(%dma_start3A_92 : memref<1x512xi32, #tpu.memory_space<hbm>>) target(%arg11 : memref<1x512xi32, #tpu.memory_space<vmem>>) target_semaphore(%arg12 : memref<!tpu.dma_semaphore, #tpu.memory_space<semaphore_mem>>)
      %dma_wait3A_93 = arith.constant 0 : i32
      %dma_wait3A_94 = arith.constant 0 : i32
      %dma_wait3A_95 = tpu.memref_slice %arg6[%while3A_63, %dma_wait3A_93, %dma_wait3A_94] : memref<625x1x512xi32, #tpu.memory_space<hbm>> -> memref<1x1x512xi32, #tpu.memory_space<hbm>>
      %dma_wait3A_96 = tpu.memref_squeeze %dma_wait3A_95 : memref<1x1x512xi32, #tpu.memory_space<hbm>> -> memref<1x512xi32, #tpu.memory_space<hbm>>
      tpu.wait_dma2 semaphore(%arg12 : memref<!tpu.dma_semaphore, #tpu.memory_space<semaphore_mem>>) src(%dma_wait3A_96 : memref<1x512xi32, #tpu.memory_space<hbm>>) dst(%arg11 : memref<1x512xi32, #tpu.memory_space<vmem>>)
      %get3A_97 = arith.constant 0 : index
      %get3A_98 = arith.constant 0 : index
      %get3A_99 = vector.load %arg11[%get3A_97, %get3A_98] : memref<1x512xi32, #tpu.memory_space<vmem>>, vector<1x512xi32>
      %get3A_100 = vector.shape_cast %get3A_99 : vector<1x512xi32> to vector<512xi32>
      %sub3A_101 = vector.broadcast %mul3A_26 : i32 to vector<512xi32>
      %sub3A_102 = arith.subi %get3A_100, %sub3A_101 : vector<512xi32>
      %ge3A = arith.constant 0 : i32
      %ge3A_103 = vector.broadcast %ge3A : i32 to vector<512xi32>
      %ge3A_104 = arith.cmpi sge, %sub3A_102, %ge3A_103 : vector<512xi32>
      %lt3A = arith.constant 256 : i32
      %lt3A_105 = vector.broadcast %lt3A : i32 to vector<512xi32>
      %lt3A_106 = arith.cmpi slt, %sub3A_102, %lt3A_105 : vector<512xi32>
      %and3A_107 = arith.andi %ge3A_104, %lt3A_106 : vector<512xi1>
      %iota3A = tpu.iota {dimensions = array<i32: 0>} : vector<256x512xi32>
      %broadcast_in_dim3A_108 = vector.shape_cast %sub3A_102 : vector<512xi32> to vector<1x512xi32>
      %eq3A = vector.broadcast %broadcast_in_dim3A_108 : vector<1x512xi32> to vector<256x512xi32>
      %eq3A_109 = arith.cmpi eq, %iota3A, %eq3A : vector<256x512xi32>
      %broadcast_in_dim3A_110 = vector.shape_cast %and3A_107 : vector<512xi1> to vector<1x512xi1>
      %and3A_111 = vector.broadcast %broadcast_in_dim3A_110 : vector<1x512xi1> to vector<256x512xi1>
      %and3A_112 = arith.andi %eq3A_109, %and3A_111 : vector<256x512xi1>
      %convert_element_type3A = arith.extui %and3A_112 : vector<256x512xi1> to vector<256x512xi32>
      %convert_element_type3A_113 = arith.sitofp %convert_element_type3A : vector<256x512xi32> to vector<256x512xf32>
      %get3A_114 = arith.constant 0 : index
      %get3A_115 = arith.constant 0 : index
      %get3A_116 = vector.load %arg8[%get3A_114, %get3A_115] : memref<512x128xf32, #tpu.memory_space<vmem>>, vector<512x128xf32>
      %get3A_117 = arith.constant 0 : index
      %get3A_118 = arith.constant 0 : index
      %get3A_119 = vector.load %arg10[%get3A_117, %get3A_118] : memref<512x128xf32, #tpu.memory_space<vmem>>, vector<512x128xf32>
      %add3A_120 = arith.addf %get3A_116, %get3A_119 : vector<512x128xf32>
      %get3A_121 = arith.constant 0 : index
      %get3A_122 = arith.constant 0 : index
      %get3A_123 = vector.load %arg9[%get3A_121, %get3A_122] : memref<512x128xf32, #tpu.memory_space<vmem>>, vector<512x128xf32>
      %get3A_124 = arith.constant 0 : index
      %get3A_125 = arith.constant 0 : index
      %get3A_126 = vector.load %arg10[%get3A_124, %get3A_125] : memref<512x128xf32, #tpu.memory_space<vmem>>, vector<512x128xf32>
      %add3A_127 = arith.addf %get3A_123, %get3A_126 : vector<512x128xf32>
      %slice3A_128 = vector.extract_strided_slice %get3A_29 {offsets = [0, 0], sizes = [256, 32], strides = [1, 1]} : vector<256x128xf32> to vector<256x32xf32>
      %slice3A_129 = vector.extract_strided_slice %add3A_120 {offsets = [0, 0], sizes = [512, 32], strides = [1, 1]} : vector<512x128xf32> to vector<512x32xf32>
      %dot_general3A = arith.constant dense<0.000000e+00> : vector<256x512xf32>
      %dot_general3A_130 = tpu.matmul %slice3A_128, %slice3A_129, %dot_general3A {dimension_numbers = #tpu.dot_dimension_numbers<[1], [1], [0], [0], [0, 0, 1, 0], [], []>, transpose_lhs_hint = false} : vector<256x32xf32>, vector<512x32xf32>, vector<256x512xf32> -> vector<256x512xf32>
      %mul3A_131 = arith.constant 0.176776692 : f32
      %mul3A_132 = vector.broadcast %mul3A_131 : f32 to vector<256x512xf32>
      %mul3A_133 = arith.mulf %dot_general3A_130, %mul3A_132 : vector<256x512xf32>
      %jit3A_134 = arith.constant -1.000000e+30 : f32
      %broadcast_in_dim3A_135 = vector.broadcast %jit3A_134 : f32 to vector<256x512xf32>
      %select_n3A_136 = arith.select %and3A_112, %mul3A_133, %broadcast_in_dim3A_135 : vector<256x512xi1>, vector<256x512xf32>
      %slice3A_137 = vector.extract_strided_slice %while3A_64 {offsets = [0, 0], sizes = [256, 1], strides = [1, 1]} : vector<256x4xf32> to vector<256x1xf32>
      %reduce_max3A = arith.constant dense<0xFF800000> : vector<256xf32>
      %reduce_max3A_138 = vector.multi_reduction <maximumf>, %select_n3A_136, %reduce_max3A [1] : vector<256x512xf32> to vector<256xf32>
      %broadcast_in_dim3A_139 = vector.shape_cast %reduce_max3A_138 : vector<256xf32> to vector<256x1xf32>
      %max3A = arith.maximumf %slice3A_137, %broadcast_in_dim3A_139 : vector<256x1xf32>
      %slice3A_140 = vector.extract_strided_slice %while3A_64 {offsets = [0, 0], sizes = [256, 1], strides = [1, 1]} : vector<256x4xf32> to vector<256x1xf32>
      %sub3A_141 = arith.subf %slice3A_140, %max3A : vector<256x1xf32>
      %exp3A = math.exp %sub3A_141 : vector<256x1xf32>
      %mul3A_142 = arith.mulf %convert_element_type3A_113, %mul3A_133 : vector<256x512xf32>
      %dot_general3A_143 = arith.constant dense<0.000000e+00> : vector<1x512xf32>
      %dot_general3A_144 = tpu.matmul %broadcast_in_dim3A_30, %mul3A_142, %dot_general3A_143 {dimension_numbers = #tpu.dot_dimension_numbers<[1], [0], [0], [1], [0, 0, 1, 1], [], []>, transpose_lhs_hint = false} : vector<1x256xf32>, vector<256x512xf32>, vector<1x512xf32> -> vector<1x512xf32>
      %mul3A_145 = vector.broadcast %max3A : vector<256x1xf32> to vector<256x512xf32>
      %mul3A_146 = arith.mulf %convert_element_type3A_113, %mul3A_145 : vector<256x512xf32>
      %dot_general3A_147 = arith.constant dense<0.000000e+00> : vector<1x512xf32>
      %dot_general3A_148 = tpu.matmul %broadcast_in_dim3A_30, %mul3A_146, %dot_general3A_147 {dimension_numbers = #tpu.dot_dimension_numbers<[1], [0], [0], [1], [0, 0, 1, 1], [], []>, transpose_lhs_hint = false} : vector<1x256xf32>, vector<256x512xf32>, vector<1x512xf32> -> vector<1x512xf32>
      %sub3A_149 = arith.subf %dot_general3A_144, %dot_general3A_148 : vector<1x512xf32>
      %exp3A_150 = math.exp %sub3A_149 : vector<1x512xf32>
      %broadcast_in_dim3A_151 = vector.shape_cast %and3A_107 : vector<512xi1> to vector<1x512xi1>
      %convert_element_type3A_152 = arith.extui %broadcast_in_dim3A_151 : vector<1x512xi1> to vector<1x512xi32>
      %convert_element_type3A_153 = arith.sitofp %convert_element_type3A_152 : vector<1x512xi32> to vector<1x512xf32>
      %mul3A_154 = arith.mulf %exp3A_150, %convert_element_type3A_153 : vector<1x512xf32>
      %mul3A_155 = vector.broadcast %mul3A_154 : vector<1x512xf32> to vector<256x512xf32>
      %mul3A_156 = arith.mulf %convert_element_type3A_113, %mul3A_155 : vector<256x512xf32>
      %slice3A_157 = vector.extract_strided_slice %while3A_65 {offsets = [0, 0], sizes = [256, 1], strides = [1, 1]} : vector<256x4xf32> to vector<256x1xf32>
      %mul3A_158 = arith.mulf %slice3A_157, %exp3A : vector<256x1xf32>
      %reduce_sum3A = arith.constant dense<0.000000e+00> : vector<256xf32>
      %reduce_sum3A_159 = vector.multi_reduction <add>, %mul3A_156, %reduce_sum3A [1] : vector<256x512xf32> to vector<256xf32>
      %broadcast_in_dim3A_160 = vector.shape_cast %reduce_sum3A_159 : vector<256xf32> to vector<256x1xf32>
      %add3A_161 = arith.addf %mul3A_158, %broadcast_in_dim3A_160 : vector<256x1xf32>
      %slice3A_162 = vector.extract_strided_slice %while3A_66 {offsets = [0, 0], sizes = [256, 32], strides = [1, 1]} : vector<256x128xf32> to vector<256x32xf32>
      %mul3A_163 = vector.broadcast %exp3A : vector<256x1xf32> to vector<256x32xf32>
      %mul3A_164 = arith.mulf %slice3A_162, %mul3A_163 : vector<256x32xf32>
      %slice3A_165 = vector.extract_strided_slice %add3A_127 {offsets = [0, 0], sizes = [512, 32], strides = [1, 1]} : vector<512x128xf32> to vector<512x32xf32>
      %dot_general3A_166 = arith.constant dense<0.000000e+00> : vector<256x32xf32>
      %dot_general3A_167 = tpu.matmul %mul3A_156, %slice3A_165, %dot_general3A_166 {dimension_numbers = #tpu.dot_dimension_numbers<[1], [0], [0], [1], [0, 0, 1, 1], [], []>, transpose_lhs_hint = false} : vector<256x512xf32>, vector<512x32xf32>, vector<256x32xf32> -> vector<256x32xf32>
      %add3A_168 = arith.addf %mul3A_164, %dot_general3A_167 : vector<256x32xf32>
      %slice3A_169 = vector.extract_strided_slice %get3A_29 {offsets = [0, 32], sizes = [256, 32], strides = [1, 1]} : vector<256x128xf32> to vector<256x32xf32>
      %slice3A_170 = vector.extract_strided_slice %add3A_120 {offsets = [0, 32], sizes = [512, 32], strides = [1, 1]} : vector<512x128xf32> to vector<512x32xf32>
      %dot_general3A_171 = arith.constant dense<0.000000e+00> : vector<256x512xf32>
      %dot_general3A_172 = tpu.matmul %slice3A_169, %slice3A_170, %dot_general3A_171 {dimension_numbers = #tpu.dot_dimension_numbers<[1], [1], [0], [0], [0, 0, 1, 0], [], []>, transpose_lhs_hint = false} : vector<256x32xf32>, vector<512x32xf32>, vector<256x512xf32> -> vector<256x512xf32>
      %mul3A_173 = arith.constant 0.176776692 : f32
      %mul3A_174 = vector.broadcast %mul3A_173 : f32 to vector<256x512xf32>
      %mul3A_175 = arith.mulf %dot_general3A_172, %mul3A_174 : vector<256x512xf32>
      %jit3A_176 = arith.constant -1.000000e+30 : f32
      %broadcast_in_dim3A_177 = vector.broadcast %jit3A_176 : f32 to vector<256x512xf32>
      %select_n3A_178 = arith.select %and3A_112, %mul3A_175, %broadcast_in_dim3A_177 : vector<256x512xi1>, vector<256x512xf32>
      %slice3A_179 = vector.extract_strided_slice %while3A_64 {offsets = [0, 1], sizes = [256, 1], strides = [1, 1]} : vector<256x4xf32> to vector<256x1xf32>
      %reduce_max3A_180 = arith.constant dense<0xFF800000> : vector<256xf32>
      %reduce_max3A_181 = vector.multi_reduction <maximumf>, %select_n3A_178, %reduce_max3A_180 [1] : vector<256x512xf32> to vector<256xf32>
      %broadcast_in_dim3A_182 = vector.shape_cast %reduce_max3A_181 : vector<256xf32> to vector<256x1xf32>
      %max3A_183 = arith.maximumf %slice3A_179, %broadcast_in_dim3A_182 : vector<256x1xf32>
      %slice3A_184 = vector.extract_strided_slice %while3A_64 {offsets = [0, 1], sizes = [256, 1], strides = [1, 1]} : vector<256x4xf32> to vector<256x1xf32>
      %sub3A_185 = arith.subf %slice3A_184, %max3A_183 : vector<256x1xf32>
      %exp3A_186 = math.exp %sub3A_185 : vector<256x1xf32>
      %mul3A_187 = arith.mulf %convert_element_type3A_113, %mul3A_175 : vector<256x512xf32>
      %dot_general3A_188 = arith.constant dense<0.000000e+00> : vector<1x512xf32>
      %dot_general3A_189 = tpu.matmul %broadcast_in_dim3A_30, %mul3A_187, %dot_general3A_188 {dimension_numbers = #tpu.dot_dimension_numbers<[1], [0], [0], [1], [0, 0, 1, 1], [], []>, transpose_lhs_hint = false} : vector<1x256xf32>, vector<256x512xf32>, vector<1x512xf32> -> vector<1x512xf32>
      %mul3A_190 = vector.broadcast %max3A_183 : vector<256x1xf32> to vector<256x512xf32>
      %mul3A_191 = arith.mulf %convert_element_type3A_113, %mul3A_190 : vector<256x512xf32>
      %dot_general3A_192 = arith.constant dense<0.000000e+00> : vector<1x512xf32>
      %dot_general3A_193 = tpu.matmul %broadcast_in_dim3A_30, %mul3A_191, %dot_general3A_192 {dimension_numbers = #tpu.dot_dimension_numbers<[1], [0], [0], [1], [0, 0, 1, 1], [], []>, transpose_lhs_hint = false} : vector<1x256xf32>, vector<256x512xf32>, vector<1x512xf32> -> vector<1x512xf32>
      %sub3A_194 = arith.subf %dot_general3A_189, %dot_general3A_193 : vector<1x512xf32>
      %exp3A_195 = math.exp %sub3A_194 : vector<1x512xf32>
      %broadcast_in_dim3A_196 = vector.shape_cast %and3A_107 : vector<512xi1> to vector<1x512xi1>
      %convert_element_type3A_197 = arith.extui %broadcast_in_dim3A_196 : vector<1x512xi1> to vector<1x512xi32>
      %convert_element_type3A_198 = arith.sitofp %convert_element_type3A_197 : vector<1x512xi32> to vector<1x512xf32>
      %mul3A_199 = arith.mulf %exp3A_195, %convert_element_type3A_198 : vector<1x512xf32>
      %mul3A_200 = vector.broadcast %mul3A_199 : vector<1x512xf32> to vector<256x512xf32>
      %mul3A_201 = arith.mulf %convert_element_type3A_113, %mul3A_200 : vector<256x512xf32>
      %slice3A_202 = vector.extract_strided_slice %while3A_65 {offsets = [0, 1], sizes = [256, 1], strides = [1, 1]} : vector<256x4xf32> to vector<256x1xf32>
      %mul3A_203 = arith.mulf %slice3A_202, %exp3A_186 : vector<256x1xf32>
      %reduce_sum3A_204 = arith.constant dense<0.000000e+00> : vector<256xf32>
      %reduce_sum3A_205 = vector.multi_reduction <add>, %mul3A_201, %reduce_sum3A_204 [1] : vector<256x512xf32> to vector<256xf32>
      %broadcast_in_dim3A_206 = vector.shape_cast %reduce_sum3A_205 : vector<256xf32> to vector<256x1xf32>
      %add3A_207 = arith.addf %mul3A_203, %broadcast_in_dim3A_206 : vector<256x1xf32>
      %slice3A_208 = vector.extract_strided_slice %while3A_66 {offsets = [0, 32], sizes = [256, 32], strides = [1, 1]} : vector<256x128xf32> to vector<256x32xf32>
      %mul3A_209 = vector.broadcast %exp3A_186 : vector<256x1xf32> to vector<256x32xf32>
      %mul3A_210 = arith.mulf %slice3A_208, %mul3A_209 : vector<256x32xf32>
      %slice3A_211 = vector.extract_strided_slice %add3A_127 {offsets = [0, 32], sizes = [512, 32], strides = [1, 1]} : vector<512x128xf32> to vector<512x32xf32>
      %dot_general3A_212 = arith.constant dense<0.000000e+00> : vector<256x32xf32>
      %dot_general3A_213 = tpu.matmul %mul3A_201, %slice3A_211, %dot_general3A_212 {dimension_numbers = #tpu.dot_dimension_numbers<[1], [0], [0], [1], [0, 0, 1, 1], [], []>, transpose_lhs_hint = false} : vector<256x512xf32>, vector<512x32xf32>, vector<256x32xf32> -> vector<256x32xf32>
      %add3A_214 = arith.addf %mul3A_210, %dot_general3A_213 : vector<256x32xf32>
      %slice3A_215 = vector.extract_strided_slice %get3A_29 {offsets = [0, 64], sizes = [256, 32], strides = [1, 1]} : vector<256x128xf32> to vector<256x32xf32>
      %slice3A_216 = vector.extract_strided_slice %add3A_120 {offsets = [0, 64], sizes = [512, 32], strides = [1, 1]} : vector<512x128xf32> to vector<512x32xf32>
      %dot_general3A_217 = arith.constant dense<0.000000e+00> : vector<256x512xf32>
      %dot_general3A_218 = tpu.matmul %slice3A_215, %slice3A_216, %dot_general3A_217 {dimension_numbers = #tpu.dot_dimension_numbers<[1], [1], [0], [0], [0, 0, 1, 0], [], []>, transpose_lhs_hint = false} : vector<256x32xf32>, vector<512x32xf32>, vector<256x512xf32> -> vector<256x512xf32>
      %mul3A_219 = arith.constant 0.176776692 : f32
      %mul3A_220 = vector.broadcast %mul3A_219 : f32 to vector<256x512xf32>
      %mul3A_221 = arith.mulf %dot_general3A_218, %mul3A_220 : vector<256x512xf32>
      %jit3A_222 = arith.constant -1.000000e+30 : f32
      %broadcast_in_dim3A_223 = vector.broadcast %jit3A_222 : f32 to vector<256x512xf32>
      %select_n3A_224 = arith.select %and3A_112, %mul3A_221, %broadcast_in_dim3A_223 : vector<256x512xi1>, vector<256x512xf32>
      %slice3A_225 = vector.extract_strided_slice %while3A_64 {offsets = [0, 2], sizes = [256, 1], strides = [1, 1]} : vector<256x4xf32> to vector<256x1xf32>
      %reduce_max3A_226 = arith.constant dense<0xFF800000> : vector<256xf32>
      %reduce_max3A_227 = vector.multi_reduction <maximumf>, %select_n3A_224, %reduce_max3A_226 [1] : vector<256x512xf32> to vector<256xf32>
      %broadcast_in_dim3A_228 = vector.shape_cast %reduce_max3A_227 : vector<256xf32> to vector<256x1xf32>
      %max3A_229 = arith.maximumf %slice3A_225, %broadcast_in_dim3A_228 : vector<256x1xf32>
      %slice3A_230 = vector.extract_strided_slice %while3A_64 {offsets = [0, 2], sizes = [256, 1], strides = [1, 1]} : vector<256x4xf32> to vector<256x1xf32>
      %sub3A_231 = arith.subf %slice3A_230, %max3A_229 : vector<256x1xf32>
      %exp3A_232 = math.exp %sub3A_231 : vector<256x1xf32>
      %mul3A_233 = arith.mulf %convert_element_type3A_113, %mul3A_221 : vector<256x512xf32>
      %dot_general3A_234 = arith.constant dense<0.000000e+00> : vector<1x512xf32>
      %dot_general3A_235 = tpu.matmul %broadcast_in_dim3A_30, %mul3A_233, %dot_general3A_234 {dimension_numbers = #tpu.dot_dimension_numbers<[1], [0], [0], [1], [0, 0, 1, 1], [], []>, transpose_lhs_hint = false} : vector<1x256xf32>, vector<256x512xf32>, vector<1x512xf32> -> vector<1x512xf32>
      %mul3A_236 = vector.broadcast %max3A_229 : vector<256x1xf32> to vector<256x512xf32>
      %mul3A_237 = arith.mulf %convert_element_type3A_113, %mul3A_236 : vector<256x512xf32>
      %dot_general3A_238 = arith.constant dense<0.000000e+00> : vector<1x512xf32>
      %dot_general3A_239 = tpu.matmul %broadcast_in_dim3A_30, %mul3A_237, %dot_general3A_238 {dimension_numbers = #tpu.dot_dimension_numbers<[1], [0], [0], [1], [0, 0, 1, 1], [], []>, transpose_lhs_hint = false} : vector<1x256xf32>, vector<256x512xf32>, vector<1x512xf32> -> vector<1x512xf32>
      %sub3A_240 = arith.subf %dot_general3A_235, %dot_general3A_239 : vector<1x512xf32>
      %exp3A_241 = math.exp %sub3A_240 : vector<1x512xf32>
      %broadcast_in_dim3A_242 = vector.shape_cast %and3A_107 : vector<512xi1> to vector<1x512xi1>
      %convert_element_type3A_243 = arith.extui %broadcast_in_dim3A_242 : vector<1x512xi1> to vector<1x512xi32>
      %convert_element_type3A_244 = arith.sitofp %convert_element_type3A_243 : vector<1x512xi32> to vector<1x512xf32>
      %mul3A_245 = arith.mulf %exp3A_241, %convert_element_type3A_244 : vector<1x512xf32>
      %mul3A_246 = vector.broadcast %mul3A_245 : vector<1x512xf32> to vector<256x512xf32>
      %mul3A_247 = arith.mulf %convert_element_type3A_113, %mul3A_246 : vector<256x512xf32>
      %slice3A_248 = vector.extract_strided_slice %while3A_65 {offsets = [0, 2], sizes = [256, 1], strides = [1, 1]} : vector<256x4xf32> to vector<256x1xf32>
      %mul3A_249 = arith.mulf %slice3A_248, %exp3A_232 : vector<256x1xf32>
      %reduce_sum3A_250 = arith.constant dense<0.000000e+00> : vector<256xf32>
      %reduce_sum3A_251 = vector.multi_reduction <add>, %mul3A_247, %reduce_sum3A_250 [1] : vector<256x512xf32> to vector<256xf32>
      %broadcast_in_dim3A_252 = vector.shape_cast %reduce_sum3A_251 : vector<256xf32> to vector<256x1xf32>
      %add3A_253 = arith.addf %mul3A_249, %broadcast_in_dim3A_252 : vector<256x1xf32>
      %slice3A_254 = vector.extract_strided_slice %while3A_66 {offsets = [0, 64], sizes = [256, 32], strides = [1, 1]} : vector<256x128xf32> to vector<256x32xf32>
      %mul3A_255 = vector.broadcast %exp3A_232 : vector<256x1xf32> to vector<256x32xf32>
      %mul3A_256 = arith.mulf %slice3A_254, %mul3A_255 : vector<256x32xf32>
      %slice3A_257 = vector.extract_strided_slice %add3A_127 {offsets = [0, 64], sizes = [512, 32], strides = [1, 1]} : vector<512x128xf32> to vector<512x32xf32>
      %dot_general3A_258 = arith.constant dense<0.000000e+00> : vector<256x32xf32>
      %dot_general3A_259 = tpu.matmul %mul3A_247, %slice3A_257, %dot_general3A_258 {dimension_numbers = #tpu.dot_dimension_numbers<[1], [0], [0], [1], [0, 0, 1, 1], [], []>, transpose_lhs_hint = false} : vector<256x512xf32>, vector<512x32xf32>, vector<256x32xf32> -> vector<256x32xf32>
      %add3A_260 = arith.addf %mul3A_256, %dot_general3A_259 : vector<256x32xf32>
      %slice3A_261 = vector.extract_strided_slice %get3A_29 {offsets = [0, 96], sizes = [256, 32], strides = [1, 1]} : vector<256x128xf32> to vector<256x32xf32>
      %slice3A_262 = vector.extract_strided_slice %add3A_120 {offsets = [0, 96], sizes = [512, 32], strides = [1, 1]} : vector<512x128xf32> to vector<512x32xf32>
      %dot_general3A_263 = arith.constant dense<0.000000e+00> : vector<256x512xf32>
      %dot_general3A_264 = tpu.matmul %slice3A_261, %slice3A_262, %dot_general3A_263 {dimension_numbers = #tpu.dot_dimension_numbers<[1], [1], [0], [0], [0, 0, 1, 0], [], []>, transpose_lhs_hint = false} : vector<256x32xf32>, vector<512x32xf32>, vector<256x512xf32> -> vector<256x512xf32>
      %mul3A_265 = arith.constant 0.176776692 : f32
      %mul3A_266 = vector.broadcast %mul3A_265 : f32 to vector<256x512xf32>
      %mul3A_267 = arith.mulf %dot_general3A_264, %mul3A_266 : vector<256x512xf32>
      %jit3A_268 = arith.constant -1.000000e+30 : f32
      %broadcast_in_dim3A_269 = vector.broadcast %jit3A_268 : f32 to vector<256x512xf32>
      %select_n3A_270 = arith.select %and3A_112, %mul3A_267, %broadcast_in_dim3A_269 : vector<256x512xi1>, vector<256x512xf32>
      %slice3A_271 = vector.extract_strided_slice %while3A_64 {offsets = [0, 3], sizes = [256, 1], strides = [1, 1]} : vector<256x4xf32> to vector<256x1xf32>
      %reduce_max3A_272 = arith.constant dense<0xFF800000> : vector<256xf32>
      %reduce_max3A_273 = vector.multi_reduction <maximumf>, %select_n3A_270, %reduce_max3A_272 [1] : vector<256x512xf32> to vector<256xf32>
      %broadcast_in_dim3A_274 = vector.shape_cast %reduce_max3A_273 : vector<256xf32> to vector<256x1xf32>
      %max3A_275 = arith.maximumf %slice3A_271, %broadcast_in_dim3A_274 : vector<256x1xf32>
      %slice3A_276 = vector.extract_strided_slice %while3A_64 {offsets = [0, 3], sizes = [256, 1], strides = [1, 1]} : vector<256x4xf32> to vector<256x1xf32>
      %sub3A_277 = arith.subf %slice3A_276, %max3A_275 : vector<256x1xf32>
      %exp3A_278 = math.exp %sub3A_277 : vector<256x1xf32>
      %mul3A_279 = arith.mulf %convert_element_type3A_113, %mul3A_267 : vector<256x512xf32>
      %dot_general3A_280 = arith.constant dense<0.000000e+00> : vector<1x512xf32>
      %dot_general3A_281 = tpu.matmul %broadcast_in_dim3A_30, %mul3A_279, %dot_general3A_280 {dimension_numbers = #tpu.dot_dimension_numbers<[1], [0], [0], [1], [0, 0, 1, 1], [], []>, transpose_lhs_hint = false} : vector<1x256xf32>, vector<256x512xf32>, vector<1x512xf32> -> vector<1x512xf32>
      %mul3A_282 = vector.broadcast %max3A_275 : vector<256x1xf32> to vector<256x512xf32>
      %mul3A_283 = arith.mulf %convert_element_type3A_113, %mul3A_282 : vector<256x512xf32>
      %dot_general3A_284 = arith.constant dense<0.000000e+00> : vector<1x512xf32>
      %dot_general3A_285 = tpu.matmul %broadcast_in_dim3A_30, %mul3A_283, %dot_general3A_284 {dimension_numbers = #tpu.dot_dimension_numbers<[1], [0], [0], [1], [0, 0, 1, 1], [], []>, transpose_lhs_hint = false} : vector<1x256xf32>, vector<256x512xf32>, vector<1x512xf32> -> vector<1x512xf32>
      %sub3A_286 = arith.subf %dot_general3A_281, %dot_general3A_285 : vector<1x512xf32>
      %exp3A_287 = math.exp %sub3A_286 : vector<1x512xf32>
      %broadcast_in_dim3A_288 = vector.shape_cast %and3A_107 : vector<512xi1> to vector<1x512xi1>
      %convert_element_type3A_289 = arith.extui %broadcast_in_dim3A_288 : vector<1x512xi1> to vector<1x512xi32>
      %convert_element_type3A_290 = arith.sitofp %convert_element_type3A_289 : vector<1x512xi32> to vector<1x512xf32>
      %mul3A_291 = arith.mulf %exp3A_287, %convert_element_type3A_290 : vector<1x512xf32>
      %mul3A_292 = vector.broadcast %mul3A_291 : vector<1x512xf32> to vector<256x512xf32>
      %mul3A_293 = arith.mulf %convert_element_type3A_113, %mul3A_292 : vector<256x512xf32>
      %slice3A_294 = vector.extract_strided_slice %while3A_65 {offsets = [0, 3], sizes = [256, 1], strides = [1, 1]} : vector<256x4xf32> to vector<256x1xf32>
      %mul3A_295 = arith.mulf %slice3A_294, %exp3A_278 : vector<256x1xf32>
      %reduce_sum3A_296 = arith.constant dense<0.000000e+00> : vector<256xf32>
      %reduce_sum3A_297 = vector.multi_reduction <add>, %mul3A_293, %reduce_sum3A_296 [1] : vector<256x512xf32> to vector<256xf32>
      %broadcast_in_dim3A_298 = vector.shape_cast %reduce_sum3A_297 : vector<256xf32> to vector<256x1xf32>
      %add3A_299 = arith.addf %mul3A_295, %broadcast_in_dim3A_298 : vector<256x1xf32>
      %slice3A_300 = vector.extract_strided_slice %while3A_66 {offsets = [0, 96], sizes = [256, 32], strides = [1, 1]} : vector<256x128xf32> to vector<256x32xf32>
      %mul3A_301 = vector.broadcast %exp3A_278 : vector<256x1xf32> to vector<256x32xf32>
      %mul3A_302 = arith.mulf %slice3A_300, %mul3A_301 : vector<256x32xf32>
      %slice3A_303 = vector.extract_strided_slice %add3A_127 {offsets = [0, 96], sizes = [512, 32], strides = [1, 1]} : vector<512x128xf32> to vector<512x32xf32>
      %dot_general3A_304 = arith.constant dense<0.000000e+00> : vector<256x32xf32>
      %dot_general3A_305 = tpu.matmul %mul3A_293, %slice3A_303, %dot_general3A_304 {dimension_numbers = #tpu.dot_dimension_numbers<[1], [0], [0], [1], [0, 0, 1, 1], [], []>, transpose_lhs_hint = false} : vector<256x512xf32>, vector<512x32xf32>, vector<256x32xf32> -> vector<256x32xf32>
      %add3A_306 = arith.addf %mul3A_302, %dot_general3A_305 : vector<256x32xf32>
      %concatenate3A_307 = tpu.concatenate %max3A, %max3A_183, %max3A_229, %max3A_275 in 1 : vector<256x1xf32>, vector<256x1xf32>, vector<256x1xf32>, vector<256x1xf32> -> vector<256x4xf32>
      %concatenate3A_308 = tpu.concatenate %add3A_161, %add3A_207, %add3A_253, %add3A_299 in 1 : vector<256x1xf32>, vector<256x1xf32>, vector<256x1xf32>, vector<256x1xf32> -> vector<256x4xf32>
      %concatenate3A_309 = tpu.concatenate %add3A_168, %add3A_214, %add3A_260, %add3A_306 in 1 : vector<256x32xf32>, vector<256x32xf32>, vector<256x32xf32>, vector<256x32xf32> -> vector<256x128xf32>
      scf.yield %concatenate3A_307, %concatenate3A_308, %concatenate3A_309 : vector<256x4xf32>, vector<256x4xf32>, vector<256x128xf32>
    }
    %while3A_44 = arith.constant 1 : i32
    %while3A_45:3 = scf.for %while3A_63 = %while3A_41 to %while3A_37 step %while3A_44 iter_args(%while3A_64 = %while3A_43#0, %while3A_65 = %while3A_43#1, %while3A_66 = %while3A_43#2) -> (vector<256x4xf32>, vector<256x4xf32>, vector<256x128xf32>)  : i32 {
      %dma_start3A = arith.constant 0 : i32
      %dma_start3A_67 = arith.constant 0 : i32
      %dma_start3A_68 = tpu.memref_slice %arg3[%while3A_63, %dma_start3A, %dma_start3A_67] : memref<625x512x128xf32, #tpu.memory_space<hbm>> -> memref<1x512x128xf32, #tpu.memory_space<hbm>>
      %dma_start3A_69 = tpu.memref_squeeze %dma_start3A_68 : memref<1x512x128xf32, #tpu.memory_space<hbm>> -> memref<512x128xf32, #tpu.memory_space<hbm>>
      tpu.enqueue_dma source(%dma_start3A_69 : memref<512x128xf32, #tpu.memory_space<hbm>>) target(%arg8 : memref<512x128xf32, #tpu.memory_space<vmem>>) target_semaphore(%arg12 : memref<!tpu.dma_semaphore, #tpu.memory_space<semaphore_mem>>)
      %dma_wait3A = arith.constant 0 : i32
      %dma_wait3A_70 = arith.constant 0 : i32
      %dma_wait3A_71 = tpu.memref_slice %arg3[%while3A_63, %dma_wait3A, %dma_wait3A_70] : memref<625x512x128xf32, #tpu.memory_space<hbm>> -> memref<1x512x128xf32, #tpu.memory_space<hbm>>
      %dma_wait3A_72 = tpu.memref_squeeze %dma_wait3A_71 : memref<1x512x128xf32, #tpu.memory_space<hbm>> -> memref<512x128xf32, #tpu.memory_space<hbm>>
      tpu.wait_dma2 semaphore(%arg12 : memref<!tpu.dma_semaphore, #tpu.memory_space<semaphore_mem>>) src(%dma_wait3A_72 : memref<512x128xf32, #tpu.memory_space<hbm>>) dst(%arg8 : memref<512x128xf32, #tpu.memory_space<vmem>>)
      %dma_start3A_73 = arith.constant 0 : i32
      %dma_start3A_74 = arith.constant 0 : i32
      %dma_start3A_75 = tpu.memref_slice %arg4[%while3A_63, %dma_start3A_73, %dma_start3A_74] : memref<625x512x128xf32, #tpu.memory_space<hbm>> -> memref<1x512x128xf32, #tpu.memory_space<hbm>>
      %dma_start3A_76 = tpu.memref_squeeze %dma_start3A_75 : memref<1x512x128xf32, #tpu.memory_space<hbm>> -> memref<512x128xf32, #tpu.memory_space<hbm>>
      tpu.enqueue_dma source(%dma_start3A_76 : memref<512x128xf32, #tpu.memory_space<hbm>>) target(%arg9 : memref<512x128xf32, #tpu.memory_space<vmem>>) target_semaphore(%arg12 : memref<!tpu.dma_semaphore, #tpu.memory_space<semaphore_mem>>)
      %dma_wait3A_77 = arith.constant 0 : i32
      %dma_wait3A_78 = arith.constant 0 : i32
      %dma_wait3A_79 = tpu.memref_slice %arg4[%while3A_63, %dma_wait3A_77, %dma_wait3A_78] : memref<625x512x128xf32, #tpu.memory_space<hbm>> -> memref<1x512x128xf32, #tpu.memory_space<hbm>>
      %dma_wait3A_80 = tpu.memref_squeeze %dma_wait3A_79 : memref<1x512x128xf32, #tpu.memory_space<hbm>> -> memref<512x128xf32, #tpu.memory_space<hbm>>
      tpu.wait_dma2 semaphore(%arg12 : memref<!tpu.dma_semaphore, #tpu.memory_space<semaphore_mem>>) src(%dma_wait3A_80 : memref<512x128xf32, #tpu.memory_space<hbm>>) dst(%arg9 : memref<512x128xf32, #tpu.memory_space<vmem>>)
      %dma_start3A_81 = arith.constant 0 : i32
      %dma_start3A_82 = arith.constant 0 : i32
      %dma_start3A_83 = tpu.memref_slice %arg5[%while3A_63, %dma_start3A_81, %dma_start3A_82] : memref<625x512x128xf32, #tpu.memory_space<hbm>> -> memref<1x512x128xf32, #tpu.memory_space<hbm>>
      %dma_start3A_84 = tpu.memref_squeeze %dma_start3A_83 : memref<1x512x128xf32, #tpu.memory_space<hbm>> -> memref<512x128xf32, #tpu.memory_space<hbm>>
      tpu.enqueue_dma source(%dma_start3A_84 : memref<512x128xf32, #tpu.memory_space<hbm>>) target(%arg10 : memref<512x128xf32, #tpu.memory_space<vmem>>) target_semaphore(%arg12 : memref<!tpu.dma_semaphore, #tpu.memory_space<semaphore_mem>>)
      %dma_wait3A_85 = arith.constant 0 : i32
      %dma_wait3A_86 = arith.constant 0 : i32
      %dma_wait3A_87 = tpu.memref_slice %arg5[%while3A_63, %dma_wait3A_85, %dma_wait3A_86] : memref<625x512x128xf32, #tpu.memory_space<hbm>> -> memref<1x512x128xf32, #tpu.memory_space<hbm>>
      %dma_wait3A_88 = tpu.memref_squeeze %dma_wait3A_87 : memref<1x512x128xf32, #tpu.memory_space<hbm>> -> memref<512x128xf32, #tpu.memory_space<hbm>>
      tpu.wait_dma2 semaphore(%arg12 : memref<!tpu.dma_semaphore, #tpu.memory_space<semaphore_mem>>) src(%dma_wait3A_88 : memref<512x128xf32, #tpu.memory_space<hbm>>) dst(%arg10 : memref<512x128xf32, #tpu.memory_space<vmem>>)
      %dma_start3A_89 = arith.constant 0 : i32
      %dma_start3A_90 = arith.constant 0 : i32
      %dma_start3A_91 = tpu.memref_slice %arg6[%while3A_63, %dma_start3A_89, %dma_start3A_90] : memref<625x1x512xi32, #tpu.memory_space<hbm>> -> memref<1x1x512xi32, #tpu.memory_space<hbm>>
      %dma_start3A_92 = tpu.memref_squeeze %dma_start3A_91 : memref<1x1x512xi32, #tpu.memory_space<hbm>> -> memref<1x512xi32, #tpu.memory_space<hbm>>
      tpu.enqueue_dma source(%dma_start3A_92 : memref<1x512xi32, #tpu.memory_space<hbm>>) target(%arg11 : memref<1x512xi32, #tpu.memory_space<vmem>>) target_semaphore(%arg12 : memref<!tpu.dma_semaphore, #tpu.memory_space<semaphore_mem>>)
      %dma_wait3A_93 = arith.constant 0 : i32
      %dma_wait3A_94 = arith.constant 0 : i32
      %dma_wait3A_95 = tpu.memref_slice %arg6[%while3A_63, %dma_wait3A_93, %dma_wait3A_94] : memref<625x1x512xi32, #tpu.memory_space<hbm>> -> memref<1x1x512xi32, #tpu.memory_space<hbm>>
      %dma_wait3A_96 = tpu.memref_squeeze %dma_wait3A_95 : memref<1x1x512xi32, #tpu.memory_space<hbm>> -> memref<1x512xi32, #tpu.memory_space<hbm>>
      tpu.wait_dma2 semaphore(%arg12 : memref<!tpu.dma_semaphore, #tpu.memory_space<semaphore_mem>>) src(%dma_wait3A_96 : memref<1x512xi32, #tpu.memory_space<hbm>>) dst(%arg11 : memref<1x512xi32, #tpu.memory_space<vmem>>)
      %get3A_97 = arith.constant 0 : index
      %get3A_98 = arith.constant 0 : index
      %get3A_99 = vector.load %arg11[%get3A_97, %get3A_98] : memref<1x512xi32, #tpu.memory_space<vmem>>, vector<1x512xi32>
      %get3A_100 = vector.shape_cast %get3A_99 : vector<1x512xi32> to vector<512xi32>
      %sub3A_101 = vector.broadcast %mul3A_26 : i32 to vector<512xi32>
      %sub3A_102 = arith.subi %get3A_100, %sub3A_101 : vector<512xi32>
      %ge3A = arith.constant 0 : i32
      %ge3A_103 = vector.broadcast %ge3A : i32 to vector<512xi32>
      %ge3A_104 = arith.cmpi sge, %sub3A_102, %ge3A_103 : vector<512xi32>
      %lt3A = arith.constant 256 : i32
      %lt3A_105 = vector.broadcast %lt3A : i32 to vector<512xi32>
      %lt3A_106 = arith.cmpi slt, %sub3A_102, %lt3A_105 : vector<512xi32>
      %and3A_107 = arith.andi %ge3A_104, %lt3A_106 : vector<512xi1>
      %iota3A = tpu.iota {dimensions = array<i32: 0>} : vector<256x512xi32>
      %broadcast_in_dim3A_108 = vector.shape_cast %sub3A_102 : vector<512xi32> to vector<1x512xi32>
      %eq3A = vector.broadcast %broadcast_in_dim3A_108 : vector<1x512xi32> to vector<256x512xi32>
      %eq3A_109 = arith.cmpi eq, %iota3A, %eq3A : vector<256x512xi32>
      %broadcast_in_dim3A_110 = vector.shape_cast %and3A_107 : vector<512xi1> to vector<1x512xi1>
      %and3A_111 = vector.broadcast %broadcast_in_dim3A_110 : vector<1x512xi1> to vector<256x512xi1>
      %and3A_112 = arith.andi %eq3A_109, %and3A_111 : vector<256x512xi1>
      %convert_element_type3A = arith.extui %and3A_112 : vector<256x512xi1> to vector<256x512xi32>
      %convert_element_type3A_113 = arith.sitofp %convert_element_type3A : vector<256x512xi32> to vector<256x512xf32>
      %get3A_114 = arith.constant 0 : index
      %get3A_115 = arith.constant 0 : index
      %get3A_116 = vector.load %arg8[%get3A_114, %get3A_115] : memref<512x128xf32, #tpu.memory_space<vmem>>, vector<512x128xf32>
      %get3A_117 = arith.constant 0 : index
      %get3A_118 = arith.constant 0 : index
      %get3A_119 = vector.load %arg10[%get3A_117, %get3A_118] : memref<512x128xf32, #tpu.memory_space<vmem>>, vector<512x128xf32>
      %add3A_120 = arith.addf %get3A_116, %get3A_119 : vector<512x128xf32>
      %get3A_121 = arith.constant 0 : index
      %get3A_122 = arith.constant 0 : index
      %get3A_123 = vector.load %arg9[%get3A_121, %get3A_122] : memref<512x128xf32, #tpu.memory_space<vmem>>, vector<512x128xf32>
      %get3A_124 = arith.constant 0 : index
      %get3A_125 = arith.constant 0 : index
      %get3A_126 = vector.load %arg10[%get3A_124, %get3A_125] : memref<512x128xf32, #tpu.memory_space<vmem>>, vector<512x128xf32>
      %add3A_127 = arith.addf %get3A_123, %get3A_126 : vector<512x128xf32>
      %slice3A_128 = vector.extract_strided_slice %get3A_29 {offsets = [0, 0], sizes = [256, 32], strides = [1, 1]} : vector<256x128xf32> to vector<256x32xf32>
      %slice3A_129 = vector.extract_strided_slice %add3A_120 {offsets = [0, 0], sizes = [512, 32], strides = [1, 1]} : vector<512x128xf32> to vector<512x32xf32>
      %dot_general3A = arith.constant dense<0.000000e+00> : vector<256x512xf32>
      %dot_general3A_130 = tpu.matmul %slice3A_128, %slice3A_129, %dot_general3A {dimension_numbers = #tpu.dot_dimension_numbers<[1], [1], [0], [0], [0, 0, 1, 0], [], []>, transpose_lhs_hint = false} : vector<256x32xf32>, vector<512x32xf32>, vector<256x512xf32> -> vector<256x512xf32>
      %mul3A_131 = arith.constant 0.176776692 : f32
      %mul3A_132 = vector.broadcast %mul3A_131 : f32 to vector<256x512xf32>
      %mul3A_133 = arith.mulf %dot_general3A_130, %mul3A_132 : vector<256x512xf32>
      %jit3A_134 = arith.constant -1.000000e+30 : f32
      %broadcast_in_dim3A_135 = vector.broadcast %jit3A_134 : f32 to vector<256x512xf32>
      %select_n3A_136 = arith.select %and3A_112, %mul3A_133, %broadcast_in_dim3A_135 : vector<256x512xi1>, vector<256x512xf32>
      %slice3A_137 = vector.extract_strided_slice %while3A_64 {offsets = [0, 0], sizes = [256, 1], strides = [1, 1]} : vector<256x4xf32> to vector<256x1xf32>
      %reduce_max3A = arith.constant dense<0xFF800000> : vector<256xf32>
      %reduce_max3A_138 = vector.multi_reduction <maximumf>, %select_n3A_136, %reduce_max3A [1] : vector<256x512xf32> to vector<256xf32>
      %broadcast_in_dim3A_139 = vector.shape_cast %reduce_max3A_138 : vector<256xf32> to vector<256x1xf32>
      %max3A = arith.maximumf %slice3A_137, %broadcast_in_dim3A_139 : vector<256x1xf32>
      %slice3A_140 = vector.extract_strided_slice %while3A_64 {offsets = [0, 0], sizes = [256, 1], strides = [1, 1]} : vector<256x4xf32> to vector<256x1xf32>
      %sub3A_141 = arith.subf %slice3A_140, %max3A : vector<256x1xf32>
      %exp3A = math.exp %sub3A_141 : vector<256x1xf32>
      %mul3A_142 = arith.mulf %convert_element_type3A_113, %mul3A_133 : vector<256x512xf32>
      %dot_general3A_143 = arith.constant dense<0.000000e+00> : vector<1x512xf32>
      %dot_general3A_144 = tpu.matmul %broadcast_in_dim3A_30, %mul3A_142, %dot_general3A_143 {dimension_numbers = #tpu.dot_dimension_numbers<[1], [0], [0], [1], [0, 0, 1, 1], [], []>, transpose_lhs_hint = false} : vector<1x256xf32>, vector<256x512xf32>, vector<1x512xf32> -> vector<1x512xf32>
      %mul3A_145 = vector.broadcast %max3A : vector<256x1xf32> to vector<256x512xf32>
      %mul3A_146 = arith.mulf %convert_element_type3A_113, %mul3A_145 : vector<256x512xf32>
      %dot_general3A_147 = arith.constant dense<0.000000e+00> : vector<1x512xf32>
      %dot_general3A_148 = tpu.matmul %broadcast_in_dim3A_30, %mul3A_146, %dot_general3A_147 {dimension_numbers = #tpu.dot_dimension_numbers<[1], [0], [0], [1], [0, 0, 1, 1], [], []>, transpose_lhs_hint = false} : vector<1x256xf32>, vector<256x512xf32>, vector<1x512xf32> -> vector<1x512xf32>
      %sub3A_149 = arith.subf %dot_general3A_144, %dot_general3A_148 : vector<1x512xf32>
      %exp3A_150 = math.exp %sub3A_149 : vector<1x512xf32>
      %broadcast_in_dim3A_151 = vector.shape_cast %and3A_107 : vector<512xi1> to vector<1x512xi1>
      %convert_element_type3A_152 = arith.extui %broadcast_in_dim3A_151 : vector<1x512xi1> to vector<1x512xi32>
      %convert_element_type3A_153 = arith.sitofp %convert_element_type3A_152 : vector<1x512xi32> to vector<1x512xf32>
      %mul3A_154 = arith.mulf %exp3A_150, %convert_element_type3A_153 : vector<1x512xf32>
      %mul3A_155 = vector.broadcast %mul3A_154 : vector<1x512xf32> to vector<256x512xf32>
      %mul3A_156 = arith.mulf %convert_element_type3A_113, %mul3A_155 : vector<256x512xf32>
      %slice3A_157 = vector.extract_strided_slice %while3A_65 {offsets = [0, 0], sizes = [256, 1], strides = [1, 1]} : vector<256x4xf32> to vector<256x1xf32>
      %mul3A_158 = arith.mulf %slice3A_157, %exp3A : vector<256x1xf32>
      %reduce_sum3A = arith.constant dense<0.000000e+00> : vector<256xf32>
      %reduce_sum3A_159 = vector.multi_reduction <add>, %mul3A_156, %reduce_sum3A [1] : vector<256x512xf32> to vector<256xf32>
      %broadcast_in_dim3A_160 = vector.shape_cast %reduce_sum3A_159 : vector<256xf32> to vector<256x1xf32>
      %add3A_161 = arith.addf %mul3A_158, %broadcast_in_dim3A_160 : vector<256x1xf32>
      %slice3A_162 = vector.extract_strided_slice %while3A_66 {offsets = [0, 0], sizes = [256, 32], strides = [1, 1]} : vector<256x128xf32> to vector<256x32xf32>
      %mul3A_163 = vector.broadcast %exp3A : vector<256x1xf32> to vector<256x32xf32>
      %mul3A_164 = arith.mulf %slice3A_162, %mul3A_163 : vector<256x32xf32>
      %slice3A_165 = vector.extract_strided_slice %add3A_127 {offsets = [0, 0], sizes = [512, 32], strides = [1, 1]} : vector<512x128xf32> to vector<512x32xf32>
      %dot_general3A_166 = arith.constant dense<0.000000e+00> : vector<256x32xf32>
      %dot_general3A_167 = tpu.matmul %mul3A_156, %slice3A_165, %dot_general3A_166 {dimension_numbers = #tpu.dot_dimension_numbers<[1], [0], [0], [1], [0, 0, 1, 1], [], []>, transpose_lhs_hint = false} : vector<256x512xf32>, vector<512x32xf32>, vector<256x32xf32> -> vector<256x32xf32>
      %add3A_168 = arith.addf %mul3A_164, %dot_general3A_167 : vector<256x32xf32>
      %slice3A_169 = vector.extract_strided_slice %get3A_29 {offsets = [0, 32], sizes = [256, 32], strides = [1, 1]} : vector<256x128xf32> to vector<256x32xf32>
      %slice3A_170 = vector.extract_strided_slice %add3A_120 {offsets = [0, 32], sizes = [512, 32], strides = [1, 1]} : vector<512x128xf32> to vector<512x32xf32>
      %dot_general3A_171 = arith.constant dense<0.000000e+00> : vector<256x512xf32>
      %dot_general3A_172 = tpu.matmul %slice3A_169, %slice3A_170, %dot_general3A_171 {dimension_numbers = #tpu.dot_dimension_numbers<[1], [1], [0], [0], [0, 0, 1, 0], [], []>, transpose_lhs_hint = false} : vector<256x32xf32>, vector<512x32xf32>, vector<256x512xf32> -> vector<256x512xf32>
      %mul3A_173 = arith.constant 0.176776692 : f32
      %mul3A_174 = vector.broadcast %mul3A_173 : f32 to vector<256x512xf32>
      %mul3A_175 = arith.mulf %dot_general3A_172, %mul3A_174 : vector<256x512xf32>
      %jit3A_176 = arith.constant -1.000000e+30 : f32
      %broadcast_in_dim3A_177 = vector.broadcast %jit3A_176 : f32 to vector<256x512xf32>
      %select_n3A_178 = arith.select %and3A_112, %mul3A_175, %broadcast_in_dim3A_177 : vector<256x512xi1>, vector<256x512xf32>
      %slice3A_179 = vector.extract_strided_slice %while3A_64 {offsets = [0, 1], sizes = [256, 1], strides = [1, 1]} : vector<256x4xf32> to vector<256x1xf32>
      %reduce_max3A_180 = arith.constant dense<0xFF800000> : vector<256xf32>
      %reduce_max3A_181 = vector.multi_reduction <maximumf>, %select_n3A_178, %reduce_max3A_180 [1] : vector<256x512xf32> to vector<256xf32>
      %broadcast_in_dim3A_182 = vector.shape_cast %reduce_max3A_181 : vector<256xf32> to vector<256x1xf32>
      %max3A_183 = arith.maximumf %slice3A_179, %broadcast_in_dim3A_182 : vector<256x1xf32>
      %slice3A_184 = vector.extract_strided_slice %while3A_64 {offsets = [0, 1], sizes = [256, 1], strides = [1, 1]} : vector<256x4xf32> to vector<256x1xf32>
      %sub3A_185 = arith.subf %slice3A_184, %max3A_183 : vector<256x1xf32>
      %exp3A_186 = math.exp %sub3A_185 : vector<256x1xf32>
      %mul3A_187 = arith.mulf %convert_element_type3A_113, %mul3A_175 : vector<256x512xf32>
      %dot_general3A_188 = arith.constant dense<0.000000e+00> : vector<1x512xf32>
      %dot_general3A_189 = tpu.matmul %broadcast_in_dim3A_30, %mul3A_187, %dot_general3A_188 {dimension_numbers = #tpu.dot_dimension_numbers<[1], [0], [0], [1], [0, 0, 1, 1], [], []>, transpose_lhs_hint = false} : vector<1x256xf32>, vector<256x512xf32>, vector<1x512xf32> -> vector<1x512xf32>
      %mul3A_190 = vector.broadcast %max3A_183 : vector<256x1xf32> to vector<256x512xf32>
      %mul3A_191 = arith.mulf %convert_element_type3A_113, %mul3A_190 : vector<256x512xf32>
      %dot_general3A_192 = arith.constant dense<0.000000e+00> : vector<1x512xf32>
      %dot_general3A_193 = tpu.matmul %broadcast_in_dim3A_30, %mul3A_191, %dot_general3A_192 {dimension_numbers = #tpu.dot_dimension_numbers<[1], [0], [0], [1], [0, 0, 1, 1], [], []>, transpose_lhs_hint = false} : vector<1x256xf32>, vector<256x512xf32>, vector<1x512xf32> -> vector<1x512xf32>
      %sub3A_194 = arith.subf %dot_general3A_189, %dot_general3A_193 : vector<1x512xf32>
      %exp3A_195 = math.exp %sub3A_194 : vector<1x512xf32>
      %broadcast_in_dim3A_196 = vector.shape_cast %and3A_107 : vector<512xi1> to vector<1x512xi1>
      %convert_element_type3A_197 = arith.extui %broadcast_in_dim3A_196 : vector<1x512xi1> to vector<1x512xi32>
      %convert_element_type3A_198 = arith.sitofp %convert_element_type3A_197 : vector<1x512xi32> to vector<1x512xf32>
      %mul3A_199 = arith.mulf %exp3A_195, %convert_element_type3A_198 : vector<1x512xf32>
      %mul3A_200 = vector.broadcast %mul3A_199 : vector<1x512xf32> to vector<256x512xf32>
      %mul3A_201 = arith.mulf %convert_element_type3A_113, %mul3A_200 : vector<256x512xf32>
      %slice3A_202 = vector.extract_strided_slice %while3A_65 {offsets = [0, 1], sizes = [256, 1], strides = [1, 1]} : vector<256x4xf32> to vector<256x1xf32>
      %mul3A_203 = arith.mulf %slice3A_202, %exp3A_186 : vector<256x1xf32>
      %reduce_sum3A_204 = arith.constant dense<0.000000e+00> : vector<256xf32>
      %reduce_sum3A_205 = vector.multi_reduction <add>, %mul3A_201, %reduce_sum3A_204 [1] : vector<256x512xf32> to vector<256xf32>
      %broadcast_in_dim3A_206 = vector.shape_cast %reduce_sum3A_205 : vector<256xf32> to vector<256x1xf32>
      %add3A_207 = arith.addf %mul3A_203, %broadcast_in_dim3A_206 : vector<256x1xf32>
      %slice3A_208 = vector.extract_strided_slice %while3A_66 {offsets = [0, 32], sizes = [256, 32], strides = [1, 1]} : vector<256x128xf32> to vector<256x32xf32>
      %mul3A_209 = vector.broadcast %exp3A_186 : vector<256x1xf32> to vector<256x32xf32>
      %mul3A_210 = arith.mulf %slice3A_208, %mul3A_209 : vector<256x32xf32>
      %slice3A_211 = vector.extract_strided_slice %add3A_127 {offsets = [0, 32], sizes = [512, 32], strides = [1, 1]} : vector<512x128xf32> to vector<512x32xf32>
      %dot_general3A_212 = arith.constant dense<0.000000e+00> : vector<256x32xf32>
      %dot_general3A_213 = tpu.matmul %mul3A_201, %slice3A_211, %dot_general3A_212 {dimension_numbers = #tpu.dot_dimension_numbers<[1], [0], [0], [1], [0, 0, 1, 1], [], []>, transpose_lhs_hint = false} : vector<256x512xf32>, vector<512x32xf32>, vector<256x32xf32> -> vector<256x32xf32>
      %add3A_214 = arith.addf %mul3A_210, %dot_general3A_213 : vector<256x32xf32>
      %slice3A_215 = vector.extract_strided_slice %get3A_29 {offsets = [0, 64], sizes = [256, 32], strides = [1, 1]} : vector<256x128xf32> to vector<256x32xf32>
      %slice3A_216 = vector.extract_strided_slice %add3A_120 {offsets = [0, 64], sizes = [512, 32], strides = [1, 1]} : vector<512x128xf32> to vector<512x32xf32>
      %dot_general3A_217 = arith.constant dense<0.000000e+00> : vector<256x512xf32>
      %dot_general3A_218 = tpu.matmul %slice3A_215, %slice3A_216, %dot_general3A_217 {dimension_numbers = #tpu.dot_dimension_numbers<[1], [1], [0], [0], [0, 0, 1, 0], [], []>, transpose_lhs_hint = false} : vector<256x32xf32>, vector<512x32xf32>, vector<256x512xf32> -> vector<256x512xf32>
      %mul3A_219 = arith.constant 0.176776692 : f32
      %mul3A_220 = vector.broadcast %mul3A_219 : f32 to vector<256x512xf32>
      %mul3A_221 = arith.mulf %dot_general3A_218, %mul3A_220 : vector<256x512xf32>
      %jit3A_222 = arith.constant -1.000000e+30 : f32
      %broadcast_in_dim3A_223 = vector.broadcast %jit3A_222 : f32 to vector<256x512xf32>
      %select_n3A_224 = arith.select %and3A_112, %mul3A_221, %broadcast_in_dim3A_223 : vector<256x512xi1>, vector<256x512xf32>
      %slice3A_225 = vector.extract_strided_slice %while3A_64 {offsets = [0, 2], sizes = [256, 1], strides = [1, 1]} : vector<256x4xf32> to vector<256x1xf32>
      %reduce_max3A_226 = arith.constant dense<0xFF800000> : vector<256xf32>
      %reduce_max3A_227 = vector.multi_reduction <maximumf>, %select_n3A_224, %reduce_max3A_226 [1] : vector<256x512xf32> to vector<256xf32>
      %broadcast_in_dim3A_228 = vector.shape_cast %reduce_max3A_227 : vector<256xf32> to vector<256x1xf32>
      %max3A_229 = arith.maximumf %slice3A_225, %broadcast_in_dim3A_228 : vector<256x1xf32>
      %slice3A_230 = vector.extract_strided_slice %while3A_64 {offsets = [0, 2], sizes = [256, 1], strides = [1, 1]} : vector<256x4xf32> to vector<256x1xf32>
      %sub3A_231 = arith.subf %slice3A_230, %max3A_229 : vector<256x1xf32>
      %exp3A_232 = math.exp %sub3A_231 : vector<256x1xf32>
      %mul3A_233 = arith.mulf %convert_element_type3A_113, %mul3A_221 : vector<256x512xf32>
      %dot_general3A_234 = arith.constant dense<0.000000e+00> : vector<1x512xf32>
      %dot_general3A_235 = tpu.matmul %broadcast_in_dim3A_30, %mul3A_233, %dot_general3A_234 {dimension_numbers = #tpu.dot_dimension_numbers<[1], [0], [0], [1], [0, 0, 1, 1], [], []>, transpose_lhs_hint = false} : vector<1x256xf32>, vector<256x512xf32>, vector<1x512xf32> -> vector<1x512xf32>
      %mul3A_236 = vector.broadcast %max3A_229 : vector<256x1xf32> to vector<256x512xf32>
      %mul3A_237 = arith.mulf %convert_element_type3A_113, %mul3A_236 : vector<256x512xf32>
      %dot_general3A_238 = arith.constant dense<0.000000e+00> : vector<1x512xf32>
      %dot_general3A_239 = tpu.matmul %broadcast_in_dim3A_30, %mul3A_237, %dot_general3A_238 {dimension_numbers = #tpu.dot_dimension_numbers<[1], [0], [0], [1], [0, 0, 1, 1], [], []>, transpose_lhs_hint = false} : vector<1x256xf32>, vector<256x512xf32>, vector<1x512xf32> -> vector<1x512xf32>
      %sub3A_240 = arith.subf %dot_general3A_235, %dot_general3A_239 : vector<1x512xf32>
      %exp3A_241 = math.exp %sub3A_240 : vector<1x512xf32>
      %broadcast_in_dim3A_242 = vector.shape_cast %and3A_107 : vector<512xi1> to vector<1x512xi1>
      %convert_element_type3A_243 = arith.extui %broadcast_in_dim3A_242 : vector<1x512xi1> to vector<1x512xi32>
      %convert_element_type3A_244 = arith.sitofp %convert_element_type3A_243 : vector<1x512xi32> to vector<1x512xf32>
      %mul3A_245 = arith.mulf %exp3A_241, %convert_element_type3A_244 : vector<1x512xf32>
      %mul3A_246 = vector.broadcast %mul3A_245 : vector<1x512xf32> to vector<256x512xf32>
      %mul3A_247 = arith.mulf %convert_element_type3A_113, %mul3A_246 : vector<256x512xf32>
      %slice3A_248 = vector.extract_strided_slice %while3A_65 {offsets = [0, 2], sizes = [256, 1], strides = [1, 1]} : vector<256x4xf32> to vector<256x1xf32>
      %mul3A_249 = arith.mulf %slice3A_248, %exp3A_232 : vector<256x1xf32>
      %reduce_sum3A_250 = arith.constant dense<0.000000e+00> : vector<256xf32>
      %reduce_sum3A_251 = vector.multi_reduction <add>, %mul3A_247, %reduce_sum3A_250 [1] : vector<256x512xf32> to vector<256xf32>
      %broadcast_in_dim3A_252 = vector.shape_cast %reduce_sum3A_251 : vector<256xf32> to vector<256x1xf32>
      %add3A_253 = arith.addf %mul3A_249, %broadcast_in_dim3A_252 : vector<256x1xf32>
      %slice3A_254 = vector.extract_strided_slice %while3A_66 {offsets = [0, 64], sizes = [256, 32], strides = [1, 1]} : vector<256x128xf32> to vector<256x32xf32>
      %mul3A_255 = vector.broadcast %exp3A_232 : vector<256x1xf32> to vector<256x32xf32>
      %mul3A_256 = arith.mulf %slice3A_254, %mul3A_255 : vector<256x32xf32>
      %slice3A_257 = vector.extract_strided_slice %add3A_127 {offsets = [0, 64], sizes = [512, 32], strides = [1, 1]} : vector<512x128xf32> to vector<512x32xf32>
      %dot_general3A_258 = arith.constant dense<0.000000e+00> : vector<256x32xf32>
      %dot_general3A_259 = tpu.matmul %mul3A_247, %slice3A_257, %dot_general3A_258 {dimension_numbers = #tpu.dot_dimension_numbers<[1], [0], [0], [1], [0, 0, 1, 1], [], []>, transpose_lhs_hint = false} : vector<256x512xf32>, vector<512x32xf32>, vector<256x32xf32> -> vector<256x32xf32>
      %add3A_260 = arith.addf %mul3A_256, %dot_general3A_259 : vector<256x32xf32>
      %slice3A_261 = vector.extract_strided_slice %get3A_29 {offsets = [0, 96], sizes = [256, 32], strides = [1, 1]} : vector<256x128xf32> to vector<256x32xf32>
      %slice3A_262 = vector.extract_strided_slice %add3A_120 {offsets = [0, 96], sizes = [512, 32], strides = [1, 1]} : vector<512x128xf32> to vector<512x32xf32>
      %dot_general3A_263 = arith.constant dense<0.000000e+00> : vector<256x512xf32>
      %dot_general3A_264 = tpu.matmul %slice3A_261, %slice3A_262, %dot_general3A_263 {dimension_numbers = #tpu.dot_dimension_numbers<[1], [1], [0], [0], [0, 0, 1, 0], [], []>, transpose_lhs_hint = false} : vector<256x32xf32>, vector<512x32xf32>, vector<256x512xf32> -> vector<256x512xf32>
      %mul3A_265 = arith.constant 0.176776692 : f32
      %mul3A_266 = vector.broadcast %mul3A_265 : f32 to vector<256x512xf32>
      %mul3A_267 = arith.mulf %dot_general3A_264, %mul3A_266 : vector<256x512xf32>
      %jit3A_268 = arith.constant -1.000000e+30 : f32
      %broadcast_in_dim3A_269 = vector.broadcast %jit3A_268 : f32 to vector<256x512xf32>
      %select_n3A_270 = arith.select %and3A_112, %mul3A_267, %broadcast_in_dim3A_269 : vector<256x512xi1>, vector<256x512xf32>
      %slice3A_271 = vector.extract_strided_slice %while3A_64 {offsets = [0, 3], sizes = [256, 1], strides = [1, 1]} : vector<256x4xf32> to vector<256x1xf32>
      %reduce_max3A_272 = arith.constant dense<0xFF800000> : vector<256xf32>
      %reduce_max3A_273 = vector.multi_reduction <maximumf>, %select_n3A_270, %reduce_max3A_272 [1] : vector<256x512xf32> to vector<256xf32>
      %broadcast_in_dim3A_274 = vector.shape_cast %reduce_max3A_273 : vector<256xf32> to vector<256x1xf32>
      %max3A_275 = arith.maximumf %slice3A_271, %broadcast_in_dim3A_274 : vector<256x1xf32>
      %slice3A_276 = vector.extract_strided_slice %while3A_64 {offsets = [0, 3], sizes = [256, 1], strides = [1, 1]} : vector<256x4xf32> to vector<256x1xf32>
      %sub3A_277 = arith.subf %slice3A_276, %max3A_275 : vector<256x1xf32>
      %exp3A_278 = math.exp %sub3A_277 : vector<256x1xf32>
      %mul3A_279 = arith.mulf %convert_element_type3A_113, %mul3A_267 : vector<256x512xf32>
      %dot_general3A_280 = arith.constant dense<0.000000e+00> : vector<1x512xf32>
      %dot_general3A_281 = tpu.matmul %broadcast_in_dim3A_30, %mul3A_279, %dot_general3A_280 {dimension_numbers = #tpu.dot_dimension_numbers<[1], [0], [0], [1], [0, 0, 1, 1], [], []>, transpose_lhs_hint = false} : vector<1x256xf32>, vector<256x512xf32>, vector<1x512xf32> -> vector<1x512xf32>
      %mul3A_282 = vector.broadcast %max3A_275 : vector<256x1xf32> to vector<256x512xf32>
      %mul3A_283 = arith.mulf %convert_element_type3A_113, %mul3A_282 : vector<256x512xf32>
      %dot_general3A_284 = arith.constant dense<0.000000e+00> : vector<1x512xf32>
      %dot_general3A_285 = tpu.matmul %broadcast_in_dim3A_30, %mul3A_283, %dot_general3A_284 {dimension_numbers = #tpu.dot_dimension_numbers<[1], [0], [0], [1], [0, 0, 1, 1], [], []>, transpose_lhs_hint = false} : vector<1x256xf32>, vector<256x512xf32>, vector<1x512xf32> -> vector<1x512xf32>
      %sub3A_286 = arith.subf %dot_general3A_281, %dot_general3A_285 : vector<1x512xf32>
      %exp3A_287 = math.exp %sub3A_286 : vector<1x512xf32>
      %broadcast_in_dim3A_288 = vector.shape_cast %and3A_107 : vector<512xi1> to vector<1x512xi1>
      %convert_element_type3A_289 = arith.extui %broadcast_in_dim3A_288 : vector<1x512xi1> to vector<1x512xi32>
      %convert_element_type3A_290 = arith.sitofp %convert_element_type3A_289 : vector<1x512xi32> to vector<1x512xf32>
      %mul3A_291 = arith.mulf %exp3A_287, %convert_element_type3A_290 : vector<1x512xf32>
      %mul3A_292 = vector.broadcast %mul3A_291 : vector<1x512xf32> to vector<256x512xf32>
      %mul3A_293 = arith.mulf %convert_element_type3A_113, %mul3A_292 : vector<256x512xf32>
      %slice3A_294 = vector.extract_strided_slice %while3A_65 {offsets = [0, 3], sizes = [256, 1], strides = [1, 1]} : vector<256x4xf32> to vector<256x1xf32>
      %mul3A_295 = arith.mulf %slice3A_294, %exp3A_278 : vector<256x1xf32>
      %reduce_sum3A_296 = arith.constant dense<0.000000e+00> : vector<256xf32>
      %reduce_sum3A_297 = vector.multi_reduction <add>, %mul3A_293, %reduce_sum3A_296 [1] : vector<256x512xf32> to vector<256xf32>
      %broadcast_in_dim3A_298 = vector.shape_cast %reduce_sum3A_297 : vector<256xf32> to vector<256x1xf32>
      %add3A_299 = arith.addf %mul3A_295, %broadcast_in_dim3A_298 : vector<256x1xf32>
      %slice3A_300 = vector.extract_strided_slice %while3A_66 {offsets = [0, 96], sizes = [256, 32], strides = [1, 1]} : vector<256x128xf32> to vector<256x32xf32>
      %mul3A_301 = vector.broadcast %exp3A_278 : vector<256x1xf32> to vector<256x32xf32>
      %mul3A_302 = arith.mulf %slice3A_300, %mul3A_301 : vector<256x32xf32>
      %slice3A_303 = vector.extract_strided_slice %add3A_127 {offsets = [0, 96], sizes = [512, 32], strides = [1, 1]} : vector<512x128xf32> to vector<512x32xf32>
      %dot_general3A_304 = arith.constant dense<0.000000e+00> : vector<256x32xf32>
      %dot_general3A_305 = tpu.matmul %mul3A_293, %slice3A_303, %dot_general3A_304 {dimension_numbers = #tpu.dot_dimension_numbers<[1], [0], [0], [1], [0, 0, 1, 1], [], []>, transpose_lhs_hint = false} : vector<256x512xf32>, vector<512x32xf32>, vector<256x32xf32> -> vector<256x32xf32>
      %add3A_306 = arith.addf %mul3A_302, %dot_general3A_305 : vector<256x32xf32>
      %concatenate3A_307 = tpu.concatenate %max3A, %max3A_183, %max3A_229, %max3A_275 in 1 : vector<256x1xf32>, vector<256x1xf32>, vector<256x1xf32>, vector<256x1xf32> -> vector<256x4xf32>
      %concatenate3A_308 = tpu.concatenate %add3A_161, %add3A_207, %add3A_253, %add3A_299 in 1 : vector<256x1xf32>, vector<256x1xf32>, vector<256x1xf32>, vector<256x1xf32> -> vector<256x4xf32>
      %concatenate3A_309 = tpu.concatenate %add3A_168, %add3A_214, %add3A_260, %add3A_306 in 1 : vector<256x32xf32>, vector<256x32xf32>, vector<256x32xf32>, vector<256x32xf32> -> vector<256x128xf32>
      scf.yield %concatenate3A_307, %concatenate3A_308, %concatenate3A_309 : vector<256x4xf32>, vector<256x4xf32>, vector<256x128xf32>
    }
    %slice3A = vector.extract_strided_slice %while3A_45#1 {offsets = [0, 0], sizes = [256, 1], strides = [1, 1]} : vector<256x4xf32> to vector<256x1xf32>
    %broadcast_in_dim3A_46 = vector.shape_cast %slice3A : vector<256x1xf32> to vector<256x1xf32>
    %broadcast_in_dim3A_47 = vector.broadcast %broadcast_in_dim3A_46 : vector<256x1xf32> to vector<256x32xf32>
    %slice3A_48 = vector.extract_strided_slice %while3A_45#1 {offsets = [0, 1], sizes = [256, 1], strides = [1, 1]} : vector<256x4xf32> to vector<256x1xf32>
    %broadcast_in_dim3A_49 = vector.shape_cast %slice3A_48 : vector<256x1xf32> to vector<256x1xf32>
    %broadcast_in_dim3A_50 = vector.broadcast %broadcast_in_dim3A_49 : vector<256x1xf32> to vector<256x32xf32>
    %slice3A_51 = vector.extract_strided_slice %while3A_45#1 {offsets = [0, 2], sizes = [256, 1], strides = [1, 1]} : vector<256x4xf32> to vector<256x1xf32>
    %broadcast_in_dim3A_52 = vector.shape_cast %slice3A_51 : vector<256x1xf32> to vector<256x1xf32>
    %broadcast_in_dim3A_53 = vector.broadcast %broadcast_in_dim3A_52 : vector<256x1xf32> to vector<256x32xf32>
    %slice3A_54 = vector.extract_strided_slice %while3A_45#1 {offsets = [0, 3], sizes = [256, 1], strides = [1, 1]} : vector<256x4xf32> to vector<256x1xf32>
    %broadcast_in_dim3A_55 = vector.shape_cast %slice3A_54 : vector<256x1xf32> to vector<256x1xf32>
    %broadcast_in_dim3A_56 = vector.broadcast %broadcast_in_dim3A_55 : vector<256x1xf32> to vector<256x32xf32>
    %concatenate3A = tpu.concatenate %broadcast_in_dim3A_47, %broadcast_in_dim3A_50, %broadcast_in_dim3A_53, %broadcast_in_dim3A_56 in 1 : vector<256x32xf32>, vector<256x32xf32>, vector<256x32xf32>, vector<256x32xf32> -> vector<256x128xf32>
    %add3A_57 = arith.constant 1.000000e-16 : f32
    %add3A_58 = vector.broadcast %add3A_57 : f32 to vector<256x128xf32>
    %add3A_59 = arith.addf %concatenate3A, %add3A_58 : vector<256x128xf32>
    %div3A_60 = arith.divf %while3A_45#2, %add3A_59 : vector<256x128xf32>
    %swap3A = arith.constant 0 : index
    %swap3A_61 = arith.constant 0 : index
    %swap3A_62 = vector.load %arg7[%swap3A, %swap3A_61] : memref<256x128xf32, #tpu.memory_space<vmem>>, vector<256x128xf32>
    tpu.vector_store %arg7[%swap3A, %swap3A_61], %div3A_60 {strides = array<i32>} : memref<256x128xf32, #tpu.memory_space<vmem>>, vector<256x128xf32>,
    return
  }
  func.func @transform_0(%arg0: i32, %arg1: memref<41xi32, #tpu.memory_space<smem>>) -> (i32, i32) {
    %c0_i32 = arith.constant 0 : i32
    %c0_i32_0 = arith.constant 0 : i32
    return %arg0, %c0_i32 : i32, i32
  }
  func.func @transform_5(%arg0: i32, %arg1: memref<41xi32, #tpu.memory_space<smem>>) -> (i32, i32) {
    %c0_i32 = arith.constant 0 : i32
    %c0_i32_0 = arith.constant 0 : i32
    return %arg0, %c0_i32 : i32, i32
  }
}

module attributes {stable_mosaic.version = 14 : i64} {
  func.func @body(%arg0: i32, %arg1: memref<256x128xf32, #tpu.memory_space<vmem>>, %arg2: memref<256x128xf32, #tpu.memory_space<vmem>>, %arg3: memref<128x128xf32, #tpu.memory_space<vmem>>, %arg4: memref<1x128xf32, #tpu.memory_space<vmem>>, %arg5: memref<1x128xf32, #tpu.memory_space<vmem>>, %arg6: memref<1x128xf32, #tpu.memory_space<vmem>>, %arg7: memref<1x128xf32, #tpu.memory_space<vmem>>, %arg8: memref<1x128xf32, #tpu.memory_space<vmem>>, %arg9: memref<256x128xf32, #tpu.memory_space<vmem>>) attributes {dimension_semantics = [#tpu.dimension_semantics<arbitrary>], iteration_bounds = array<i64: 40>, scalar_prefetch = 0 : i64, scratch_operands = 0 : i64, tpu.core_type = #tpu.core_type<tc>, window_params = [{transform_indices = @transform_0, window_bounds = array<i64: 256, 128>}, {transform_indices = @transform_1, window_bounds = array<i64: 256, 128>}, {pipeline_mode = #tpu.pipeline_mode<synchronous>, transform_indices = @transform_2, window_bounds = array<i64: 128, 128>}, {pipeline_mode = #tpu.pipeline_mode<synchronous>, transform_indices = @transform_3, window_bounds = array<i64: 1, 128>}, {pipeline_mode = #tpu.pipeline_mode<synchronous>, transform_indices = @transform_4, window_bounds = array<i64: 1, 128>}, {pipeline_mode = #tpu.pipeline_mode<synchronous>, transform_indices = @transform_5, window_bounds = array<i64: 1, 128>}, {pipeline_mode = #tpu.pipeline_mode<synchronous>, transform_indices = @transform_6, window_bounds = array<i64: 1, 128>}, {pipeline_mode = #tpu.pipeline_mode<synchronous>, transform_indices = @transform_7, window_bounds = array<i64: 1, 128>}, {transform_indices = @transform_8, window_bounds = array<i64: 256, 128>}]} {
    %get3A = arith.constant 0 : index
    %get3A_0 = arith.constant 0 : index
    %get3A_1 = vector.load %arg1[%get3A, %get3A_0] : memref<256x128xf32, #tpu.memory_space<vmem>>, vector<256x128xf32>
    %get3A_2 = arith.constant 0 : index
    %get3A_3 = arith.constant 0 : index
    %get3A_4 = vector.load %arg2[%get3A_2, %get3A_3] : memref<256x128xf32, #tpu.memory_space<vmem>>, vector<256x128xf32>
    %get3A_5 = arith.constant 0 : index
    %get3A_6 = arith.constant 0 : index
    %get3A_7 = vector.load %arg3[%get3A_5, %get3A_6] : memref<128x128xf32, #tpu.memory_space<vmem>>, vector<128x128xf32>
    %dot_general3A = arith.constant dense<0.000000e+00> : vector<256x128xf32>
    %dot_general3A_8 = tpu.matmul %get3A_1, %get3A_7, %dot_general3A {dimension_numbers = #tpu.dot_dimension_numbers<[1], [1], [0], [0], [0, 0, 1, 0], [], []>, precision = #tpu.contract_precision<fp32>, transpose_lhs_hint = false} : vector<256x128xf32>, vector<128x128xf32>, vector<256x128xf32> -> vector<256x128xf32>
    %get3A_9 = arith.constant 0 : index
    %get3A_10 = arith.constant 0 : index
    %get3A_11 = vector.load %arg4[%get3A_9, %get3A_10] : memref<1x128xf32, #tpu.memory_space<vmem>>, vector<1x128xf32>
    %add3A = vector.broadcast %get3A_11 : vector<1x128xf32> to vector<256x128xf32>
    %add3A_12 = arith.addf %dot_general3A_8, %add3A : vector<256x128xf32>
    %get3A_13 = arith.constant 0 : index
    %get3A_14 = arith.constant 0 : index
    %get3A_15 = vector.load %arg5[%get3A_13, %get3A_14] : memref<1x128xf32, #tpu.memory_space<vmem>>, vector<1x128xf32>
    %mul3A = vector.broadcast %get3A_15 : vector<1x128xf32> to vector<256x128xf32>
    %mul3A_16 = arith.mulf %get3A_4, %mul3A : vector<256x128xf32>
    %reduce_sum3A = arith.constant dense<0.000000e+00> : vector<256xf32>
    %reduce_sum3A_17 = vector.multi_reduction <add>, %mul3A_16, %reduce_sum3A [1] : vector<256x128xf32> to vector<256xf32>
    %broadcast_in_dim3A = vector.shape_cast %reduce_sum3A_17 : vector<256xf32> to vector<256x1xf32>
    %get3A_18 = arith.constant 0 : index
    %get3A_19 = arith.constant 0 : index
    %get3A_20 = vector.load %arg6[%get3A_18, %get3A_19] : memref<1x128xf32, #tpu.memory_space<vmem>>, vector<1x128xf32>
    %mul3A_21 = vector.broadcast %get3A_20 : vector<1x128xf32> to vector<256x128xf32>
    %mul3A_22 = arith.mulf %add3A_12, %mul3A_21 : vector<256x128xf32>
    %reduce_sum3A_23 = arith.constant dense<0.000000e+00> : vector<256xf32>
    %reduce_sum3A_24 = vector.multi_reduction <add>, %mul3A_22, %reduce_sum3A_23 [1] : vector<256x128xf32> to vector<256xf32>
    %broadcast_in_dim3A_25 = vector.shape_cast %reduce_sum3A_24 : vector<256xf32> to vector<256x1xf32>
    %add3A_26 = arith.addf %broadcast_in_dim3A, %broadcast_in_dim3A_25 : vector<256x1xf32>
    %neg3A = arith.constant 0.000000e+00 : f32
    %neg3A_27 = vector.broadcast %neg3A : f32 to vector<256x1xf32>
    %neg3A_28 = arith.subf %neg3A_27, %add3A_26 : vector<256x1xf32>
    %exp3A = math.exp %neg3A_28 : vector<256x1xf32>
    %add3A_29 = arith.constant 1.000000e+00 : f32
    %add3A_30 = vector.broadcast %add3A_29 : f32 to vector<256x1xf32>
    %add3A_31 = arith.addf %add3A_30, %exp3A : vector<256x1xf32>
    %div3A = arith.constant 1.000000e+00 : f32
    %div3A_32 = vector.broadcast %div3A : f32 to vector<256x1xf32>
    %div3A_33 = arith.divf %div3A_32, %add3A_31 : vector<256x1xf32>
    %mul3A_34 = vector.broadcast %div3A_33 : vector<256x1xf32> to vector<256x128xf32>
    %mul3A_35 = arith.mulf %mul3A_34, %add3A_12 : vector<256x128xf32>
    %sub3A = arith.constant 1.000000e+00 : f32
    %sub3A_36 = vector.broadcast %sub3A : f32 to vector<256x1xf32>
    %sub3A_37 = arith.subf %sub3A_36, %div3A_33 : vector<256x1xf32>
    %mul3A_38 = vector.broadcast %sub3A_37 : vector<256x1xf32> to vector<256x128xf32>
    %mul3A_39 = arith.mulf %mul3A_38, %get3A_4 : vector<256x128xf32>
    %add3A_40 = arith.addf %mul3A_35, %mul3A_39 : vector<256x128xf32>
    %max3A = arith.constant 0.000000e+00 : f32
    %max3A_41 = vector.broadcast %max3A : f32 to vector<256x128xf32>
    %max3A_42 = arith.maximumf %add3A_40, %max3A_41 : vector<256x128xf32>
    %reduce_sum3A_43 = arith.constant dense<0.000000e+00> : vector<256xf32>
    %reduce_sum3A_44 = vector.multi_reduction <add>, %max3A_42, %reduce_sum3A_43 [1] : vector<256x128xf32> to vector<256xf32>
    %broadcast_in_dim3A_45 = vector.shape_cast %reduce_sum3A_44 : vector<256xf32> to vector<256x1xf32>
    %div3A_46 = arith.constant 1.280000e+02 : f32
    %div3A_47 = vector.broadcast %div3A_46 : f32 to vector<256x1xf32>
    %div3A_48 = arith.divf %broadcast_in_dim3A_45, %div3A_47 : vector<256x1xf32>
    %sub3A_49 = vector.broadcast %div3A_48 : vector<256x1xf32> to vector<256x128xf32>
    %sub3A_50 = arith.subf %max3A_42, %sub3A_49 : vector<256x128xf32>
    %integer_pow3A = arith.mulf %sub3A_50, %sub3A_50 : vector<256x128xf32>
    %reduce_sum3A_51 = arith.constant dense<0.000000e+00> : vector<256xf32>
    %reduce_sum3A_52 = vector.multi_reduction <add>, %integer_pow3A, %reduce_sum3A_51 [1] : vector<256x128xf32> to vector<256xf32>
    %broadcast_in_dim3A_53 = vector.shape_cast %reduce_sum3A_52 : vector<256xf32> to vector<256x1xf32>
    %div3A_54 = arith.constant 1.280000e+02 : f32
    %div3A_55 = vector.broadcast %div3A_54 : f32 to vector<256x1xf32>
    %div3A_56 = arith.divf %broadcast_in_dim3A_53, %div3A_55 : vector<256x1xf32>
    %sub3A_57 = vector.broadcast %div3A_48 : vector<256x1xf32> to vector<256x128xf32>
    %sub3A_58 = arith.subf %max3A_42, %sub3A_57 : vector<256x128xf32>
    %add3A_59 = arith.constant 9.99999974E-6 : f32
    %add3A_60 = vector.broadcast %add3A_59 : f32 to vector<256x1xf32>
    %add3A_61 = arith.addf %div3A_56, %add3A_60 : vector<256x1xf32>
    %sqrt3A = math.sqrt %add3A_61 : vector<256x1xf32>
    %div3A_62 = vector.broadcast %sqrt3A : vector<256x1xf32> to vector<256x128xf32>
    %div3A_63 = arith.divf %sub3A_58, %div3A_62 : vector<256x128xf32>
    %get3A_64 = arith.constant 0 : index
    %get3A_65 = arith.constant 0 : index
    %get3A_66 = vector.load %arg7[%get3A_64, %get3A_65] : memref<1x128xf32, #tpu.memory_space<vmem>>, vector<1x128xf32>
    %mul3A_67 = vector.broadcast %get3A_66 : vector<1x128xf32> to vector<256x128xf32>
    %mul3A_68 = arith.mulf %div3A_63, %mul3A_67 : vector<256x128xf32>
    %get3A_69 = arith.constant 0 : index
    %get3A_70 = arith.constant 0 : index
    %get3A_71 = vector.load %arg8[%get3A_69, %get3A_70] : memref<1x128xf32, #tpu.memory_space<vmem>>, vector<1x128xf32>
    %add3A_72 = vector.broadcast %get3A_71 : vector<1x128xf32> to vector<256x128xf32>
    %add3A_73 = arith.addf %mul3A_68, %add3A_72 : vector<256x128xf32>
    %add3A_74 = arith.addf %get3A_1, %add3A_73 : vector<256x128xf32>
    %swap3A = arith.constant 0 : index
    %swap3A_75 = arith.constant 0 : index
    %swap3A_76 = vector.load %arg9[%swap3A, %swap3A_75] : memref<256x128xf32, #tpu.memory_space<vmem>>, vector<256x128xf32>
    tpu.vector_store %arg9[%swap3A, %swap3A_75], %add3A_74 {strides = array<i32>} : memref<256x128xf32, #tpu.memory_space<vmem>>, vector<256x128xf32>,
    return
  }
  func.func @transform_0(%arg0: i32) -> (i32, i32) {
    %c0_i32 = arith.constant 0 : i32
    %c0_i32_0 = arith.constant 0 : i32
    return %arg0, %c0_i32 : i32, i32
  }
  func.func @transform_1(%arg0: i32) -> (i32, i32) {
    %c0_i32 = arith.constant 0 : i32
    %c0_i32_0 = arith.constant 0 : i32
    return %arg0, %c0_i32 : i32, i32
  }
  func.func @transform_2(%arg0: i32) -> (i32, i32) {
    %c0_i32 = arith.constant 0 : i32
    %c0_i32_0 = arith.constant 0 : i32
    %c0_i32_1 = arith.constant 0 : i32
    return %c0_i32, %c0_i32_0 : i32, i32
  }
  func.func @transform_3(%arg0: i32) -> (i32, i32) {
    %c0_i32 = arith.constant 0 : i32
    %c0_i32_0 = arith.constant 0 : i32
    %c0_i32_1 = arith.constant 0 : i32
    return %c0_i32, %c0_i32_0 : i32, i32
  }
  func.func @transform_4(%arg0: i32) -> (i32, i32) {
    %c0_i32 = arith.constant 0 : i32
    %c0_i32_0 = arith.constant 0 : i32
    %c0_i32_1 = arith.constant 0 : i32
    return %c0_i32, %c0_i32_0 : i32, i32
  }
  func.func @transform_5(%arg0: i32) -> (i32, i32) {
    %c0_i32 = arith.constant 0 : i32
    %c0_i32_0 = arith.constant 0 : i32
    %c0_i32_1 = arith.constant 0 : i32
    return %c0_i32, %c0_i32_0 : i32, i32
  }
  func.func @transform_6(%arg0: i32) -> (i32, i32) {
    %c0_i32 = arith.constant 0 : i32
    %c0_i32_0 = arith.constant 0 : i32
    %c0_i32_1 = arith.constant 0 : i32
    return %c0_i32, %c0_i32_0 : i32, i32
  }
  func.func @transform_7(%arg0: i32) -> (i32, i32) {
    %c0_i32 = arith.constant 0 : i32
    %c0_i32_0 = arith.constant 0 : i32
    %c0_i32_1 = arith.constant 0 : i32
    return %c0_i32, %c0_i32_0 : i32, i32
  }
  func.func @transform_8(%arg0: i32) -> (i32, i32) {
    %c0_i32 = arith.constant 0 : i32
    %c0_i32_0 = arith.constant 0 : i32
    return %arg0, %c0_i32 : i32, i32
  }
}

module attributes {stable_mosaic.version = 14 : i64} {
  func.func @body(%arg0: i32, %arg1: memref<512x768xf32, #tpu.memory_space<vmem>>, %arg2: memref<128x768xf32, #tpu.memory_space<vmem>>, %arg3: memref<1x128xf32, #tpu.memory_space<vmem>>, %arg4: memref<512x128xf32, #tpu.memory_space<vmem>>) attributes {dimension_semantics = [#tpu.dimension_semantics<arbitrary>], iteration_bounds = array<i64: 8>, scalar_prefetch = 0 : i64, scratch_operands = 0 : i64, tpu.core_type = #tpu.core_type<tc>, window_params = [{transform_indices = @transform_0, window_bounds = array<i64: 512, 768>}, {pipeline_mode = #tpu.pipeline_mode<synchronous>, transform_indices = @transform_1, window_bounds = array<i64: 128, 768>}, {pipeline_mode = #tpu.pipeline_mode<synchronous>, transform_indices = @transform_2, window_bounds = array<i64: 1, 128>}, {transform_indices = @transform_3, window_bounds = array<i64: 512, 128>}]} {
    %get3A = arith.constant 0 : index
    %get3A_0 = arith.constant 0 : index
    %get3A_1 = vector.load %arg1[%get3A, %get3A_0] : memref<512x768xf32, #tpu.memory_space<vmem>>, vector<512x768xf32>
    %get3A_2 = arith.constant 0 : index
    %get3A_3 = arith.constant 0 : index
    %get3A_4 = vector.load %arg2[%get3A_2, %get3A_3] : memref<128x768xf32, #tpu.memory_space<vmem>>, vector<128x768xf32>
    %dot_general3A = arith.constant dense<0.000000e+00> : vector<512x128xf32>
    %dot_general3A_5 = tpu.matmul %get3A_1, %get3A_4, %dot_general3A {dimension_numbers = #tpu.dot_dimension_numbers<[1], [1], [0], [0], [0, 0, 1, 0], [], []>, precision = #tpu.contract_precision<fp32>, transpose_lhs_hint = false} : vector<512x768xf32>, vector<128x768xf32>, vector<512x128xf32> -> vector<512x128xf32>
    %get3A_6 = arith.constant 0 : index
    %get3A_7 = arith.constant 0 : index
    %get3A_8 = vector.load %arg3[%get3A_6, %get3A_7] : memref<1x128xf32, #tpu.memory_space<vmem>>, vector<1x128xf32>
    %add3A = vector.broadcast %get3A_8 : vector<1x128xf32> to vector<512x128xf32>
    %add3A_9 = arith.addf %dot_general3A_5, %add3A : vector<512x128xf32>
    %swap3A = arith.constant 0 : index
    %swap3A_10 = arith.constant 0 : index
    %swap3A_11 = vector.load %arg4[%swap3A, %swap3A_10] : memref<512x128xf32, #tpu.memory_space<vmem>>, vector<512x128xf32>
    tpu.vector_store %arg4[%swap3A, %swap3A_10], %add3A_9 {strides = array<i32>} : memref<512x128xf32, #tpu.memory_space<vmem>>, vector<512x128xf32>,
    return
  }
  func.func @transform_0(%arg0: i32) -> (i32, i32) {
    %c0_i32 = arith.constant 0 : i32
    %c0_i32_0 = arith.constant 0 : i32
    return %arg0, %c0_i32 : i32, i32
  }
  func.func @transform_1(%arg0: i32) -> (i32, i32) {
    %c0_i32 = arith.constant 0 : i32
    %c0_i32_0 = arith.constant 0 : i32
    %c0_i32_1 = arith.constant 0 : i32
    return %c0_i32, %c0_i32_0 : i32, i32
  }
  func.func @transform_2(%arg0: i32) -> (i32, i32) {
    %c0_i32 = arith.constant 0 : i32
    %c0_i32_0 = arith.constant 0 : i32
    %c0_i32_1 = arith.constant 0 : i32
    return %c0_i32, %c0_i32_0 : i32, i32
  }
  func.func @transform_3(%arg0: i32) -> (i32, i32) {
    %c0_i32 = arith.constant 0 : i32
    %c0_i32_0 = arith.constant 0 : i32
    return %arg0, %c0_i32 : i32, i32
  }
}

module attributes {stable_mosaic.version = 14 : i64} {
  func.func @body(%arg0: i32, %arg1: memref<1x256x128xf32, #tpu.memory_space<vmem>>, %arg2: memref<384x128xf32, #tpu.memory_space<vmem>>, %arg3: memref<1x384xf32, #tpu.memory_space<vmem>>, %arg4: memref<128x128xf32, #tpu.memory_space<vmem>>, %arg5: memref<1x128xf32, #tpu.memory_space<vmem>>, %arg6: memref<512x128xf32, #tpu.memory_space<vmem>>, %arg7: memref<1x512xf32, #tpu.memory_space<vmem>>, %arg8: memref<128x512xf32, #tpu.memory_space<vmem>>, %arg9: memref<1x128xf32, #tpu.memory_space<vmem>>, %arg10: memref<1x128xf32, #tpu.memory_space<vmem>>, %arg11: memref<1x128xf32, #tpu.memory_space<vmem>>, %arg12: memref<1x128xf32, #tpu.memory_space<vmem>>, %arg13: memref<1x128xf32, #tpu.memory_space<vmem>>, %arg14: memref<1x256x128xf32, #tpu.memory_space<vmem>>) attributes {dimension_semantics = [#tpu.dimension_semantics<arbitrary>], iteration_bounds = array<i64: 16>, scalar_prefetch = 0 : i64, scratch_operands = 0 : i64, tpu.core_type = #tpu.core_type<tc>, window_params = [{transform_indices = @transform_0, window_bounds = array<i64: 1, 256, 128>}, {pipeline_mode = #tpu.pipeline_mode<synchronous>, transform_indices = @transform_1, window_bounds = array<i64: 384, 128>}, {pipeline_mode = #tpu.pipeline_mode<synchronous>, transform_indices = @transform_2, window_bounds = array<i64: 1, 384>}, {pipeline_mode = #tpu.pipeline_mode<synchronous>, transform_indices = @transform_3, window_bounds = array<i64: 128, 128>}, {pipeline_mode = #tpu.pipeline_mode<synchronous>, transform_indices = @transform_4, window_bounds = array<i64: 1, 128>}, {pipeline_mode = #tpu.pipeline_mode<synchronous>, transform_indices = @transform_5, window_bounds = array<i64: 512, 128>}, {pipeline_mode = #tpu.pipeline_mode<synchronous>, transform_indices = @transform_6, window_bounds = array<i64: 1, 512>}, {pipeline_mode = #tpu.pipeline_mode<synchronous>, transform_indices = @transform_7, window_bounds = array<i64: 128, 512>}, {pipeline_mode = #tpu.pipeline_mode<synchronous>, transform_indices = @transform_8, window_bounds = array<i64: 1, 128>}, {pipeline_mode = #tpu.pipeline_mode<synchronous>, transform_indices = @transform_9, window_bounds = array<i64: 1, 128>}, {pipeline_mode = #tpu.pipeline_mode<synchronous>, transform_indices = @transform_10, window_bounds = array<i64: 1, 128>}, {pipeline_mode = #tpu.pipeline_mode<synchronous>, transform_indices = @transform_11, window_bounds = array<i64: 1, 128>}, {pipeline_mode = #tpu.pipeline_mode<synchronous>, transform_indices = @transform_12, window_bounds = array<i64: 1, 128>}, {transform_indices = @transform_13, window_bounds = array<i64: 1, 256, 128>}]} {
    %get3A = arith.constant 0 : index
    %get3A_0 = arith.constant 0 : index
    %get3A_1 = arith.constant 0 : index
    %get3A_2 = vector.load %arg1[%get3A, %get3A_0, %get3A_1] : memref<1x256x128xf32, #tpu.memory_space<vmem>>, vector<1x256x128xf32>
    %get3A_3 = vector.shape_cast %get3A_2 : vector<1x256x128xf32> to vector<256x128xf32>
    %get3A_4 = arith.constant 0 : index
    %get3A_5 = arith.constant 0 : index
    %get3A_6 = vector.load %arg2[%get3A_4, %get3A_5] : memref<384x128xf32, #tpu.memory_space<vmem>>, vector<384x128xf32>
    %dot_general3A = arith.constant dense<0.000000e+00> : vector<256x384xf32>
    %dot_general3A_7 = tpu.matmul %get3A_3, %get3A_6, %dot_general3A {dimension_numbers = #tpu.dot_dimension_numbers<[1], [1], [0], [0], [0, 0, 1, 0], [], []>, precision = #tpu.contract_precision<fp32>, transpose_lhs_hint = false} : vector<256x128xf32>, vector<384x128xf32>, vector<256x384xf32> -> vector<256x384xf32>
    %get3A_8 = arith.constant 0 : index
    %get3A_9 = arith.constant 0 : index
    %get3A_10 = vector.load %arg3[%get3A_8, %get3A_9] : memref<1x384xf32, #tpu.memory_space<vmem>>, vector<1x384xf32>
    %add3A = vector.broadcast %get3A_10 : vector<1x384xf32> to vector<256x384xf32>
    %add3A_11 = arith.addf %dot_general3A_7, %add3A : vector<256x384xf32>
    %slice3A = vector.extract_strided_slice %add3A_11 {offsets = [0, 0], sizes = [256, 32], strides = [1, 1]} : vector<256x384xf32> to vector<256x32xf32>
    %slice3A_12 = vector.extract_strided_slice %add3A_11 {offsets = [0, 128], sizes = [256, 32], strides = [1, 1]} : vector<256x384xf32> to vector<256x32xf32>
    %slice3A_13 = vector.extract_strided_slice %add3A_11 {offsets = [0, 256], sizes = [256, 32], strides = [1, 1]} : vector<256x384xf32> to vector<256x32xf32>
    %dot_general3A_14 = arith.constant dense<0.000000e+00> : vector<256x256xf32>
    %dot_general3A_15 = tpu.matmul %slice3A, %slice3A_12, %dot_general3A_14 {dimension_numbers = #tpu.dot_dimension_numbers<[1], [1], [0], [0], [0, 0, 1, 0], [], []>, precision = #tpu.contract_precision<fp32>, transpose_lhs_hint = false} : vector<256x32xf32>, vector<256x32xf32>, vector<256x256xf32> -> vector<256x256xf32>
    %mul3A = arith.constant 0.176776692 : f32
    %mul3A_16 = vector.broadcast %mul3A : f32 to vector<256x256xf32>
    %mul3A_17 = arith.mulf %dot_general3A_15, %mul3A_16 : vector<256x256xf32>
    %reduce_max3A = arith.constant dense<0xFF800000> : vector<256xf32>
    %reduce_max3A_18 = vector.multi_reduction <maximumf>, %mul3A_17, %reduce_max3A [1] : vector<256x256xf32> to vector<256xf32>
    %broadcast_in_dim3A = vector.shape_cast %reduce_max3A_18 : vector<256xf32> to vector<256x1xf32>
    %sub3A = vector.broadcast %broadcast_in_dim3A : vector<256x1xf32> to vector<256x256xf32>
    %sub3A_19 = arith.subf %mul3A_17, %sub3A : vector<256x256xf32>
    %exp3A = math.exp %sub3A_19 : vector<256x256xf32>
    %reduce_sum3A = arith.constant dense<0.000000e+00> : vector<256xf32>
    %reduce_sum3A_20 = vector.multi_reduction <add>, %exp3A, %reduce_sum3A [1] : vector<256x256xf32> to vector<256xf32>
    %broadcast_in_dim3A_21 = vector.shape_cast %reduce_sum3A_20 : vector<256xf32> to vector<256x1xf32>
    %div3A = vector.broadcast %broadcast_in_dim3A_21 : vector<256x1xf32> to vector<256x256xf32>
    %div3A_22 = arith.divf %exp3A, %div3A : vector<256x256xf32>
    %dot_general3A_23 = arith.constant dense<0.000000e+00> : vector<256x32xf32>
    %dot_general3A_24 = tpu.matmul %div3A_22, %slice3A_13, %dot_general3A_23 {dimension_numbers = #tpu.dot_dimension_numbers<[1], [0], [0], [1], [0, 0, 1, 1], [], []>, precision = #tpu.contract_precision<fp32>, transpose_lhs_hint = false} : vector<256x256xf32>, vector<256x32xf32>, vector<256x32xf32> -> vector<256x32xf32>
    %slice3A_25 = vector.extract_strided_slice %add3A_11 {offsets = [0, 32], sizes = [256, 32], strides = [1, 1]} : vector<256x384xf32> to vector<256x32xf32>
    %slice3A_26 = vector.extract_strided_slice %add3A_11 {offsets = [0, 160], sizes = [256, 32], strides = [1, 1]} : vector<256x384xf32> to vector<256x32xf32>
    %slice3A_27 = vector.extract_strided_slice %add3A_11 {offsets = [0, 288], sizes = [256, 32], strides = [1, 1]} : vector<256x384xf32> to vector<256x32xf32>
    %dot_general3A_28 = arith.constant dense<0.000000e+00> : vector<256x256xf32>
    %dot_general3A_29 = tpu.matmul %slice3A_25, %slice3A_26, %dot_general3A_28 {dimension_numbers = #tpu.dot_dimension_numbers<[1], [1], [0], [0], [0, 0, 1, 0], [], []>, precision = #tpu.contract_precision<fp32>, transpose_lhs_hint = false} : vector<256x32xf32>, vector<256x32xf32>, vector<256x256xf32> -> vector<256x256xf32>
    %mul3A_30 = arith.constant 0.176776692 : f32
    %mul3A_31 = vector.broadcast %mul3A_30 : f32 to vector<256x256xf32>
    %mul3A_32 = arith.mulf %dot_general3A_29, %mul3A_31 : vector<256x256xf32>
    %reduce_max3A_33 = arith.constant dense<0xFF800000> : vector<256xf32>
    %reduce_max3A_34 = vector.multi_reduction <maximumf>, %mul3A_32, %reduce_max3A_33 [1] : vector<256x256xf32> to vector<256xf32>
    %broadcast_in_dim3A_35 = vector.shape_cast %reduce_max3A_34 : vector<256xf32> to vector<256x1xf32>
    %sub3A_36 = vector.broadcast %broadcast_in_dim3A_35 : vector<256x1xf32> to vector<256x256xf32>
    %sub3A_37 = arith.subf %mul3A_32, %sub3A_36 : vector<256x256xf32>
    %exp3A_38 = math.exp %sub3A_37 : vector<256x256xf32>
    %reduce_sum3A_39 = arith.constant dense<0.000000e+00> : vector<256xf32>
    %reduce_sum3A_40 = vector.multi_reduction <add>, %exp3A_38, %reduce_sum3A_39 [1] : vector<256x256xf32> to vector<256xf32>
    %broadcast_in_dim3A_41 = vector.shape_cast %reduce_sum3A_40 : vector<256xf32> to vector<256x1xf32>
    %div3A_42 = vector.broadcast %broadcast_in_dim3A_41 : vector<256x1xf32> to vector<256x256xf32>
    %div3A_43 = arith.divf %exp3A_38, %div3A_42 : vector<256x256xf32>
    %dot_general3A_44 = arith.constant dense<0.000000e+00> : vector<256x32xf32>
    %dot_general3A_45 = tpu.matmul %div3A_43, %slice3A_27, %dot_general3A_44 {dimension_numbers = #tpu.dot_dimension_numbers<[1], [0], [0], [1], [0, 0, 1, 1], [], []>, precision = #tpu.contract_precision<fp32>, transpose_lhs_hint = false} : vector<256x256xf32>, vector<256x32xf32>, vector<256x32xf32> -> vector<256x32xf32>
    %slice3A_46 = vector.extract_strided_slice %add3A_11 {offsets = [0, 64], sizes = [256, 32], strides = [1, 1]} : vector<256x384xf32> to vector<256x32xf32>
    %slice3A_47 = vector.extract_strided_slice %add3A_11 {offsets = [0, 192], sizes = [256, 32], strides = [1, 1]} : vector<256x384xf32> to vector<256x32xf32>
    %slice3A_48 = vector.extract_strided_slice %add3A_11 {offsets = [0, 320], sizes = [256, 32], strides = [1, 1]} : vector<256x384xf32> to vector<256x32xf32>
    %dot_general3A_49 = arith.constant dense<0.000000e+00> : vector<256x256xf32>
    %dot_general3A_50 = tpu.matmul %slice3A_46, %slice3A_47, %dot_general3A_49 {dimension_numbers = #tpu.dot_dimension_numbers<[1], [1], [0], [0], [0, 0, 1, 0], [], []>, precision = #tpu.contract_precision<fp32>, transpose_lhs_hint = false} : vector<256x32xf32>, vector<256x32xf32>, vector<256x256xf32> -> vector<256x256xf32>
    %mul3A_51 = arith.constant 0.176776692 : f32
    %mul3A_52 = vector.broadcast %mul3A_51 : f32 to vector<256x256xf32>
    %mul3A_53 = arith.mulf %dot_general3A_50, %mul3A_52 : vector<256x256xf32>
    %reduce_max3A_54 = arith.constant dense<0xFF800000> : vector<256xf32>
    %reduce_max3A_55 = vector.multi_reduction <maximumf>, %mul3A_53, %reduce_max3A_54 [1] : vector<256x256xf32> to vector<256xf32>
    %broadcast_in_dim3A_56 = vector.shape_cast %reduce_max3A_55 : vector<256xf32> to vector<256x1xf32>
    %sub3A_57 = vector.broadcast %broadcast_in_dim3A_56 : vector<256x1xf32> to vector<256x256xf32>
    %sub3A_58 = arith.subf %mul3A_53, %sub3A_57 : vector<256x256xf32>
    %exp3A_59 = math.exp %sub3A_58 : vector<256x256xf32>
    %reduce_sum3A_60 = arith.constant dense<0.000000e+00> : vector<256xf32>
    %reduce_sum3A_61 = vector.multi_reduction <add>, %exp3A_59, %reduce_sum3A_60 [1] : vector<256x256xf32> to vector<256xf32>
    %broadcast_in_dim3A_62 = vector.shape_cast %reduce_sum3A_61 : vector<256xf32> to vector<256x1xf32>
    %div3A_63 = vector.broadcast %broadcast_in_dim3A_62 : vector<256x1xf32> to vector<256x256xf32>
    %div3A_64 = arith.divf %exp3A_59, %div3A_63 : vector<256x256xf32>
    %dot_general3A_65 = arith.constant dense<0.000000e+00> : vector<256x32xf32>
    %dot_general3A_66 = tpu.matmul %div3A_64, %slice3A_48, %dot_general3A_65 {dimension_numbers = #tpu.dot_dimension_numbers<[1], [0], [0], [1], [0, 0, 1, 1], [], []>, precision = #tpu.contract_precision<fp32>, transpose_lhs_hint = false} : vector<256x256xf32>, vector<256x32xf32>, vector<256x32xf32> -> vector<256x32xf32>
    %slice3A_67 = vector.extract_strided_slice %add3A_11 {offsets = [0, 96], sizes = [256, 32], strides = [1, 1]} : vector<256x384xf32> to vector<256x32xf32>
    %slice3A_68 = vector.extract_strided_slice %add3A_11 {offsets = [0, 224], sizes = [256, 32], strides = [1, 1]} : vector<256x384xf32> to vector<256x32xf32>
    %slice3A_69 = vector.extract_strided_slice %add3A_11 {offsets = [0, 352], sizes = [256, 32], strides = [1, 1]} : vector<256x384xf32> to vector<256x32xf32>
    %dot_general3A_70 = arith.constant dense<0.000000e+00> : vector<256x256xf32>
    %dot_general3A_71 = tpu.matmul %slice3A_67, %slice3A_68, %dot_general3A_70 {dimension_numbers = #tpu.dot_dimension_numbers<[1], [1], [0], [0], [0, 0, 1, 0], [], []>, precision = #tpu.contract_precision<fp32>, transpose_lhs_hint = false} : vector<256x32xf32>, vector<256x32xf32>, vector<256x256xf32> -> vector<256x256xf32>
    %mul3A_72 = arith.constant 0.176776692 : f32
    %mul3A_73 = vector.broadcast %mul3A_72 : f32 to vector<256x256xf32>
    %mul3A_74 = arith.mulf %dot_general3A_71, %mul3A_73 : vector<256x256xf32>
    %reduce_max3A_75 = arith.constant dense<0xFF800000> : vector<256xf32>
    %reduce_max3A_76 = vector.multi_reduction <maximumf>, %mul3A_74, %reduce_max3A_75 [1] : vector<256x256xf32> to vector<256xf32>
    %broadcast_in_dim3A_77 = vector.shape_cast %reduce_max3A_76 : vector<256xf32> to vector<256x1xf32>
    %sub3A_78 = vector.broadcast %broadcast_in_dim3A_77 : vector<256x1xf32> to vector<256x256xf32>
    %sub3A_79 = arith.subf %mul3A_74, %sub3A_78 : vector<256x256xf32>
    %exp3A_80 = math.exp %sub3A_79 : vector<256x256xf32>
    %reduce_sum3A_81 = arith.constant dense<0.000000e+00> : vector<256xf32>
    %reduce_sum3A_82 = vector.multi_reduction <add>, %exp3A_80, %reduce_sum3A_81 [1] : vector<256x256xf32> to vector<256xf32>
    %broadcast_in_dim3A_83 = vector.shape_cast %reduce_sum3A_82 : vector<256xf32> to vector<256x1xf32>
    %div3A_84 = vector.broadcast %broadcast_in_dim3A_83 : vector<256x1xf32> to vector<256x256xf32>
    %div3A_85 = arith.divf %exp3A_80, %div3A_84 : vector<256x256xf32>
    %dot_general3A_86 = arith.constant dense<0.000000e+00> : vector<256x32xf32>
    %dot_general3A_87 = tpu.matmul %div3A_85, %slice3A_69, %dot_general3A_86 {dimension_numbers = #tpu.dot_dimension_numbers<[1], [0], [0], [1], [0, 0, 1, 1], [], []>, precision = #tpu.contract_precision<fp32>, transpose_lhs_hint = false} : vector<256x256xf32>, vector<256x32xf32>, vector<256x32xf32> -> vector<256x32xf32>
    %concatenate3A = tpu.concatenate %dot_general3A_24, %dot_general3A_45, %dot_general3A_66, %dot_general3A_87 in 1 : vector<256x32xf32>, vector<256x32xf32>, vector<256x32xf32>, vector<256x32xf32> -> vector<256x128xf32>
    %get3A_88 = arith.constant 0 : index
    %get3A_89 = arith.constant 0 : index
    %get3A_90 = vector.load %arg4[%get3A_88, %get3A_89] : memref<128x128xf32, #tpu.memory_space<vmem>>, vector<128x128xf32>
    %dot_general3A_91 = arith.constant dense<0.000000e+00> : vector<256x128xf32>
    %dot_general3A_92 = tpu.matmul %concatenate3A, %get3A_90, %dot_general3A_91 {dimension_numbers = #tpu.dot_dimension_numbers<[1], [1], [0], [0], [0, 0, 1, 0], [], []>, precision = #tpu.contract_precision<fp32>, transpose_lhs_hint = false} : vector<256x128xf32>, vector<128x128xf32>, vector<256x128xf32> -> vector<256x128xf32>
    %get3A_93 = arith.constant 0 : index
    %get3A_94 = arith.constant 0 : index
    %get3A_95 = vector.load %arg5[%get3A_93, %get3A_94] : memref<1x128xf32, #tpu.memory_space<vmem>>, vector<1x128xf32>
    %add3A_96 = vector.broadcast %get3A_95 : vector<1x128xf32> to vector<256x128xf32>
    %add3A_97 = arith.addf %dot_general3A_92, %add3A_96 : vector<256x128xf32>
    %add3A_98 = arith.addf %get3A_3, %add3A_97 : vector<256x128xf32>
    %get3A_99 = arith.constant 0 : index
    %get3A_100 = arith.constant 0 : index
    %get3A_101 = vector.load %arg10[%get3A_99, %get3A_100] : memref<1x128xf32, #tpu.memory_space<vmem>>, vector<1x128xf32>
    %get3A_102 = arith.constant 0 : index
    %get3A_103 = arith.constant 0 : index
    %get3A_104 = vector.load %arg11[%get3A_102, %get3A_103] : memref<1x128xf32, #tpu.memory_space<vmem>>, vector<1x128xf32>
    %reduce_sum3A_105 = arith.constant dense<0.000000e+00> : vector<256xf32>
    %reduce_sum3A_106 = vector.multi_reduction <add>, %add3A_98, %reduce_sum3A_105 [1] : vector<256x128xf32> to vector<256xf32>
    %broadcast_in_dim3A_107 = vector.shape_cast %reduce_sum3A_106 : vector<256xf32> to vector<256x1xf32>
    %div3A_108 = arith.constant 1.280000e+02 : f32
    %div3A_109 = vector.broadcast %div3A_108 : f32 to vector<256x1xf32>
    %div3A_110 = arith.divf %broadcast_in_dim3A_107, %div3A_109 : vector<256x1xf32>
    %sub3A_111 = vector.broadcast %div3A_110 : vector<256x1xf32> to vector<256x128xf32>
    %sub3A_112 = arith.subf %add3A_98, %sub3A_111 : vector<256x128xf32>
    %integer_pow3A = arith.mulf %sub3A_112, %sub3A_112 : vector<256x128xf32>
    %reduce_sum3A_113 = arith.constant dense<0.000000e+00> : vector<256xf32>
    %reduce_sum3A_114 = vector.multi_reduction <add>, %integer_pow3A, %reduce_sum3A_113 [1] : vector<256x128xf32> to vector<256xf32>
    %broadcast_in_dim3A_115 = vector.shape_cast %reduce_sum3A_114 : vector<256xf32> to vector<256x1xf32>
    %div3A_116 = arith.constant 1.280000e+02 : f32
    %div3A_117 = vector.broadcast %div3A_116 : f32 to vector<256x1xf32>
    %div3A_118 = arith.divf %broadcast_in_dim3A_115, %div3A_117 : vector<256x1xf32>
    %sub3A_119 = vector.broadcast %div3A_110 : vector<256x1xf32> to vector<256x128xf32>
    %sub3A_120 = arith.subf %add3A_98, %sub3A_119 : vector<256x128xf32>
    %add3A_121 = arith.constant 9.99999974E-6 : f32
    %add3A_122 = vector.broadcast %add3A_121 : f32 to vector<256x1xf32>
    %add3A_123 = arith.addf %div3A_118, %add3A_122 : vector<256x1xf32>
    %sqrt3A = math.sqrt %add3A_123 : vector<256x1xf32>
    %div3A_124 = vector.broadcast %sqrt3A : vector<256x1xf32> to vector<256x128xf32>
    %div3A_125 = arith.divf %sub3A_120, %div3A_124 : vector<256x128xf32>
    %mul3A_126 = vector.broadcast %get3A_101 : vector<1x128xf32> to vector<256x128xf32>
    %mul3A_127 = arith.mulf %div3A_125, %mul3A_126 : vector<256x128xf32>
    %add3A_128 = vector.broadcast %get3A_104 : vector<1x128xf32> to vector<256x128xf32>
    %add3A_129 = arith.addf %mul3A_127, %add3A_128 : vector<256x128xf32>
    %get3A_130 = arith.constant 0 : index
    %get3A_131 = arith.constant 0 : index
    %get3A_132 = vector.load %arg6[%get3A_130, %get3A_131] : memref<512x128xf32, #tpu.memory_space<vmem>>, vector<512x128xf32>
    %dot_general3A_133 = arith.constant dense<0.000000e+00> : vector<256x512xf32>
    %dot_general3A_134 = tpu.matmul %add3A_129, %get3A_132, %dot_general3A_133 {dimension_numbers = #tpu.dot_dimension_numbers<[1], [1], [0], [0], [0, 0, 1, 0], [], []>, precision = #tpu.contract_precision<fp32>, transpose_lhs_hint = false} : vector<256x128xf32>, vector<512x128xf32>, vector<256x512xf32> -> vector<256x512xf32>
    %get3A_135 = arith.constant 0 : index
    %get3A_136 = arith.constant 0 : index
    %get3A_137 = vector.load %arg7[%get3A_135, %get3A_136] : memref<1x512xf32, #tpu.memory_space<vmem>>, vector<1x512xf32>
    %add3A_138 = vector.broadcast %get3A_137 : vector<1x512xf32> to vector<256x512xf32>
    %add3A_139 = arith.addf %dot_general3A_134, %add3A_138 : vector<256x512xf32>
    %max3A = arith.constant 0.000000e+00 : f32
    %max3A_140 = vector.broadcast %max3A : f32 to vector<256x512xf32>
    %max3A_141 = arith.maximumf %add3A_139, %max3A_140 : vector<256x512xf32>
    %get3A_142 = arith.constant 0 : index
    %get3A_143 = arith.constant 0 : index
    %get3A_144 = vector.load %arg8[%get3A_142, %get3A_143] : memref<128x512xf32, #tpu.memory_space<vmem>>, vector<128x512xf32>
    %dot_general3A_145 = arith.constant dense<0.000000e+00> : vector<256x128xf32>
    %dot_general3A_146 = tpu.matmul %max3A_141, %get3A_144, %dot_general3A_145 {dimension_numbers = #tpu.dot_dimension_numbers<[1], [1], [0], [0], [0, 0, 1, 0], [], []>, precision = #tpu.contract_precision<fp32>, transpose_lhs_hint = false} : vector<256x512xf32>, vector<128x512xf32>, vector<256x128xf32> -> vector<256x128xf32>
    %get3A_147 = arith.constant 0 : index
    %get3A_148 = arith.constant 0 : index
    %get3A_149 = vector.load %arg9[%get3A_147, %get3A_148] : memref<1x128xf32, #tpu.memory_space<vmem>>, vector<1x128xf32>
    %add3A_150 = vector.broadcast %get3A_149 : vector<1x128xf32> to vector<256x128xf32>
    %add3A_151 = arith.addf %dot_general3A_146, %add3A_150 : vector<256x128xf32>
    %add3A_152 = arith.addf %add3A_129, %add3A_151 : vector<256x128xf32>
    %get3A_153 = arith.constant 0 : index
    %get3A_154 = arith.constant 0 : index
    %get3A_155 = vector.load %arg12[%get3A_153, %get3A_154] : memref<1x128xf32, #tpu.memory_space<vmem>>, vector<1x128xf32>
    %get3A_156 = arith.constant 0 : index
    %get3A_157 = arith.constant 0 : index
    %get3A_158 = vector.load %arg13[%get3A_156, %get3A_157] : memref<1x128xf32, #tpu.memory_space<vmem>>, vector<1x128xf32>
    %reduce_sum3A_159 = arith.constant dense<0.000000e+00> : vector<256xf32>
    %reduce_sum3A_160 = vector.multi_reduction <add>, %add3A_152, %reduce_sum3A_159 [1] : vector<256x128xf32> to vector<256xf32>
    %broadcast_in_dim3A_161 = vector.shape_cast %reduce_sum3A_160 : vector<256xf32> to vector<256x1xf32>
    %div3A_162 = arith.constant 1.280000e+02 : f32
    %div3A_163 = vector.broadcast %div3A_162 : f32 to vector<256x1xf32>
    %div3A_164 = arith.divf %broadcast_in_dim3A_161, %div3A_163 : vector<256x1xf32>
    %sub3A_165 = vector.broadcast %div3A_164 : vector<256x1xf32> to vector<256x128xf32>
    %sub3A_166 = arith.subf %add3A_152, %sub3A_165 : vector<256x128xf32>
    %integer_pow3A_167 = arith.mulf %sub3A_166, %sub3A_166 : vector<256x128xf32>
    %reduce_sum3A_168 = arith.constant dense<0.000000e+00> : vector<256xf32>
    %reduce_sum3A_169 = vector.multi_reduction <add>, %integer_pow3A_167, %reduce_sum3A_168 [1] : vector<256x128xf32> to vector<256xf32>
    %broadcast_in_dim3A_170 = vector.shape_cast %reduce_sum3A_169 : vector<256xf32> to vector<256x1xf32>
    %div3A_171 = arith.constant 1.280000e+02 : f32
    %div3A_172 = vector.broadcast %div3A_171 : f32 to vector<256x1xf32>
    %div3A_173 = arith.divf %broadcast_in_dim3A_170, %div3A_172 : vector<256x1xf32>
    %sub3A_174 = vector.broadcast %div3A_164 : vector<256x1xf32> to vector<256x128xf32>
    %sub3A_175 = arith.subf %add3A_152, %sub3A_174 : vector<256x128xf32>
    %add3A_176 = arith.constant 9.99999974E-6 : f32
    %add3A_177 = vector.broadcast %add3A_176 : f32 to vector<256x1xf32>
    %add3A_178 = arith.addf %div3A_173, %add3A_177 : vector<256x1xf32>
    %sqrt3A_179 = math.sqrt %add3A_178 : vector<256x1xf32>
    %div3A_180 = vector.broadcast %sqrt3A_179 : vector<256x1xf32> to vector<256x128xf32>
    %div3A_181 = arith.divf %sub3A_175, %div3A_180 : vector<256x128xf32>
    %mul3A_182 = vector.broadcast %get3A_155 : vector<1x128xf32> to vector<256x128xf32>
    %mul3A_183 = arith.mulf %div3A_181, %mul3A_182 : vector<256x128xf32>
    %add3A_184 = vector.broadcast %get3A_158 : vector<1x128xf32> to vector<256x128xf32>
    %add3A_185 = arith.addf %mul3A_183, %add3A_184 : vector<256x128xf32>
    %swap3A = arith.constant 0 : index
    %swap3A_186 = arith.constant 0 : index
    %swap3A_187 = arith.constant 0 : index
    %swap3A_188 = vector.load %arg14[%swap3A, %swap3A_186, %swap3A_187] : memref<1x256x128xf32, #tpu.memory_space<vmem>>, vector<1x256x128xf32>
    %swap3A_189 = vector.shape_cast %swap3A_188 : vector<1x256x128xf32> to vector<256x128xf32>
    %swap3A_190 = vector.shape_cast %add3A_185 : vector<256x128xf32> to vector<1x256x128xf32>
    tpu.vector_store %arg14[%swap3A, %swap3A_186, %swap3A_187], %swap3A_190 {strides = array<i32>} : memref<1x256x128xf32, #tpu.memory_space<vmem>>, vector<1x256x128xf32>,
    return
  }
  func.func @transform_0(%arg0: i32) -> (i32, i32, i32) {
    %c0_i32 = arith.constant 0 : i32
    %c0_i32_0 = arith.constant 0 : i32
    %c0_i32_1 = arith.constant 0 : i32
    return %arg0, %c0_i32, %c0_i32_0 : i32, i32, i32
  }
  func.func @transform_1(%arg0: i32) -> (i32, i32) {
    %c0_i32 = arith.constant 0 : i32
    %c0_i32_0 = arith.constant 0 : i32
    %c0_i32_1 = arith.constant 0 : i32
    return %c0_i32, %c0_i32_0 : i32, i32
  }
  func.func @transform_2(%arg0: i32) -> (i32, i32) {
    %c0_i32 = arith.constant 0 : i32
    %c0_i32_0 = arith.constant 0 : i32
    %c0_i32_1 = arith.constant 0 : i32
    return %c0_i32, %c0_i32_0 : i32, i32
  }
  func.func @transform_3(%arg0: i32) -> (i32, i32) {
    %c0_i32 = arith.constant 0 : i32
    %c0_i32_0 = arith.constant 0 : i32
    %c0_i32_1 = arith.constant 0 : i32
    return %c0_i32, %c0_i32_0 : i32, i32
  }
  func.func @transform_4(%arg0: i32) -> (i32, i32) {
    %c0_i32 = arith.constant 0 : i32
    %c0_i32_0 = arith.constant 0 : i32
    %c0_i32_1 = arith.constant 0 : i32
    return %c0_i32, %c0_i32_0 : i32, i32
  }
  func.func @transform_5(%arg0: i32) -> (i32, i32) {
    %c0_i32 = arith.constant 0 : i32
    %c0_i32_0 = arith.constant 0 : i32
    %c0_i32_1 = arith.constant 0 : i32
    return %c0_i32, %c0_i32_0 : i32, i32
  }
  func.func @transform_6(%arg0: i32) -> (i32, i32) {
    %c0_i32 = arith.constant 0 : i32
    %c0_i32_0 = arith.constant 0 : i32
    %c0_i32_1 = arith.constant 0 : i32
    return %c0_i32, %c0_i32_0 : i32, i32
  }
  func.func @transform_7(%arg0: i32) -> (i32, i32) {
    %c0_i32 = arith.constant 0 : i32
    %c0_i32_0 = arith.constant 0 : i32
    %c0_i32_1 = arith.constant 0 : i32
    return %c0_i32, %c0_i32_0 : i32, i32
  }
  func.func @transform_8(%arg0: i32) -> (i32, i32) {
    %c0_i32 = arith.constant 0 : i32
    %c0_i32_0 = arith.constant 0 : i32
    %c0_i32_1 = arith.constant 0 : i32
    return %c0_i32, %c0_i32_0 : i32, i32
  }
  func.func @transform_9(%arg0: i32) -> (i32, i32) {
    %c0_i32 = arith.constant 0 : i32
    %c0_i32_0 = arith.constant 0 : i32
    %c0_i32_1 = arith.constant 0 : i32
    return %c0_i32, %c0_i32_0 : i32, i32
  }
  func.func @transform_10(%arg0: i32) -> (i32, i32) {
    %c0_i32 = arith.constant 0 : i32
    %c0_i32_0 = arith.constant 0 : i32
    %c0_i32_1 = arith.constant 0 : i32
    return %c0_i32, %c0_i32_0 : i32, i32
  }
  func.func @transform_11(%arg0: i32) -> (i32, i32) {
    %c0_i32 = arith.constant 0 : i32
    %c0_i32_0 = arith.constant 0 : i32
    %c0_i32_1 = arith.constant 0 : i32
    return %c0_i32, %c0_i32_0 : i32, i32
  }
  func.func @transform_12(%arg0: i32) -> (i32, i32) {
    %c0_i32 = arith.constant 0 : i32
    %c0_i32_0 = arith.constant 0 : i32
    %c0_i32_1 = arith.constant 0 : i32
    return %c0_i32, %c0_i32_0 : i32, i32
  }
  func.func @transform_13(%arg0: i32) -> (i32, i32, i32) {
    %c0_i32 = arith.constant 0 : i32
    %c0_i32_0 = arith.constant 0 : i32
    %c0_i32_1 = arith.constant 0 : i32
    return %arg0, %c0_i32, %c0_i32_0 : i32, i32, i32
  }
}

module attributes {stable_mosaic.version = 14 : i64} {
  func.func @body(%arg0: i32, %arg1: memref<256x128xf32, #tpu.memory_space<vmem>>, %arg2: memref<1x1x256xi32, #tpu.memory_space<vmem>>, %arg3: memref<16x128xf32, #tpu.memory_space<vmem>>) attributes {dimension_semantics = [#tpu.dimension_semantics<arbitrary>], iteration_bounds = array<i64: 40>, scalar_prefetch = 0 : i64, scratch_operands = 0 : i64, tpu.core_type = #tpu.core_type<tc>, window_params = [{transform_indices = @transform_0, window_bounds = array<i64: 256, 128>}, {transform_indices = @transform_1, window_bounds = array<i64: 1, 1, 256>}, {pipeline_mode = #tpu.pipeline_mode<synchronous>, transform_indices = @transform_2, window_bounds = array<i64: 16, 128>}]} {
    %eq3A = arith.constant 0 : i32
    %eq3A_0 = arith.cmpi eq, %arg0, %eq3A : i32
    %convert_element_type3A = arith.extui %eq3A_0 : i1 to i32
    %cond3A = arith.constant 0 : i32
    %cond3A_1 = arith.cmpi ne, %convert_element_type3A, %cond3A : i32
    scf.if %cond3A_1 {
      %broadcast_in_dim3A = arith.constant 0.000000e+00 : f32
      %broadcast_in_dim3A_19 = vector.broadcast %broadcast_in_dim3A : f32 to vector<16x128xf32>
      %swap3A_20 = arith.constant 0 : index
      %swap3A_21 = arith.constant 0 : index
      %swap3A_22 = vector.load %arg3[%swap3A_20, %swap3A_21] : memref<16x128xf32, #tpu.memory_space<vmem>>, vector<16x128xf32>
      tpu.vector_store %arg3[%swap3A_20, %swap3A_21], %broadcast_in_dim3A_19 {strides = array<i32>} : memref<16x128xf32, #tpu.memory_space<vmem>>, vector<16x128xf32>,
    } else {
    }
    %get3A = arith.constant 0 : index
    %get3A_2 = arith.constant 0 : index
    %get3A_3 = arith.constant 0 : index
    %get3A_4 = vector.load %arg2[%get3A, %get3A_2, %get3A_3] : memref<1x1x256xi32, #tpu.memory_space<vmem>>, vector<1x1x256xi32>
    %get3A_5 = vector.shape_cast %get3A_4 : vector<1x1x256xi32> to vector<256xi32>
    %reshape3A = vector.shape_cast %get3A_5 : vector<256xi32> to vector<256x1xi32>
    %iota3A = tpu.iota {dimensions = array<i32: 1>} : vector<256x16xi32>
    %eq3A_6 = vector.broadcast %reshape3A : vector<256x1xi32> to vector<256x16xi32>
    %eq3A_7 = arith.cmpi eq, %iota3A, %eq3A_6 : vector<256x16xi32>
    %get3A_8 = arith.constant 0 : index
    %get3A_9 = arith.constant 0 : index
    %get3A_10 = vector.load %arg3[%get3A_8, %get3A_9] : memref<16x128xf32, #tpu.memory_space<vmem>>, vector<16x128xf32>
    %convert_element_type3A_11 = arith.extui %eq3A_7 : vector<256x16xi1> to vector<256x16xi32>
    %convert_element_type3A_12 = arith.sitofp %convert_element_type3A_11 : vector<256x16xi32> to vector<256x16xf32>
    %get3A_13 = arith.constant 0 : index
    %get3A_14 = arith.constant 0 : index
    %get3A_15 = vector.load %arg1[%get3A_13, %get3A_14] : memref<256x128xf32, #tpu.memory_space<vmem>>, vector<256x128xf32>
    %dot_general3A = arith.constant dense<0.000000e+00> : vector<16x128xf32>
    %dot_general3A_16 = tpu.matmul %convert_element_type3A_12, %get3A_15, %dot_general3A {dimension_numbers = #tpu.dot_dimension_numbers<[0], [0], [1], [1], [0, 1, 1, 1], [], []>, precision = #tpu.contract_precision<fp32>, transpose_lhs_hint = false} : vector<256x16xf32>, vector<256x128xf32>, vector<16x128xf32> -> vector<16x128xf32>
    %add3A = arith.addf %get3A_10, %dot_general3A_16 : vector<16x128xf32>
    %swap3A = arith.constant 0 : index
    %swap3A_17 = arith.constant 0 : index
    %swap3A_18 = vector.load %arg3[%swap3A, %swap3A_17] : memref<16x128xf32, #tpu.memory_space<vmem>>, vector<16x128xf32>
    tpu.vector_store %arg3[%swap3A, %swap3A_17], %add3A {strides = array<i32>} : memref<16x128xf32, #tpu.memory_space<vmem>>, vector<16x128xf32>,
    return
  }
  func.func @transform_0(%arg0: i32) -> (i32, i32) {
    %c0_i32 = arith.constant 0 : i32
    %c0_i32_0 = arith.constant 0 : i32
    return %arg0, %c0_i32 : i32, i32
  }
  func.func @transform_1(%arg0: i32) -> (i32, i32, i32) {
    %c0_i32 = arith.constant 0 : i32
    %c0_i32_0 = arith.constant 0 : i32
    %c0_i32_1 = arith.constant 0 : i32
    return %arg0, %c0_i32, %c0_i32_0 : i32, i32, i32
  }
  func.func @transform_2(%arg0: i32) -> (i32, i32) {
    %c0_i32 = arith.constant 0 : i32
    %c0_i32_0 = arith.constant 0 : i32
    %c0_i32_1 = arith.constant 0 : i32
    return %c0_i32, %c0_i32_0 : i32, i32
  }
}

module attributes {stable_mosaic.version = 14 : i64} {
  func.func @body(%arg0: memref<16x256x128xf32, #tpu.memory_space<vmem>>, %arg1: memref<16x128xf32, #tpu.memory_space<vmem>>, %arg2: memref<16x128xf32, #tpu.memory_space<vmem>>, %arg3: memref<128x128xf32, #tpu.memory_space<vmem>>, %arg4: memref<1x128xf32, #tpu.memory_space<vmem>>, %arg5: memref<128x128xf32, #tpu.memory_space<vmem>>, %arg6: memref<1x128xf32, #tpu.memory_space<vmem>>, %arg7: memref<128x128xf32, #tpu.memory_space<vmem>>, %arg8: memref<128x128xf32, #tpu.memory_space<vmem>>, %arg9: memref<1x128xf32, #tpu.memory_space<vmem>>, %arg10: memref<64x128xf32, #tpu.memory_space<vmem>>, %arg11: memref<1x64xf32, #tpu.memory_space<vmem>>, %arg12: memref<128x64xf32, #tpu.memory_space<vmem>>, %arg13: memref<1x128xf32, #tpu.memory_space<vmem>>, %arg14: memref<16x128xf32, #tpu.memory_space<vmem>>) attributes {dimension_semantics = [], scalar_prefetch = 0 : i64, scratch_operands = 0 : i64, tpu.core_type = #tpu.core_type<tc>} {
    %get3A = arith.constant 0 : index
    %get3A_0 = arith.constant 0 : index
    %get3A_1 = arith.constant 0 : index
    %get3A_2 = vector.load %arg0[%get3A, %get3A_0, %get3A_1] : memref<16x256x128xf32, #tpu.memory_space<vmem>>, vector<16x256x128xf32>
    %reduce_sum3A = arith.constant dense<0.000000e+00> : vector<16x128xf32>
    %reduce_sum3A_3 = vector.multi_reduction <add>, %get3A_2, %reduce_sum3A [1] : vector<16x256x128xf32> to vector<16x128xf32>
    %div3A = arith.constant 2.560000e+02 : f32
    %div3A_4 = vector.broadcast %div3A : f32 to vector<16x128xf32>
    %div3A_5 = arith.divf %reduce_sum3A_3, %div3A_4 : vector<16x128xf32>
    %get3A_6 = arith.constant 0 : index
    %get3A_7 = arith.constant 0 : index
    %get3A_8 = vector.load %arg2[%get3A_6, %get3A_7] : memref<16x128xf32, #tpu.memory_space<vmem>>, vector<16x128xf32>
    %get3A_9 = arith.constant 0 : index
    %get3A_10 = arith.constant 0 : index
    %get3A_11 = vector.load %arg3[%get3A_9, %get3A_10] : memref<128x128xf32, #tpu.memory_space<vmem>>, vector<128x128xf32>
    %dot_general3A = arith.constant dense<0.000000e+00> : vector<16x128xf32>
    %dot_general3A_12 = tpu.matmul %get3A_8, %get3A_11, %dot_general3A {dimension_numbers = #tpu.dot_dimension_numbers<[1], [1], [0], [0], [0, 0, 1, 0], [], []>, precision = #tpu.contract_precision<fp32>, transpose_lhs_hint = false} : vector<16x128xf32>, vector<128x128xf32>, vector<16x128xf32> -> vector<16x128xf32>
    %get3A_13 = arith.constant 0 : index
    %get3A_14 = arith.constant 0 : index
    %get3A_15 = vector.load %arg4[%get3A_13, %get3A_14] : memref<1x128xf32, #tpu.memory_space<vmem>>, vector<1x128xf32>
    %add3A = vector.broadcast %get3A_15 : vector<1x128xf32> to vector<16x128xf32>
    %add3A_16 = arith.addf %dot_general3A_12, %add3A : vector<16x128xf32>
    %max3A = arith.constant 0.000000e+00 : f32
    %max3A_17 = vector.broadcast %max3A : f32 to vector<16x128xf32>
    %max3A_18 = arith.maximumf %add3A_16, %max3A_17 : vector<16x128xf32>
    %get3A_19 = arith.constant 0 : index
    %get3A_20 = arith.constant 0 : index
    %get3A_21 = vector.load %arg5[%get3A_19, %get3A_20] : memref<128x128xf32, #tpu.memory_space<vmem>>, vector<128x128xf32>
    %dot_general3A_22 = arith.constant dense<0.000000e+00> : vector<16x128xf32>
    %dot_general3A_23 = tpu.matmul %max3A_18, %get3A_21, %dot_general3A_22 {dimension_numbers = #tpu.dot_dimension_numbers<[1], [1], [0], [0], [0, 0, 1, 0], [], []>, precision = #tpu.contract_precision<fp32>, transpose_lhs_hint = false} : vector<16x128xf32>, vector<128x128xf32>, vector<16x128xf32> -> vector<16x128xf32>
    %get3A_24 = arith.constant 0 : index
    %get3A_25 = arith.constant 0 : index
    %get3A_26 = vector.load %arg6[%get3A_24, %get3A_25] : memref<1x128xf32, #tpu.memory_space<vmem>>, vector<1x128xf32>
    %add3A_27 = vector.broadcast %get3A_26 : vector<1x128xf32> to vector<16x128xf32>
    %add3A_28 = arith.addf %dot_general3A_23, %add3A_27 : vector<16x128xf32>
    %get3A_29 = arith.constant 0 : index
    %get3A_30 = arith.constant 0 : index
    %get3A_31 = vector.load %arg1[%get3A_29, %get3A_30] : memref<16x128xf32, #tpu.memory_space<vmem>>, vector<16x128xf32>
    %add3A_32 = arith.addf %get3A_31, %add3A_28 : vector<16x128xf32>
    %get3A_33 = arith.constant 0 : index
    %get3A_34 = arith.constant 0 : index
    %get3A_35 = vector.load %arg7[%get3A_33, %get3A_34] : memref<128x128xf32, #tpu.memory_space<vmem>>, vector<128x128xf32>
    %dot_general3A_36 = arith.constant dense<0.000000e+00> : vector<16x128xf32>
    %dot_general3A_37 = tpu.matmul %add3A_32, %get3A_35, %dot_general3A_36 {dimension_numbers = #tpu.dot_dimension_numbers<[1], [1], [0], [0], [0, 0, 1, 0], [], []>, precision = #tpu.contract_precision<fp32>, transpose_lhs_hint = false} : vector<16x128xf32>, vector<128x128xf32>, vector<16x128xf32> -> vector<16x128xf32>
    %get3A_38 = arith.constant 0 : index
    %get3A_39 = arith.constant 0 : index
    %get3A_40 = vector.load %arg8[%get3A_38, %get3A_39] : memref<128x128xf32, #tpu.memory_space<vmem>>, vector<128x128xf32>
    %dot_general3A_41 = arith.constant dense<0.000000e+00> : vector<16x128xf32>
    %dot_general3A_42 = tpu.matmul %div3A_5, %get3A_40, %dot_general3A_41 {dimension_numbers = #tpu.dot_dimension_numbers<[1], [1], [0], [0], [0, 0, 1, 0], [], []>, precision = #tpu.contract_precision<fp32>, transpose_lhs_hint = false} : vector<16x128xf32>, vector<128x128xf32>, vector<16x128xf32> -> vector<16x128xf32>
    %add3A_43 = arith.addf %dot_general3A_37, %dot_general3A_42 : vector<16x128xf32>
    %get3A_44 = arith.constant 0 : index
    %get3A_45 = arith.constant 0 : index
    %get3A_46 = vector.load %arg9[%get3A_44, %get3A_45] : memref<1x128xf32, #tpu.memory_space<vmem>>, vector<1x128xf32>
    %add3A_47 = vector.broadcast %get3A_46 : vector<1x128xf32> to vector<16x128xf32>
    %add3A_48 = arith.addf %add3A_43, %add3A_47 : vector<16x128xf32>
    %max3A_49 = arith.constant 0.000000e+00 : f32
    %max3A_50 = vector.broadcast %max3A_49 : f32 to vector<16x128xf32>
    %max3A_51 = arith.maximumf %add3A_48, %max3A_50 : vector<16x128xf32>
    %get3A_52 = arith.constant 0 : index
    %get3A_53 = arith.constant 0 : index
    %get3A_54 = vector.load %arg10[%get3A_52, %get3A_53] : memref<64x128xf32, #tpu.memory_space<vmem>>, vector<64x128xf32>
    %dot_general3A_55 = arith.constant dense<0.000000e+00> : vector<16x64xf32>
    %dot_general3A_56 = tpu.matmul %max3A_51, %get3A_54, %dot_general3A_55 {dimension_numbers = #tpu.dot_dimension_numbers<[1], [1], [0], [0], [0, 0, 1, 0], [], []>, precision = #tpu.contract_precision<fp32>, transpose_lhs_hint = false} : vector<16x128xf32>, vector<64x128xf32>, vector<16x64xf32> -> vector<16x64xf32>
    %get3A_57 = arith.constant 0 : index
    %get3A_58 = arith.constant 0 : index
    %get3A_59 = vector.load %arg11[%get3A_57, %get3A_58] : memref<1x64xf32, #tpu.memory_space<vmem>>, vector<1x64xf32>
    %add3A_60 = vector.broadcast %get3A_59 : vector<1x64xf32> to vector<16x64xf32>
    %add3A_61 = arith.addf %dot_general3A_56, %add3A_60 : vector<16x64xf32>
    %max3A_62 = arith.constant 0.000000e+00 : f32
    %max3A_63 = vector.broadcast %max3A_62 : f32 to vector<16x64xf32>
    %max3A_64 = arith.maximumf %add3A_61, %max3A_63 : vector<16x64xf32>
    %get3A_65 = arith.constant 0 : index
    %get3A_66 = arith.constant 0 : index
    %get3A_67 = vector.load %arg12[%get3A_65, %get3A_66] : memref<128x64xf32, #tpu.memory_space<vmem>>, vector<128x64xf32>
    %dot_general3A_68 = arith.constant dense<0.000000e+00> : vector<16x128xf32>
    %dot_general3A_69 = tpu.matmul %max3A_64, %get3A_67, %dot_general3A_68 {dimension_numbers = #tpu.dot_dimension_numbers<[1], [1], [0], [0], [0, 0, 1, 0], [], []>, precision = #tpu.contract_precision<fp32>, transpose_lhs_hint = false} : vector<16x64xf32>, vector<128x64xf32>, vector<16x128xf32> -> vector<16x128xf32>
    %get3A_70 = arith.constant 0 : index
    %get3A_71 = arith.constant 0 : index
    %get3A_72 = vector.load %arg13[%get3A_70, %get3A_71] : memref<1x128xf32, #tpu.memory_space<vmem>>, vector<1x128xf32>
    %add3A_73 = vector.broadcast %get3A_72 : vector<1x128xf32> to vector<16x128xf32>
    %add3A_74 = arith.addf %dot_general3A_69, %add3A_73 : vector<16x128xf32>
    %swap3A = arith.constant 0 : index
    %swap3A_75 = arith.constant 0 : index
    %swap3A_76 = vector.load %arg14[%swap3A, %swap3A_75] : memref<16x128xf32, #tpu.memory_space<vmem>>, vector<16x128xf32>
    tpu.vector_store %arg14[%swap3A, %swap3A_75], %add3A_74 {strides = array<i32>} : memref<16x128xf32, #tpu.memory_space<vmem>>, vector<16x128xf32>,
    return
  }
}

</mosaic_0001>

<sc_bundles>
// kernel: gather_offload_async_start.1
scs
__scs_entry_jumppad:
0x0: {  	(pc) =	sbr.rel $0x88, $3  }
0x1: {  	(tag) =	ssettag $0x0;
	lr =	simm.s32 $0x1  }
0x2: {  	[smem:$0x3F41] =	sst lr;
	_ =	strace $0xD0000000  }
0x3: {  	_ = 	snop  }
0x4: {  	_ = 	snop  }
0x5: {  	_ = 	snop  }
0x6: {  	_ = 	snop  }
0x7: {  	_ = 	snop  }
__scs_overlays_trampoline_lowered:
0x8: {  	[smem:$0x3F50] =	sst s0  }
0x9: {  	[smem:$0x3F51] =	sst s1  }
0xa: {  	[smem:$0x3F52] =	sst s2  }
0xb: {  	[smem:$0x3F53] =	sst s3  }
0xc: {  	[smem:$0x3F54] =	sst s4  }
0xd: {  	[smem:$0x3F55] =	sst s5  }
0xe: {  	[smem:$0x3F56] =	sst s6  }
0xf: {  	[smem:$0x3F57] =	sst s7  }
0x10: {  	[smem:$0x3F58] =	sst s8  }
0x11: {  	[smem:$0x3F59] =	sst s9;
	s0 =	simm.s32 @!p0 $0x0  }
0x12: {  	s1 =	sld [smem:$0x3F3F];
	s0 =	simm.s32 @p0 $0x1  }
0x13: {  	[smem:$0x3F5A] =	sst s0;
	s0 =	simm.s32 @!p1 $0x0  }
0x14: {  	s2 =	sld [smem:$0x3F3E];
	s0 =	simm.s32 @p1 $0x1  }
0x15: {  	[smem:$0x3F5B] =	sst s0;
	s0 =	simm.s32 @!p2 $0x0  }
0x16: {  	s3 =	sld [smem:$0x3FDB];
	s0 =	simm.s32 @p2 $0x1  }
0x17: {  	s4 =	simm.s32 $0x1BF5;
	[smem:$0x3F5D] =	sst s0  }
0x18: {  	s0 =	sld [smem:$0x3F40];
	_ =	swait.ge [sflag:s4], $0x0  }
0x19: {  	s7 =	sld [smem:$0x3F41]  }
0x1a: {  	s8 =	sadd.s32 $0xFFFFE003, lr  }
0x1b: {  	s9 =	sadd.s32 $0xFFFFFEF7, lr;
	s5 =	simm.s32 $0xFFFFFFFF;
	p2 =	slt.u32 s8, $0xFFFFF086  }
0x1c: {  	p1 =	slt.u32 s9, $0xF7A;
	s5 =	simm.s32 @!p2 $0x0  }
0x1d: {  	s5 =	simm.s32 @p1 $0x1;
	p0 =	seq.s32 s7, s2  }
0x1e: {  	s7 =	smul.u32 @!p0 $0xF7A, s2;
	p2 =	seq.s32 @!p0 s5, $0x0  }
0x1f: {  	s9 =	smul.u32 $0xF7A, s1;
	s8 =	simm.s32 @!p0 $0x1BF5;
	p2 =	por !p2, p0  }
0x20: {  	[sflag:s8] =	ssyncset.s32 @!p0 $0xFFFFF086;
	s6 =	sadd.s32 @!p0 s3, s7;
	s7 =	simm.s32 @!p0 $0x108  }
0x21: {  	s3 =	sadd.s32 s3, s9;
	s6 =	sadd.s32 @!p0 $0x88, s6;
	s7 =	simm.s32 @p2 $0x1082  }
0x22: {  	[simem:s7], [sflag:s8] =	dma.local @!p0 [hbm:s6], $0xF7A  }
0x23: {  	s9 =	sor.u32 $0xD0000000, s2;
	s6 =	simm.s32 $0x108;
	_ =	swait.ge @!p0 [sflag:s8], $0x0  }
0x24: {  	s3 =	sadd.s32 $0x88, s3;
	s6 =	simm.s32 @!p1 $0x1082;
	[sflag:s4] =	ssyncset.s32 $0xFFFFF086  }
0x25: {  	[simem:s6], [sflag:s4] =	dma.local [hbm:s3], $0xF7A  }
0x26: {  	[smem:$0x3F41] =	sst s1;
	(tag) =	ssettag s2;
	_ =	strace s9  }
0x27: {  	s1 =	sld [smem:$0x3F51]  }
0x28: {  	s2 =	sld [smem:$0x3F52]  }
0x29: {  	s4 =	sld [smem:$0x3F54]  }
0x2a: {  	p0 =	seq.s32 s5, $0x0;
	s5 =	sld [smem:$0x3F55]  }
0x2b: {  	s6 =	sld [smem:$0x3F56]  }
0x2c: {  	s7 =	sld [smem:$0x3F57]  }
0x2d: {  	s3 =	simm.s32 $0x108;
	s8 =	sld [smem:$0x3F58]  }
0x2e: {  	s3 =	simm.s32 @!p0 $0x1082;
	s9 =	sld [smem:$0x3F59]  }
0x2f: {  	lr =	sadd.s32 s0, s3;
	s0 =	sld [smem:$0x3F50]  }
0x30: {  	s3 =	sld [smem:$0x3F53]  }
0x31: {  	[smem:$0x3F5C] =	sst s10  }
0x32: {  	s10 =	sld [smem:$0x3F5A];
	_ =	sdelay $0x3  }
0x33: {  	p0 =	seq.s32 s10, $0x1;
	s10 =	sld [smem:$0x3F5C];
	_ =	sdelay $0x3  }
0x34: {  	[smem:$0x3F5C] =	sst s10  }
0x35: {  	s10 =	sld [smem:$0x3F5B];
	_ =	sdelay $0x3  }
0x36: {  	p1 =	seq.s32 s10, $0x1;
	s10 =	sld [smem:$0x3F5C];
	_ =	sdelay $0x3  }
0x37: {  	[smem:$0x3F5C] =	sst s10  }
0x38: {  	s10 =	sld [smem:$0x3F5D]  }
0x39: {  	_ = 	snop;
	(pc) =	sbr.ind lr, $3  }
0x3a: {  	_ = 	snop  }
0x3b: {  	_ = 	snop  }
0x3c: {  	p2 =	seq.s32 s10, $0x1;
	s10 =	sld [smem:$0x3F5C]  }
0x3d: {  	_ =	shalt  }
0x3e: {  	_ =	shalt  }
0x3f: {  	_ =	shalt  }
0x40: {  	_ =	shalt  }
0x41: {  	_ =	shalt  }
0x42: {  	_ =	shalt  }
0x43: {  	_ =	shalt  }
0x44: {  	_ =	shalt  }
0x45: {  	_ =	shalt  }
0x46: {  	_ =	shalt  }
0x47: {  	_ =	shalt  }
0x48: {  	_ =	shalt  }
0x49: {  	_ =	shalt  }
0x4a: {  	_ =	shalt  }
0x4b: {  	_ =	shalt  }
0x4c: {  	_ =	shalt  }
0x4d: {  	_ =	shalt  }
0x4e: {  	_ =	shalt  }
0x4f: {  	_ =	shalt  }
0x50: {  	_ =	shalt  }
0x51: {  	_ =	shalt  }
0x52: {  	_ =	shalt  }
0x53: {  	_ =	shalt  }
0x54: {  	_ =	shalt  }
0x55: {  	_ =	shalt  }
0x56: {  	_ =	shalt  }
0x57: {  	_ =	shalt  }
0x58: {  	_ =	shalt  }
0x59: {  	_ =	shalt  }
0x5a: {  	_ =	shalt  }
0x5b: {  	_ =	shalt  }
0x5c: {  	_ =	shalt  }
0x5d: {  	_ =	shalt  }
0x5e: {  	_ =	shalt  }
0x5f: {  	_ =	shalt  }
0x60: {  	_ =	shalt  }
0x61: {  	_ =	shalt  }
0x62: {  	_ =	shalt  }
0x63: {  	_ =	shalt  }
0x64: {  	_ =	shalt  }
0x65: {  	_ =	shalt  }
0x66: {  	_ =	shalt  }
0x67: {  	_ =	shalt  }
0x68: {  	_ =	shalt  }
0x69: {  	_ =	shalt  }
0x6a: {  	_ =	shalt  }
0x6b: {  	_ =	shalt  }
0x6c: {  	_ =	shalt  }
0x6d: {  	_ =	shalt  }
0x6e: {  	_ =	shalt  }
0x6f: {  	_ =	shalt  }
0x70: {  	_ =	shalt  }
0x71: {  	_ =	shalt  }
0x72: {  	_ =	shalt  }
0x73: {  	_ =	shalt  }
0x74: {  	_ =	shalt  }
0x75: {  	_ =	shalt  }
0x76: {  	_ =	shalt  }
0x77: {  	_ =	shalt  }
0x78: {  	_ =	shalt  }
0x79: {  	_ =	shalt  }
0x7a: {  	_ =	shalt  }
0x7b: {  	_ =	shalt  }
0x7c: {  	_ =	shalt  }
0x7d: {  	_ =	shalt  }
0x7e: {  	_ =	shalt  }
0x7f: {  	_ =	shalt  }
0x80: {  	_ =	shalt  }
0x81: {  	_ =	shalt  }
0x82: {  	_ =	shalt  }
0x83: {  	_ =	shalt  }
0x84: {  	_ =	shalt  }
0x85: {  	_ =	shalt  }
0x86: {  	_ =	shalt  }
0x87: {  	_ =	shalt  }
.Lfunc_end0:
.L_simem_size_0:
called_computation.1_lowered:
.L_overlay_start_0:
0x88: {  	s2 =	sld [smem:$0x3FD9]  }
0x89: {  	s3 =	sld [smem:$0x3FFE];
	_ =	sdelay $0x1  }
0x8a: {  	s1 =	srdreg.scid  }
0x8b: {  	s0 =	sand.u32 $0x1, s1  }
0x8c: {  	s17 =	sshll.u32 s0, $0xA;
	s2 =	sadd.s32 s3, s2  }
0x8d: {  	s2 =	sadd.s32 s2, s17  }
0x8e: {  	[smem:$0x3F68] =	sst s2  }
0x8f: {  	_ = 	snop  }
0x90: {  	(tm) =	ssettm $0x1  }
0x91: {  	s18 =	sld [smem:$0x3FFB];
	_ =	sdelay $0x3  }
0x92: {  	_ =	strace s18  }
0x93: {  	s2 =	sld [smem:$0x3FFC];
	_ =	sdelay $0x3  }
0x94: {  	_ =	strace s2  }
0x95: {  	s2 =	sld [smem:$0x3FFD];
	_ =	sdelay $0x3  }
0x96: {  	_ =	strace s2  }
0x97: {  	_ =	strace $0x8FFFFFFF  }
0x98: {  	s19 =	sld [smem:$0x3FDB];
	_ =	sdelay $0x1  }
0x99: {  	s20 =	simm.s32 $_scs_section_size  }
0x9a: {  	s4 =	simm.s32 $_size__tile_overlayer_lowered;
	s5 =	simm.s32 $_tile_overlayer_lowered  }
0x9b: {  	s6 =	simm.s32 $0x1BFF;
	s21 =	sshll.u32 s5, $0x1;
	s3 =	sadd.s32 s20, s19  }
0x9c: {  	s22 =	simm.s32 $0x0;
	s4 =	sshll.u32 s4, $0x1;
	s5 =	sadd.s32 s21, s3  }
0x9d: {  	[timem:s22], [sflag:s6] =	dma.local [hbm:s5], s4  }
0x9e: {  	_ =	swait.ge [sflag:s6], s4  }
0x9f: {  	s4 =	ssub.s32 $0x0, s4;
	[sflag:s6] =	ssyncset.done $0x0  }
0xa0: {  	[sflag:s6] =	ssyncadd.s32 s4;
	_ =	sdelay $0x1  }
0xa1: {  	s23 =	simm.s32 $0x1B8B  }
0xa2: {  	_ =	swait.ge [sflag:s23], $0x1  }
0xa3: {  	[sflag:s23] =	ssyncset.done $0x0  }
0xa4: {  	[sflag:s23] =	ssyncadd.s32 $0xFFFFFFFF  }
0xa5: {  	s4 =	sld [smem:$0x0]  }
0xa6: {  	s5 =	sand.u32 $0xFFFFFFFE, s1  }
0xa7: {  	p0 =	sne.s32 s1, s5  }
0xa8: {  	s5 =	sshll.u32 @p0 s5, $0xE  }
0xa9: {  	s5 =	sadd.s32 @p0 $0x11B8D, s5;
	s6 =	sshll.u32 @p0 s4, $0x11  }
0xaa: {  	s5 =	sor.u32 @p0 s6, s5  }
0xab: {  	[sflag:s5] =	ssyncadd.remote.s32 @p0 $0x1;
	_ =	sdelay $0x1  }
0xac: {  	s5 =	simm.s32 @p0 $0x1B8D  }
0xad: {  	_ =	swait.eq @p0 [sflag:s5], $0x1  }
0xae: {  	[sflag:s5] =	ssyncadd.s32 @p0 $0xFFFFFFFF  }
0xaf: {  	s6 =	sshll.u32 @!p0 s1, $0xE  }
0xb0: {  	s6 =	sor.u32 @!p0 $0x4000, s6;
	s5 =	simm.s32 @!p0 $0x1B8D  }
0xb1: {  	s4 =	sshll.u32 @!p0 s4, $0x11;
	s6 =	sadd.s32 @!p0 $0x11B8D, s6;
	_ =	swait.eq @!p0 [sflag:s5], $0x1  }
0xb2: {  	s4 =	sor.u32 @!p0 s4, s6;
	[sflag:s5] =	ssyncadd.s32 @!p0 $0xFFFFFFFF  }
0xb3: {  	s25 =	simm.s32 $0x1B8E;
	s24 =	sld [smem:$0x3FFE];
	[sflag:s4] =	ssyncadd.remote.s32 @!p0 $0x1  }
0xb4: {  	s26 =	simm.s32 $execute0_lowered;
	[smem:$0x3FD2] =	sst s25  }
0xb5: {  	s5 =	sshll.u32 s26, $0x1;
	_ =	strace $0x80000049;
	[dreg:$0x1] =	wrdreg $0xFFFFFFFF  }
0xb6: {  	s28 =	simm.s32 $_size_execute0_lowered;
	s3 =	sadd.s32 s3, s5;
	[dreg:$0x0] =	wrdreg $0x0  }
0xb7: {  	s5 =	sshll.u32 s28, $0x1;
	[dreg:$0x2] =	wrdreg s3  }
0xb8: {  	[dreg:$0x3] =	wrdreg s5  }
0xb9: {  	[dreg:$0x4] =	wrdreg $0xC0  }
0xba: {  	_ =	task [dreg:s22], $0x5FFFF  }
0xbb: {  	[dreg:$0x1] =	wrdreg $0xFFFFFFFF  }
0xbc: {  	[dreg:$0x0] =	wrdreg $0x60  }
0xbd: {  	[dreg:$0x2] =	wrdreg s24  }
0xbe: {  	[dreg:$0x3] =	wrdreg $0xA  }
0xbf: {  	_ =	task.clear_ibuf [dreg:s22], $0x4FFFF;
	_ =	strace $0x90000049  }
0xc0: {  	s29 =	simm.s32 $0xA;
	_ =	strace $0x8000004B  }
0xc1: {  	_ =	swait.ge [sflag:s29], $0x1  }
0xc2: {  	[sflag:s29] =	ssyncadd.s32 $0xFFFFFFFF  }
0xc3: {  	_ =	strace $0x9000004B  }
0xc4: {  	_ =	sfence  }
0xc5: {  	s30 =	sld [smem:$0x0];
	_ =	sdelay $0x2  }
0xc6: {  	s31 =	sshll.u32 s1, $0xD;
	s1 =	sshrl.u32 s1, $0x2  }
0xc7: {  	s4 =	sand.u32 $0x4000, s31;
	s1 =	sadd.s32 s1, s30  }
0xc8: {  	s0 =	sor.u32 s4, s0;
	s1 =	sshll.u32 s1, $0x11  }
0xc9: {  	s0 =	sor.u32 s1, s0  }
0xca: {  	s0 =	sadd.s32 $0x8F2B, s0  }
0xcb: {  	[sflag:s0] =	ssyncadd.remote.s32 $0x1  }
0xcc: {  	_ =	sfence.sel $0xFFFF  }
0xcd: {  	[dreg:$0x0] =	wrdreg $0xFFFFFFFF;
	(pc) =	sbr.abs _section_cstart, $3  }
0xce: {  	[dreg:$0x1] =	wrdreg $0xFFFFFFFF  }
0xcf: {  	_ =	task.clear_ibuf [dreg:s22], $0x2FFFF;
	_ =	strace $0x9FFFFFFF  }
0xd0: {  	(tm) =	ssettm $0x7FFFFFFF  }
0xd1: {  	_ =	shalt  }
tec
execute0_lowered:
.L_overlay_start_1:
0x0: {  	(tag) =	ssettag $0x1  }
0x1: {  	s8 =	rddreg [dreg:$0x0]  }
0x2: {  	s0 =	rddreg [dreg:$0x1];
	_ =	strace $0x8000004A;
	s1 =	stileid.u32  }
0x3: {  	s3 =	srdreg.scid;
	s4 =	simm.s32 $0x1;
	s7 =	simm.s32 $0x1  }
0x4: {  	s9 =	simm.s32 $0x1;
	s10 =	simm.s32 $0x3;
	s13 =	simm.s32 $0x0  }
0x5: {  	s12 =	simm.s32 $0x0;
	s5 =	sand.u32 $0x1, s3;
	s6 =	sshll.u32 s1, $0x1  }
0x6: {  	s2 =	sadd.s32 $0x1E000, s8;
	s3 =	sadd.s32 $0x31C00, s8;
	s5 =	sor.u32 s6, s5  }
.Ltmp0:
0x7: {  	[sflag:s4] =	ssyncpa.u1 $0x0;
	p0 =	slt.u32 s5, $0x9;
	(pc) =	sbr.rel .LBB2_1-.Ltmp0, $4  }
0x8: {  	s6 =	simm.s32 $0x2;
	s7 =	simm.s32 @!p0 $0x0;
	p0 =	sne.s32 s5, $0x8  }
0x9: {  	[sflag:s6] =	ssyncpa.u1 $0x0;
	s5 =	smul.u32 $0x1F40, s5;
	s9 =	simm.s32 @!p0 $0x0  }
0xa: {  	s8 =	sadd.s32 $0x3BA00, s8;
	[sflag:s10] =	ssyncpa.u1 $0x0;
	s7 =	sadd.s32 s9, s7  }
0xb: {  	vm0 =	vmmov $0xffff;
	s10 =	simm.s32 $0x0;
	s11 =	smov.u32 s5;
	s9 =	sadd.s32 $0x1, s7  }
.LBB2_4:
0xc: {  	v2 =	vnsel vm1, $0x0, v2  }
0xd: {  	vm1 =	vgt.s32 v0, $0x0;
	v2 =	vmin.u32 v2, $0x4E1FF  }
0xe: {  	v0 =	vnsel vm1, $0x0, v0  }
0xf: {  	v0 =	vmin.u32 v0, $0x4E1FF  }
0x10: {  	[tilespmem:s18], [sflag:$0x1] =	stream.indirect_vreg.gather [hbm4b:s2+s10], $0x1, v1, vm0, $0x4038;
	[tilespmem:$0x7D00] =	vst v63  }
0x11: {  	(ifvalue) =	ssetifvalue $0x7FFFFFFF  }
0x12: {  	[tilespmem:s15], [sflag:$0x1] =	stream.indirect_vreg.gather [hbm4b:s2+s10], $0x1, v2, vm0, $0x4038;
	[tilespmem:$0x7D00] =	vst v63  }
0x13: {  	s29 =	sadd.s32 $0x10, s15;
	(ifvalue) =	ssetifvalue $0x7FFFFFFF  }
0x14: {  	[tilespmem:s29], [sflag:$0x1] =	stream.indirect_vreg.gather [hbm4b:s2+s10], $0x1, v0, vm0, $0x4038;
	[tilespmem:$0x7D00] =	vst v63  }
0x15: {  	_ =	swait.ge [sflag:s4], $0x1F40  }
0x16: {  	s30 =	sshrl.u32 s13, $0x3;
	[sflag:s4] =	ssyncset.done $0x0  }
0x17: {  	s31 =	sand.u32 $0x7, s13;
	s15 =	sadd.s32 s8, s30;
	[sflag:s4] =	ssyncadd.s32 $0xFFFFE0C0  }
0x18: {  	[hbm4b:s15+s31] =	stream.linear.scatter [tilespmem:s14], [sflag:$0x3], $0x1F40, $0x38;
	[tilespmem:$0x7D00] =	vst v63  }
.LBB2_5:
0x19: {  	s15 =	sadd.s32 $0x3E800, s11  }
0x1a: {  	p1 =	sgt.s32 s15, $0x4E1FF  }
0x1b: {  	s15 =	smov.u32 @p1 s5;
	p1 =	sne.s32 s12, s9  }
.Ltmp1:
0x1c: {  	p0 =	slt.u32 s12, $0x2;
	(pc) =	sbr.rel @!p1 .LBB2_6-.Ltmp1, $4  }
0x1d: {  	s14 =	simm.s32 @!p0 $0x3  }
0x1e: {  	_ =	swait.ge @!p0 [sflag:s14], $0x1F40  }
0x1f: {  	s16 =	sadd.s32 $0x1, s12;
	s13 =	smov.u32 s11;
	[sflag:s14] =	ssyncset.done @!p0 $0x0  }
0x20: {  	s12 =	smov.u32 s16;
	s11 =	smov.u32 s15;
	[sflag:s14] =	ssyncadd.s32 @!p0 $0xFFFFE0C0  }
.LBB2_1:
0x21: {  	p0 =	sge.u32 s12, s7  }
0x22: {  	s14 =	sxor.u32 @!p0 $0x1, s12  }
0x23: {  	s14 =	smul.u32 @!p0 $0x7D00, s14  }
0x24: {  	s31 =	sadd.s32 $0xFFFFFFFF, s12;
	s15 =	sshrl.u32 @!p0 s11, $0x3  }
0x25: {  	s16 =	sand.u32 @!p0 $0x7, s11;
	s15 =	sadd.s32 @!p0 s3, s15;
	s14 =	sshra.s32 @!p0 s14, $0x2  }
0x26: {  	[tilespmem:s14], [sflag:$0x2] =	stream.linear.gather @!p0 [hbm4b:s15+s16], $0x1F40, $0x38;
	[tilespmem:$0x7D00] =	vst v63  }
0x27: {  	p0 =	sge.u32 s31, s7  }
.Ltmp2:
0x28: {  	_ = 	snop;
	(pc) =	sbr.rel @p0 .LBB2_5-.Ltmp2, $1  }
0x29: {  	_ =	sdelay $0x3  }
0x2a: {  	s14 =	sand.u32 $0x1, s12  }
0x2b: {  	_ =	swait.ge [sflag:s6], $0x1F40;
	p0 =	seq.s32 s14, $0x1;
	s14 =	simm.s32 $0x1F40  }
0x2c: {  	[sflag:s6] =	ssyncset.done $0x0;
	s14 =	simm.s32 @!p0 $0x0  }
0x2d: {  	[sflag:s6] =	ssyncadd.s32 $0xFFFFE0C0;
	(ifvalue) =	ssetifvalue $0x7FFFFFFF;
	v0 =	vld.msk [tilespmem:s14+$0x0 ss:$0x1], $0xffff;
	_ =	sdelay $0x4  }
0x2e: {  	s15 =	sadd.s32 $0x10, s14;
	vm1 =	vgt.s32 v0, $0x0  }
0x2f: {  	v2 =	vld.msk [tilespmem:s15+$0x0 ss:$0x1], $0xffff;
	v1 =	vnsel vm1, $0x0, v0  }
0x30: {  	v1 =	vmin.u32 v1, $0x4E1FF;
	_ =	sdelay $0x2  }
0x31: {  	s17 =	simm.s32 $0x20;
	s14 =	sadd.s32 $0x3E80, s14;
	s16 =	sadd.s32 $0x10, s15  }
0x32: {  	s15 =	sadd.s32 $0x10, s14;
	s18 =	smov.u32 s14;
	v0 =	vld.msk [tilespmem:s16+$0x0 ss:$0x1], $0xffff;
	vm1 =	vgt.s32 v2, $0x0;
	(ifvalue) =	ssetifvalue $0x7FFFFFFF  }
.LBB2_3:
0x33: {  	[tilespmem:s18], [sflag:$0x1] =	stream.indirect_vreg.gather [hbm4b:s2+s10], $0x1, v1, vm0, $0x4038;
	[tilespmem:$0x7D00] =	vst v63  }
0x34: {  	s17 =	sadd.s32 $0x10, s17  }
0x35: {  	v2 =	vnsel vm1, $0x0, v2;
	p0 =	slt.u32 s17, $0x1F30  }
.Ltmp3:
0x36: {  	s18 =	smov.u32 s15;
	v1 =	vmin.u32 v2, $0x4E1FF;
	(pc) =	sbr.rel @p0 .LBB2_3-.Ltmp3, $3  }
0x37: {  	_ =	sdelay $0x1  }
0x38: {  	s16 =	sadd.s32 $0x10, s16  }
0x39: {  	vm1 =	vgt.s32 v0, $0x0;
	s15 =	sadd.s32 $0x10, s15;
	v2 =	vmov v0;
	(ifvalue) =	ssetifvalue $0x7FFFFFFF;
	v0 =	vld.msk [tilespmem:s16+$0x0 ss:$0x1], $0xffff  }
.Ltmp4:
0x3a: {  	_ = 	snop;
	(pc) =	sbr.rel .LBB2_4-.Ltmp4, $1  }
0x3b: {  	_ =	sdelay $0x3  }
.LBB2_6:
0x3c: {  	_ =	sfence.sel $0x180000  }
0x3d: {  	s2 =	simm.s32 $0x2;
	[bflag:$0x0] =	sbarrier.arrive $0xFFFF  }
0x3e: {  	s30 =	simm.s32 $0x3;
	[sflag:s2] =	ssyncpa.u1 $0x1  }
0x3f: {  	s31 =	simm.s32 $0x1;
	[sflag:s30] =	ssyncpa.u1 $0x1  }
0x40: {  	[sflag:s31] =	ssyncpa.u1 $0x1  }
0x41: {  	p0 =	sne.s32 s1, $0x0;
	_ =	strace $0x9000004A  }
0x42: {  	s0 =	sadd.s32 @!p0 $0x100000, s0;
	[bflag:$0x2] =	sbarrier.arrive $0xFFFF  }
0x43: {  	[sflag:s0] =	ssyncadd.tile.s32 @!p0 $0x1;
	_ =	shalt  }
.Lfunc_end2:
_tile_overlayer_lowered:
.L_overlay_start_2:
0x44: {  	(tag) =	ssettag $0x2  }
0x45: {  	s0 =	rddreg [dreg:$0x0];
	s2 =	stileid.u32  }
0x46: {  	s1 =	rddreg [dreg:$0x1];
	p0 =	sne.s32 s2, $0x0  }
0x47: {  	s3 =	rddreg [dreg:$0x2];
	[bflag:$0x3] =	sbarrier.arrive $0xFFFF;
	s2 =	simm.s32 @!p0 $0x1C01  }
0x48: {  	[timem:s3], [sflag:s2] =	dma.local @!p0 [hbm:s0], s1  }
0x49: {  	s0 =	simm.s32 @!p0 $0x1  }
0x4a: {  	_ =	swait.ge @!p0 [sflag:s0], s1  }
0x4b: {  	s1 =	ssub.s32 @!p0 $0x0, s1;
	[sflag:s0] =	ssyncset.done @!p0 $0x0  }
0x4c: {  	[sflag:s0] =	ssyncadd.s32 @!p0 s1  }
0x4d: {  	[bflag:$0x3] =	sbarrier.arrive $0xFFFF  }
0x4e: {  	_ =	shalt  }

// kernel: gather_offload_async_start
scs
__scs_entry_jumppad:
0x0: {  	(pc) =	sbr.rel $0x88, $3  }
0x1: {  	(tag) =	ssettag $0x0;
	lr =	simm.s32 $0x1  }
0x2: {  	[smem:$0x3F41] =	sst lr;
	_ =	strace $0xD0000000  }
0x3: {  	_ = 	snop  }
0x4: {  	_ = 	snop  }
0x5: {  	_ = 	snop  }
0x6: {  	_ = 	snop  }
0x7: {  	_ = 	snop  }
__scs_overlays_trampoline_lowered:
0x8: {  	[smem:$0x3F50] =	sst s0  }
0x9: {  	[smem:$0x3F51] =	sst s1  }
0xa: {  	[smem:$0x3F52] =	sst s2  }
0xb: {  	[smem:$0x3F53] =	sst s3  }
0xc: {  	[smem:$0x3F54] =	sst s4  }
0xd: {  	[smem:$0x3F55] =	sst s5  }
0xe: {  	[smem:$0x3F56] =	sst s6  }
0xf: {  	[smem:$0x3F57] =	sst s7  }
0x10: {  	[smem:$0x3F58] =	sst s8  }
0x11: {  	[smem:$0x3F59] =	sst s9;
	s0 =	simm.s32 @!p0 $0x0  }
0x12: {  	s1 =	sld [smem:$0x3F3F];
	s0 =	simm.s32 @p0 $0x1  }
0x13: {  	[smem:$0x3F5A] =	sst s0;
	s0 =	simm.s32 @!p1 $0x0  }
0x14: {  	s2 =	sld [smem:$0x3F3E];
	s0 =	simm.s32 @p1 $0x1  }
0x15: {  	[smem:$0x3F5B] =	sst s0;
	s0 =	simm.s32 @!p2 $0x0  }
0x16: {  	s3 =	sld [smem:$0x3FDB];
	s0 =	simm.s32 @p2 $0x1  }
0x17: {  	s4 =	simm.s32 $0x1BF5;
	[smem:$0x3F5D] =	sst s0  }
0x18: {  	s0 =	sld [smem:$0x3F40];
	_ =	swait.ge [sflag:s4], $0x0  }
0x19: {  	s7 =	sld [smem:$0x3F41]  }
0x1a: {  	s8 =	sadd.s32 $0xFFFFE003, lr  }
0x1b: {  	s9 =	sadd.s32 $0xFFFFFEF7, lr;
	s5 =	simm.s32 $0xFFFFFFFF;
	p2 =	slt.u32 s8, $0xFFFFF086  }
0x1c: {  	p1 =	slt.u32 s9, $0xF7A;
	s5 =	simm.s32 @!p2 $0x0  }
0x1d: {  	s5 =	simm.s32 @p1 $0x1;
	p0 =	seq.s32 s7, s2  }
0x1e: {  	s7 =	smul.u32 @!p0 $0xF7A, s2;
	p2 =	seq.s32 @!p0 s5, $0x0  }
0x1f: {  	s9 =	smul.u32 $0xF7A, s1;
	s8 =	simm.s32 @!p0 $0x1BF5;
	p2 =	por !p2, p0  }
0x20: {  	[sflag:s8] =	ssyncset.s32 @!p0 $0xFFFFF086;
	s6 =	sadd.s32 @!p0 s3, s7;
	s7 =	simm.s32 @!p0 $0x108  }
0x21: {  	s3 =	sadd.s32 s3, s9;
	s6 =	sadd.s32 @!p0 $0x88, s6;
	s7 =	simm.s32 @p2 $0x1082  }
0x22: {  	[simem:s7], [sflag:s8] =	dma.local @!p0 [hbm:s6], $0xF7A  }
0x23: {  	s9 =	sor.u32 $0xD0000000, s2;
	s6 =	simm.s32 $0x108;
	_ =	swait.ge @!p0 [sflag:s8], $0x0  }
0x24: {  	s3 =	sadd.s32 $0x88, s3;
	s6 =	simm.s32 @!p1 $0x1082;
	[sflag:s4] =	ssyncset.s32 $0xFFFFF086  }
0x25: {  	[simem:s6], [sflag:s4] =	dma.local [hbm:s3], $0xF7A  }
0x26: {  	[smem:$0x3F41] =	sst s1;
	(tag) =	ssettag s2;
	_ =	strace s9  }
0x27: {  	s1 =	sld [smem:$0x3F51]  }
0x28: {  	s2 =	sld [smem:$0x3F52]  }
0x29: {  	s4 =	sld [smem:$0x3F54]  }
0x2a: {  	p0 =	seq.s32 s5, $0x0;
	s5 =	sld [smem:$0x3F55]  }
0x2b: {  	s6 =	sld [smem:$0x3F56]  }
0x2c: {  	s7 =	sld [smem:$0x3F57]  }
0x2d: {  	s3 =	simm.s32 $0x108;
	s8 =	sld [smem:$0x3F58]  }
0x2e: {  	s3 =	simm.s32 @!p0 $0x1082;
	s9 =	sld [smem:$0x3F59]  }
0x2f: {  	lr =	sadd.s32 s0, s3;
	s0 =	sld [smem:$0x3F50]  }
0x30: {  	s3 =	sld [smem:$0x3F53]  }
0x31: {  	[smem:$0x3F5C] =	sst s10  }
0x32: {  	s10 =	sld [smem:$0x3F5A];
	_ =	sdelay $0x3  }
0x33: {  	p0 =	seq.s32 s10, $0x1;
	s10 =	sld [smem:$0x3F5C];
	_ =	sdelay $0x3  }
0x34: {  	[smem:$0x3F5C] =	sst s10  }
0x35: {  	s10 =	sld [smem:$0x3F5B];
	_ =	sdelay $0x3  }
0x36: {  	p1 =	seq.s32 s10, $0x1;
	s10 =	sld [smem:$0x3F5C];
	_ =	sdelay $0x3  }
0x37: {  	[smem:$0x3F5C] =	sst s10  }
0x38: {  	s10 =	sld [smem:$0x3F5D]  }
0x39: {  	_ = 	snop;
	(pc) =	sbr.ind lr, $3  }
0x3a: {  	_ = 	snop  }
0x3b: {  	_ = 	snop  }
0x3c: {  	p2 =	seq.s32 s10, $0x1;
	s10 =	sld [smem:$0x3F5C]  }
0x3d: {  	_ =	shalt  }
0x3e: {  	_ =	shalt  }
0x3f: {  	_ =	shalt  }
0x40: {  	_ =	shalt  }
0x41: {  	_ =	shalt  }
0x42: {  	_ =	shalt  }
0x43: {  	_ =	shalt  }
0x44: {  	_ =	shalt  }
0x45: {  	_ =	shalt  }
0x46: {  	_ =	shalt  }
0x47: {  	_ =	shalt  }
0x48: {  	_ =	shalt  }
0x49: {  	_ =	shalt  }
0x4a: {  	_ =	shalt  }
0x4b: {  	_ =	shalt  }
0x4c: {  	_ =	shalt  }
0x4d: {  	_ =	shalt  }
0x4e: {  	_ =	shalt  }
0x4f: {  	_ =	shalt  }
0x50: {  	_ =	shalt  }
0x51: {  	_ =	shalt  }
0x52: {  	_ =	shalt  }
0x53: {  	_ =	shalt  }
0x54: {  	_ =	shalt  }
0x55: {  	_ =	shalt  }
0x56: {  	_ =	shalt  }
0x57: {  	_ =	shalt  }
0x58: {  	_ =	shalt  }
0x59: {  	_ =	shalt  }
0x5a: {  	_ =	shalt  }
0x5b: {  	_ =	shalt  }
0x5c: {  	_ =	shalt  }
0x5d: {  	_ =	shalt  }
0x5e: {  	_ =	shalt  }
0x5f: {  	_ =	shalt  }
0x60: {  	_ =	shalt  }
0x61: {  	_ =	shalt  }
0x62: {  	_ =	shalt  }
0x63: {  	_ =	shalt  }
0x64: {  	_ =	shalt  }
0x65: {  	_ =	shalt  }
0x66: {  	_ =	shalt  }
0x67: {  	_ =	shalt  }
0x68: {  	_ =	shalt  }
0x69: {  	_ =	shalt  }
0x6a: {  	_ =	shalt  }
0x6b: {  	_ =	shalt  }
0x6c: {  	_ =	shalt  }
0x6d: {  	_ =	shalt  }
0x6e: {  	_ =	shalt  }
0x6f: {  	_ =	shalt  }
0x70: {  	_ =	shalt  }
0x71: {  	_ =	shalt  }
0x72: {  	_ =	shalt  }
0x73: {  	_ =	shalt  }
0x74: {  	_ =	shalt  }
0x75: {  	_ =	shalt  }
0x76: {  	_ =	shalt  }
0x77: {  	_ =	shalt  }
0x78: {  	_ =	shalt  }
0x79: {  	_ =	shalt  }
0x7a: {  	_ =	shalt  }
0x7b: {  	_ =	shalt  }
0x7c: {  	_ =	shalt  }
0x7d: {  	_ =	shalt  }
0x7e: {  	_ =	shalt  }
0x7f: {  	_ =	shalt  }
0x80: {  	_ =	shalt  }
0x81: {  	_ =	shalt  }
0x82: {  	_ =	shalt  }
0x83: {  	_ =	shalt  }
0x84: {  	_ =	shalt  }
0x85: {  	_ =	shalt  }
0x86: {  	_ =	shalt  }
0x87: {  	_ =	shalt  }
.Lfunc_end0:
.L_simem_size_0:
called_computation_lowered:
.L_overlay_start_0:
0x88: {  	s2 =	sld [smem:$0x3FD9]  }
0x89: {  	s3 =	sld [smem:$0x3FFE];
	_ =	sdelay $0x1  }
0x8a: {  	s1 =	srdreg.scid  }
0x8b: {  	s0 =	sand.u32 $0x1, s1  }
0x8c: {  	s16 =	sshll.u32 s0, $0xA;
	s2 =	sadd.s32 s3, s2  }
0x8d: {  	s2 =	sadd.s32 s2, s16  }
0x8e: {  	[smem:$0x3F68] =	sst s2  }
0x8f: {  	_ = 	snop  }
0x90: {  	(tm) =	ssettm $0x1  }
0x91: {  	s17 =	sld [smem:$0x3FFB];
	_ =	sdelay $0x3  }
0x92: {  	_ =	strace s17  }
0x93: {  	s2 =	sld [smem:$0x3FFC];
	_ =	sdelay $0x3  }
0x94: {  	_ =	strace s2  }
0x95: {  	s2 =	sld [smem:$0x3FFD];
	_ =	sdelay $0x3  }
0x96: {  	_ =	strace s2  }
0x97: {  	_ =	strace $0x8FFFFFFF  }
0x98: {  	s18 =	sld [smem:$0x3FDB];
	_ =	sdelay $0x1  }
0x99: {  	s19 =	simm.s32 $_scs_section_size  }
0x9a: {  	s4 =	simm.s32 $_size__tile_overlayer_lowered;
	s5 =	simm.s32 $_tile_overlayer_lowered  }
0x9b: {  	s22 =	simm.s32 $0x1BFF;
	s21 =	sshll.u32 s5, $0x1;
	s2 =	sadd.s32 s19, s18  }
0x9c: {  	s6 =	simm.s32 $0x0;
	s20 =	sshll.u32 s4, $0x1;
	s4 =	sadd.s32 s21, s2  }
0x9d: {  	[timem:s6], [sflag:s22] =	dma.local [hbm:s4], s20  }
0x9e: {  	_ =	swait.ge [sflag:s22], s20  }
0x9f: {  	s3 =	ssub.s32 $0x0, s20;
	[sflag:s22] =	ssyncset.done $0x0  }
0xa0: {  	[sflag:s22] =	ssyncadd.s32 s3;
	_ =	sdelay $0x1  }
0xa1: {  	s23 =	simm.s32 $0x1B8B  }
0xa2: {  	_ =	swait.ge [sflag:s23], $0x1  }
0xa3: {  	[sflag:s23] =	ssyncset.done $0x0  }
0xa4: {  	s25 =	simm.s32 $0x1B8E;
	s24 =	sld [smem:$0x3FFE];
	[sflag:s23] =	ssyncadd.s32 $0xFFFFFFFF  }
0xa5: {  	s26 =	simm.s32 $execute0_lowered;
	[smem:$0x3FD2] =	sst s25  }
0xa6: {  	s4 =	sshll.u32 s26, $0x1;
	_ =	strace $0x80000046;
	[dreg:$0x1] =	wrdreg $0xFFFFFFFF  }
0xa7: {  	s28 =	simm.s32 $_size_execute0_lowered;
	s2 =	sadd.s32 s2, s4;
	[dreg:$0x0] =	wrdreg $0x0  }
0xa8: {  	s4 =	sshll.u32 s28, $0x1;
	[dreg:$0x2] =	wrdreg s2  }
0xa9: {  	[dreg:$0x3] =	wrdreg s4  }
0xaa: {  	[dreg:$0x4] =	wrdreg $0xC0  }
0xab: {  	_ =	task [dreg:s6], $0x5FFFF  }
0xac: {  	[dreg:$0x1] =	wrdreg $0xFFFFFFFF  }
0xad: {  	[dreg:$0x0] =	wrdreg $0x60  }
0xae: {  	[dreg:$0x2] =	wrdreg s24  }
0xaf: {  	[dreg:$0x3] =	wrdreg $0x9  }
0xb0: {  	_ =	task.clear_ibuf [dreg:s6], $0x4FFFF;
	_ =	strace $0x90000046  }
0xb1: {  	s29 =	simm.s32 $0x9;
	_ =	strace $0x80000048  }
0xb2: {  	_ =	swait.ge [sflag:s29], $0x1  }
0xb3: {  	[sflag:s29] =	ssyncadd.s32 $0xFFFFFFFF  }
0xb4: {  	_ =	strace $0x90000048  }
0xb5: {  	_ =	sfence  }
0xb6: {  	s30 =	sld [smem:$0x0];
	_ =	sdelay $0x2  }
0xb7: {  	s31 =	sshll.u32 s1, $0xD;
	s1 =	sshrl.u32 s1, $0x2  }
0xb8: {  	s3 =	sand.u32 $0x4000, s31;
	s1 =	sadd.s32 s1, s30  }
0xb9: {  	s0 =	sor.u32 s3, s0;
	s1 =	sshll.u32 s1, $0x11  }
0xba: {  	s0 =	sor.u32 s1, s0  }
0xbb: {  	s0 =	sadd.s32 $0x8F2B, s0  }
0xbc: {  	[sflag:s0] =	ssyncadd.remote.s32 $0x1  }
0xbd: {  	_ =	sfence.sel $0xFFFF  }
0xbe: {  	[dreg:$0x0] =	wrdreg $0xFFFFFFFF;
	(pc) =	sbr.abs _section_cstart, $3  }
0xbf: {  	[dreg:$0x1] =	wrdreg $0xFFFFFFFF  }
0xc0: {  	_ =	task.clear_ibuf [dreg:s6], $0x2FFFF;
	_ =	strace $0x9FFFFFFF  }
0xc1: {  	(tm) =	ssettm $0x7FFFFFFF  }
tec
execute0_lowered:
.L_overlay_start_1:
0x0: {  	(tag) =	ssettag $0x1  }
0x1: {  	s8 =	rddreg [dreg:$0x0]  }
0x2: {  	s0 =	rddreg [dreg:$0x1];
	_ =	strace $0x80000047;
	s1 =	stileid.u32  }
0x3: {  	s3 =	srdreg.scid;
	s4 =	simm.s32 $0x1;
	s7 =	simm.s32 $0x1  }
0x4: {  	s9 =	simm.s32 $0x1;
	s10 =	simm.s32 $0x3;
	s13 =	simm.s32 $0x0  }
0x5: {  	s12 =	simm.s32 $0x0;
	s5 =	sand.u32 $0x1, s3;
	s6 =	sshll.u32 s1, $0x1  }
0x6: {  	s2 =	sadd.s32 $0x14200, s8;
	s3 =	sadd.s32 $0x31C00, s8;
	s5 =	sor.u32 s6, s5  }
.Ltmp0:
0x7: {  	[sflag:s4] =	ssyncpa.u1 $0x0;
	p0 =	slt.u32 s5, $0x9;
	(pc) =	sbr.rel .LBB2_1-.Ltmp0, $4  }
0x8: {  	s6 =	simm.s32 $0x2;
	s7 =	simm.s32 @!p0 $0x0;
	p0 =	sne.s32 s5, $0x8  }
0x9: {  	[sflag:s6] =	ssyncpa.u1 $0x0;
	s5 =	smul.u32 $0x1F40, s5;
	s9 =	simm.s32 @!p0 $0x0  }
0xa: {  	s8 =	sadd.s32 $0x4F600, s8;
	[sflag:s10] =	ssyncpa.u1 $0x0;
	s7 =	sadd.s32 s9, s7  }
0xb: {  	vm0 =	vmmov $0xffff;
	s10 =	simm.s32 $0x0;
	s11 =	smov.u32 s5;
	s9 =	sadd.s32 $0x1, s7  }
.LBB2_4:
0xc: {  	v2 =	vnsel vm1, $0x0, v2  }
0xd: {  	vm1 =	vgt.s32 v0, $0x0;
	v2 =	vmin.u32 v2, $0x4E1FF  }
0xe: {  	v0 =	vnsel vm1, $0x0, v0  }
0xf: {  	v0 =	vmin.u32 v0, $0x4E1FF  }
0x10: {  	[tilespmem:s18], [sflag:$0x1] =	stream.indirect_vreg.gather [hbm4b:s2+s10], $0x1, v1, vm0, $0x4038;
	[tilespmem:$0x7D00] =	vst v63  }
0x11: {  	(ifvalue) =	ssetifvalue $0x7FFFFFFF  }
0x12: {  	[tilespmem:s15], [sflag:$0x1] =	stream.indirect_vreg.gather [hbm4b:s2+s10], $0x1, v2, vm0, $0x4038;
	[tilespmem:$0x7D00] =	vst v63  }
0x13: {  	s29 =	sadd.s32 $0x10, s15;
	(ifvalue) =	ssetifvalue $0x7FFFFFFF  }
0x14: {  	[tilespmem:s29], [sflag:$0x1] =	stream.indirect_vreg.gather [hbm4b:s2+s10], $0x1, v0, vm0, $0x4038;
	[tilespmem:$0x7D00] =	vst v63  }
0x15: {  	_ =	swait.ge [sflag:s4], $0x1F40  }
0x16: {  	s30 =	sshrl.u32 s13, $0x3;
	[sflag:s4] =	ssyncset.done $0x0  }
0x17: {  	s31 =	sand.u32 $0x7, s13;
	s15 =	sadd.s32 s8, s30;
	[sflag:s4] =	ssyncadd.s32 $0xFFFFE0C0  }
0x18: {  	[hbm4b:s15+s31] =	stream.linear.scatter [tilespmem:s14], [sflag:$0x3], $0x1F40, $0x38;
	[tilespmem:$0x7D00] =	vst v63  }
.LBB2_5:
0x19: {  	s15 =	sadd.s32 $0x3E800, s11  }
0x1a: {  	p1 =	sgt.s32 s15, $0x4E1FF  }
0x1b: {  	s15 =	smov.u32 @p1 s5;
	p1 =	sne.s32 s12, s9  }
.Ltmp1:
0x1c: {  	p0 =	slt.u32 s12, $0x2;
	(pc) =	sbr.rel @!p1 .LBB2_6-.Ltmp1, $4  }
0x1d: {  	s14 =	simm.s32 @!p0 $0x3  }
0x1e: {  	_ =	swait.ge @!p0 [sflag:s14], $0x1F40  }
0x1f: {  	s16 =	sadd.s32 $0x1, s12;
	s13 =	smov.u32 s11;
	[sflag:s14] =	ssyncset.done @!p0 $0x0  }
0x20: {  	s12 =	smov.u32 s16;
	s11 =	smov.u32 s15;
	[sflag:s14] =	ssyncadd.s32 @!p0 $0xFFFFE0C0  }
.LBB2_1:
0x21: {  	p0 =	sge.u32 s12, s7  }
0x22: {  	s14 =	sxor.u32 @!p0 $0x1, s12  }
0x23: {  	s14 =	smul.u32 @!p0 $0x7D00, s14  }
0x24: {  	s31 =	sadd.s32 $0xFFFFFFFF, s12;
	s15 =	sshrl.u32 @!p0 s11, $0x3  }
0x25: {  	s16 =	sand.u32 @!p0 $0x7, s11;
	s15 =	sadd.s32 @!p0 s3, s15;
	s14 =	sshra.s32 @!p0 s14, $0x2  }
0x26: {  	[tilespmem:s14], [sflag:$0x2] =	stream.linear.gather @!p0 [hbm4b:s15+s16], $0x1F40, $0x38;
	[tilespmem:$0x7D00] =	vst v63  }
0x27: {  	p0 =	sge.u32 s31, s7  }
.Ltmp2:
0x28: {  	_ = 	snop;
	(pc) =	sbr.rel @p0 .LBB2_5-.Ltmp2, $1  }
0x29: {  	_ =	sdelay $0x3  }
0x2a: {  	s14 =	sand.u32 $0x1, s12  }
0x2b: {  	_ =	swait.ge [sflag:s6], $0x1F40;
	p0 =	seq.s32 s14, $0x1;
	s14 =	simm.s32 $0x1F40  }
0x2c: {  	[sflag:s6] =	ssyncset.done $0x0;
	s14 =	simm.s32 @!p0 $0x0  }
0x2d: {  	[sflag:s6] =	ssyncadd.s32 $0xFFFFE0C0;
	(ifvalue) =	ssetifvalue $0x7FFFFFFF;
	v0 =	vld.msk [tilespmem:s14+$0x0 ss:$0x1], $0xffff;
	_ =	sdelay $0x4  }
0x2e: {  	s15 =	sadd.s32 $0x10, s14;
	vm1 =	vgt.s32 v0, $0x0  }
0x2f: {  	v2 =	vld.msk [tilespmem:s15+$0x0 ss:$0x1], $0xffff;
	v1 =	vnsel vm1, $0x0, v0  }
0x30: {  	v1 =	vmin.u32 v1, $0x4E1FF;
	_ =	sdelay $0x2  }
0x31: {  	s17 =	simm.s32 $0x20;
	s14 =	sadd.s32 $0x3E80, s14;
	s16 =	sadd.s32 $0x10, s15  }
0x32: {  	s15 =	sadd.s32 $0x10, s14;
	s18 =	smov.u32 s14;
	v0 =	vld.msk [tilespmem:s16+$0x0 ss:$0x1], $0xffff;
	vm1 =	vgt.s32 v2, $0x0;
	(ifvalue) =	ssetifvalue $0x7FFFFFFF  }
.LBB2_3:
0x33: {  	[tilespmem:s18], [sflag:$0x1] =	stream.indirect_vreg.gather [hbm4b:s2+s10], $0x1, v1, vm0, $0x4038;
	[tilespmem:$0x7D00] =	vst v63  }
0x34: {  	s17 =	sadd.s32 $0x10, s17  }
0x35: {  	v2 =	vnsel vm1, $0x0, v2;
	p0 =	slt.u32 s17, $0x1F30  }
.Ltmp3:
0x36: {  	s18 =	smov.u32 s15;
	v1 =	vmin.u32 v2, $0x4E1FF;
	(pc) =	sbr.rel @p0 .LBB2_3-.Ltmp3, $3  }
0x37: {  	_ =	sdelay $0x1  }
0x38: {  	s16 =	sadd.s32 $0x10, s16  }
0x39: {  	vm1 =	vgt.s32 v0, $0x0;
	s15 =	sadd.s32 $0x10, s15;
	v2 =	vmov v0;
	(ifvalue) =	ssetifvalue $0x7FFFFFFF;
	v0 =	vld.msk [tilespmem:s16+$0x0 ss:$0x1], $0xffff  }
.Ltmp4:
0x3a: {  	_ = 	snop;
	(pc) =	sbr.rel .LBB2_4-.Ltmp4, $1  }
0x3b: {  	_ =	sdelay $0x3  }
.LBB2_6:
0x3c: {  	_ =	sfence.sel $0x180000  }
0x3d: {  	s2 =	simm.s32 $0x2;
	[bflag:$0x0] =	sbarrier.arrive $0xFFFF  }
0x3e: {  	s30 =	simm.s32 $0x3;
	[sflag:s2] =	ssyncpa.u1 $0x1  }
0x3f: {  	s31 =	simm.s32 $0x1;
	[sflag:s30] =	ssyncpa.u1 $0x1  }
0x40: {  	[sflag:s31] =	ssyncpa.u1 $0x1  }
0x41: {  	p0 =	sne.s32 s1, $0x0;
	_ =	strace $0x90000047  }
0x42: {  	s0 =	sadd.s32 @!p0 $0x100000, s0;
	[bflag:$0x2] =	sbarrier.arrive $0xFFFF  }
0x43: {  	[sflag:s0] =	ssyncadd.tile.s32 @!p0 $0x1;
	_ =	shalt  }
.Lfunc_end2:
_tile_overlayer_lowered:
.L_overlay_start_2:
0x44: {  	(tag) =	ssettag $0x2  }
0x45: {  	s0 =	rddreg [dreg:$0x0];
	s2 =	stileid.u32  }
0x46: {  	s1 =	rddreg [dreg:$0x1];
	p0 =	sne.s32 s2, $0x0  }
0x47: {  	s3 =	rddreg [dreg:$0x2];
	[bflag:$0x3] =	sbarrier.arrive $0xFFFF;
	s2 =	simm.s32 @!p0 $0x1C01  }
0x48: {  	[timem:s3], [sflag:s2] =	dma.local @!p0 [hbm:s0], s1  }
0x49: {  	s0 =	simm.s32 @!p0 $0x1  }
0x4a: {  	_ =	swait.ge @!p0 [sflag:s0], s1  }
0x4b: {  	s1 =	ssub.s32 @!p0 $0x0, s1;
	[sflag:s0] =	ssyncset.done @!p0 $0x0  }
0x4c: {  	[sflag:s0] =	ssyncadd.s32 @!p0 s1  }
0x4d: {  	[bflag:$0x3] =	sbarrier.arrive $0xFFFF  }
0x4e: {  	_ =	shalt  }

// kernel: kernel.37.cloned.1.call-start
scs
__scs_entry_jumppad:
0x0: {  	(pc) =	sbr.rel $0x88, $3  }
0x1: {  	(tag) =	ssettag $0x0;
	lr =	simm.s32 $0x1  }
0x2: {  	[smem:$0x3F41] =	sst lr;
	_ =	strace $0xD0000000  }
0x3: {  	_ = 	snop  }
0x4: {  	_ = 	snop  }
0x5: {  	_ = 	snop  }
0x6: {  	_ = 	snop  }
0x7: {  	_ = 	snop  }
__scs_overlays_trampoline_lowered:
0x8: {  	[smem:$0x3F50] =	sst s0  }
0x9: {  	[smem:$0x3F51] =	sst s1  }
0xa: {  	[smem:$0x3F52] =	sst s2  }
0xb: {  	[smem:$0x3F53] =	sst s3  }
0xc: {  	[smem:$0x3F54] =	sst s4  }
0xd: {  	[smem:$0x3F55] =	sst s5  }
0xe: {  	[smem:$0x3F56] =	sst s6  }
0xf: {  	[smem:$0x3F57] =	sst s7  }
0x10: {  	[smem:$0x3F58] =	sst s8  }
0x11: {  	[smem:$0x3F59] =	sst s9;
	s0 =	simm.s32 @!p0 $0x0  }
0x12: {  	s1 =	sld [smem:$0x3F3F];
	s0 =	simm.s32 @p0 $0x1  }
0x13: {  	[smem:$0x3F5A] =	sst s0;
	s0 =	simm.s32 @!p1 $0x0  }
0x14: {  	s2 =	sld [smem:$0x3F3E];
	s0 =	simm.s32 @p1 $0x1  }
0x15: {  	[smem:$0x3F5B] =	sst s0;
	s0 =	simm.s32 @!p2 $0x0  }
0x16: {  	s3 =	sld [smem:$0x3FDB];
	s0 =	simm.s32 @p2 $0x1  }
0x17: {  	s4 =	simm.s32 $0x1BF5;
	[smem:$0x3F5D] =	sst s0  }
0x18: {  	s0 =	sld [smem:$0x3F40];
	_ =	swait.ge [sflag:s4], $0x0  }
0x19: {  	s7 =	sld [smem:$0x3F41]  }
0x1a: {  	s8 =	sadd.s32 $0xFFFFE003, lr  }
0x1b: {  	s9 =	sadd.s32 $0xFFFFFEF7, lr;
	s5 =	simm.s32 $0xFFFFFFFF;
	p2 =	slt.u32 s8, $0xFFFFF086  }
0x1c: {  	p1 =	slt.u32 s9, $0xF7A;
	s5 =	simm.s32 @!p2 $0x0  }
0x1d: {  	s5 =	simm.s32 @p1 $0x1;
	p0 =	seq.s32 s7, s2  }
0x1e: {  	s7 =	smul.u32 @!p0 $0xF7A, s2;
	p2 =	seq.s32 @!p0 s5, $0x0  }
0x1f: {  	s9 =	smul.u32 $0xF7A, s1;
	s8 =	simm.s32 @!p0 $0x1BF5;
	p2 =	por !p2, p0  }
0x20: {  	[sflag:s8] =	ssyncset.s32 @!p0 $0xFFFFF086;
	s6 =	sadd.s32 @!p0 s3, s7;
	s7 =	simm.s32 @!p0 $0x108  }
0x21: {  	s3 =	sadd.s32 s3, s9;
	s6 =	sadd.s32 @!p0 $0x88, s6;
	s7 =	simm.s32 @p2 $0x1082  }
0x22: {  	[simem:s7], [sflag:s8] =	dma.local @!p0 [hbm:s6], $0xF7A  }
0x23: {  	s9 =	sor.u32 $0xD0000000, s2;
	s6 =	simm.s32 $0x108;
	_ =	swait.ge @!p0 [sflag:s8], $0x0  }
0x24: {  	s3 =	sadd.s32 $0x88, s3;
	s6 =	simm.s32 @!p1 $0x1082;
	[sflag:s4] =	ssyncset.s32 $0xFFFFF086  }
0x25: {  	[simem:s6], [sflag:s4] =	dma.local [hbm:s3], $0xF7A  }
0x26: {  	[smem:$0x3F41] =	sst s1;
	(tag) =	ssettag s2;
	_ =	strace s9  }
0x27: {  	s1 =	sld [smem:$0x3F51]  }
0x28: {  	s2 =	sld [smem:$0x3F52]  }
0x29: {  	s4 =	sld [smem:$0x3F54]  }
0x2a: {  	p0 =	seq.s32 s5, $0x0;
	s5 =	sld [smem:$0x3F55]  }
0x2b: {  	s6 =	sld [smem:$0x3F56]  }
0x2c: {  	s7 =	sld [smem:$0x3F57]  }
0x2d: {  	s3 =	simm.s32 $0x108;
	s8 =	sld [smem:$0x3F58]  }
0x2e: {  	s3 =	simm.s32 @!p0 $0x1082;
	s9 =	sld [smem:$0x3F59]  }
0x2f: {  	lr =	sadd.s32 s0, s3;
	s0 =	sld [smem:$0x3F50]  }
0x30: {  	s3 =	sld [smem:$0x3F53]  }
0x31: {  	[smem:$0x3F5C] =	sst s10  }
0x32: {  	s10 =	sld [smem:$0x3F5A];
	_ =	sdelay $0x3  }
0x33: {  	p0 =	seq.s32 s10, $0x1;
	s10 =	sld [smem:$0x3F5C];
	_ =	sdelay $0x3  }
0x34: {  	[smem:$0x3F5C] =	sst s10  }
0x35: {  	s10 =	sld [smem:$0x3F5B];
	_ =	sdelay $0x3  }
0x36: {  	p1 =	seq.s32 s10, $0x1;
	s10 =	sld [smem:$0x3F5C];
	_ =	sdelay $0x3  }
0x37: {  	[smem:$0x3F5C] =	sst s10  }
0x38: {  	s10 =	sld [smem:$0x3F5D]  }
0x39: {  	_ = 	snop;
	(pc) =	sbr.ind lr, $3  }
0x3a: {  	_ = 	snop  }
0x3b: {  	_ = 	snop  }
0x3c: {  	p2 =	seq.s32 s10, $0x1;
	s10 =	sld [smem:$0x3F5C]  }
0x3d: {  	_ =	shalt  }
0x3e: {  	_ =	shalt  }
0x3f: {  	_ =	shalt  }
0x40: {  	_ =	shalt  }
0x41: {  	_ =	shalt  }
0x42: {  	_ =	shalt  }
0x43: {  	_ =	shalt  }
0x44: {  	_ =	shalt  }
0x45: {  	_ =	shalt  }
0x46: {  	_ =	shalt  }
0x47: {  	_ =	shalt  }
0x48: {  	_ =	shalt  }
0x49: {  	_ =	shalt  }
0x4a: {  	_ =	shalt  }
0x4b: {  	_ =	shalt  }
0x4c: {  	_ =	shalt  }
0x4d: {  	_ =	shalt  }
0x4e: {  	_ =	shalt  }
0x4f: {  	_ =	shalt  }
0x50: {  	_ =	shalt  }
0x51: {  	_ =	shalt  }
0x52: {  	_ =	shalt  }
0x53: {  	_ =	shalt  }
0x54: {  	_ =	shalt  }
0x55: {  	_ =	shalt  }
0x56: {  	_ =	shalt  }
0x57: {  	_ =	shalt  }
0x58: {  	_ =	shalt  }
0x59: {  	_ =	shalt  }
0x5a: {  	_ =	shalt  }
0x5b: {  	_ =	shalt  }
0x5c: {  	_ =	shalt  }
0x5d: {  	_ =	shalt  }
0x5e: {  	_ =	shalt  }
0x5f: {  	_ =	shalt  }
0x60: {  	_ =	shalt  }
0x61: {  	_ =	shalt  }
0x62: {  	_ =	shalt  }
0x63: {  	_ =	shalt  }
0x64: {  	_ =	shalt  }
0x65: {  	_ =	shalt  }
0x66: {  	_ =	shalt  }
0x67: {  	_ =	shalt  }
0x68: {  	_ =	shalt  }
0x69: {  	_ =	shalt  }
0x6a: {  	_ =	shalt  }
0x6b: {  	_ =	shalt  }
0x6c: {  	_ =	shalt  }
0x6d: {  	_ =	shalt  }
0x6e: {  	_ =	shalt  }
0x6f: {  	_ =	shalt  }
0x70: {  	_ =	shalt  }
0x71: {  	_ =	shalt  }
0x72: {  	_ =	shalt  }
0x73: {  	_ =	shalt  }
0x74: {  	_ =	shalt  }
0x75: {  	_ =	shalt  }
0x76: {  	_ =	shalt  }
0x77: {  	_ =	shalt  }
0x78: {  	_ =	shalt  }
0x79: {  	_ =	shalt  }
0x7a: {  	_ =	shalt  }
0x7b: {  	_ =	shalt  }
0x7c: {  	_ =	shalt  }
0x7d: {  	_ =	shalt  }
0x7e: {  	_ =	shalt  }
0x7f: {  	_ =	shalt  }
0x80: {  	_ =	shalt  }
0x81: {  	_ =	shalt  }
0x82: {  	_ =	shalt  }
0x83: {  	_ =	shalt  }
0x84: {  	_ =	shalt  }
0x85: {  	_ =	shalt  }
0x86: {  	_ =	shalt  }
0x87: {  	_ =	shalt  }
.Lfunc_end0:
.L_simem_size_0:
called_computation.2_lowered:
.L_overlay_start_0:
0x88: {  	s2 =	sld [smem:$0x3FD9]  }
0x89: {  	s3 =	sld [smem:$0x3FFE];
	_ =	sdelay $0x1  }
0x8a: {  	s1 =	srdreg.scid  }
0x8b: {  	s0 =	sand.u32 $0x1, s1  }
0x8c: {  	s17 =	sshll.u32 s0, $0xA;
	s2 =	sadd.s32 s3, s2  }
0x8d: {  	s2 =	sadd.s32 s2, s17  }
0x8e: {  	[smem:$0x3F68] =	sst s2  }
0x8f: {  	_ = 	snop  }
0x90: {  	(tm) =	ssettm $0x1  }
0x91: {  	s18 =	sld [smem:$0x3FFB];
	_ =	sdelay $0x3  }
0x92: {  	_ =	strace s18  }
0x93: {  	s2 =	sld [smem:$0x3FFC];
	_ =	sdelay $0x3  }
0x94: {  	_ =	strace s2  }
0x95: {  	s2 =	sld [smem:$0x3FFD];
	_ =	sdelay $0x3  }
0x96: {  	_ =	strace s2  }
0x97: {  	_ =	strace $0x8FFFFFFF  }
0x98: {  	s19 =	sld [smem:$0x3FDB];
	_ =	sdelay $0x1  }
0x99: {  	s20 =	simm.s32 $_scs_section_size  }
0x9a: {  	s4 =	simm.s32 $_size__tile_overlayer_lowered;
	s5 =	simm.s32 $_tile_overlayer_lowered  }
0x9b: {  	s6 =	simm.s32 $0x1BFF;
	s21 =	sshll.u32 s5, $0x1;
	s3 =	sadd.s32 s20, s19  }
0x9c: {  	s22 =	simm.s32 $0x0;
	s4 =	sshll.u32 s4, $0x1;
	s5 =	sadd.s32 s21, s3  }
0x9d: {  	[timem:s22], [sflag:s6] =	dma.local [hbm:s5], s4  }
0x9e: {  	_ =	swait.ge [sflag:s6], s4  }
0x9f: {  	s4 =	ssub.s32 $0x0, s4;
	[sflag:s6] =	ssyncset.done $0x0  }
0xa0: {  	[sflag:s6] =	ssyncadd.s32 s4;
	_ =	sdelay $0x1  }
0xa1: {  	s23 =	simm.s32 $0x1B8B  }
0xa2: {  	_ =	swait.ge [sflag:s23], $0x1  }
0xa3: {  	[sflag:s23] =	ssyncset.done $0x0  }
0xa4: {  	[sflag:s23] =	ssyncadd.s32 $0xFFFFFFFF  }
0xa5: {  	s4 =	sld [smem:$0x0]  }
0xa6: {  	s5 =	sand.u32 $0xFFFFFFFE, s1  }
0xa7: {  	p0 =	sne.s32 s1, s5  }
0xa8: {  	s5 =	sshll.u32 @p0 s5, $0xE  }
0xa9: {  	s5 =	sadd.s32 @p0 $0x11B8D, s5;
	s6 =	sshll.u32 @p0 s4, $0x11  }
0xaa: {  	s5 =	sor.u32 @p0 s6, s5  }
0xab: {  	[sflag:s5] =	ssyncadd.remote.s32 @p0 $0x1;
	_ =	sdelay $0x1  }
0xac: {  	s5 =	simm.s32 @p0 $0x1B8D  }
0xad: {  	_ =	swait.eq @p0 [sflag:s5], $0x1  }
0xae: {  	[sflag:s5] =	ssyncadd.s32 @p0 $0xFFFFFFFF  }
0xaf: {  	s6 =	sshll.u32 @!p0 s1, $0xE  }
0xb0: {  	s6 =	sor.u32 @!p0 $0x4000, s6;
	s5 =	simm.s32 @!p0 $0x1B8D  }
0xb1: {  	s4 =	sshll.u32 @!p0 s4, $0x11;
	s6 =	sadd.s32 @!p0 $0x11B8D, s6;
	_ =	swait.eq @!p0 [sflag:s5], $0x1  }
0xb2: {  	s4 =	sor.u32 @!p0 s4, s6;
	[sflag:s5] =	ssyncadd.s32 @!p0 $0xFFFFFFFF  }
0xb3: {  	s25 =	simm.s32 $0x1B8E;
	s24 =	sld [smem:$0x3FFE];
	[sflag:s4] =	ssyncadd.remote.s32 @!p0 $0x1  }
0xb4: {  	s26 =	simm.s32 $execute0_lowered;
	[smem:$0x3FD2] =	sst s25  }
0xb5: {  	s5 =	sshll.u32 s26, $0x1;
	_ =	strace $0x8000004F;
	[dreg:$0x1] =	wrdreg $0xFFFFFFFF  }
0xb6: {  	s28 =	simm.s32 $_size_execute0_lowered;
	s3 =	sadd.s32 s3, s5;
	[dreg:$0x0] =	wrdreg $0x0  }
0xb7: {  	s5 =	sshll.u32 s28, $0x1;
	[dreg:$0x2] =	wrdreg s3  }
0xb8: {  	[dreg:$0x3] =	wrdreg s5  }
0xb9: {  	[dreg:$0x4] =	wrdreg $0xC0  }
0xba: {  	_ =	task [dreg:s22], $0x5FFFF  }
0xbb: {  	[dreg:$0x1] =	wrdreg $0xFFFFFFFF  }
0xbc: {  	[dreg:$0x0] =	wrdreg $0x60  }
0xbd: {  	[dreg:$0x2] =	wrdreg s24  }
0xbe: {  	[dreg:$0x3] =	wrdreg $0xC  }
0xbf: {  	_ =	task.clear_ibuf [dreg:s22], $0x4FFFF;
	_ =	strace $0x9000004F  }
0xc0: {  	s29 =	simm.s32 $0xC;
	_ =	strace $0x80000051  }
0xc1: {  	_ =	swait.ge [sflag:s29], $0x1  }
0xc2: {  	[sflag:s29] =	ssyncadd.s32 $0xFFFFFFFF  }
0xc3: {  	_ =	strace $0x90000051  }
0xc4: {  	_ =	sfence  }
0xc5: {  	s30 =	sld [smem:$0x0];
	_ =	sdelay $0x2  }
0xc6: {  	s31 =	sshll.u32 s1, $0xD;
	s1 =	sshrl.u32 s1, $0x2  }
0xc7: {  	s4 =	sand.u32 $0x4000, s31;
	s1 =	sadd.s32 s1, s30  }
0xc8: {  	s0 =	sor.u32 s4, s0;
	s1 =	sshll.u32 s1, $0x11  }
0xc9: {  	s0 =	sor.u32 s1, s0  }
0xca: {  	s0 =	sadd.s32 $0x8F2B, s0  }
0xcb: {  	[sflag:s0] =	ssyncadd.remote.s32 $0x1  }
0xcc: {  	_ =	sfence.sel $0xFFFF  }
0xcd: {  	[dreg:$0x0] =	wrdreg $0xFFFFFFFF;
	(pc) =	sbr.abs _section_cstart, $3  }
0xce: {  	[dreg:$0x1] =	wrdreg $0xFFFFFFFF  }
0xcf: {  	_ =	task.clear_ibuf [dreg:s22], $0x2FFFF;
	_ =	strace $0x9FFFFFFF  }
0xd0: {  	(tm) =	ssettm $0x7FFFFFFF  }
0xd1: {  	_ =	shalt  }
tec
execute0_lowered:
.L_overlay_start_1:
0x0: {  	(tag) =	ssettag $0x1  }
0x1: {  	s4 =	rddreg [dreg:$0x0]  }
0x2: {  	s0 =	rddreg [dreg:$0x1]  }
0x3: {  	s3 =	srdreg.scid;
	s1 =	stileid.u32;
	s2 =	simm.s32 $0x0  }
0x4: {  	s10 =	simm.s32 $0x1;
	s11 =	simm.s32 $0x0;
	s6 =	smul.u32 $0x4E20, s1  }
0x5: {  	s5 =	sand.u32 $0x1, s3;
	[smem:$0x7FF] =	sst s2;
	s8 =	smul.u32 $0x4E200, s1  }
0x6: {  	s3 =	sadd.s32 $0xF27400, s4;
	s7 =	smul.u32 $0x2710, s5;
	s9 =	ssub.s32 $0x2, s5  }
0x7: {  	_ =	strace $0x80000050;
	s5 =	smul.u32 $0x27100, s5;
	s31 =	sshrl.u32 s9, $0x1  }
0x8: {  	s30 =	sadd.s32 s8, s4;
	s6 =	sadd.s32 s7, s6;
	s8 =	ssub.s32 s9, s31  }
0x9: {  	s5 =	sadd.s32 s5, s30;
	s7 =	simm.s32 $0x2;
	s6 =	sshrl.u32 s6, $0x3  }
0xa: {  	s9 =	simm.s32 $0x80;
	s5 =	sadd.s32 $0xF9F400, s5;
	s6 =	sadd.s32 s6, s4  }
0xb: {  	s4 =	smax.u32 s8, $0x1;
	s8 =	simm.s32 $0x50;
	s6 =	sadd.s32 $0x4F600, s6  }
.LBB2_1:
0xc: {  	s12 =	sadd.s32 $0x0, s6  }
0xd: {  	[tilespmem:s2], [sflag:$0x2] =	stream.linear.gather [hbm4b:s12+s2], $0x50, $0x38;
	[tilespmem:$0x2880] =	vst v63  }
0xe: {  	_ =	swait.ge [sflag:s7], $0x50  }
0xf: {  	[sflag:s7] =	ssyncset.done $0x0  }
0x10: {  	[sflag:s7] =	ssyncadd.s32 $0xFFFFFFB0  }
0x11: {  	[tilespmem:s9], [sflag:$0x1] =	stream.indirect.gather [hbm4b:s3+s8], $0x80, s2, s8, $0xb8;
	[tilespmem:$0x2880] =	vst v63  }
0x12: {  	_ =	swait.ge [sflag:s10], $0x2800  }
0x13: {  	[sflag:s10] =	ssyncset.done $0x0  }
0x14: {  	[sflag:s10] =	ssyncadd.s32 $0xFFFFD800  }
0x15: {  	[hbm4b:s5+s2] =	stream.linear.scatter [tilespmem:s9], [sflag:$0x2], $0x2800, $0x38;
	[tilespmem:$0x2880] =	vst v63  }
0x16: {  	s13 =	simm.s32 $0xA;
	_ =	swait.ge [sflag:s7], $0x2800  }
0x17: {  	s14 =	simm.s32 $0x14;
	s12 =	sadd.s32 $0x500, s5;
	[sflag:s7] =	ssyncset.done $0x0  }
.LBB2_2:
0x18: {  	s15 =	sadd.s32 s13, s6  }
0x19: {  	[sflag:s7] =	ssyncadd.s32 $0xFFFFD800;
	s13 =	smov.u32 s14;
	s16 =	sadd.s32 $0xA, s14  }
0x1a: {  	[tilespmem:s2], [sflag:$0x2] =	stream.linear.gather [hbm4b:s15+s2], $0x50, $0x38;
	[tilespmem:$0x2880] =	vst v63  }
0x1b: {  	p0 =	sne.s32 s14, $0x4D8;
	_ =	swait.ge [sflag:s7], $0x50  }
0x1c: {  	[sflag:s7] =	ssyncset.done $0x0  }
0x1d: {  	[sflag:s7] =	ssyncadd.s32 $0xFFFFFFB0  }
0x1e: {  	[tilespmem:s9], [sflag:$0x1] =	stream.indirect.gather [hbm4b:s3+s8], $0x80, s2, s8, $0xb8;
	[tilespmem:$0x2880] =	vst v63  }
0x1f: {  	_ =	swait.ge [sflag:s10], $0x2800  }
.Ltmp0:
0x20: {  	[sflag:s10] =	ssyncset.done $0x0;
	(pc) =	sbr.rel @p0 .LBB2_2-.Ltmp0, $4  }
0x21: {  	[sflag:s10] =	ssyncadd.s32 $0xFFFFD800  }
0x22: {  	[hbm4b:s12+s2] =	stream.linear.scatter [tilespmem:s9], [sflag:$0x2], $0x2800, $0x38;
	[tilespmem:$0x2880] =	vst v63  }
0x23: {  	_ =	swait.ge [sflag:s7], $0x2800  }
0x24: {  	s14 =	smov.u32 s16;
	s12 =	sadd.s32 $0x500, s12;
	[sflag:s7] =	ssyncset.done $0x0  }
0x25: {  	s13 =	sadd.s32 s13, s6;
	[sflag:s7] =	ssyncadd.s32 $0xFFFFD800  }
0x26: {  	[tilespmem:s2], [sflag:$0x2] =	stream.linear.gather [hbm4b:s13+s2], $0x50, $0x38;
	[tilespmem:$0x2880] =	vst v63  }
0x27: {  	_ =	swait.ge [sflag:s7], $0x50  }
0x28: {  	[sflag:s7] =	ssyncset.done $0x0  }
0x29: {  	[sflag:s7] =	ssyncadd.s32 $0xFFFFFFB0  }
0x2a: {  	[tilespmem:s9], [sflag:$0x1] =	stream.indirect.gather [hbm4b:s3+s8], $0x80, s2, s8, $0xb8;
	[tilespmem:$0x2880] =	vst v63  }
0x2b: {  	s11 =	sadd.s32 $0x1, s11;
	_ =	swait.ge [sflag:s10], $0x2800  }
0x2c: {  	p0 =	sne.s32 s11, s4;
	[sflag:s10] =	ssyncset.done $0x0  }
.Ltmp1:
0x2d: {  	[sflag:s10] =	ssyncadd.s32 $0xFFFFD800;
	(pc) =	sbr.rel @p0 .LBB2_1-.Ltmp1, $4  }
0x2e: {  	[hbm4b:s12+s2] =	stream.linear.scatter [tilespmem:s9], [sflag:$0x2], $0x2800, $0x38;
	[tilespmem:$0x2880] =	vst v63  }
0x2f: {  	_ =	swait.ge [sflag:s7], $0x2800  }
0x30: {  	[sflag:s7] =	ssyncset.done $0x0  }
0x31: {  	[sflag:s7] =	ssyncadd.s32 $0xFFFFD800  }
0x32: {  	_ =	sfence.sel $0x180000  }
0x33: {  	[bflag:$0x0] =	sbarrier.arrive $0xFFFF  }
0x34: {  	p0 =	sne.s32 s1, $0x0;
	_ =	strace $0x90000050  }
0x35: {  	s0 =	sadd.s32 @!p0 $0x100000, s0;
	[bflag:$0x2] =	sbarrier.arrive $0xFFFF  }
0x36: {  	[sflag:s0] =	ssyncadd.tile.s32 @!p0 $0x1;
	_ =	shalt  }
.Lfunc_end2:
_tile_overlayer_lowered:
.L_overlay_start_2:
0x37: {  	(tag) =	ssettag $0x2  }
0x38: {  	s0 =	rddreg [dreg:$0x0];
	s2 =	stileid.u32  }
0x39: {  	s1 =	rddreg [dreg:$0x1];
	p0 =	sne.s32 s2, $0x0  }
0x3a: {  	s3 =	rddreg [dreg:$0x2];
	[bflag:$0x3] =	sbarrier.arrive $0xFFFF;
	s2 =	simm.s32 @!p0 $0x1C02  }
0x3b: {  	[timem:s3], [sflag:s2] =	dma.local @!p0 [hbm:s0], s1  }
0x3c: {  	s0 =	simm.s32 @!p0 $0x2  }
0x3d: {  	_ =	swait.ge @!p0 [sflag:s0], s1  }
0x3e: {  	s1 =	ssub.s32 @!p0 $0x0, s1;
	[sflag:s0] =	ssyncset.done @!p0 $0x0  }
0x3f: {  	[sflag:s0] =	ssyncadd.s32 @!p0 s1  }
0x40: {  	[bflag:$0x3] =	sbarrier.arrive $0xFFFF  }
0x41: {  	_ =	shalt  }

// kernel: kernel.40.cloned.1.call-start
scs
__scs_entry_jumppad:
0x0: {  	(pc) =	sbr.rel $0x88, $3  }
0x1: {  	(tag) =	ssettag $0x0;
	lr =	simm.s32 $0x1  }
0x2: {  	[smem:$0x3F41] =	sst lr;
	_ =	strace $0xD0000000  }
0x3: {  	_ = 	snop  }
0x4: {  	_ = 	snop  }
0x5: {  	_ = 	snop  }
0x6: {  	_ = 	snop  }
0x7: {  	_ = 	snop  }
__scs_overlays_trampoline_lowered:
0x8: {  	[smem:$0x3F50] =	sst s0  }
0x9: {  	[smem:$0x3F51] =	sst s1  }
0xa: {  	[smem:$0x3F52] =	sst s2  }
0xb: {  	[smem:$0x3F53] =	sst s3  }
0xc: {  	[smem:$0x3F54] =	sst s4  }
0xd: {  	[smem:$0x3F55] =	sst s5  }
0xe: {  	[smem:$0x3F56] =	sst s6  }
0xf: {  	[smem:$0x3F57] =	sst s7  }
0x10: {  	[smem:$0x3F58] =	sst s8  }
0x11: {  	[smem:$0x3F59] =	sst s9;
	s0 =	simm.s32 @!p0 $0x0  }
0x12: {  	s1 =	sld [smem:$0x3F3F];
	s0 =	simm.s32 @p0 $0x1  }
0x13: {  	[smem:$0x3F5A] =	sst s0;
	s0 =	simm.s32 @!p1 $0x0  }
0x14: {  	s2 =	sld [smem:$0x3F3E];
	s0 =	simm.s32 @p1 $0x1  }
0x15: {  	[smem:$0x3F5B] =	sst s0;
	s0 =	simm.s32 @!p2 $0x0  }
0x16: {  	s3 =	sld [smem:$0x3FDB];
	s0 =	simm.s32 @p2 $0x1  }
0x17: {  	s4 =	simm.s32 $0x1BF5;
	[smem:$0x3F5D] =	sst s0  }
0x18: {  	s0 =	sld [smem:$0x3F40];
	_ =	swait.ge [sflag:s4], $0x0  }
0x19: {  	s7 =	sld [smem:$0x3F41]  }
0x1a: {  	s8 =	sadd.s32 $0xFFFFE003, lr  }
0x1b: {  	s9 =	sadd.s32 $0xFFFFFEF7, lr;
	s5 =	simm.s32 $0xFFFFFFFF;
	p2 =	slt.u32 s8, $0xFFFFF086  }
0x1c: {  	p1 =	slt.u32 s9, $0xF7A;
	s5 =	simm.s32 @!p2 $0x0  }
0x1d: {  	s5 =	simm.s32 @p1 $0x1;
	p0 =	seq.s32 s7, s2  }
0x1e: {  	s7 =	smul.u32 @!p0 $0xF7A, s2;
	p2 =	seq.s32 @!p0 s5, $0x0  }
0x1f: {  	s9 =	smul.u32 $0xF7A, s1;
	s8 =	simm.s32 @!p0 $0x1BF5;
	p2 =	por !p2, p0  }
0x20: {  	[sflag:s8] =	ssyncset.s32 @!p0 $0xFFFFF086;
	s6 =	sadd.s32 @!p0 s3, s7;
	s7 =	simm.s32 @!p0 $0x108  }
0x21: {  	s3 =	sadd.s32 s3, s9;
	s6 =	sadd.s32 @!p0 $0x88, s6;
	s7 =	simm.s32 @p2 $0x1082  }
0x22: {  	[simem:s7], [sflag:s8] =	dma.local @!p0 [hbm:s6], $0xF7A  }
0x23: {  	s9 =	sor.u32 $0xD0000000, s2;
	s6 =	simm.s32 $0x108;
	_ =	swait.ge @!p0 [sflag:s8], $0x0  }
0x24: {  	s3 =	sadd.s32 $0x88, s3;
	s6 =	simm.s32 @!p1 $0x1082;
	[sflag:s4] =	ssyncset.s32 $0xFFFFF086  }
0x25: {  	[simem:s6], [sflag:s4] =	dma.local [hbm:s3], $0xF7A  }
0x26: {  	[smem:$0x3F41] =	sst s1;
	(tag) =	ssettag s2;
	_ =	strace s9  }
0x27: {  	s1 =	sld [smem:$0x3F51]  }
0x28: {  	s2 =	sld [smem:$0x3F52]  }
0x29: {  	s4 =	sld [smem:$0x3F54]  }
0x2a: {  	p0 =	seq.s32 s5, $0x0;
	s5 =	sld [smem:$0x3F55]  }
0x2b: {  	s6 =	sld [smem:$0x3F56]  }
0x2c: {  	s7 =	sld [smem:$0x3F57]  }
0x2d: {  	s3 =	simm.s32 $0x108;
	s8 =	sld [smem:$0x3F58]  }
0x2e: {  	s3 =	simm.s32 @!p0 $0x1082;
	s9 =	sld [smem:$0x3F59]  }
0x2f: {  	lr =	sadd.s32 s0, s3;
	s0 =	sld [smem:$0x3F50]  }
0x30: {  	s3 =	sld [smem:$0x3F53]  }
0x31: {  	[smem:$0x3F5C] =	sst s10  }
0x32: {  	s10 =	sld [smem:$0x3F5A];
	_ =	sdelay $0x3  }
0x33: {  	p0 =	seq.s32 s10, $0x1;
	s10 =	sld [smem:$0x3F5C];
	_ =	sdelay $0x3  }
0x34: {  	[smem:$0x3F5C] =	sst s10  }
0x35: {  	s10 =	sld [smem:$0x3F5B];
	_ =	sdelay $0x3  }
0x36: {  	p1 =	seq.s32 s10, $0x1;
	s10 =	sld [smem:$0x3F5C];
	_ =	sdelay $0x3  }
0x37: {  	[smem:$0x3F5C] =	sst s10  }
0x38: {  	s10 =	sld [smem:$0x3F5D]  }
0x39: {  	_ = 	snop;
	(pc) =	sbr.ind lr, $3  }
0x3a: {  	_ = 	snop  }
0x3b: {  	_ = 	snop  }
0x3c: {  	p2 =	seq.s32 s10, $0x1;
	s10 =	sld [smem:$0x3F5C]  }
0x3d: {  	_ =	shalt  }
0x3e: {  	_ =	shalt  }
0x3f: {  	_ =	shalt  }
0x40: {  	_ =	shalt  }
0x41: {  	_ =	shalt  }
0x42: {  	_ =	shalt  }
0x43: {  	_ =	shalt  }
0x44: {  	_ =	shalt  }
0x45: {  	_ =	shalt  }
0x46: {  	_ =	shalt  }
0x47: {  	_ =	shalt  }
0x48: {  	_ =	shalt  }
0x49: {  	_ =	shalt  }
0x4a: {  	_ =	shalt  }
0x4b: {  	_ =	shalt  }
0x4c: {  	_ =	shalt  }
0x4d: {  	_ =	shalt  }
0x4e: {  	_ =	shalt  }
0x4f: {  	_ =	shalt  }
0x50: {  	_ =	shalt  }
0x51: {  	_ =	shalt  }
0x52: {  	_ =	shalt  }
0x53: {  	_ =	shalt  }
0x54: {  	_ =	shalt  }
0x55: {  	_ =	shalt  }
0x56: {  	_ =	shalt  }
0x57: {  	_ =	shalt  }
0x58: {  	_ =	shalt  }
0x59: {  	_ =	shalt  }
0x5a: {  	_ =	shalt  }
0x5b: {  	_ =	shalt  }
0x5c: {  	_ =	shalt  }
0x5d: {  	_ =	shalt  }
0x5e: {  	_ =	shalt  }
0x5f: {  	_ =	shalt  }
0x60: {  	_ =	shalt  }
0x61: {  	_ =	shalt  }
0x62: {  	_ =	shalt  }
0x63: {  	_ =	shalt  }
0x64: {  	_ =	shalt  }
0x65: {  	_ =	shalt  }
0x66: {  	_ =	shalt  }
0x67: {  	_ =	shalt  }
0x68: {  	_ =	shalt  }
0x69: {  	_ =	shalt  }
0x6a: {  	_ =	shalt  }
0x6b: {  	_ =	shalt  }
0x6c: {  	_ =	shalt  }
0x6d: {  	_ =	shalt  }
0x6e: {  	_ =	shalt  }
0x6f: {  	_ =	shalt  }
0x70: {  	_ =	shalt  }
0x71: {  	_ =	shalt  }
0x72: {  	_ =	shalt  }
0x73: {  	_ =	shalt  }
0x74: {  	_ =	shalt  }
0x75: {  	_ =	shalt  }
0x76: {  	_ =	shalt  }
0x77: {  	_ =	shalt  }
0x78: {  	_ =	shalt  }
0x79: {  	_ =	shalt  }
0x7a: {  	_ =	shalt  }
0x7b: {  	_ =	shalt  }
0x7c: {  	_ =	shalt  }
0x7d: {  	_ =	shalt  }
0x7e: {  	_ =	shalt  }
0x7f: {  	_ =	shalt  }
0x80: {  	_ =	shalt  }
0x81: {  	_ =	shalt  }
0x82: {  	_ =	shalt  }
0x83: {  	_ =	shalt  }
0x84: {  	_ =	shalt  }
0x85: {  	_ =	shalt  }
0x86: {  	_ =	shalt  }
0x87: {  	_ =	shalt  }
.Lfunc_end0:
.L_simem_size_0:
called_computation.3_lowered:
.L_overlay_start_0:
0x88: {  	s2 =	sld [smem:$0x3FD9]  }
0x89: {  	s3 =	sld [smem:$0x3FFE];
	_ =	sdelay $0x1  }
0x8a: {  	s1 =	srdreg.scid  }
0x8b: {  	s0 =	sand.u32 $0x1, s1  }
0x8c: {  	s17 =	sshll.u32 s0, $0xA;
	s2 =	sadd.s32 s3, s2  }
0x8d: {  	s2 =	sadd.s32 s2, s17  }
0x8e: {  	[smem:$0x3F68] =	sst s2  }
0x8f: {  	_ = 	snop  }
0x90: {  	(tm) =	ssettm $0x1  }
0x91: {  	s18 =	sld [smem:$0x3FFB];
	_ =	sdelay $0x3  }
0x92: {  	_ =	strace s18  }
0x93: {  	s2 =	sld [smem:$0x3FFC];
	_ =	sdelay $0x3  }
0x94: {  	_ =	strace s2  }
0x95: {  	s2 =	sld [smem:$0x3FFD];
	_ =	sdelay $0x3  }
0x96: {  	_ =	strace s2  }
0x97: {  	_ =	strace $0x8FFFFFFF  }
0x98: {  	s19 =	sld [smem:$0x3FDB];
	_ =	sdelay $0x1  }
0x99: {  	s20 =	simm.s32 $_scs_section_size  }
0x9a: {  	s4 =	simm.s32 $_size__tile_overlayer_lowered;
	s5 =	simm.s32 $_tile_overlayer_lowered  }
0x9b: {  	s6 =	simm.s32 $0x1BFF;
	s21 =	sshll.u32 s5, $0x1;
	s3 =	sadd.s32 s20, s19  }
0x9c: {  	s22 =	simm.s32 $0x0;
	s4 =	sshll.u32 s4, $0x1;
	s5 =	sadd.s32 s21, s3  }
0x9d: {  	[timem:s22], [sflag:s6] =	dma.local [hbm:s5], s4  }
0x9e: {  	_ =	swait.ge [sflag:s6], s4  }
0x9f: {  	s4 =	ssub.s32 $0x0, s4;
	[sflag:s6] =	ssyncset.done $0x0  }
0xa0: {  	[sflag:s6] =	ssyncadd.s32 s4;
	_ =	sdelay $0x1  }
0xa1: {  	s23 =	simm.s32 $0x1B8B  }
0xa2: {  	_ =	swait.ge [sflag:s23], $0x1  }
0xa3: {  	[sflag:s23] =	ssyncset.done $0x0  }
0xa4: {  	[sflag:s23] =	ssyncadd.s32 $0xFFFFFFFF  }
0xa5: {  	s4 =	sld [smem:$0x0]  }
0xa6: {  	s5 =	sand.u32 $0xFFFFFFFE, s1  }
0xa7: {  	p0 =	sne.s32 s1, s5  }
0xa8: {  	s5 =	sshll.u32 @p0 s5, $0xE  }
0xa9: {  	s5 =	sadd.s32 @p0 $0x11B8D, s5;
	s6 =	sshll.u32 @p0 s4, $0x11  }
0xaa: {  	s5 =	sor.u32 @p0 s6, s5  }
0xab: {  	[sflag:s5] =	ssyncadd.remote.s32 @p0 $0x1;
	_ =	sdelay $0x1  }
0xac: {  	s5 =	simm.s32 @p0 $0x1B8D  }
0xad: {  	_ =	swait.eq @p0 [sflag:s5], $0x1  }
0xae: {  	[sflag:s5] =	ssyncadd.s32 @p0 $0xFFFFFFFF  }
0xaf: {  	s6 =	sshll.u32 @!p0 s1, $0xE  }
0xb0: {  	s6 =	sor.u32 @!p0 $0x4000, s6;
	s5 =	simm.s32 @!p0 $0x1B8D  }
0xb1: {  	s4 =	sshll.u32 @!p0 s4, $0x11;
	s6 =	sadd.s32 @!p0 $0x11B8D, s6;
	_ =	swait.eq @!p0 [sflag:s5], $0x1  }
0xb2: {  	s4 =	sor.u32 @!p0 s4, s6;
	[sflag:s5] =	ssyncadd.s32 @!p0 $0xFFFFFFFF  }
0xb3: {  	s25 =	simm.s32 $0x1B8E;
	s24 =	sld [smem:$0x3FFE];
	[sflag:s4] =	ssyncadd.remote.s32 @!p0 $0x1  }
0xb4: {  	s26 =	simm.s32 $execute0_lowered;
	[smem:$0x3FD2] =	sst s25  }
0xb5: {  	s5 =	sshll.u32 s26, $0x1;
	_ =	strace $0x80000052;
	[dreg:$0x1] =	wrdreg $0xFFFFFFFF  }
0xb6: {  	s28 =	simm.s32 $_size_execute0_lowered;
	s3 =	sadd.s32 s3, s5;
	[dreg:$0x0] =	wrdreg $0x0  }
0xb7: {  	s5 =	sshll.u32 s28, $0x1;
	[dreg:$0x2] =	wrdreg s3  }
0xb8: {  	[dreg:$0x3] =	wrdreg s5  }
0xb9: {  	[dreg:$0x4] =	wrdreg $0xC0  }
0xba: {  	_ =	task [dreg:s22], $0x5FFFF  }
0xbb: {  	[dreg:$0x1] =	wrdreg $0xFFFFFFFF  }
0xbc: {  	[dreg:$0x0] =	wrdreg $0x60  }
0xbd: {  	[dreg:$0x2] =	wrdreg s24  }
0xbe: {  	[dreg:$0x3] =	wrdreg $0xD  }
0xbf: {  	_ =	task.clear_ibuf [dreg:s22], $0x4FFFF;
	_ =	strace $0x90000052  }
0xc0: {  	s29 =	simm.s32 $0xD;
	_ =	strace $0x80000054  }
0xc1: {  	_ =	swait.ge [sflag:s29], $0x1  }
0xc2: {  	[sflag:s29] =	ssyncadd.s32 $0xFFFFFFFF  }
0xc3: {  	_ =	strace $0x90000054  }
0xc4: {  	_ =	sfence  }
0xc5: {  	s30 =	sld [smem:$0x0];
	_ =	sdelay $0x2  }
0xc6: {  	s31 =	sshll.u32 s1, $0xD;
	s1 =	sshrl.u32 s1, $0x2  }
0xc7: {  	s4 =	sand.u32 $0x4000, s31;
	s1 =	sadd.s32 s1, s30  }
0xc8: {  	s0 =	sor.u32 s4, s0;
	s1 =	sshll.u32 s1, $0x11  }
0xc9: {  	s0 =	sor.u32 s1, s0  }
0xca: {  	s0 =	sadd.s32 $0x8F2B, s0  }
0xcb: {  	[sflag:s0] =	ssyncadd.remote.s32 $0x1  }
0xcc: {  	_ =	sfence.sel $0xFFFF  }
0xcd: {  	[dreg:$0x0] =	wrdreg $0xFFFFFFFF;
	(pc) =	sbr.abs _section_cstart, $3  }
0xce: {  	[dreg:$0x1] =	wrdreg $0xFFFFFFFF  }
0xcf: {  	_ =	task.clear_ibuf [dreg:s22], $0x2FFFF;
	_ =	strace $0x9FFFFFFF  }
0xd0: {  	(tm) =	ssettm $0x7FFFFFFF  }
0xd1: {  	_ =	shalt  }
tec
execute0_lowered:
.L_overlay_start_1:
0x0: {  	(tag) =	ssettag $0x1  }
0x1: {  	s4 =	rddreg [dreg:$0x0]  }
0x2: {  	s0 =	rddreg [dreg:$0x1]  }
0x3: {  	s3 =	srdreg.scid;
	s1 =	stileid.u32;
	s2 =	simm.s32 $0x0  }
0x4: {  	s10 =	simm.s32 $0x1;
	s11 =	simm.s32 $0x0;
	s6 =	smul.u32 $0x4E20, s1  }
0x5: {  	s5 =	sand.u32 $0x1, s3;
	[smem:$0x7FF] =	sst s2;
	s8 =	smul.u32 $0x4E200, s1  }
0x6: {  	s3 =	sadd.s32 $0xF4F400, s4;
	s7 =	smul.u32 $0x2710, s5;
	s9 =	ssub.s32 $0x2, s5  }
0x7: {  	_ =	strace $0x80000053;
	s5 =	smul.u32 $0x27100, s5;
	s31 =	sshrl.u32 s9, $0x1  }
0x8: {  	s30 =	sadd.s32 s8, s4;
	s6 =	sadd.s32 s7, s6;
	s8 =	ssub.s32 s9, s31  }
0x9: {  	s5 =	sadd.s32 s5, s30;
	s7 =	simm.s32 $0x2;
	s6 =	sshrl.u32 s6, $0x3  }
0xa: {  	s9 =	simm.s32 $0x80;
	s5 =	sadd.s32 $0x1481400, s5;
	s6 =	sadd.s32 s6, s4  }
0xb: {  	s4 =	smax.u32 s8, $0x1;
	s8 =	simm.s32 $0x50;
	s6 =	sadd.s32 $0x4F600, s6  }
.LBB2_1:
0xc: {  	s12 =	sadd.s32 $0x0, s6  }
0xd: {  	[tilespmem:s2], [sflag:$0x2] =	stream.linear.gather [hbm4b:s12+s2], $0x50, $0x38;
	[tilespmem:$0x2880] =	vst v63  }
0xe: {  	_ =	swait.ge [sflag:s7], $0x50  }
0xf: {  	[sflag:s7] =	ssyncset.done $0x0  }
0x10: {  	[sflag:s7] =	ssyncadd.s32 $0xFFFFFFB0  }
0x11: {  	[tilespmem:s9], [sflag:$0x1] =	stream.indirect.gather [hbm4b:s3+s8], $0x80, s2, s8, $0xb8;
	[tilespmem:$0x2880] =	vst v63  }
0x12: {  	_ =	swait.ge [sflag:s10], $0x2800  }
0x13: {  	[sflag:s10] =	ssyncset.done $0x0  }
0x14: {  	[sflag:s10] =	ssyncadd.s32 $0xFFFFD800  }
0x15: {  	[hbm4b:s5+s2] =	stream.linear.scatter [tilespmem:s9], [sflag:$0x2], $0x2800, $0x38;
	[tilespmem:$0x2880] =	vst v63  }
0x16: {  	s13 =	simm.s32 $0xA;
	_ =	swait.ge [sflag:s7], $0x2800  }
0x17: {  	s14 =	simm.s32 $0x14;
	s12 =	sadd.s32 $0x500, s5;
	[sflag:s7] =	ssyncset.done $0x0  }
.LBB2_2:
0x18: {  	s15 =	sadd.s32 s13, s6  }
0x19: {  	[sflag:s7] =	ssyncadd.s32 $0xFFFFD800;
	s13 =	smov.u32 s14;
	s16 =	sadd.s32 $0xA, s14  }
0x1a: {  	[tilespmem:s2], [sflag:$0x2] =	stream.linear.gather [hbm4b:s15+s2], $0x50, $0x38;
	[tilespmem:$0x2880] =	vst v63  }
0x1b: {  	p0 =	sne.s32 s14, $0x4D8;
	_ =	swait.ge [sflag:s7], $0x50  }
0x1c: {  	[sflag:s7] =	ssyncset.done $0x0  }
0x1d: {  	[sflag:s7] =	ssyncadd.s32 $0xFFFFFFB0  }
0x1e: {  	[tilespmem:s9], [sflag:$0x1] =	stream.indirect.gather [hbm4b:s3+s8], $0x80, s2, s8, $0xb8;
	[tilespmem:$0x2880] =	vst v63  }
0x1f: {  	_ =	swait.ge [sflag:s10], $0x2800  }
.Ltmp0:
0x20: {  	[sflag:s10] =	ssyncset.done $0x0;
	(pc) =	sbr.rel @p0 .LBB2_2-.Ltmp0, $4  }
0x21: {  	[sflag:s10] =	ssyncadd.s32 $0xFFFFD800  }
0x22: {  	[hbm4b:s12+s2] =	stream.linear.scatter [tilespmem:s9], [sflag:$0x2], $0x2800, $0x38;
	[tilespmem:$0x2880] =	vst v63  }
0x23: {  	_ =	swait.ge [sflag:s7], $0x2800  }
0x24: {  	s14 =	smov.u32 s16;
	s12 =	sadd.s32 $0x500, s12;
	[sflag:s7] =	ssyncset.done $0x0  }
0x25: {  	s13 =	sadd.s32 s13, s6;
	[sflag:s7] =	ssyncadd.s32 $0xFFFFD800  }
0x26: {  	[tilespmem:s2], [sflag:$0x2] =	stream.linear.gather [hbm4b:s13+s2], $0x50, $0x38;
	[tilespmem:$0x2880] =	vst v63  }
0x27: {  	_ =	swait.ge [sflag:s7], $0x50  }
0x28: {  	[sflag:s7] =	ssyncset.done $0x0  }
0x29: {  	[sflag:s7] =	ssyncadd.s32 $0xFFFFFFB0  }
0x2a: {  	[tilespmem:s9], [sflag:$0x1] =	stream.indirect.gather [hbm4b:s3+s8], $0x80, s2, s8, $0xb8;
	[tilespmem:$0x2880] =	vst v63  }
0x2b: {  	s11 =	sadd.s32 $0x1, s11;
	_ =	swait.ge [sflag:s10], $0x2800  }
0x2c: {  	p0 =	sne.s32 s11, s4;
	[sflag:s10] =	ssyncset.done $0x0  }
.Ltmp1:
0x2d: {  	[sflag:s10] =	ssyncadd.s32 $0xFFFFD800;
	(pc) =	sbr.rel @p0 .LBB2_1-.Ltmp1, $4  }
0x2e: {  	[hbm4b:s12+s2] =	stream.linear.scatter [tilespmem:s9], [sflag:$0x2], $0x2800, $0x38;
	[tilespmem:$0x2880] =	vst v63  }
0x2f: {  	_ =	swait.ge [sflag:s7], $0x2800  }
0x30: {  	[sflag:s7] =	ssyncset.done $0x0  }
0x31: {  	[sflag:s7] =	ssyncadd.s32 $0xFFFFD800  }
0x32: {  	_ =	sfence.sel $0x180000  }
0x33: {  	[bflag:$0x0] =	sbarrier.arrive $0xFFFF  }
0x34: {  	p0 =	sne.s32 s1, $0x0;
	_ =	strace $0x90000053  }
0x35: {  	s0 =	sadd.s32 @!p0 $0x100000, s0;
	[bflag:$0x2] =	sbarrier.arrive $0xFFFF  }
0x36: {  	[sflag:s0] =	ssyncadd.tile.s32 @!p0 $0x1;
	_ =	shalt  }
.Lfunc_end2:
_tile_overlayer_lowered:
.L_overlay_start_2:
0x37: {  	(tag) =	ssettag $0x2  }
0x38: {  	s0 =	rddreg [dreg:$0x0];
	s2 =	stileid.u32  }
0x39: {  	s1 =	rddreg [dreg:$0x1];
	p0 =	sne.s32 s2, $0x0  }
0x3a: {  	s3 =	rddreg [dreg:$0x2];
	[bflag:$0x3] =	sbarrier.arrive $0xFFFF;
	s2 =	simm.s32 @!p0 $0x1C02  }
0x3b: {  	[timem:s3], [sflag:s2] =	dma.local @!p0 [hbm:s0], s1  }
0x3c: {  	s0 =	simm.s32 @!p0 $0x2  }
0x3d: {  	_ =	swait.ge @!p0 [sflag:s0], s1  }
0x3e: {  	s1 =	ssub.s32 @!p0 $0x0, s1;
	[sflag:s0] =	ssyncset.done @!p0 $0x0  }
0x3f: {  	[sflag:s0] =	ssyncadd.s32 @!p0 s1  }
0x40: {  	[bflag:$0x3] =	sbarrier.arrive $0xFFFF  }
0x41: {  	_ =	shalt  }

// kernel: kernel.43.cloned.1.call-start
scs
__scs_entry_jumppad:
0x0: {  	(pc) =	sbr.rel $0x88, $3  }
0x1: {  	(tag) =	ssettag $0x0;
	lr =	simm.s32 $0x1  }
0x2: {  	[smem:$0x3F41] =	sst lr;
	_ =	strace $0xD0000000  }
0x3: {  	_ = 	snop  }
0x4: {  	_ = 	snop  }
0x5: {  	_ = 	snop  }
0x6: {  	_ = 	snop  }
0x7: {  	_ = 	snop  }
__scs_overlays_trampoline_lowered:
0x8: {  	[smem:$0x3F50] =	sst s0  }
0x9: {  	[smem:$0x3F51] =	sst s1  }
0xa: {  	[smem:$0x3F52] =	sst s2  }
0xb: {  	[smem:$0x3F53] =	sst s3  }
0xc: {  	[smem:$0x3F54] =	sst s4  }
0xd: {  	[smem:$0x3F55] =	sst s5  }
0xe: {  	[smem:$0x3F56] =	sst s6  }
0xf: {  	[smem:$0x3F57] =	sst s7  }
0x10: {  	[smem:$0x3F58] =	sst s8  }
0x11: {  	[smem:$0x3F59] =	sst s9;
	s0 =	simm.s32 @!p0 $0x0  }
0x12: {  	s1 =	sld [smem:$0x3F3F];
	s0 =	simm.s32 @p0 $0x1  }
0x13: {  	[smem:$0x3F5A] =	sst s0;
	s0 =	simm.s32 @!p1 $0x0  }
0x14: {  	s2 =	sld [smem:$0x3F3E];
	s0 =	simm.s32 @p1 $0x1  }
0x15: {  	[smem:$0x3F5B] =	sst s0;
	s0 =	simm.s32 @!p2 $0x0  }
0x16: {  	s3 =	sld [smem:$0x3FDB];
	s0 =	simm.s32 @p2 $0x1  }
0x17: {  	s4 =	simm.s32 $0x1BF5;
	[smem:$0x3F5D] =	sst s0  }
0x18: {  	s0 =	sld [smem:$0x3F40];
	_ =	swait.ge [sflag:s4], $0x0  }
0x19: {  	s7 =	sld [smem:$0x3F41]  }
0x1a: {  	s8 =	sadd.s32 $0xFFFFE003, lr  }
0x1b: {  	s9 =	sadd.s32 $0xFFFFFEF7, lr;
	s5 =	simm.s32 $0xFFFFFFFF;
	p2 =	slt.u32 s8, $0xFFFFF086  }
0x1c: {  	p1 =	slt.u32 s9, $0xF7A;
	s5 =	simm.s32 @!p2 $0x0  }
0x1d: {  	s5 =	simm.s32 @p1 $0x1;
	p0 =	seq.s32 s7, s2  }
0x1e: {  	s7 =	smul.u32 @!p0 $0xF7A, s2;
	p2 =	seq.s32 @!p0 s5, $0x0  }
0x1f: {  	s9 =	smul.u32 $0xF7A, s1;
	s8 =	simm.s32 @!p0 $0x1BF5;
	p2 =	por !p2, p0  }
0x20: {  	[sflag:s8] =	ssyncset.s32 @!p0 $0xFFFFF086;
	s6 =	sadd.s32 @!p0 s3, s7;
	s7 =	simm.s32 @!p0 $0x108  }
0x21: {  	s3 =	sadd.s32 s3, s9;
	s6 =	sadd.s32 @!p0 $0x88, s6;
	s7 =	simm.s32 @p2 $0x1082  }
0x22: {  	[simem:s7], [sflag:s8] =	dma.local @!p0 [hbm:s6], $0xF7A  }
0x23: {  	s9 =	sor.u32 $0xD0000000, s2;
	s6 =	simm.s32 $0x108;
	_ =	swait.ge @!p0 [sflag:s8], $0x0  }
0x24: {  	s3 =	sadd.s32 $0x88, s3;
	s6 =	simm.s32 @!p1 $0x1082;
	[sflag:s4] =	ssyncset.s32 $0xFFFFF086  }
0x25: {  	[simem:s6], [sflag:s4] =	dma.local [hbm:s3], $0xF7A  }
0x26: {  	[smem:$0x3F41] =	sst s1;
	(tag) =	ssettag s2;
	_ =	strace s9  }
0x27: {  	s1 =	sld [smem:$0x3F51]  }
0x28: {  	s2 =	sld [smem:$0x3F52]  }
0x29: {  	s4 =	sld [smem:$0x3F54]  }
0x2a: {  	p0 =	seq.s32 s5, $0x0;
	s5 =	sld [smem:$0x3F55]  }
0x2b: {  	s6 =	sld [smem:$0x3F56]  }
0x2c: {  	s7 =	sld [smem:$0x3F57]  }
0x2d: {  	s3 =	simm.s32 $0x108;
	s8 =	sld [smem:$0x3F58]  }
0x2e: {  	s3 =	simm.s32 @!p0 $0x1082;
	s9 =	sld [smem:$0x3F59]  }
0x2f: {  	lr =	sadd.s32 s0, s3;
	s0 =	sld [smem:$0x3F50]  }
0x30: {  	s3 =	sld [smem:$0x3F53]  }
0x31: {  	[smem:$0x3F5C] =	sst s10  }
0x32: {  	s10 =	sld [smem:$0x3F5A];
	_ =	sdelay $0x3  }
0x33: {  	p0 =	seq.s32 s10, $0x1;
	s10 =	sld [smem:$0x3F5C];
	_ =	sdelay $0x3  }
0x34: {  	[smem:$0x3F5C] =	sst s10  }
0x35: {  	s10 =	sld [smem:$0x3F5B];
	_ =	sdelay $0x3  }
0x36: {  	p1 =	seq.s32 s10, $0x1;
	s10 =	sld [smem:$0x3F5C];
	_ =	sdelay $0x3  }
0x37: {  	[smem:$0x3F5C] =	sst s10  }
0x38: {  	s10 =	sld [smem:$0x3F5D]  }
0x39: {  	_ = 	snop;
	(pc) =	sbr.ind lr, $3  }
0x3a: {  	_ = 	snop  }
0x3b: {  	_ = 	snop  }
0x3c: {  	p2 =	seq.s32 s10, $0x1;
	s10 =	sld [smem:$0x3F5C]  }
0x3d: {  	_ =	shalt  }
0x3e: {  	_ =	shalt  }
0x3f: {  	_ =	shalt  }
0x40: {  	_ =	shalt  }
0x41: {  	_ =	shalt  }
0x42: {  	_ =	shalt  }
0x43: {  	_ =	shalt  }
0x44: {  	_ =	shalt  }
0x45: {  	_ =	shalt  }
0x46: {  	_ =	shalt  }
0x47: {  	_ =	shalt  }
0x48: {  	_ =	shalt  }
0x49: {  	_ =	shalt  }
0x4a: {  	_ =	shalt  }
0x4b: {  	_ =	shalt  }
0x4c: {  	_ =	shalt  }
0x4d: {  	_ =	shalt  }
0x4e: {  	_ =	shalt  }
0x4f: {  	_ =	shalt  }
0x50: {  	_ =	shalt  }
0x51: {  	_ =	shalt  }
0x52: {  	_ =	shalt  }
0x53: {  	_ =	shalt  }
0x54: {  	_ =	shalt  }
0x55: {  	_ =	shalt  }
0x56: {  	_ =	shalt  }
0x57: {  	_ =	shalt  }
0x58: {  	_ =	shalt  }
0x59: {  	_ =	shalt  }
0x5a: {  	_ =	shalt  }
0x5b: {  	_ =	shalt  }
0x5c: {  	_ =	shalt  }
0x5d: {  	_ =	shalt  }
0x5e: {  	_ =	shalt  }
0x5f: {  	_ =	shalt  }
0x60: {  	_ =	shalt  }
0x61: {  	_ =	shalt  }
0x62: {  	_ =	shalt  }
0x63: {  	_ =	shalt  }
0x64: {  	_ =	shalt  }
0x65: {  	_ =	shalt  }
0x66: {  	_ =	shalt  }
0x67: {  	_ =	shalt  }
0x68: {  	_ =	shalt  }
0x69: {  	_ =	shalt  }
0x6a: {  	_ =	shalt  }
0x6b: {  	_ =	shalt  }
0x6c: {  	_ =	shalt  }
0x6d: {  	_ =	shalt  }
0x6e: {  	_ =	shalt  }
0x6f: {  	_ =	shalt  }
0x70: {  	_ =	shalt  }
0x71: {  	_ =	shalt  }
0x72: {  	_ =	shalt  }
0x73: {  	_ =	shalt  }
0x74: {  	_ =	shalt  }
0x75: {  	_ =	shalt  }
0x76: {  	_ =	shalt  }
0x77: {  	_ =	shalt  }
0x78: {  	_ =	shalt  }
0x79: {  	_ =	shalt  }
0x7a: {  	_ =	shalt  }
0x7b: {  	_ =	shalt  }
0x7c: {  	_ =	shalt  }
0x7d: {  	_ =	shalt  }
0x7e: {  	_ =	shalt  }
0x7f: {  	_ =	shalt  }
0x80: {  	_ =	shalt  }
0x81: {  	_ =	shalt  }
0x82: {  	_ =	shalt  }
0x83: {  	_ =	shalt  }
0x84: {  	_ =	shalt  }
0x85: {  	_ =	shalt  }
0x86: {  	_ =	shalt  }
0x87: {  	_ =	shalt  }
.Lfunc_end0:
.L_simem_size_0:
called_computation.4_lowered:
.L_overlay_start_0:
0x88: {  	s2 =	sld [smem:$0x3FD9]  }
0x89: {  	s3 =	sld [smem:$0x3FFE];
	_ =	sdelay $0x1  }
0x8a: {  	s1 =	srdreg.scid  }
0x8b: {  	s0 =	sand.u32 $0x1, s1  }
0x8c: {  	s17 =	sshll.u32 s0, $0xA;
	s2 =	sadd.s32 s3, s2  }
0x8d: {  	s2 =	sadd.s32 s2, s17  }
0x8e: {  	[smem:$0x3F68] =	sst s2  }
0x8f: {  	_ = 	snop  }
0x90: {  	(tm) =	ssettm $0x1  }
0x91: {  	s18 =	sld [smem:$0x3FFB];
	_ =	sdelay $0x3  }
0x92: {  	_ =	strace s18  }
0x93: {  	s2 =	sld [smem:$0x3FFC];
	_ =	sdelay $0x3  }
0x94: {  	_ =	strace s2  }
0x95: {  	s2 =	sld [smem:$0x3FFD];
	_ =	sdelay $0x3  }
0x96: {  	_ =	strace s2  }
0x97: {  	_ =	strace $0x8FFFFFFF  }
0x98: {  	s19 =	sld [smem:$0x3FDB];
	_ =	sdelay $0x1  }
0x99: {  	s20 =	simm.s32 $_scs_section_size  }
0x9a: {  	s4 =	simm.s32 $_size__tile_overlayer_lowered;
	s5 =	simm.s32 $_tile_overlayer_lowered  }
0x9b: {  	s6 =	simm.s32 $0x1BFF;
	s21 =	sshll.u32 s5, $0x1;
	s3 =	sadd.s32 s20, s19  }
0x9c: {  	s22 =	simm.s32 $0x0;
	s4 =	sshll.u32 s4, $0x1;
	s5 =	sadd.s32 s21, s3  }
0x9d: {  	[timem:s22], [sflag:s6] =	dma.local [hbm:s5], s4  }
0x9e: {  	_ =	swait.ge [sflag:s6], s4  }
0x9f: {  	s4 =	ssub.s32 $0x0, s4;
	[sflag:s6] =	ssyncset.done $0x0  }
0xa0: {  	[sflag:s6] =	ssyncadd.s32 s4;
	_ =	sdelay $0x1  }
0xa1: {  	s23 =	simm.s32 $0x1B8B  }
0xa2: {  	_ =	swait.ge [sflag:s23], $0x1  }
0xa3: {  	[sflag:s23] =	ssyncset.done $0x0  }
0xa4: {  	[sflag:s23] =	ssyncadd.s32 $0xFFFFFFFF  }
0xa5: {  	s4 =	sld [smem:$0x0]  }
0xa6: {  	s5 =	sand.u32 $0xFFFFFFFE, s1  }
0xa7: {  	p0 =	sne.s32 s1, s5  }
0xa8: {  	s5 =	sshll.u32 @p0 s5, $0xE  }
0xa9: {  	s5 =	sadd.s32 @p0 $0x11B8D, s5;
	s6 =	sshll.u32 @p0 s4, $0x11  }
0xaa: {  	s5 =	sor.u32 @p0 s6, s5  }
0xab: {  	[sflag:s5] =	ssyncadd.remote.s32 @p0 $0x1;
	_ =	sdelay $0x1  }
0xac: {  	s5 =	simm.s32 @p0 $0x1B8D  }
0xad: {  	_ =	swait.eq @p0 [sflag:s5], $0x1  }
0xae: {  	[sflag:s5] =	ssyncadd.s32 @p0 $0xFFFFFFFF  }
0xaf: {  	s6 =	sshll.u32 @!p0 s1, $0xE  }
0xb0: {  	s6 =	sor.u32 @!p0 $0x4000, s6;
	s5 =	simm.s32 @!p0 $0x1B8D  }
0xb1: {  	s4 =	sshll.u32 @!p0 s4, $0x11;
	s6 =	sadd.s32 @!p0 $0x11B8D, s6;
	_ =	swait.eq @!p0 [sflag:s5], $0x1  }
0xb2: {  	s4 =	sor.u32 @!p0 s4, s6;
	[sflag:s5] =	ssyncadd.s32 @!p0 $0xFFFFFFFF  }
0xb3: {  	s25 =	simm.s32 $0x1B8E;
	s24 =	sld [smem:$0x3FFE];
	[sflag:s4] =	ssyncadd.remote.s32 @!p0 $0x1  }
0xb4: {  	s26 =	simm.s32 $execute0_lowered;
	[smem:$0x3FD2] =	sst s25  }
0xb5: {  	s5 =	sshll.u32 s26, $0x1;
	_ =	strace $0x8000004C;
	[dreg:$0x1] =	wrdreg $0xFFFFFFFF  }
0xb6: {  	s28 =	simm.s32 $_size_execute0_lowered;
	s3 =	sadd.s32 s3, s5;
	[dreg:$0x0] =	wrdreg $0x0  }
0xb7: {  	s5 =	sshll.u32 s28, $0x1;
	[dreg:$0x2] =	wrdreg s3  }
0xb8: {  	[dreg:$0x3] =	wrdreg s5  }
0xb9: {  	[dreg:$0x4] =	wrdreg $0xC0  }
0xba: {  	_ =	task [dreg:s22], $0x5FFFF  }
0xbb: {  	[dreg:$0x1] =	wrdreg $0xFFFFFFFF  }
0xbc: {  	[dreg:$0x0] =	wrdreg $0x60  }
0xbd: {  	[dreg:$0x2] =	wrdreg s24  }
0xbe: {  	[dreg:$0x3] =	wrdreg $0xB  }
0xbf: {  	_ =	task.clear_ibuf [dreg:s22], $0x4FFFF;
	_ =	strace $0x9000004C  }
0xc0: {  	s29 =	simm.s32 $0xB;
	_ =	strace $0x8000004E  }
0xc1: {  	_ =	swait.ge [sflag:s29], $0x1  }
0xc2: {  	[sflag:s29] =	ssyncadd.s32 $0xFFFFFFFF  }
0xc3: {  	_ =	strace $0x9000004E  }
0xc4: {  	_ =	sfence  }
0xc5: {  	s30 =	sld [smem:$0x0];
	_ =	sdelay $0x2  }
0xc6: {  	s31 =	sshll.u32 s1, $0xD;
	s1 =	sshrl.u32 s1, $0x2  }
0xc7: {  	s4 =	sand.u32 $0x4000, s31;
	s1 =	sadd.s32 s1, s30  }
0xc8: {  	s0 =	sor.u32 s4, s0;
	s1 =	sshll.u32 s1, $0x11  }
0xc9: {  	s0 =	sor.u32 s1, s0  }
0xca: {  	s0 =	sadd.s32 $0x8F2B, s0  }
0xcb: {  	[sflag:s0] =	ssyncadd.remote.s32 $0x1  }
0xcc: {  	_ =	sfence.sel $0xFFFF  }
0xcd: {  	[dreg:$0x0] =	wrdreg $0xFFFFFFFF;
	(pc) =	sbr.abs _section_cstart, $3  }
0xce: {  	[dreg:$0x1] =	wrdreg $0xFFFFFFFF  }
0xcf: {  	_ =	task.clear_ibuf [dreg:s22], $0x2FFFF;
	_ =	strace $0x9FFFFFFF  }
0xd0: {  	(tm) =	ssettm $0x7FFFFFFF  }
0xd1: {  	_ =	shalt  }
tec
execute0_lowered:
.L_overlay_start_1:
0x0: {  	(tag) =	ssettag $0x1  }
0x1: {  	s4 =	rddreg [dreg:$0x0]  }
0x2: {  	s0 =	rddreg [dreg:$0x1]  }
0x3: {  	s3 =	srdreg.scid;
	s1 =	stileid.u32;
	s2 =	simm.s32 $0x0  }
0x4: {  	s10 =	simm.s32 $0x1;
	s11 =	simm.s32 $0x0;
	s6 =	smul.u32 $0x4E20, s1  }
0x5: {  	s5 =	sand.u32 $0x1, s3;
	[smem:$0x7FF] =	sst s2;
	s8 =	smul.u32 $0x4E200, s1  }
0x6: {  	s3 =	sadd.s32 $0x53B400, s4;
	s7 =	smul.u32 $0x2710, s5;
	s9 =	ssub.s32 $0x2, s5  }
0x7: {  	_ =	strace $0x8000004D;
	s5 =	smul.u32 $0x27100, s5;
	s31 =	sshrl.u32 s9, $0x1  }
0x8: {  	s30 =	sadd.s32 s8, s4;
	s6 =	sadd.s32 s7, s6;
	s8 =	ssub.s32 s9, s31  }
0x9: {  	s5 =	sadd.s32 s5, s30;
	s7 =	simm.s32 $0x2;
	s6 =	sshrl.u32 s6, $0x3  }
0xa: {  	s9 =	simm.s32 $0x80;
	s5 =	sadd.s32 $0xA1D400, s5;
	s6 =	sadd.s32 s6, s4  }
0xb: {  	s4 =	smax.u32 s8, $0x1;
	s8 =	simm.s32 $0x50;
	s6 =	sadd.s32 $0x27E00, s6  }
.LBB2_1:
0xc: {  	s12 =	sadd.s32 $0x0, s6  }
0xd: {  	[tilespmem:s2], [sflag:$0x2] =	stream.linear.gather [hbm4b:s12+s2], $0x50, $0x38;
	[tilespmem:$0x2880] =	vst v63  }
0xe: {  	_ =	swait.ge [sflag:s7], $0x50  }
0xf: {  	[sflag:s7] =	ssyncset.done $0x0  }
0x10: {  	[sflag:s7] =	ssyncadd.s32 $0xFFFFFFB0  }
0x11: {  	[tilespmem:s9], [sflag:$0x1] =	stream.indirect.gather [hbm4b:s3+s8], $0x80, s2, s8, $0xb8;
	[tilespmem:$0x2880] =	vst v63  }
0x12: {  	_ =	swait.ge [sflag:s10], $0x2800  }
0x13: {  	[sflag:s10] =	ssyncset.done $0x0  }
0x14: {  	[sflag:s10] =	ssyncadd.s32 $0xFFFFD800  }
0x15: {  	[hbm4b:s5+s2] =	stream.linear.scatter [tilespmem:s9], [sflag:$0x2], $0x2800, $0x38;
	[tilespmem:$0x2880] =	vst v63  }
0x16: {  	s13 =	simm.s32 $0xA;
	_ =	swait.ge [sflag:s7], $0x2800  }
0x17: {  	s14 =	simm.s32 $0x14;
	s12 =	sadd.s32 $0x500, s5;
	[sflag:s7] =	ssyncset.done $0x0  }
.LBB2_2:
0x18: {  	s15 =	sadd.s32 s13, s6  }
0x19: {  	[sflag:s7] =	ssyncadd.s32 $0xFFFFD800;
	s13 =	smov.u32 s14;
	s16 =	sadd.s32 $0xA, s14  }
0x1a: {  	[tilespmem:s2], [sflag:$0x2] =	stream.linear.gather [hbm4b:s15+s2], $0x50, $0x38;
	[tilespmem:$0x2880] =	vst v63  }
0x1b: {  	p0 =	sne.s32 s14, $0x4D8;
	_ =	swait.ge [sflag:s7], $0x50  }
0x1c: {  	[sflag:s7] =	ssyncset.done $0x0  }
0x1d: {  	[sflag:s7] =	ssyncadd.s32 $0xFFFFFFB0  }
0x1e: {  	[tilespmem:s9], [sflag:$0x1] =	stream.indirect.gather [hbm4b:s3+s8], $0x80, s2, s8, $0xb8;
	[tilespmem:$0x2880] =	vst v63  }
0x1f: {  	_ =	swait.ge [sflag:s10], $0x2800  }
.Ltmp0:
0x20: {  	[sflag:s10] =	ssyncset.done $0x0;
	(pc) =	sbr.rel @p0 .LBB2_2-.Ltmp0, $4  }
0x21: {  	[sflag:s10] =	ssyncadd.s32 $0xFFFFD800  }
0x22: {  	[hbm4b:s12+s2] =	stream.linear.scatter [tilespmem:s9], [sflag:$0x2], $0x2800, $0x38;
	[tilespmem:$0x2880] =	vst v63  }
0x23: {  	_ =	swait.ge [sflag:s7], $0x2800  }
0x24: {  	s14 =	smov.u32 s16;
	s12 =	sadd.s32 $0x500, s12;
	[sflag:s7] =	ssyncset.done $0x0  }
0x25: {  	s13 =	sadd.s32 s13, s6;
	[sflag:s7] =	ssyncadd.s32 $0xFFFFD800  }
0x26: {  	[tilespmem:s2], [sflag:$0x2] =	stream.linear.gather [hbm4b:s13+s2], $0x50, $0x38;
	[tilespmem:$0x2880] =	vst v63  }
0x27: {  	_ =	swait.ge [sflag:s7], $0x50  }
0x28: {  	[sflag:s7] =	ssyncset.done $0x0  }
0x29: {  	[sflag:s7] =	ssyncadd.s32 $0xFFFFFFB0  }
0x2a: {  	[tilespmem:s9], [sflag:$0x1] =	stream.indirect.gather [hbm4b:s3+s8], $0x80, s2, s8, $0xb8;
	[tilespmem:$0x2880] =	vst v63  }
0x2b: {  	s11 =	sadd.s32 $0x1, s11;
	_ =	swait.ge [sflag:s10], $0x2800  }
0x2c: {  	p0 =	sne.s32 s11, s4;
	[sflag:s10] =	ssyncset.done $0x0  }
.Ltmp1:
0x2d: {  	[sflag:s10] =	ssyncadd.s32 $0xFFFFD800;
	(pc) =	sbr.rel @p0 .LBB2_1-.Ltmp1, $4  }
0x2e: {  	[hbm4b:s12+s2] =	stream.linear.scatter [tilespmem:s9], [sflag:$0x2], $0x2800, $0x38;
	[tilespmem:$0x2880] =	vst v63  }
0x2f: {  	_ =	swait.ge [sflag:s7], $0x2800  }
0x30: {  	[sflag:s7] =	ssyncset.done $0x0  }
0x31: {  	[sflag:s7] =	ssyncadd.s32 $0xFFFFD800  }
0x32: {  	_ =	sfence.sel $0x180000  }
0x33: {  	[bflag:$0x0] =	sbarrier.arrive $0xFFFF  }
0x34: {  	p0 =	sne.s32 s1, $0x0;
	_ =	strace $0x9000004D  }
0x35: {  	s0 =	sadd.s32 @!p0 $0x100000, s0;
	[bflag:$0x2] =	sbarrier.arrive $0xFFFF  }
0x36: {  	[sflag:s0] =	ssyncadd.tile.s32 @!p0 $0x1;
	_ =	shalt  }
.Lfunc_end2:
_tile_overlayer_lowered:
.L_overlay_start_2:
0x37: {  	(tag) =	ssettag $0x2  }
0x38: {  	s0 =	rddreg [dreg:$0x0];
	s2 =	stileid.u32  }
0x39: {  	s1 =	rddreg [dreg:$0x1];
	p0 =	sne.s32 s2, $0x0  }
0x3a: {  	s3 =	rddreg [dreg:$0x2];
	[bflag:$0x3] =	sbarrier.arrive $0xFFFF;
	s2 =	simm.s32 @!p0 $0x1C02  }
0x3b: {  	[timem:s3], [sflag:s2] =	dma.local @!p0 [hbm:s0], s1  }
0x3c: {  	s0 =	simm.s32 @!p0 $0x2  }
0x3d: {  	_ =	swait.ge @!p0 [sflag:s0], s1  }
0x3e: {  	s1 =	ssub.s32 @!p0 $0x0, s1;
	[sflag:s0] =	ssyncset.done @!p0 $0x0  }
0x3f: {  	[sflag:s0] =	ssyncadd.s32 @!p0 s1  }
0x40: {  	[bflag:$0x3] =	sbarrier.arrive $0xFFFF  }
0x41: {  	_ =	shalt  }

// kernel: kernel.46.cloned.1.call-start
scs
__scs_entry_jumppad:
0x0: {  	(pc) =	sbr.rel $0x88, $3  }
0x1: {  	(tag) =	ssettag $0x0;
	lr =	simm.s32 $0x1  }
0x2: {  	[smem:$0x3F41] =	sst lr;
	_ =	strace $0xD0000000  }
0x3: {  	_ = 	snop  }
0x4: {  	_ = 	snop  }
0x5: {  	_ = 	snop  }
0x6: {  	_ = 	snop  }
0x7: {  	_ = 	snop  }
__scs_overlays_trampoline_lowered:
0x8: {  	[smem:$0x3F50] =	sst s0  }
0x9: {  	[smem:$0x3F51] =	sst s1  }
0xa: {  	[smem:$0x3F52] =	sst s2  }
0xb: {  	[smem:$0x3F53] =	sst s3  }
0xc: {  	[smem:$0x3F54] =	sst s4  }
0xd: {  	[smem:$0x3F55] =	sst s5  }
0xe: {  	[smem:$0x3F56] =	sst s6  }
0xf: {  	[smem:$0x3F57] =	sst s7  }
0x10: {  	[smem:$0x3F58] =	sst s8  }
0x11: {  	[smem:$0x3F59] =	sst s9;
	s0 =	simm.s32 @!p0 $0x0  }
0x12: {  	s1 =	sld [smem:$0x3F3F];
	s0 =	simm.s32 @p0 $0x1  }
0x13: {  	[smem:$0x3F5A] =	sst s0;
	s0 =	simm.s32 @!p1 $0x0  }
0x14: {  	s2 =	sld [smem:$0x3F3E];
	s0 =	simm.s32 @p1 $0x1  }
0x15: {  	[smem:$0x3F5B] =	sst s0;
	s0 =	simm.s32 @!p2 $0x0  }
0x16: {  	s3 =	sld [smem:$0x3FDB];
	s0 =	simm.s32 @p2 $0x1  }
0x17: {  	s4 =	simm.s32 $0x1BF5;
	[smem:$0x3F5D] =	sst s0  }
0x18: {  	s0 =	sld [smem:$0x3F40];
	_ =	swait.ge [sflag:s4], $0x0  }
0x19: {  	s7 =	sld [smem:$0x3F41]  }
0x1a: {  	s8 =	sadd.s32 $0xFFFFE003, lr  }
0x1b: {  	s9 =	sadd.s32 $0xFFFFFEF7, lr;
	s5 =	simm.s32 $0xFFFFFFFF;
	p2 =	slt.u32 s8, $0xFFFFF086  }
0x1c: {  	p1 =	slt.u32 s9, $0xF7A;
	s5 =	simm.s32 @!p2 $0x0  }
0x1d: {  	s5 =	simm.s32 @p1 $0x1;
	p0 =	seq.s32 s7, s2  }
0x1e: {  	s7 =	smul.u32 @!p0 $0xF7A, s2;
	p2 =	seq.s32 @!p0 s5, $0x0  }
0x1f: {  	s9 =	smul.u32 $0xF7A, s1;
	s8 =	simm.s32 @!p0 $0x1BF5;
	p2 =	por !p2, p0  }
0x20: {  	[sflag:s8] =	ssyncset.s32 @!p0 $0xFFFFF086;
	s6 =	sadd.s32 @!p0 s3, s7;
	s7 =	simm.s32 @!p0 $0x108  }
0x21: {  	s3 =	sadd.s32 s3, s9;
	s6 =	sadd.s32 @!p0 $0x88, s6;
	s7 =	simm.s32 @p2 $0x1082  }
0x22: {  	[simem:s7], [sflag:s8] =	dma.local @!p0 [hbm:s6], $0xF7A  }
0x23: {  	s9 =	sor.u32 $0xD0000000, s2;
	s6 =	simm.s32 $0x108;
	_ =	swait.ge @!p0 [sflag:s8], $0x0  }
0x24: {  	s3 =	sadd.s32 $0x88, s3;
	s6 =	simm.s32 @!p1 $0x1082;
	[sflag:s4] =	ssyncset.s32 $0xFFFFF086  }
0x25: {  	[simem:s6], [sflag:s4] =	dma.local [hbm:s3], $0xF7A  }
0x26: {  	[smem:$0x3F41] =	sst s1;
	(tag) =	ssettag s2;
	_ =	strace s9  }
0x27: {  	s1 =	sld [smem:$0x3F51]  }
0x28: {  	s2 =	sld [smem:$0x3F52]  }
0x29: {  	s4 =	sld [smem:$0x3F54]  }
0x2a: {  	p0 =	seq.s32 s5, $0x0;
	s5 =	sld [smem:$0x3F55]  }
0x2b: {  	s6 =	sld [smem:$0x3F56]  }
0x2c: {  	s7 =	sld [smem:$0x3F57]  }
0x2d: {  	s3 =	simm.s32 $0x108;
	s8 =	sld [smem:$0x3F58]  }
0x2e: {  	s3 =	simm.s32 @!p0 $0x1082;
	s9 =	sld [smem:$0x3F59]  }
0x2f: {  	lr =	sadd.s32 s0, s3;
	s0 =	sld [smem:$0x3F50]  }
0x30: {  	s3 =	sld [smem:$0x3F53]  }
0x31: {  	[smem:$0x3F5C] =	sst s10  }
0x32: {  	s10 =	sld [smem:$0x3F5A];
	_ =	sdelay $0x3  }
0x33: {  	p0 =	seq.s32 s10, $0x1;
	s10 =	sld [smem:$0x3F5C];
	_ =	sdelay $0x3  }
0x34: {  	[smem:$0x3F5C] =	sst s10  }
0x35: {  	s10 =	sld [smem:$0x3F5B];
	_ =	sdelay $0x3  }
0x36: {  	p1 =	seq.s32 s10, $0x1;
	s10 =	sld [smem:$0x3F5C];
	_ =	sdelay $0x3  }
0x37: {  	[smem:$0x3F5C] =	sst s10  }
0x38: {  	s10 =	sld [smem:$0x3F5D]  }
0x39: {  	_ = 	snop;
	(pc) =	sbr.ind lr, $3  }
0x3a: {  	_ = 	snop  }
0x3b: {  	_ = 	snop  }
0x3c: {  	p2 =	seq.s32 s10, $0x1;
	s10 =	sld [smem:$0x3F5C]  }
0x3d: {  	_ =	shalt  }
0x3e: {  	_ =	shalt  }
0x3f: {  	_ =	shalt  }
0x40: {  	_ =	shalt  }
0x41: {  	_ =	shalt  }
0x42: {  	_ =	shalt  }
0x43: {  	_ =	shalt  }
0x44: {  	_ =	shalt  }
0x45: {  	_ =	shalt  }
0x46: {  	_ =	shalt  }
0x47: {  	_ =	shalt  }
0x48: {  	_ =	shalt  }
0x49: {  	_ =	shalt  }
0x4a: {  	_ =	shalt  }
0x4b: {  	_ =	shalt  }
0x4c: {  	_ =	shalt  }
0x4d: {  	_ =	shalt  }
0x4e: {  	_ =	shalt  }
0x4f: {  	_ =	shalt  }
0x50: {  	_ =	shalt  }
0x51: {  	_ =	shalt  }
0x52: {  	_ =	shalt  }
0x53: {  	_ =	shalt  }
0x54: {  	_ =	shalt  }
0x55: {  	_ =	shalt  }
0x56: {  	_ =	shalt  }
0x57: {  	_ =	shalt  }
0x58: {  	_ =	shalt  }
0x59: {  	_ =	shalt  }
0x5a: {  	_ =	shalt  }
0x5b: {  	_ =	shalt  }
0x5c: {  	_ =	shalt  }
0x5d: {  	_ =	shalt  }
0x5e: {  	_ =	shalt  }
0x5f: {  	_ =	shalt  }
0x60: {  	_ =	shalt  }
0x61: {  	_ =	shalt  }
0x62: {  	_ =	shalt  }
0x63: {  	_ =	shalt  }
0x64: {  	_ =	shalt  }
0x65: {  	_ =	shalt  }
0x66: {  	_ =	shalt  }
0x67: {  	_ =	shalt  }
0x68: {  	_ =	shalt  }
0x69: {  	_ =	shalt  }
0x6a: {  	_ =	shalt  }
0x6b: {  	_ =	shalt  }
0x6c: {  	_ =	shalt  }
0x6d: {  	_ =	shalt  }
0x6e: {  	_ =	shalt  }
0x6f: {  	_ =	shalt  }
0x70: {  	_ =	shalt  }
0x71: {  	_ =	shalt  }
0x72: {  	_ =	shalt  }
0x73: {  	_ =	shalt  }
0x74: {  	_ =	shalt  }
0x75: {  	_ =	shalt  }
0x76: {  	_ =	shalt  }
0x77: {  	_ =	shalt  }
0x78: {  	_ =	shalt  }
0x79: {  	_ =	shalt  }
0x7a: {  	_ =	shalt  }
0x7b: {  	_ =	shalt  }
0x7c: {  	_ =	shalt  }
0x7d: {  	_ =	shalt  }
0x7e: {  	_ =	shalt  }
0x7f: {  	_ =	shalt  }
0x80: {  	_ =	shalt  }
0x81: {  	_ =	shalt  }
0x82: {  	_ =	shalt  }
0x83: {  	_ =	shalt  }
0x84: {  	_ =	shalt  }
0x85: {  	_ =	shalt  }
0x86: {  	_ =	shalt  }
0x87: {  	_ =	shalt  }
.Lfunc_end0:
.L_simem_size_0:
called_computation.5_lowered:
.L_overlay_start_0:
0x88: {  	s2 =	sld [smem:$0x3FD9]  }
0x89: {  	s3 =	sld [smem:$0x3FFE];
	_ =	sdelay $0x1  }
0x8a: {  	s1 =	srdreg.scid  }
0x8b: {  	s0 =	sand.u32 $0x1, s1  }
0x8c: {  	s17 =	sshll.u32 s0, $0xA;
	s2 =	sadd.s32 s3, s2  }
0x8d: {  	s2 =	sadd.s32 s2, s17  }
0x8e: {  	[smem:$0x3F68] =	sst s2  }
0x8f: {  	_ = 	snop  }
0x90: {  	(tm) =	ssettm $0x1  }
0x91: {  	s18 =	sld [smem:$0x3FFB];
	_ =	sdelay $0x3  }
0x92: {  	_ =	strace s18  }
0x93: {  	s2 =	sld [smem:$0x3FFC];
	_ =	sdelay $0x3  }
0x94: {  	_ =	strace s2  }
0x95: {  	s2 =	sld [smem:$0x3FFD];
	_ =	sdelay $0x3  }
0x96: {  	_ =	strace s2  }
0x97: {  	_ =	strace $0x8FFFFFFF  }
0x98: {  	s19 =	sld [smem:$0x3FDB];
	_ =	sdelay $0x1  }
0x99: {  	s20 =	simm.s32 $_scs_section_size  }
0x9a: {  	s4 =	simm.s32 $_size__tile_overlayer_lowered;
	s5 =	simm.s32 $_tile_overlayer_lowered  }
0x9b: {  	s6 =	simm.s32 $0x1BFF;
	s21 =	sshll.u32 s5, $0x1;
	s3 =	sadd.s32 s20, s19  }
0x9c: {  	s22 =	simm.s32 $0x0;
	s4 =	sshll.u32 s4, $0x1;
	s5 =	sadd.s32 s21, s3  }
0x9d: {  	[timem:s22], [sflag:s6] =	dma.local [hbm:s5], s4  }
0x9e: {  	_ =	swait.ge [sflag:s6], s4  }
0x9f: {  	s4 =	ssub.s32 $0x0, s4;
	[sflag:s6] =	ssyncset.done $0x0  }
0xa0: {  	[sflag:s6] =	ssyncadd.s32 s4;
	_ =	sdelay $0x1  }
0xa1: {  	s23 =	simm.s32 $0x1B8B  }
0xa2: {  	_ =	swait.ge [sflag:s23], $0x1  }
0xa3: {  	[sflag:s23] =	ssyncset.done $0x0  }
0xa4: {  	[sflag:s23] =	ssyncadd.s32 $0xFFFFFFFF  }
0xa5: {  	s4 =	sld [smem:$0x0]  }
0xa6: {  	s5 =	sand.u32 $0xFFFFFFFE, s1  }
0xa7: {  	p0 =	sne.s32 s1, s5  }
0xa8: {  	s5 =	sshll.u32 @p0 s5, $0xE  }
0xa9: {  	s5 =	sadd.s32 @p0 $0x11B8D, s5;
	s6 =	sshll.u32 @p0 s4, $0x11  }
0xaa: {  	s5 =	sor.u32 @p0 s6, s5  }
0xab: {  	[sflag:s5] =	ssyncadd.remote.s32 @p0 $0x1;
	_ =	sdelay $0x1  }
0xac: {  	s5 =	simm.s32 @p0 $0x1B8D  }
0xad: {  	_ =	swait.eq @p0 [sflag:s5], $0x1  }
0xae: {  	[sflag:s5] =	ssyncadd.s32 @p0 $0xFFFFFFFF  }
0xaf: {  	s6 =	sshll.u32 @!p0 s1, $0xE  }
0xb0: {  	s6 =	sor.u32 @!p0 $0x4000, s6;
	s5 =	simm.s32 @!p0 $0x1B8D  }
0xb1: {  	s4 =	sshll.u32 @!p0 s4, $0x11;
	s6 =	sadd.s32 @!p0 $0x11B8D, s6;
	_ =	swait.eq @!p0 [sflag:s5], $0x1  }
0xb2: {  	s4 =	sor.u32 @!p0 s4, s6;
	[sflag:s5] =	ssyncadd.s32 @!p0 $0xFFFFFFFF  }
0xb3: {  	s25 =	simm.s32 $0x1B8E;
	s24 =	sld [smem:$0x3FFE];
	[sflag:s4] =	ssyncadd.remote.s32 @!p0 $0x1  }
0xb4: {  	s26 =	simm.s32 $execute0_lowered;
	[smem:$0x3FD2] =	sst s25  }
0xb5: {  	s5 =	sshll.u32 s26, $0x1;
	_ =	strace $0x8000005B;
	[dreg:$0x1] =	wrdreg $0xFFFFFFFF  }
0xb6: {  	s28 =	simm.s32 $_size_execute0_lowered;
	s3 =	sadd.s32 s3, s5;
	[dreg:$0x0] =	wrdreg $0x0  }
0xb7: {  	s5 =	sshll.u32 s28, $0x1;
	[dreg:$0x2] =	wrdreg s3  }
0xb8: {  	[dreg:$0x3] =	wrdreg s5  }
0xb9: {  	[dreg:$0x4] =	wrdreg $0xC0  }
0xba: {  	_ =	task [dreg:s22], $0x5FFFF  }
0xbb: {  	[dreg:$0x1] =	wrdreg $0xFFFFFFFF  }
0xbc: {  	[dreg:$0x0] =	wrdreg $0x60  }
0xbd: {  	[dreg:$0x2] =	wrdreg s24  }
0xbe: {  	[dreg:$0x3] =	wrdreg $0xB  }
0xbf: {  	_ =	task.clear_ibuf [dreg:s22], $0x4FFFF;
	_ =	strace $0x9000005B  }
0xc0: {  	s29 =	simm.s32 $0xB;
	_ =	strace $0x8000005D  }
0xc1: {  	_ =	swait.ge [sflag:s29], $0x1  }
0xc2: {  	[sflag:s29] =	ssyncadd.s32 $0xFFFFFFFF  }
0xc3: {  	_ =	strace $0x9000005D  }
0xc4: {  	_ =	sfence  }
0xc5: {  	s30 =	sld [smem:$0x0];
	_ =	sdelay $0x2  }
0xc6: {  	s31 =	sshll.u32 s1, $0xD;
	s1 =	sshrl.u32 s1, $0x2  }
0xc7: {  	s4 =	sand.u32 $0x4000, s31;
	s1 =	sadd.s32 s1, s30  }
0xc8: {  	s0 =	sor.u32 s4, s0;
	s1 =	sshll.u32 s1, $0x11  }
0xc9: {  	s0 =	sor.u32 s1, s0  }
0xca: {  	s0 =	sadd.s32 $0x8F2B, s0  }
0xcb: {  	[sflag:s0] =	ssyncadd.remote.s32 $0x1  }
0xcc: {  	_ =	sfence.sel $0xFFFF  }
0xcd: {  	[dreg:$0x0] =	wrdreg $0xFFFFFFFF;
	(pc) =	sbr.abs _section_cstart, $3  }
0xce: {  	[dreg:$0x1] =	wrdreg $0xFFFFFFFF  }
0xcf: {  	_ =	task.clear_ibuf [dreg:s22], $0x2FFFF;
	_ =	strace $0x9FFFFFFF  }
0xd0: {  	(tm) =	ssettm $0x7FFFFFFF  }
0xd1: {  	_ =	shalt  }
tec
execute0_lowered:
.L_overlay_start_1:
0x0: {  	(tag) =	ssettag $0x1  }
0x1: {  	s4 =	rddreg [dreg:$0x0]  }
0x2: {  	s0 =	rddreg [dreg:$0x1]  }
0x3: {  	s3 =	srdreg.scid;
	s1 =	stileid.u32;
	s2 =	simm.s32 $0x0  }
0x4: {  	s10 =	simm.s32 $0x1;
	s11 =	simm.s32 $0x0;
	s6 =	smul.u32 $0x4E20, s1  }
0x5: {  	s5 =	sand.u32 $0x1, s3;
	[smem:$0x7FF] =	sst s2;
	s8 =	smul.u32 $0x4E200, s1  }
0x6: {  	s3 =	sadd.s32 $0x58B400, s4;
	s7 =	smul.u32 $0x2710, s5;
	s9 =	ssub.s32 $0x2, s5  }
0x7: {  	_ =	strace $0x8000005C;
	s5 =	smul.u32 $0x27100, s5;
	s31 =	sshrl.u32 s9, $0x1  }
0x8: {  	s30 =	sadd.s32 s8, s4;
	s6 =	sadd.s32 s7, s6;
	s8 =	ssub.s32 s9, s31  }
0x9: {  	s5 =	sadd.s32 s5, s30;
	s7 =	simm.s32 $0x2;
	s6 =	sshrl.u32 s6, $0x3  }
0xa: {  	s9 =	simm.s32 $0x80;
	s5 =	sadd.s32 $0xABD400, s5;
	s6 =	sadd.s32 s6, s4  }
0xb: {  	s4 =	smax.u32 s8, $0x1;
	s8 =	simm.s32 $0x50;
	s6 =	sadd.s32 $0x4F600, s6  }
.LBB2_1:
0xc: {  	s12 =	sadd.s32 $0x0, s6  }
0xd: {  	[tilespmem:s2], [sflag:$0x2] =	stream.linear.gather [hbm4b:s12+s2], $0x50, $0x38;
	[tilespmem:$0x2880] =	vst v63  }
0xe: {  	_ =	swait.ge [sflag:s7], $0x50  }
0xf: {  	[sflag:s7] =	ssyncset.done $0x0  }
0x10: {  	[sflag:s7] =	ssyncadd.s32 $0xFFFFFFB0  }
0x11: {  	[tilespmem:s9], [sflag:$0x1] =	stream.indirect.gather [hbm4b:s3+s8], $0x80, s2, s8, $0xb8;
	[tilespmem:$0x2880] =	vst v63  }
0x12: {  	_ =	swait.ge [sflag:s10], $0x2800  }
0x13: {  	[sflag:s10] =	ssyncset.done $0x0  }
0x14: {  	[sflag:s10] =	ssyncadd.s32 $0xFFFFD800  }
0x15: {  	[hbm4b:s5+s2] =	stream.linear.scatter [tilespmem:s9], [sflag:$0x2], $0x2800, $0x38;
	[tilespmem:$0x2880] =	vst v63  }
0x16: {  	s13 =	simm.s32 $0xA;
	_ =	swait.ge [sflag:s7], $0x2800  }
0x17: {  	s14 =	simm.s32 $0x14;
	s12 =	sadd.s32 $0x500, s5;
	[sflag:s7] =	ssyncset.done $0x0  }
.LBB2_2:
0x18: {  	s15 =	sadd.s32 s13, s6  }
0x19: {  	[sflag:s7] =	ssyncadd.s32 $0xFFFFD800;
	s13 =	smov.u32 s14;
	s16 =	sadd.s32 $0xA, s14  }
0x1a: {  	[tilespmem:s2], [sflag:$0x2] =	stream.linear.gather [hbm4b:s15+s2], $0x50, $0x38;
	[tilespmem:$0x2880] =	vst v63  }
0x1b: {  	p0 =	sne.s32 s14, $0x4D8;
	_ =	swait.ge [sflag:s7], $0x50  }
0x1c: {  	[sflag:s7] =	ssyncset.done $0x0  }
0x1d: {  	[sflag:s7] =	ssyncadd.s32 $0xFFFFFFB0  }
0x1e: {  	[tilespmem:s9], [sflag:$0x1] =	stream.indirect.gather [hbm4b:s3+s8], $0x80, s2, s8, $0xb8;
	[tilespmem:$0x2880] =	vst v63  }
0x1f: {  	_ =	swait.ge [sflag:s10], $0x2800  }
.Ltmp0:
0x20: {  	[sflag:s10] =	ssyncset.done $0x0;
	(pc) =	sbr.rel @p0 .LBB2_2-.Ltmp0, $4  }
0x21: {  	[sflag:s10] =	ssyncadd.s32 $0xFFFFD800  }
0x22: {  	[hbm4b:s12+s2] =	stream.linear.scatter [tilespmem:s9], [sflag:$0x2], $0x2800, $0x38;
	[tilespmem:$0x2880] =	vst v63  }
0x23: {  	_ =	swait.ge [sflag:s7], $0x2800  }
0x24: {  	s14 =	smov.u32 s16;
	s12 =	sadd.s32 $0x500, s12;
	[sflag:s7] =	ssyncset.done $0x0  }
0x25: {  	s13 =	sadd.s32 s13, s6;
	[sflag:s7] =	ssyncadd.s32 $0xFFFFD800  }
0x26: {  	[tilespmem:s2], [sflag:$0x2] =	stream.linear.gather [hbm4b:s13+s2], $0x50, $0x38;
	[tilespmem:$0x2880] =	vst v63  }
0x27: {  	_ =	swait.ge [sflag:s7], $0x50  }
0x28: {  	[sflag:s7] =	ssyncset.done $0x0  }
0x29: {  	[sflag:s7] =	ssyncadd.s32 $0xFFFFFFB0  }
0x2a: {  	[tilespmem:s9], [sflag:$0x1] =	stream.indirect.gather [hbm4b:s3+s8], $0x80, s2, s8, $0xb8;
	[tilespmem:$0x2880] =	vst v63  }
0x2b: {  	s11 =	sadd.s32 $0x1, s11;
	_ =	swait.ge [sflag:s10], $0x2800  }
0x2c: {  	p0 =	sne.s32 s11, s4;
	[sflag:s10] =	ssyncset.done $0x0  }
.Ltmp1:
0x2d: {  	[sflag:s10] =	ssyncadd.s32 $0xFFFFD800;
	(pc) =	sbr.rel @p0 .LBB2_1-.Ltmp1, $4  }
0x2e: {  	[hbm4b:s12+s2] =	stream.linear.scatter [tilespmem:s9], [sflag:$0x2], $0x2800, $0x38;
	[tilespmem:$0x2880] =	vst v63  }
0x2f: {  	_ =	swait.ge [sflag:s7], $0x2800  }
0x30: {  	[sflag:s7] =	ssyncset.done $0x0  }
0x31: {  	[sflag:s7] =	ssyncadd.s32 $0xFFFFD800  }
0x32: {  	_ =	sfence.sel $0x180000  }
0x33: {  	[bflag:$0x0] =	sbarrier.arrive $0xFFFF  }
0x34: {  	p0 =	sne.s32 s1, $0x0;
	_ =	strace $0x9000005C  }
0x35: {  	s0 =	sadd.s32 @!p0 $0x100000, s0;
	[bflag:$0x2] =	sbarrier.arrive $0xFFFF  }
0x36: {  	[sflag:s0] =	ssyncadd.tile.s32 @!p0 $0x1;
	_ =	shalt  }
.Lfunc_end2:
_tile_overlayer_lowered:
.L_overlay_start_2:
0x37: {  	(tag) =	ssettag $0x2  }
0x38: {  	s0 =	rddreg [dreg:$0x0];
	s2 =	stileid.u32  }
0x39: {  	s1 =	rddreg [dreg:$0x1];
	p0 =	sne.s32 s2, $0x0  }
0x3a: {  	s3 =	rddreg [dreg:$0x2];
	[bflag:$0x3] =	sbarrier.arrive $0xFFFF;
	s2 =	simm.s32 @!p0 $0x1C02  }
0x3b: {  	[timem:s3], [sflag:s2] =	dma.local @!p0 [hbm:s0], s1  }
0x3c: {  	s0 =	simm.s32 @!p0 $0x2  }
0x3d: {  	_ =	swait.ge @!p0 [sflag:s0], s1  }
0x3e: {  	s1 =	ssub.s32 @!p0 $0x0, s1;
	[sflag:s0] =	ssyncset.done @!p0 $0x0  }
0x3f: {  	[sflag:s0] =	ssyncadd.s32 @!p0 s1  }
0x40: {  	[bflag:$0x3] =	sbarrier.arrive $0xFFFF  }
0x41: {  	_ =	shalt  }

// kernel: kernel.49.cloned.1.call-start
scs
__scs_entry_jumppad:
0x0: {  	(pc) =	sbr.rel $0x88, $3  }
0x1: {  	(tag) =	ssettag $0x0;
	lr =	simm.s32 $0x1  }
0x2: {  	[smem:$0x3F41] =	sst lr;
	_ =	strace $0xD0000000  }
0x3: {  	_ = 	snop  }
0x4: {  	_ = 	snop  }
0x5: {  	_ = 	snop  }
0x6: {  	_ = 	snop  }
0x7: {  	_ = 	snop  }
__scs_overlays_trampoline_lowered:
0x8: {  	[smem:$0x3F50] =	sst s0  }
0x9: {  	[smem:$0x3F51] =	sst s1  }
0xa: {  	[smem:$0x3F52] =	sst s2  }
0xb: {  	[smem:$0x3F53] =	sst s3  }
0xc: {  	[smem:$0x3F54] =	sst s4  }
0xd: {  	[smem:$0x3F55] =	sst s5  }
0xe: {  	[smem:$0x3F56] =	sst s6  }
0xf: {  	[smem:$0x3F57] =	sst s7  }
0x10: {  	[smem:$0x3F58] =	sst s8  }
0x11: {  	[smem:$0x3F59] =	sst s9;
	s0 =	simm.s32 @!p0 $0x0  }
0x12: {  	s1 =	sld [smem:$0x3F3F];
	s0 =	simm.s32 @p0 $0x1  }
0x13: {  	[smem:$0x3F5A] =	sst s0;
	s0 =	simm.s32 @!p1 $0x0  }
0x14: {  	s2 =	sld [smem:$0x3F3E];
	s0 =	simm.s32 @p1 $0x1  }
0x15: {  	[smem:$0x3F5B] =	sst s0;
	s0 =	simm.s32 @!p2 $0x0  }
0x16: {  	s3 =	sld [smem:$0x3FDB];
	s0 =	simm.s32 @p2 $0x1  }
0x17: {  	s4 =	simm.s32 $0x1BF5;
	[smem:$0x3F5D] =	sst s0  }
0x18: {  	s0 =	sld [smem:$0x3F40];
	_ =	swait.ge [sflag:s4], $0x0  }
0x19: {  	s7 =	sld [smem:$0x3F41]  }
0x1a: {  	s8 =	sadd.s32 $0xFFFFE003, lr  }
0x1b: {  	s9 =	sadd.s32 $0xFFFFFEF7, lr;
	s5 =	simm.s32 $0xFFFFFFFF;
	p2 =	slt.u32 s8, $0xFFFFF086  }
0x1c: {  	p1 =	slt.u32 s9, $0xF7A;
	s5 =	simm.s32 @!p2 $0x0  }
0x1d: {  	s5 =	simm.s32 @p1 $0x1;
	p0 =	seq.s32 s7, s2  }
0x1e: {  	s7 =	smul.u32 @!p0 $0xF7A, s2;
	p2 =	seq.s32 @!p0 s5, $0x0  }
0x1f: {  	s9 =	smul.u32 $0xF7A, s1;
	s8 =	simm.s32 @!p0 $0x1BF5;
	p2 =	por !p2, p0  }
0x20: {  	[sflag:s8] =	ssyncset.s32 @!p0 $0xFFFFF086;
	s6 =	sadd.s32 @!p0 s3, s7;
	s7 =	simm.s32 @!p0 $0x108  }
0x21: {  	s3 =	sadd.s32 s3, s9;
	s6 =	sadd.s32 @!p0 $0x88, s6;
	s7 =	simm.s32 @p2 $0x1082  }
0x22: {  	[simem:s7], [sflag:s8] =	dma.local @!p0 [hbm:s6], $0xF7A  }
0x23: {  	s9 =	sor.u32 $0xD0000000, s2;
	s6 =	simm.s32 $0x108;
	_ =	swait.ge @!p0 [sflag:s8], $0x0  }
0x24: {  	s3 =	sadd.s32 $0x88, s3;
	s6 =	simm.s32 @!p1 $0x1082;
	[sflag:s4] =	ssyncset.s32 $0xFFFFF086  }
0x25: {  	[simem:s6], [sflag:s4] =	dma.local [hbm:s3], $0xF7A  }
0x26: {  	[smem:$0x3F41] =	sst s1;
	(tag) =	ssettag s2;
	_ =	strace s9  }
0x27: {  	s1 =	sld [smem:$0x3F51]  }
0x28: {  	s2 =	sld [smem:$0x3F52]  }
0x29: {  	s4 =	sld [smem:$0x3F54]  }
0x2a: {  	p0 =	seq.s32 s5, $0x0;
	s5 =	sld [smem:$0x3F55]  }
0x2b: {  	s6 =	sld [smem:$0x3F56]  }
0x2c: {  	s7 =	sld [smem:$0x3F57]  }
0x2d: {  	s3 =	simm.s32 $0x108;
	s8 =	sld [smem:$0x3F58]  }
0x2e: {  	s3 =	simm.s32 @!p0 $0x1082;
	s9 =	sld [smem:$0x3F59]  }
0x2f: {  	lr =	sadd.s32 s0, s3;
	s0 =	sld [smem:$0x3F50]  }
0x30: {  	s3 =	sld [smem:$0x3F53]  }
0x31: {  	[smem:$0x3F5C] =	sst s10  }
0x32: {  	s10 =	sld [smem:$0x3F5A];
	_ =	sdelay $0x3  }
0x33: {  	p0 =	seq.s32 s10, $0x1;
	s10 =	sld [smem:$0x3F5C];
	_ =	sdelay $0x3  }
0x34: {  	[smem:$0x3F5C] =	sst s10  }
0x35: {  	s10 =	sld [smem:$0x3F5B];
	_ =	sdelay $0x3  }
0x36: {  	p1 =	seq.s32 s10, $0x1;
	s10 =	sld [smem:$0x3F5C];
	_ =	sdelay $0x3  }
0x37: {  	[smem:$0x3F5C] =	sst s10  }
0x38: {  	s10 =	sld [smem:$0x3F5D]  }
0x39: {  	_ = 	snop;
	(pc) =	sbr.ind lr, $3  }
0x3a: {  	_ = 	snop  }
0x3b: {  	_ = 	snop  }
0x3c: {  	p2 =	seq.s32 s10, $0x1;
	s10 =	sld [smem:$0x3F5C]  }
0x3d: {  	_ =	shalt  }
0x3e: {  	_ =	shalt  }
0x3f: {  	_ =	shalt  }
0x40: {  	_ =	shalt  }
0x41: {  	_ =	shalt  }
0x42: {  	_ =	shalt  }
0x43: {  	_ =	shalt  }
0x44: {  	_ =	shalt  }
0x45: {  	_ =	shalt  }
0x46: {  	_ =	shalt  }
0x47: {  	_ =	shalt  }
0x48: {  	_ =	shalt  }
0x49: {  	_ =	shalt  }
0x4a: {  	_ =	shalt  }
0x4b: {  	_ =	shalt  }
0x4c: {  	_ =	shalt  }
0x4d: {  	_ =	shalt  }
0x4e: {  	_ =	shalt  }
0x4f: {  	_ =	shalt  }
0x50: {  	_ =	shalt  }
0x51: {  	_ =	shalt  }
0x52: {  	_ =	shalt  }
0x53: {  	_ =	shalt  }
0x54: {  	_ =	shalt  }
0x55: {  	_ =	shalt  }
0x56: {  	_ =	shalt  }
0x57: {  	_ =	shalt  }
0x58: {  	_ =	shalt  }
0x59: {  	_ =	shalt  }
0x5a: {  	_ =	shalt  }
0x5b: {  	_ =	shalt  }
0x5c: {  	_ =	shalt  }
0x5d: {  	_ =	shalt  }
0x5e: {  	_ =	shalt  }
0x5f: {  	_ =	shalt  }
0x60: {  	_ =	shalt  }
0x61: {  	_ =	shalt  }
0x62: {  	_ =	shalt  }
0x63: {  	_ =	shalt  }
0x64: {  	_ =	shalt  }
0x65: {  	_ =	shalt  }
0x66: {  	_ =	shalt  }
0x67: {  	_ =	shalt  }
0x68: {  	_ =	shalt  }
0x69: {  	_ =	shalt  }
0x6a: {  	_ =	shalt  }
0x6b: {  	_ =	shalt  }
0x6c: {  	_ =	shalt  }
0x6d: {  	_ =	shalt  }
0x6e: {  	_ =	shalt  }
0x6f: {  	_ =	shalt  }
0x70: {  	_ =	shalt  }
0x71: {  	_ =	shalt  }
0x72: {  	_ =	shalt  }
0x73: {  	_ =	shalt  }
0x74: {  	_ =	shalt  }
0x75: {  	_ =	shalt  }
0x76: {  	_ =	shalt  }
0x77: {  	_ =	shalt  }
0x78: {  	_ =	shalt  }
0x79: {  	_ =	shalt  }
0x7a: {  	_ =	shalt  }
0x7b: {  	_ =	shalt  }
0x7c: {  	_ =	shalt  }
0x7d: {  	_ =	shalt  }
0x7e: {  	_ =	shalt  }
0x7f: {  	_ =	shalt  }
0x80: {  	_ =	shalt  }
0x81: {  	_ =	shalt  }
0x82: {  	_ =	shalt  }
0x83: {  	_ =	shalt  }
0x84: {  	_ =	shalt  }
0x85: {  	_ =	shalt  }
0x86: {  	_ =	shalt  }
0x87: {  	_ =	shalt  }
.Lfunc_end0:
.L_simem_size_0:
called_computation.6_lowered:
.L_overlay_start_0:
0x88: {  	s2 =	sld [smem:$0x3FD9]  }
0x89: {  	s3 =	sld [smem:$0x3FFE];
	_ =	sdelay $0x1  }
0x8a: {  	s1 =	srdreg.scid  }
0x8b: {  	s0 =	sand.u32 $0x1, s1  }
0x8c: {  	s17 =	sshll.u32 s0, $0xA;
	s2 =	sadd.s32 s3, s2  }
0x8d: {  	s2 =	sadd.s32 s2, s17  }
0x8e: {  	[smem:$0x3F68] =	sst s2  }
0x8f: {  	_ = 	snop  }
0x90: {  	(tm) =	ssettm $0x1  }
0x91: {  	s18 =	sld [smem:$0x3FFB];
	_ =	sdelay $0x3  }
0x92: {  	_ =	strace s18  }
0x93: {  	s2 =	sld [smem:$0x3FFC];
	_ =	sdelay $0x3  }
0x94: {  	_ =	strace s2  }
0x95: {  	s2 =	sld [smem:$0x3FFD];
	_ =	sdelay $0x3  }
0x96: {  	_ =	strace s2  }
0x97: {  	_ =	strace $0x8FFFFFFF  }
0x98: {  	s19 =	sld [smem:$0x3FDB];
	_ =	sdelay $0x1  }
0x99: {  	s20 =	simm.s32 $_scs_section_size  }
0x9a: {  	s4 =	simm.s32 $_size__tile_overlayer_lowered;
	s5 =	simm.s32 $_tile_overlayer_lowered  }
0x9b: {  	s6 =	simm.s32 $0x1BFF;
	s21 =	sshll.u32 s5, $0x1;
	s3 =	sadd.s32 s20, s19  }
0x9c: {  	s22 =	simm.s32 $0x0;
	s4 =	sshll.u32 s4, $0x1;
	s5 =	sadd.s32 s21, s3  }
0x9d: {  	[timem:s22], [sflag:s6] =	dma.local [hbm:s5], s4  }
0x9e: {  	_ =	swait.ge [sflag:s6], s4  }
0x9f: {  	s4 =	ssub.s32 $0x0, s4;
	[sflag:s6] =	ssyncset.done $0x0  }
0xa0: {  	[sflag:s6] =	ssyncadd.s32 s4;
	_ =	sdelay $0x1  }
0xa1: {  	s23 =	simm.s32 $0x1B8B  }
0xa2: {  	_ =	swait.ge [sflag:s23], $0x1  }
0xa3: {  	[sflag:s23] =	ssyncset.done $0x0  }
0xa4: {  	[sflag:s23] =	ssyncadd.s32 $0xFFFFFFFF  }
0xa5: {  	s4 =	sld [smem:$0x0]  }
0xa6: {  	s5 =	sand.u32 $0xFFFFFFFE, s1  }
0xa7: {  	p0 =	sne.s32 s1, s5  }
0xa8: {  	s5 =	sshll.u32 @p0 s5, $0xE  }
0xa9: {  	s5 =	sadd.s32 @p0 $0x11B8D, s5;
	s6 =	sshll.u32 @p0 s4, $0x11  }
0xaa: {  	s5 =	sor.u32 @p0 s6, s5  }
0xab: {  	[sflag:s5] =	ssyncadd.remote.s32 @p0 $0x1;
	_ =	sdelay $0x1  }
0xac: {  	s5 =	simm.s32 @p0 $0x1B8D  }
0xad: {  	_ =	swait.eq @p0 [sflag:s5], $0x1  }
0xae: {  	[sflag:s5] =	ssyncadd.s32 @p0 $0xFFFFFFFF  }
0xaf: {  	s6 =	sshll.u32 @!p0 s1, $0xE  }
0xb0: {  	s6 =	sor.u32 @!p0 $0x4000, s6;
	s5 =	simm.s32 @!p0 $0x1B8D  }
0xb1: {  	s4 =	sshll.u32 @!p0 s4, $0x11;
	s6 =	sadd.s32 @!p0 $0x11B8D, s6;
	_ =	swait.eq @!p0 [sflag:s5], $0x1  }
0xb2: {  	s4 =	sor.u32 @!p0 s4, s6;
	[sflag:s5] =	ssyncadd.s32 @!p0 $0xFFFFFFFF  }
0xb3: {  	s25 =	simm.s32 $0x1B8E;
	s24 =	sld [smem:$0x3FFE];
	[sflag:s4] =	ssyncadd.remote.s32 @!p0 $0x1  }
0xb4: {  	s26 =	simm.s32 $execute0_lowered;
	[smem:$0x3FD2] =	sst s25  }
0xb5: {  	s5 =	sshll.u32 s26, $0x1;
	_ =	strace $0x80000058;
	[dreg:$0x1] =	wrdreg $0xFFFFFFFF  }
0xb6: {  	s28 =	simm.s32 $_size_execute0_lowered;
	s3 =	sadd.s32 s3, s5;
	[dreg:$0x0] =	wrdreg $0x0  }
0xb7: {  	s5 =	sshll.u32 s28, $0x1;
	[dreg:$0x2] =	wrdreg s3  }
0xb8: {  	[dreg:$0x3] =	wrdreg s5  }
0xb9: {  	[dreg:$0x4] =	wrdreg $0xC0  }
0xba: {  	_ =	task [dreg:s22], $0x5FFFF  }
0xbb: {  	[dreg:$0x1] =	wrdreg $0xFFFFFFFF  }
0xbc: {  	[dreg:$0x0] =	wrdreg $0x60  }
0xbd: {  	[dreg:$0x2] =	wrdreg s24  }
0xbe: {  	[dreg:$0x3] =	wrdreg $0xC  }
0xbf: {  	_ =	task.clear_ibuf [dreg:s22], $0x4FFFF;
	_ =	strace $0x90000058  }
0xc0: {  	s29 =	simm.s32 $0xC;
	_ =	strace $0x8000005A  }
0xc1: {  	_ =	swait.ge [sflag:s29], $0x1  }
0xc2: {  	[sflag:s29] =	ssyncadd.s32 $0xFFFFFFFF  }
0xc3: {  	_ =	strace $0x9000005A  }
0xc4: {  	_ =	sfence  }
0xc5: {  	s30 =	sld [smem:$0x0];
	_ =	sdelay $0x2  }
0xc6: {  	s31 =	sshll.u32 s1, $0xD;
	s1 =	sshrl.u32 s1, $0x2  }
0xc7: {  	s4 =	sand.u32 $0x4000, s31;
	s1 =	sadd.s32 s1, s30  }
0xc8: {  	s0 =	sor.u32 s4, s0;
	s1 =	sshll.u32 s1, $0x11  }
0xc9: {  	s0 =	sor.u32 s1, s0  }
0xca: {  	s0 =	sadd.s32 $0x8F2B, s0  }
0xcb: {  	[sflag:s0] =	ssyncadd.remote.s32 $0x1  }
0xcc: {  	_ =	sfence.sel $0xFFFF  }
0xcd: {  	[dreg:$0x0] =	wrdreg $0xFFFFFFFF;
	(pc) =	sbr.abs _section_cstart, $3  }
0xce: {  	[dreg:$0x1] =	wrdreg $0xFFFFFFFF  }
0xcf: {  	_ =	task.clear_ibuf [dreg:s22], $0x2FFFF;
	_ =	strace $0x9FFFFFFF  }
0xd0: {  	(tm) =	ssettm $0x7FFFFFFF  }
0xd1: {  	_ =	shalt  }
tec
execute0_lowered:
.L_overlay_start_1:
0x0: {  	(tag) =	ssettag $0x1  }
0x1: {  	s4 =	rddreg [dreg:$0x0]  }
0x2: {  	s0 =	rddreg [dreg:$0x1]  }
0x3: {  	s3 =	srdreg.scid;
	s1 =	stileid.u32;
	s2 =	simm.s32 $0x0  }
0x4: {  	s10 =	simm.s32 $0x1;
	s11 =	simm.s32 $0x0;
	s6 =	smul.u32 $0x4E20, s1  }
0x5: {  	s5 =	sand.u32 $0x1, s3;
	[smem:$0x7FF] =	sst s2;
	s8 =	smul.u32 $0x4E200, s1  }
0x6: {  	s3 =	sadd.s32 $0x563400, s4;
	s7 =	smul.u32 $0x2710, s5;
	s9 =	ssub.s32 $0x2, s5  }
0x7: {  	_ =	strace $0x80000059;
	s5 =	smul.u32 $0x27100, s5;
	s31 =	sshrl.u32 s9, $0x1  }
0x8: {  	s30 =	sadd.s32 s8, s4;
	s6 =	sadd.s32 s7, s6;
	s8 =	ssub.s32 s9, s31  }
0x9: {  	s5 =	sadd.s32 s5, s30;
	s7 =	simm.s32 $0x2;
	s6 =	sshrl.u32 s6, $0x3  }
0xa: {  	s9 =	simm.s32 $0x80;
	s5 =	sadd.s32 $0x5DB400, s5;
	s6 =	sadd.s32 s6, s4  }
0xb: {  	s4 =	smax.u32 s8, $0x1;
	s8 =	simm.s32 $0x50;
	s6 =	sadd.s32 $0x4F600, s6  }
.LBB2_1:
0xc: {  	s12 =	sadd.s32 $0x0, s6  }
0xd: {  	[tilespmem:s2], [sflag:$0x2] =	stream.linear.gather [hbm4b:s12+s2], $0x50, $0x38;
	[tilespmem:$0x2880] =	vst v63  }
0xe: {  	_ =	swait.ge [sflag:s7], $0x50  }
0xf: {  	[sflag:s7] =	ssyncset.done $0x0  }
0x10: {  	[sflag:s7] =	ssyncadd.s32 $0xFFFFFFB0  }
0x11: {  	[tilespmem:s9], [sflag:$0x1] =	stream.indirect.gather [hbm4b:s3+s8], $0x80, s2, s8, $0xb8;
	[tilespmem:$0x2880] =	vst v63  }
0x12: {  	_ =	swait.ge [sflag:s10], $0x2800  }
0x13: {  	[sflag:s10] =	ssyncset.done $0x0  }
0x14: {  	[sflag:s10] =	ssyncadd.s32 $0xFFFFD800  }
0x15: {  	[hbm4b:s5+s2] =	stream.linear.scatter [tilespmem:s9], [sflag:$0x2], $0x2800, $0x38;
	[tilespmem:$0x2880] =	vst v63  }
0x16: {  	s13 =	simm.s32 $0xA;
	_ =	swait.ge [sflag:s7], $0x2800  }
0x17: {  	s14 =	simm.s32 $0x14;
	s12 =	sadd.s32 $0x500, s5;
	[sflag:s7] =	ssyncset.done $0x0  }
.LBB2_2:
0x18: {  	s15 =	sadd.s32 s13, s6  }
0x19: {  	[sflag:s7] =	ssyncadd.s32 $0xFFFFD800;
	s13 =	smov.u32 s14;
	s16 =	sadd.s32 $0xA, s14  }
0x1a: {  	[tilespmem:s2], [sflag:$0x2] =	stream.linear.gather [hbm4b:s15+s2], $0x50, $0x38;
	[tilespmem:$0x2880] =	vst v63  }
0x1b: {  	p0 =	sne.s32 s14, $0x4D8;
	_ =	swait.ge [sflag:s7], $0x50  }
0x1c: {  	[sflag:s7] =	ssyncset.done $0x0  }
0x1d: {  	[sflag:s7] =	ssyncadd.s32 $0xFFFFFFB0  }
0x1e: {  	[tilespmem:s9], [sflag:$0x1] =	stream.indirect.gather [hbm4b:s3+s8], $0x80, s2, s8, $0xb8;
	[tilespmem:$0x2880] =	vst v63  }
0x1f: {  	_ =	swait.ge [sflag:s10], $0x2800  }
.Ltmp0:
0x20: {  	[sflag:s10] =	ssyncset.done $0x0;
	(pc) =	sbr.rel @p0 .LBB2_2-.Ltmp0, $4  }
0x21: {  	[sflag:s10] =	ssyncadd.s32 $0xFFFFD800  }
0x22: {  	[hbm4b:s12+s2] =	stream.linear.scatter [tilespmem:s9], [sflag:$0x2], $0x2800, $0x38;
	[tilespmem:$0x2880] =	vst v63  }
0x23: {  	_ =	swait.ge [sflag:s7], $0x2800  }
0x24: {  	s14 =	smov.u32 s16;
	s12 =	sadd.s32 $0x500, s12;
	[sflag:s7] =	ssyncset.done $0x0  }
0x25: {  	s13 =	sadd.s32 s13, s6;
	[sflag:s7] =	ssyncadd.s32 $0xFFFFD800  }
0x26: {  	[tilespmem:s2], [sflag:$0x2] =	stream.linear.gather [hbm4b:s13+s2], $0x50, $0x38;
	[tilespmem:$0x2880] =	vst v63  }
0x27: {  	_ =	swait.ge [sflag:s7], $0x50  }
0x28: {  	[sflag:s7] =	ssyncset.done $0x0  }
0x29: {  	[sflag:s7] =	ssyncadd.s32 $0xFFFFFFB0  }
0x2a: {  	[tilespmem:s9], [sflag:$0x1] =	stream.indirect.gather [hbm4b:s3+s8], $0x80, s2, s8, $0xb8;
	[tilespmem:$0x2880] =	vst v63  }
0x2b: {  	s11 =	sadd.s32 $0x1, s11;
	_ =	swait.ge [sflag:s10], $0x2800  }
0x2c: {  	p0 =	sne.s32 s11, s4;
	[sflag:s10] =	ssyncset.done $0x0  }
.Ltmp1:
0x2d: {  	[sflag:s10] =	ssyncadd.s32 $0xFFFFD800;
	(pc) =	sbr.rel @p0 .LBB2_1-.Ltmp1, $4  }
0x2e: {  	[hbm4b:s12+s2] =	stream.linear.scatter [tilespmem:s9], [sflag:$0x2], $0x2800, $0x38;
	[tilespmem:$0x2880] =	vst v63  }
0x2f: {  	_ =	swait.ge [sflag:s7], $0x2800  }
0x30: {  	[sflag:s7] =	ssyncset.done $0x0  }
0x31: {  	[sflag:s7] =	ssyncadd.s32 $0xFFFFD800  }
0x32: {  	_ =	sfence.sel $0x180000  }
0x33: {  	[bflag:$0x0] =	sbarrier.arrive $0xFFFF  }
0x34: {  	p0 =	sne.s32 s1, $0x0;
	_ =	strace $0x90000059  }
0x35: {  	s0 =	sadd.s32 @!p0 $0x100000, s0;
	[bflag:$0x2] =	sbarrier.arrive $0xFFFF  }
0x36: {  	[sflag:s0] =	ssyncadd.tile.s32 @!p0 $0x1;
	_ =	shalt  }
.Lfunc_end2:
_tile_overlayer_lowered:
.L_overlay_start_2:
0x37: {  	(tag) =	ssettag $0x2  }
0x38: {  	s0 =	rddreg [dreg:$0x0];
	s2 =	stileid.u32  }
0x39: {  	s1 =	rddreg [dreg:$0x1];
	p0 =	sne.s32 s2, $0x0  }
0x3a: {  	s3 =	rddreg [dreg:$0x2];
	[bflag:$0x3] =	sbarrier.arrive $0xFFFF;
	s2 =	simm.s32 @!p0 $0x1C02  }
0x3b: {  	[timem:s3], [sflag:s2] =	dma.local @!p0 [hbm:s0], s1  }
0x3c: {  	s0 =	simm.s32 @!p0 $0x2  }
0x3d: {  	_ =	swait.ge @!p0 [sflag:s0], s1  }
0x3e: {  	s1 =	ssub.s32 @!p0 $0x0, s1;
	[sflag:s0] =	ssyncset.done @!p0 $0x0  }
0x3f: {  	[sflag:s0] =	ssyncadd.s32 @!p0 s1  }
0x40: {  	[bflag:$0x3] =	sbarrier.arrive $0xFFFF  }
0x41: {  	_ =	shalt  }

// kernel: kernel.52.cloned.1.call-start
scs
__scs_entry_jumppad:
0x0: {  	(pc) =	sbr.rel $0x88, $3  }
0x1: {  	(tag) =	ssettag $0x0;
	lr =	simm.s32 $0x1  }
0x2: {  	[smem:$0x3F41] =	sst lr;
	_ =	strace $0xD0000000  }
0x3: {  	_ = 	snop  }
0x4: {  	_ = 	snop  }
0x5: {  	_ = 	snop  }
0x6: {  	_ = 	snop  }
0x7: {  	_ = 	snop  }
__scs_overlays_trampoline_lowered:
0x8: {  	[smem:$0x3F50] =	sst s0  }
0x9: {  	[smem:$0x3F51] =	sst s1  }
0xa: {  	[smem:$0x3F52] =	sst s2  }
0xb: {  	[smem:$0x3F53] =	sst s3  }
0xc: {  	[smem:$0x3F54] =	sst s4  }
0xd: {  	[smem:$0x3F55] =	sst s5  }
0xe: {  	[smem:$0x3F56] =	sst s6  }
0xf: {  	[smem:$0x3F57] =	sst s7  }
0x10: {  	[smem:$0x3F58] =	sst s8  }
0x11: {  	[smem:$0x3F59] =	sst s9;
	s0 =	simm.s32 @!p0 $0x0  }
0x12: {  	s1 =	sld [smem:$0x3F3F];
	s0 =	simm.s32 @p0 $0x1  }
0x13: {  	[smem:$0x3F5A] =	sst s0;
	s0 =	simm.s32 @!p1 $0x0  }
0x14: {  	s2 =	sld [smem:$0x3F3E];
	s0 =	simm.s32 @p1 $0x1  }
0x15: {  	[smem:$0x3F5B] =	sst s0;
	s0 =	simm.s32 @!p2 $0x0  }
0x16: {  	s3 =	sld [smem:$0x3FDB];
	s0 =	simm.s32 @p2 $0x1  }
0x17: {  	s4 =	simm.s32 $0x1BF5;
	[smem:$0x3F5D] =	sst s0  }
0x18: {  	s0 =	sld [smem:$0x3F40];
	_ =	swait.ge [sflag:s4], $0x0  }
0x19: {  	s7 =	sld [smem:$0x3F41]  }
0x1a: {  	s8 =	sadd.s32 $0xFFFFE003, lr  }
0x1b: {  	s9 =	sadd.s32 $0xFFFFFEF7, lr;
	s5 =	simm.s32 $0xFFFFFFFF;
	p2 =	slt.u32 s8, $0xFFFFF086  }
0x1c: {  	p1 =	slt.u32 s9, $0xF7A;
	s5 =	simm.s32 @!p2 $0x0  }
0x1d: {  	s5 =	simm.s32 @p1 $0x1;
	p0 =	seq.s32 s7, s2  }
0x1e: {  	s7 =	smul.u32 @!p0 $0xF7A, s2;
	p2 =	seq.s32 @!p0 s5, $0x0  }
0x1f: {  	s9 =	smul.u32 $0xF7A, s1;
	s8 =	simm.s32 @!p0 $0x1BF5;
	p2 =	por !p2, p0  }
0x20: {  	[sflag:s8] =	ssyncset.s32 @!p0 $0xFFFFF086;
	s6 =	sadd.s32 @!p0 s3, s7;
	s7 =	simm.s32 @!p0 $0x108  }
0x21: {  	s3 =	sadd.s32 s3, s9;
	s6 =	sadd.s32 @!p0 $0x88, s6;
	s7 =	simm.s32 @p2 $0x1082  }
0x22: {  	[simem:s7], [sflag:s8] =	dma.local @!p0 [hbm:s6], $0xF7A  }
0x23: {  	s9 =	sor.u32 $0xD0000000, s2;
	s6 =	simm.s32 $0x108;
	_ =	swait.ge @!p0 [sflag:s8], $0x0  }
0x24: {  	s3 =	sadd.s32 $0x88, s3;
	s6 =	simm.s32 @!p1 $0x1082;
	[sflag:s4] =	ssyncset.s32 $0xFFFFF086  }
0x25: {  	[simem:s6], [sflag:s4] =	dma.local [hbm:s3], $0xF7A  }
0x26: {  	[smem:$0x3F41] =	sst s1;
	(tag) =	ssettag s2;
	_ =	strace s9  }
0x27: {  	s1 =	sld [smem:$0x3F51]  }
0x28: {  	s2 =	sld [smem:$0x3F52]  }
0x29: {  	s4 =	sld [smem:$0x3F54]  }
0x2a: {  	p0 =	seq.s32 s5, $0x0;
	s5 =	sld [smem:$0x3F55]  }
0x2b: {  	s6 =	sld [smem:$0x3F56]  }
0x2c: {  	s7 =	sld [smem:$0x3F57]  }
0x2d: {  	s3 =	simm.s32 $0x108;
	s8 =	sld [smem:$0x3F58]  }
0x2e: {  	s3 =	simm.s32 @!p0 $0x1082;
	s9 =	sld [smem:$0x3F59]  }
0x2f: {  	lr =	sadd.s32 s0, s3;
	s0 =	sld [smem:$0x3F50]  }
0x30: {  	s3 =	sld [smem:$0x3F53]  }
0x31: {  	[smem:$0x3F5C] =	sst s10  }
0x32: {  	s10 =	sld [smem:$0x3F5A];
	_ =	sdelay $0x3  }
0x33: {  	p0 =	seq.s32 s10, $0x1;
	s10 =	sld [smem:$0x3F5C];
	_ =	sdelay $0x3  }
0x34: {  	[smem:$0x3F5C] =	sst s10  }
0x35: {  	s10 =	sld [smem:$0x3F5B];
	_ =	sdelay $0x3  }
0x36: {  	p1 =	seq.s32 s10, $0x1;
	s10 =	sld [smem:$0x3F5C];
	_ =	sdelay $0x3  }
0x37: {  	[smem:$0x3F5C] =	sst s10  }
0x38: {  	s10 =	sld [smem:$0x3F5D]  }
0x39: {  	_ = 	snop;
	(pc) =	sbr.ind lr, $3  }
0x3a: {  	_ = 	snop  }
0x3b: {  	_ = 	snop  }
0x3c: {  	p2 =	seq.s32 s10, $0x1;
	s10 =	sld [smem:$0x3F5C]  }
0x3d: {  	_ =	shalt  }
0x3e: {  	_ =	shalt  }
0x3f: {  	_ =	shalt  }
0x40: {  	_ =	shalt  }
0x41: {  	_ =	shalt  }
0x42: {  	_ =	shalt  }
0x43: {  	_ =	shalt  }
0x44: {  	_ =	shalt  }
0x45: {  	_ =	shalt  }
0x46: {  	_ =	shalt  }
0x47: {  	_ =	shalt  }
0x48: {  	_ =	shalt  }
0x49: {  	_ =	shalt  }
0x4a: {  	_ =	shalt  }
0x4b: {  	_ =	shalt  }
0x4c: {  	_ =	shalt  }
0x4d: {  	_ =	shalt  }
0x4e: {  	_ =	shalt  }
0x4f: {  	_ =	shalt  }
0x50: {  	_ =	shalt  }
0x51: {  	_ =	shalt  }
0x52: {  	_ =	shalt  }
0x53: {  	_ =	shalt  }
0x54: {  	_ =	shalt  }
0x55: {  	_ =	shalt  }
0x56: {  	_ =	shalt  }
0x57: {  	_ =	shalt  }
0x58: {  	_ =	shalt  }
0x59: {  	_ =	shalt  }
0x5a: {  	_ =	shalt  }
0x5b: {  	_ =	shalt  }
0x5c: {  	_ =	shalt  }
0x5d: {  	_ =	shalt  }
0x5e: {  	_ =	shalt  }
0x5f: {  	_ =	shalt  }
0x60: {  	_ =	shalt  }
0x61: {  	_ =	shalt  }
0x62: {  	_ =	shalt  }
0x63: {  	_ =	shalt  }
0x64: {  	_ =	shalt  }
0x65: {  	_ =	shalt  }
0x66: {  	_ =	shalt  }
0x67: {  	_ =	shalt  }
0x68: {  	_ =	shalt  }
0x69: {  	_ =	shalt  }
0x6a: {  	_ =	shalt  }
0x6b: {  	_ =	shalt  }
0x6c: {  	_ =	shalt  }
0x6d: {  	_ =	shalt  }
0x6e: {  	_ =	shalt  }
0x6f: {  	_ =	shalt  }
0x70: {  	_ =	shalt  }
0x71: {  	_ =	shalt  }
0x72: {  	_ =	shalt  }
0x73: {  	_ =	shalt  }
0x74: {  	_ =	shalt  }
0x75: {  	_ =	shalt  }
0x76: {  	_ =	shalt  }
0x77: {  	_ =	shalt  }
0x78: {  	_ =	shalt  }
0x79: {  	_ =	shalt  }
0x7a: {  	_ =	shalt  }
0x7b: {  	_ =	shalt  }
0x7c: {  	_ =	shalt  }
0x7d: {  	_ =	shalt  }
0x7e: {  	_ =	shalt  }
0x7f: {  	_ =	shalt  }
0x80: {  	_ =	shalt  }
0x81: {  	_ =	shalt  }
0x82: {  	_ =	shalt  }
0x83: {  	_ =	shalt  }
0x84: {  	_ =	shalt  }
0x85: {  	_ =	shalt  }
0x86: {  	_ =	shalt  }
0x87: {  	_ =	shalt  }
.Lfunc_end0:
.L_simem_size_0:
called_computation.7_lowered:
.L_overlay_start_0:
0x88: {  	s2 =	sld [smem:$0x3FD9]  }
0x89: {  	s3 =	sld [smem:$0x3FFE];
	_ =	sdelay $0x1  }
0x8a: {  	s1 =	srdreg.scid  }
0x8b: {  	s0 =	sand.u32 $0x1, s1  }
0x8c: {  	s17 =	sshll.u32 s0, $0xA;
	s2 =	sadd.s32 s3, s2  }
0x8d: {  	s2 =	sadd.s32 s2, s17  }
0x8e: {  	[smem:$0x3F68] =	sst s2  }
0x8f: {  	_ = 	snop  }
0x90: {  	(tm) =	ssettm $0x1  }
0x91: {  	s18 =	sld [smem:$0x3FFB];
	_ =	sdelay $0x3  }
0x92: {  	_ =	strace s18  }
0x93: {  	s2 =	sld [smem:$0x3FFC];
	_ =	sdelay $0x3  }
0x94: {  	_ =	strace s2  }
0x95: {  	s2 =	sld [smem:$0x3FFD];
	_ =	sdelay $0x3  }
0x96: {  	_ =	strace s2  }
0x97: {  	_ =	strace $0x8FFFFFFF  }
0x98: {  	s19 =	sld [smem:$0x3FDB];
	_ =	sdelay $0x1  }
0x99: {  	s20 =	simm.s32 $_scs_section_size  }
0x9a: {  	s4 =	simm.s32 $_size__tile_overlayer_lowered;
	s5 =	simm.s32 $_tile_overlayer_lowered  }
0x9b: {  	s6 =	simm.s32 $0x1BFF;
	s21 =	sshll.u32 s5, $0x1;
	s3 =	sadd.s32 s20, s19  }
0x9c: {  	s22 =	simm.s32 $0x0;
	s4 =	sshll.u32 s4, $0x1;
	s5 =	sadd.s32 s21, s3  }
0x9d: {  	[timem:s22], [sflag:s6] =	dma.local [hbm:s5], s4  }
0x9e: {  	_ =	swait.ge [sflag:s6], s4  }
0x9f: {  	s4 =	ssub.s32 $0x0, s4;
	[sflag:s6] =	ssyncset.done $0x0  }
0xa0: {  	[sflag:s6] =	ssyncadd.s32 s4;
	_ =	sdelay $0x1  }
0xa1: {  	s23 =	simm.s32 $0x1B8B  }
0xa2: {  	_ =	swait.ge [sflag:s23], $0x1  }
0xa3: {  	[sflag:s23] =	ssyncset.done $0x0  }
0xa4: {  	[sflag:s23] =	ssyncadd.s32 $0xFFFFFFFF  }
0xa5: {  	s4 =	sld [smem:$0x0]  }
0xa6: {  	s5 =	sand.u32 $0xFFFFFFFE, s1  }
0xa7: {  	p0 =	sne.s32 s1, s5  }
0xa8: {  	s5 =	sshll.u32 @p0 s5, $0xE  }
0xa9: {  	s5 =	sadd.s32 @p0 $0x11B8D, s5;
	s6 =	sshll.u32 @p0 s4, $0x11  }
0xaa: {  	s5 =	sor.u32 @p0 s6, s5  }
0xab: {  	[sflag:s5] =	ssyncadd.remote.s32 @p0 $0x1;
	_ =	sdelay $0x1  }
0xac: {  	s5 =	simm.s32 @p0 $0x1B8D  }
0xad: {  	_ =	swait.eq @p0 [sflag:s5], $0x1  }
0xae: {  	[sflag:s5] =	ssyncadd.s32 @p0 $0xFFFFFFFF  }
0xaf: {  	s6 =	sshll.u32 @!p0 s1, $0xE  }
0xb0: {  	s6 =	sor.u32 @!p0 $0x4000, s6;
	s5 =	simm.s32 @!p0 $0x1B8D  }
0xb1: {  	s4 =	sshll.u32 @!p0 s4, $0x11;
	s6 =	sadd.s32 @!p0 $0x11B8D, s6;
	_ =	swait.eq @!p0 [sflag:s5], $0x1  }
0xb2: {  	s4 =	sor.u32 @!p0 s4, s6;
	[sflag:s5] =	ssyncadd.s32 @!p0 $0xFFFFFFFF  }
0xb3: {  	s25 =	simm.s32 $0x1B8E;
	s24 =	sld [smem:$0x3FFE];
	[sflag:s4] =	ssyncadd.remote.s32 @!p0 $0x1  }
0xb4: {  	s26 =	simm.s32 $execute0_lowered;
	[smem:$0x3FD2] =	sst s25  }
0xb5: {  	s5 =	sshll.u32 s26, $0x1;
	_ =	strace $0x80000055;
	[dreg:$0x1] =	wrdreg $0xFFFFFFFF  }
0xb6: {  	s28 =	simm.s32 $_size_execute0_lowered;
	s3 =	sadd.s32 s3, s5;
	[dreg:$0x0] =	wrdreg $0x0  }
0xb7: {  	s5 =	sshll.u32 s28, $0x1;
	[dreg:$0x2] =	wrdreg s3  }
0xb8: {  	[dreg:$0x3] =	wrdreg s5  }
0xb9: {  	[dreg:$0x4] =	wrdreg $0xC0  }
0xba: {  	_ =	task [dreg:s22], $0x5FFFF  }
0xbb: {  	[dreg:$0x1] =	wrdreg $0xFFFFFFFF  }
0xbc: {  	[dreg:$0x0] =	wrdreg $0x60  }
0xbd: {  	[dreg:$0x2] =	wrdreg s24  }
0xbe: {  	[dreg:$0x3] =	wrdreg $0x9  }
0xbf: {  	_ =	task.clear_ibuf [dreg:s22], $0x4FFFF;
	_ =	strace $0x90000055  }
0xc0: {  	s29 =	simm.s32 $0x9;
	_ =	strace $0x80000057  }
0xc1: {  	_ =	swait.ge [sflag:s29], $0x1  }
0xc2: {  	[sflag:s29] =	ssyncadd.s32 $0xFFFFFFFF  }
0xc3: {  	_ =	strace $0x90000057  }
0xc4: {  	_ =	sfence  }
0xc5: {  	s30 =	sld [smem:$0x0];
	_ =	sdelay $0x2  }
0xc6: {  	s31 =	sshll.u32 s1, $0xD;
	s1 =	sshrl.u32 s1, $0x2  }
0xc7: {  	s4 =	sand.u32 $0x4000, s31;
	s1 =	sadd.s32 s1, s30  }
0xc8: {  	s0 =	sor.u32 s4, s0;
	s1 =	sshll.u32 s1, $0x11  }
0xc9: {  	s0 =	sor.u32 s1, s0  }
0xca: {  	s0 =	sadd.s32 $0x8F2B, s0  }
0xcb: {  	[sflag:s0] =	ssyncadd.remote.s32 $0x1  }
0xcc: {  	_ =	sfence.sel $0xFFFF  }
0xcd: {  	[dreg:$0x0] =	wrdreg $0xFFFFFFFF;
	(pc) =	sbr.abs _section_cstart, $3  }
0xce: {  	[dreg:$0x1] =	wrdreg $0xFFFFFFFF  }
0xcf: {  	_ =	task.clear_ibuf [dreg:s22], $0x2FFFF;
	_ =	strace $0x9FFFFFFF  }
0xd0: {  	(tm) =	ssettm $0x7FFFFFFF  }
0xd1: {  	_ =	shalt  }
tec
execute0_lowered:
.L_overlay_start_1:
0x0: {  	(tag) =	ssettag $0x1  }
0x1: {  	s4 =	rddreg [dreg:$0x0]  }
0x2: {  	s0 =	rddreg [dreg:$0x1]  }
0x3: {  	s3 =	srdreg.scid;
	s1 =	stileid.u32;
	s2 =	simm.s32 $0x0  }
0x4: {  	s10 =	simm.s32 $0x1;
	s11 =	simm.s32 $0x0;
	s6 =	smul.u32 $0x4E20, s1  }
0x5: {  	s5 =	sand.u32 $0x1, s3;
	[smem:$0x7FF] =	sst s2;
	s8 =	smul.u32 $0x4E200, s1  }
0x6: {  	s3 =	sadd.s32 $0x1963400, s4;
	s7 =	smul.u32 $0x2710, s5;
	s9 =	ssub.s32 $0x2, s5  }
0x7: {  	_ =	strace $0x80000056;
	s5 =	smul.u32 $0x27100, s5;
	s31 =	sshrl.u32 s9, $0x1  }
0x8: {  	s30 =	sadd.s32 s8, s4;
	s6 =	sadd.s32 s7, s6;
	s8 =	ssub.s32 s9, s31  }
0x9: {  	s5 =	sadd.s32 s5, s30;
	s7 =	simm.s32 $0x2;
	s6 =	sshrl.u32 s6, $0x3  }
0xa: {  	s9 =	simm.s32 $0x80;
	s5 =	sadd.s32 $0x1E45400, s5;
	s6 =	sadd.s32 s6, s4  }
0xb: {  	s4 =	smax.u32 s8, $0x1;
	s8 =	simm.s32 $0x50;
	s6 =	sadd.s32 $0x27E00, s6  }
.LBB2_1:
0xc: {  	s12 =	sadd.s32 $0x0, s6  }
0xd: {  	[tilespmem:s2], [sflag:$0x2] =	stream.linear.gather [hbm4b:s12+s2], $0x50, $0x38;
	[tilespmem:$0x2880] =	vst v63  }
0xe: {  	_ =	swait.ge [sflag:s7], $0x50  }
0xf: {  	[sflag:s7] =	ssyncset.done $0x0  }
0x10: {  	[sflag:s7] =	ssyncadd.s32 $0xFFFFFFB0  }
0x11: {  	[tilespmem:s9], [sflag:$0x1] =	stream.indirect.gather [hbm4b:s3+s8], $0x80, s2, s8, $0xb8;
	[tilespmem:$0x2880] =	vst v63  }
0x12: {  	_ =	swait.ge [sflag:s10], $0x2800  }
0x13: {  	[sflag:s10] =	ssyncset.done $0x0  }
0x14: {  	[sflag:s10] =	ssyncadd.s32 $0xFFFFD800  }
0x15: {  	[hbm4b:s5+s2] =	stream.linear.scatter [tilespmem:s9], [sflag:$0x2], $0x2800, $0x38;
	[tilespmem:$0x2880] =	vst v63  }
0x16: {  	s13 =	simm.s32 $0xA;
	_ =	swait.ge [sflag:s7], $0x2800  }
0x17: {  	s14 =	simm.s32 $0x14;
	s12 =	sadd.s32 $0x500, s5;
	[sflag:s7] =	ssyncset.done $0x0  }
.LBB2_2:
0x18: {  	s15 =	sadd.s32 s13, s6  }
0x19: {  	[sflag:s7] =	ssyncadd.s32 $0xFFFFD800;
	s13 =	smov.u32 s14;
	s16 =	sadd.s32 $0xA, s14  }
0x1a: {  	[tilespmem:s2], [sflag:$0x2] =	stream.linear.gather [hbm4b:s15+s2], $0x50, $0x38;
	[tilespmem:$0x2880] =	vst v63  }
0x1b: {  	p0 =	sne.s32 s14, $0x4D8;
	_ =	swait.ge [sflag:s7], $0x50  }
0x1c: {  	[sflag:s7] =	ssyncset.done $0x0  }
0x1d: {  	[sflag:s7] =	ssyncadd.s32 $0xFFFFFFB0  }
0x1e: {  	[tilespmem:s9], [sflag:$0x1] =	stream.indirect.gather [hbm4b:s3+s8], $0x80, s2, s8, $0xb8;
	[tilespmem:$0x2880] =	vst v63  }
0x1f: {  	_ =	swait.ge [sflag:s10], $0x2800  }
.Ltmp0:
0x20: {  	[sflag:s10] =	ssyncset.done $0x0;
	(pc) =	sbr.rel @p0 .LBB2_2-.Ltmp0, $4  }
0x21: {  	[sflag:s10] =	ssyncadd.s32 $0xFFFFD800  }
0x22: {  	[hbm4b:s12+s2] =	stream.linear.scatter [tilespmem:s9], [sflag:$0x2], $0x2800, $0x38;
	[tilespmem:$0x2880] =	vst v63  }
0x23: {  	_ =	swait.ge [sflag:s7], $0x2800  }
0x24: {  	s14 =	smov.u32 s16;
	s12 =	sadd.s32 $0x500, s12;
	[sflag:s7] =	ssyncset.done $0x0  }
0x25: {  	s13 =	sadd.s32 s13, s6;
	[sflag:s7] =	ssyncadd.s32 $0xFFFFD800  }
0x26: {  	[tilespmem:s2], [sflag:$0x2] =	stream.linear.gather [hbm4b:s13+s2], $0x50, $0x38;
	[tilespmem:$0x2880] =	vst v63  }
0x27: {  	_ =	swait.ge [sflag:s7], $0x50  }
0x28: {  	[sflag:s7] =	ssyncset.done $0x0  }
0x29: {  	[sflag:s7] =	ssyncadd.s32 $0xFFFFFFB0  }
0x2a: {  	[tilespmem:s9], [sflag:$0x1] =	stream.indirect.gather [hbm4b:s3+s8], $0x80, s2, s8, $0xb8;
	[tilespmem:$0x2880] =	vst v63  }
0x2b: {  	s11 =	sadd.s32 $0x1, s11;
	_ =	swait.ge [sflag:s10], $0x2800  }
0x2c: {  	p0 =	sne.s32 s11, s4;
	[sflag:s10] =	ssyncset.done $0x0  }
.Ltmp1:
0x2d: {  	[sflag:s10] =	ssyncadd.s32 $0xFFFFD800;
	(pc) =	sbr.rel @p0 .LBB2_1-.Ltmp1, $4  }
0x2e: {  	[hbm4b:s12+s2] =	stream.linear.scatter [tilespmem:s9], [sflag:$0x2], $0x2800, $0x38;
	[tilespmem:$0x2880] =	vst v63  }
0x2f: {  	_ =	swait.ge [sflag:s7], $0x2800  }
0x30: {  	[sflag:s7] =	ssyncset.done $0x0  }
0x31: {  	[sflag:s7] =	ssyncadd.s32 $0xFFFFD800  }
0x32: {  	_ =	sfence.sel $0x180000  }
0x33: {  	[bflag:$0x0] =	sbarrier.arrive $0xFFFF  }
0x34: {  	p0 =	sne.s32 s1, $0x0;
	_ =	strace $0x90000056  }
0x35: {  	s0 =	sadd.s32 @!p0 $0x100000, s0;
	[bflag:$0x2] =	sbarrier.arrive $0xFFFF  }
0x36: {  	[sflag:s0] =	ssyncadd.tile.s32 @!p0 $0x1;
	_ =	shalt  }
.Lfunc_end2:
_tile_overlayer_lowered:
.L_overlay_start_2:
0x37: {  	(tag) =	ssettag $0x2  }
0x38: {  	s0 =	rddreg [dreg:$0x0];
	s2 =	stileid.u32  }
0x39: {  	s1 =	rddreg [dreg:$0x1];
	p0 =	sne.s32 s2, $0x0  }
0x3a: {  	s3 =	rddreg [dreg:$0x2];
	[bflag:$0x3] =	sbarrier.arrive $0xFFFF;
	s2 =	simm.s32 @!p0 $0x1C02  }
0x3b: {  	[timem:s3], [sflag:s2] =	dma.local @!p0 [hbm:s0], s1  }
0x3c: {  	s0 =	simm.s32 @!p0 $0x2  }
0x3d: {  	_ =	swait.ge @!p0 [sflag:s0], s1  }
0x3e: {  	s1 =	ssub.s32 @!p0 $0x0, s1;
	[sflag:s0] =	ssyncset.done @!p0 $0x0  }
0x3f: {  	[sflag:s0] =	ssyncadd.s32 @!p0 s1  }
0x40: {  	[bflag:$0x3] =	sbarrier.arrive $0xFFFF  }
0x41: {  	_ =	shalt  }

// kernel: kernel.55.cloned.1.call-start
scs
__scs_entry_jumppad:
0x0: {  	(pc) =	sbr.rel $0x88, $3  }
0x1: {  	(tag) =	ssettag $0x0;
	lr =	simm.s32 $0x1  }
0x2: {  	[smem:$0x3F41] =	sst lr;
	_ =	strace $0xD0000000  }
0x3: {  	_ = 	snop  }
0x4: {  	_ = 	snop  }
0x5: {  	_ = 	snop  }
0x6: {  	_ = 	snop  }
0x7: {  	_ = 	snop  }
__scs_overlays_trampoline_lowered:
0x8: {  	[smem:$0x3F50] =	sst s0  }
0x9: {  	[smem:$0x3F51] =	sst s1  }
0xa: {  	[smem:$0x3F52] =	sst s2  }
0xb: {  	[smem:$0x3F53] =	sst s3  }
0xc: {  	[smem:$0x3F54] =	sst s4  }
0xd: {  	[smem:$0x3F55] =	sst s5  }
0xe: {  	[smem:$0x3F56] =	sst s6  }
0xf: {  	[smem:$0x3F57] =	sst s7  }
0x10: {  	[smem:$0x3F58] =	sst s8  }
0x11: {  	[smem:$0x3F59] =	sst s9;
	s0 =	simm.s32 @!p0 $0x0  }
0x12: {  	s1 =	sld [smem:$0x3F3F];
	s0 =	simm.s32 @p0 $0x1  }
0x13: {  	[smem:$0x3F5A] =	sst s0;
	s0 =	simm.s32 @!p1 $0x0  }
0x14: {  	s2 =	sld [smem:$0x3F3E];
	s0 =	simm.s32 @p1 $0x1  }
0x15: {  	[smem:$0x3F5B] =	sst s0;
	s0 =	simm.s32 @!p2 $0x0  }
0x16: {  	s3 =	sld [smem:$0x3FDB];
	s0 =	simm.s32 @p2 $0x1  }
0x17: {  	s4 =	simm.s32 $0x1BF5;
	[smem:$0x3F5D] =	sst s0  }
0x18: {  	s0 =	sld [smem:$0x3F40];
	_ =	swait.ge [sflag:s4], $0x0  }
0x19: {  	s7 =	sld [smem:$0x3F41]  }
0x1a: {  	s8 =	sadd.s32 $0xFFFFE003, lr  }
0x1b: {  	s9 =	sadd.s32 $0xFFFFFEF7, lr;
	s5 =	simm.s32 $0xFFFFFFFF;
	p2 =	slt.u32 s8, $0xFFFFF086  }
0x1c: {  	p1 =	slt.u32 s9, $0xF7A;
	s5 =	simm.s32 @!p2 $0x0  }
0x1d: {  	s5 =	simm.s32 @p1 $0x1;
	p0 =	seq.s32 s7, s2  }
0x1e: {  	s7 =	smul.u32 @!p0 $0xF7A, s2;
	p2 =	seq.s32 @!p0 s5, $0x0  }
0x1f: {  	s9 =	smul.u32 $0xF7A, s1;
	s8 =	simm.s32 @!p0 $0x1BF5;
	p2 =	por !p2, p0  }
0x20: {  	[sflag:s8] =	ssyncset.s32 @!p0 $0xFFFFF086;
	s6 =	sadd.s32 @!p0 s3, s7;
	s7 =	simm.s32 @!p0 $0x108  }
0x21: {  	s3 =	sadd.s32 s3, s9;
	s6 =	sadd.s32 @!p0 $0x88, s6;
	s7 =	simm.s32 @p2 $0x1082  }
0x22: {  	[simem:s7], [sflag:s8] =	dma.local @!p0 [hbm:s6], $0xF7A  }
0x23: {  	s9 =	sor.u32 $0xD0000000, s2;
	s6 =	simm.s32 $0x108;
	_ =	swait.ge @!p0 [sflag:s8], $0x0  }
0x24: {  	s3 =	sadd.s32 $0x88, s3;
	s6 =	simm.s32 @!p1 $0x1082;
	[sflag:s4] =	ssyncset.s32 $0xFFFFF086  }
0x25: {  	[simem:s6], [sflag:s4] =	dma.local [hbm:s3], $0xF7A  }
0x26: {  	[smem:$0x3F41] =	sst s1;
	(tag) =	ssettag s2;
	_ =	strace s9  }
0x27: {  	s1 =	sld [smem:$0x3F51]  }
0x28: {  	s2 =	sld [smem:$0x3F52]  }
0x29: {  	s4 =	sld [smem:$0x3F54]  }
0x2a: {  	p0 =	seq.s32 s5, $0x0;
	s5 =	sld [smem:$0x3F55]  }
0x2b: {  	s6 =	sld [smem:$0x3F56]  }
0x2c: {  	s7 =	sld [smem:$0x3F57]  }
0x2d: {  	s3 =	simm.s32 $0x108;
	s8 =	sld [smem:$0x3F58]  }
0x2e: {  	s3 =	simm.s32 @!p0 $0x1082;
	s9 =	sld [smem:$0x3F59]  }
0x2f: {  	lr =	sadd.s32 s0, s3;
	s0 =	sld [smem:$0x3F50]  }
0x30: {  	s3 =	sld [smem:$0x3F53]  }
0x31: {  	[smem:$0x3F5C] =	sst s10  }
0x32: {  	s10 =	sld [smem:$0x3F5A];
	_ =	sdelay $0x3  }
0x33: {  	p0 =	seq.s32 s10, $0x1;
	s10 =	sld [smem:$0x3F5C];
	_ =	sdelay $0x3  }
0x34: {  	[smem:$0x3F5C] =	sst s10  }
0x35: {  	s10 =	sld [smem:$0x3F5B];
	_ =	sdelay $0x3  }
0x36: {  	p1 =	seq.s32 s10, $0x1;
	s10 =	sld [smem:$0x3F5C];
	_ =	sdelay $0x3  }
0x37: {  	[smem:$0x3F5C] =	sst s10  }
0x38: {  	s10 =	sld [smem:$0x3F5D]  }
0x39: {  	_ = 	snop;
	(pc) =	sbr.ind lr, $3  }
0x3a: {  	_ = 	snop  }
0x3b: {  	_ = 	snop  }
0x3c: {  	p2 =	seq.s32 s10, $0x1;
	s10 =	sld [smem:$0x3F5C]  }
0x3d: {  	_ =	shalt  }
0x3e: {  	_ =	shalt  }
0x3f: {  	_ =	shalt  }
0x40: {  	_ =	shalt  }
0x41: {  	_ =	shalt  }
0x42: {  	_ =	shalt  }
0x43: {  	_ =	shalt  }
0x44: {  	_ =	shalt  }
0x45: {  	_ =	shalt  }
0x46: {  	_ =	shalt  }
0x47: {  	_ =	shalt  }
0x48: {  	_ =	shalt  }
0x49: {  	_ =	shalt  }
0x4a: {  	_ =	shalt  }
0x4b: {  	_ =	shalt  }
0x4c: {  	_ =	shalt  }
0x4d: {  	_ =	shalt  }
0x4e: {  	_ =	shalt  }
0x4f: {  	_ =	shalt  }
0x50: {  	_ =	shalt  }
0x51: {  	_ =	shalt  }
0x52: {  	_ =	shalt  }
0x53: {  	_ =	shalt  }
0x54: {  	_ =	shalt  }
0x55: {  	_ =	shalt  }
0x56: {  	_ =	shalt  }
0x57: {  	_ =	shalt  }
0x58: {  	_ =	shalt  }
0x59: {  	_ =	shalt  }
0x5a: {  	_ =	shalt  }
0x5b: {  	_ =	shalt  }
0x5c: {  	_ =	shalt  }
0x5d: {  	_ =	shalt  }
0x5e: {  	_ =	shalt  }
0x5f: {  	_ =	shalt  }
0x60: {  	_ =	shalt  }
0x61: {  	_ =	shalt  }
0x62: {  	_ =	shalt  }
0x63: {  	_ =	shalt  }
0x64: {  	_ =	shalt  }
0x65: {  	_ =	shalt  }
0x66: {  	_ =	shalt  }
0x67: {  	_ =	shalt  }
0x68: {  	_ =	shalt  }
0x69: {  	_ =	shalt  }
0x6a: {  	_ =	shalt  }
0x6b: {  	_ =	shalt  }
0x6c: {  	_ =	shalt  }
0x6d: {  	_ =	shalt  }
0x6e: {  	_ =	shalt  }
0x6f: {  	_ =	shalt  }
0x70: {  	_ =	shalt  }
0x71: {  	_ =	shalt  }
0x72: {  	_ =	shalt  }
0x73: {  	_ =	shalt  }
0x74: {  	_ =	shalt  }
0x75: {  	_ =	shalt  }
0x76: {  	_ =	shalt  }
0x77: {  	_ =	shalt  }
0x78: {  	_ =	shalt  }
0x79: {  	_ =	shalt  }
0x7a: {  	_ =	shalt  }
0x7b: {  	_ =	shalt  }
0x7c: {  	_ =	shalt  }
0x7d: {  	_ =	shalt  }
0x7e: {  	_ =	shalt  }
0x7f: {  	_ =	shalt  }
0x80: {  	_ =	shalt  }
0x81: {  	_ =	shalt  }
0x82: {  	_ =	shalt  }
0x83: {  	_ =	shalt  }
0x84: {  	_ =	shalt  }
0x85: {  	_ =	shalt  }
0x86: {  	_ =	shalt  }
0x87: {  	_ =	shalt  }
.Lfunc_end0:
.L_simem_size_0:
called_computation.8_lowered:
.L_overlay_start_0:
0x88: {  	s2 =	sld [smem:$0x3FD9]  }
0x89: {  	s3 =	sld [smem:$0x3FFE];
	_ =	sdelay $0x1  }
0x8a: {  	s1 =	srdreg.scid  }
0x8b: {  	s0 =	sand.u32 $0x1, s1  }
0x8c: {  	s17 =	sshll.u32 s0, $0xA;
	s2 =	sadd.s32 s3, s2  }
0x8d: {  	s2 =	sadd.s32 s2, s17  }
0x8e: {  	[smem:$0x3F68] =	sst s2  }
0x8f: {  	_ = 	snop  }
0x90: {  	(tm) =	ssettm $0x1  }
0x91: {  	s18 =	sld [smem:$0x3FFB];
	_ =	sdelay $0x3  }
0x92: {  	_ =	strace s18  }
0x93: {  	s2 =	sld [smem:$0x3FFC];
	_ =	sdelay $0x3  }
0x94: {  	_ =	strace s2  }
0x95: {  	s2 =	sld [smem:$0x3FFD];
	_ =	sdelay $0x3  }
0x96: {  	_ =	strace s2  }
0x97: {  	_ =	strace $0x8FFFFFFF  }
0x98: {  	s19 =	sld [smem:$0x3FDB];
	_ =	sdelay $0x1  }
0x99: {  	s20 =	simm.s32 $_scs_section_size  }
0x9a: {  	s4 =	simm.s32 $_size__tile_overlayer_lowered;
	s5 =	simm.s32 $_tile_overlayer_lowered  }
0x9b: {  	s6 =	simm.s32 $0x1BFF;
	s21 =	sshll.u32 s5, $0x1;
	s3 =	sadd.s32 s20, s19  }
0x9c: {  	s22 =	simm.s32 $0x0;
	s4 =	sshll.u32 s4, $0x1;
	s5 =	sadd.s32 s21, s3  }
0x9d: {  	[timem:s22], [sflag:s6] =	dma.local [hbm:s5], s4  }
0x9e: {  	_ =	swait.ge [sflag:s6], s4  }
0x9f: {  	s4 =	ssub.s32 $0x0, s4;
	[sflag:s6] =	ssyncset.done $0x0  }
0xa0: {  	[sflag:s6] =	ssyncadd.s32 s4;
	_ =	sdelay $0x1  }
0xa1: {  	s23 =	simm.s32 $0x1B8B  }
0xa2: {  	_ =	swait.ge [sflag:s23], $0x1  }
0xa3: {  	[sflag:s23] =	ssyncset.done $0x0  }
0xa4: {  	[sflag:s23] =	ssyncadd.s32 $0xFFFFFFFF  }
0xa5: {  	s4 =	sld [smem:$0x0]  }
0xa6: {  	s5 =	sand.u32 $0xFFFFFFFE, s1  }
0xa7: {  	p0 =	sne.s32 s1, s5  }
0xa8: {  	s5 =	sshll.u32 @p0 s5, $0xE  }
0xa9: {  	s5 =	sadd.s32 @p0 $0x11B8D, s5;
	s6 =	sshll.u32 @p0 s4, $0x11  }
0xaa: {  	s5 =	sor.u32 @p0 s6, s5  }
0xab: {  	[sflag:s5] =	ssyncadd.remote.s32 @p0 $0x1;
	_ =	sdelay $0x1  }
0xac: {  	s5 =	simm.s32 @p0 $0x1B8D  }
0xad: {  	_ =	swait.eq @p0 [sflag:s5], $0x1  }
0xae: {  	[sflag:s5] =	ssyncadd.s32 @p0 $0xFFFFFFFF  }
0xaf: {  	s6 =	sshll.u32 @!p0 s1, $0xE  }
0xb0: {  	s6 =	sor.u32 @!p0 $0x4000, s6;
	s5 =	simm.s32 @!p0 $0x1B8D  }
0xb1: {  	s4 =	sshll.u32 @!p0 s4, $0x11;
	s6 =	sadd.s32 @!p0 $0x11B8D, s6;
	_ =	swait.eq @!p0 [sflag:s5], $0x1  }
0xb2: {  	s4 =	sor.u32 @!p0 s4, s6;
	[sflag:s5] =	ssyncadd.s32 @!p0 $0xFFFFFFFF  }
0xb3: {  	s25 =	simm.s32 $0x1B8E;
	s24 =	sld [smem:$0x3FFE];
	[sflag:s4] =	ssyncadd.remote.s32 @!p0 $0x1  }
0xb4: {  	s26 =	simm.s32 $execute0_lowered;
	[smem:$0x3FD2] =	sst s25  }
0xb5: {  	s5 =	sshll.u32 s26, $0x1;
	_ =	strace $0x80000064;
	[dreg:$0x1] =	wrdreg $0xFFFFFFFF  }
0xb6: {  	s28 =	simm.s32 $_size_execute0_lowered;
	s3 =	sadd.s32 s3, s5;
	[dreg:$0x0] =	wrdreg $0x0  }
0xb7: {  	s5 =	sshll.u32 s28, $0x1;
	[dreg:$0x2] =	wrdreg s3  }
0xb8: {  	[dreg:$0x3] =	wrdreg s5  }
0xb9: {  	[dreg:$0x4] =	wrdreg $0xC0  }
0xba: {  	_ =	task [dreg:s22], $0x5FFFF  }
0xbb: {  	[dreg:$0x1] =	wrdreg $0xFFFFFFFF  }
0xbc: {  	[dreg:$0x0] =	wrdreg $0x60  }
0xbd: {  	[dreg:$0x2] =	wrdreg s24  }
0xbe: {  	[dreg:$0x3] =	wrdreg $0xB  }
0xbf: {  	_ =	task.clear_ibuf [dreg:s22], $0x4FFFF;
	_ =	strace $0x90000064  }
0xc0: {  	s29 =	simm.s32 $0xB;
	_ =	strace $0x80000066  }
0xc1: {  	_ =	swait.ge [sflag:s29], $0x1  }
0xc2: {  	[sflag:s29] =	ssyncadd.s32 $0xFFFFFFFF  }
0xc3: {  	_ =	strace $0x90000066  }
0xc4: {  	_ =	sfence  }
0xc5: {  	s30 =	sld [smem:$0x0];
	_ =	sdelay $0x2  }
0xc6: {  	s31 =	sshll.u32 s1, $0xD;
	s1 =	sshrl.u32 s1, $0x2  }
0xc7: {  	s4 =	sand.u32 $0x4000, s31;
	s1 =	sadd.s32 s1, s30  }
0xc8: {  	s0 =	sor.u32 s4, s0;
	s1 =	sshll.u32 s1, $0x11  }
0xc9: {  	s0 =	sor.u32 s1, s0  }
0xca: {  	s0 =	sadd.s32 $0x8F2B, s0  }
0xcb: {  	[sflag:s0] =	ssyncadd.remote.s32 $0x1  }
0xcc: {  	_ =	sfence.sel $0xFFFF  }
0xcd: {  	[dreg:$0x0] =	wrdreg $0xFFFFFFFF;
	(pc) =	sbr.abs _section_cstart, $3  }
0xce: {  	[dreg:$0x1] =	wrdreg $0xFFFFFFFF  }
0xcf: {  	_ =	task.clear_ibuf [dreg:s22], $0x2FFFF;
	_ =	strace $0x9FFFFFFF  }
0xd0: {  	(tm) =	ssettm $0x7FFFFFFF  }
0xd1: {  	_ =	shalt  }
tec
execute0_lowered:
.L_overlay_start_1:
0x0: {  	(tag) =	ssettag $0x1  }
0x1: {  	s4 =	rddreg [dreg:$0x0]  }
0x2: {  	s0 =	rddreg [dreg:$0x1]  }
0x3: {  	s3 =	srdreg.scid;
	s1 =	stileid.u32;
	s2 =	simm.s32 $0x0  }
0x4: {  	s10 =	simm.s32 $0x1;
	s11 =	simm.s32 $0x0;
	s6 =	smul.u32 $0x4E20, s1  }
0x5: {  	s5 =	sand.u32 $0x1, s3;
	[smem:$0x7FF] =	sst s2;
	s8 =	smul.u32 $0x4E200, s1  }
0x6: {  	s3 =	sadd.s32 $0x58B400, s4;
	s7 =	smul.u32 $0x2710, s5;
	s9 =	ssub.s32 $0x2, s5  }
0x7: {  	_ =	strace $0x80000065;
	s5 =	smul.u32 $0x27100, s5;
	s31 =	sshrl.u32 s9, $0x1  }
0x8: {  	s30 =	sadd.s32 s8, s4;
	s6 =	sadd.s32 s7, s6;
	s8 =	ssub.s32 s9, s31  }
0x9: {  	s5 =	sadd.s32 s5, s30;
	s7 =	simm.s32 $0x2;
	s6 =	sshrl.u32 s6, $0x3  }
0xa: {  	s9 =	simm.s32 $0x80;
	s5 =	sadd.s32 $0xABD400, s5;
	s6 =	sadd.s32 s6, s4  }
0xb: {  	s4 =	smax.u32 s8, $0x1;
	s8 =	simm.s32 $0x50;
	s6 =	sadd.s32 $0x4F600, s6  }
.LBB2_1:
0xc: {  	s12 =	sadd.s32 $0x0, s6  }
0xd: {  	[tilespmem:s2], [sflag:$0x2] =	stream.linear.gather [hbm4b:s12+s2], $0x50, $0x38;
	[tilespmem:$0x2880] =	vst v63  }
0xe: {  	_ =	swait.ge [sflag:s7], $0x50  }
0xf: {  	[sflag:s7] =	ssyncset.done $0x0  }
0x10: {  	[sflag:s7] =	ssyncadd.s32 $0xFFFFFFB0  }
0x11: {  	[tilespmem:s9], [sflag:$0x1] =	stream.indirect.gather [hbm4b:s3+s8], $0x80, s2, s8, $0xb8;
	[tilespmem:$0x2880] =	vst v63  }
0x12: {  	_ =	swait.ge [sflag:s10], $0x2800  }
0x13: {  	[sflag:s10] =	ssyncset.done $0x0  }
0x14: {  	[sflag:s10] =	ssyncadd.s32 $0xFFFFD800  }
0x15: {  	[hbm4b:s5+s2] =	stream.linear.scatter [tilespmem:s9], [sflag:$0x2], $0x2800, $0x38;
	[tilespmem:$0x2880] =	vst v63  }
0x16: {  	s13 =	simm.s32 $0xA;
	_ =	swait.ge [sflag:s7], $0x2800  }
0x17: {  	s14 =	simm.s32 $0x14;
	s12 =	sadd.s32 $0x500, s5;
	[sflag:s7] =	ssyncset.done $0x0  }
.LBB2_2:
0x18: {  	s15 =	sadd.s32 s13, s6  }
0x19: {  	[sflag:s7] =	ssyncadd.s32 $0xFFFFD800;
	s13 =	smov.u32 s14;
	s16 =	sadd.s32 $0xA, s14  }
0x1a: {  	[tilespmem:s2], [sflag:$0x2] =	stream.linear.gather [hbm4b:s15+s2], $0x50, $0x38;
	[tilespmem:$0x2880] =	vst v63  }
0x1b: {  	p0 =	sne.s32 s14, $0x4D8;
	_ =	swait.ge [sflag:s7], $0x50  }
0x1c: {  	[sflag:s7] =	ssyncset.done $0x0  }
0x1d: {  	[sflag:s7] =	ssyncadd.s32 $0xFFFFFFB0  }
0x1e: {  	[tilespmem:s9], [sflag:$0x1] =	stream.indirect.gather [hbm4b:s3+s8], $0x80, s2, s8, $0xb8;
	[tilespmem:$0x2880] =	vst v63  }
0x1f: {  	_ =	swait.ge [sflag:s10], $0x2800  }
.Ltmp0:
0x20: {  	[sflag:s10] =	ssyncset.done $0x0;
	(pc) =	sbr.rel @p0 .LBB2_2-.Ltmp0, $4  }
0x21: {  	[sflag:s10] =	ssyncadd.s32 $0xFFFFD800  }
0x22: {  	[hbm4b:s12+s2] =	stream.linear.scatter [tilespmem:s9], [sflag:$0x2], $0x2800, $0x38;
	[tilespmem:$0x2880] =	vst v63  }
0x23: {  	_ =	swait.ge [sflag:s7], $0x2800  }
0x24: {  	s14 =	smov.u32 s16;
	s12 =	sadd.s32 $0x500, s12;
	[sflag:s7] =	ssyncset.done $0x0  }
0x25: {  	s13 =	sadd.s32 s13, s6;
	[sflag:s7] =	ssyncadd.s32 $0xFFFFD800  }
0x26: {  	[tilespmem:s2], [sflag:$0x2] =	stream.linear.gather [hbm4b:s13+s2], $0x50, $0x38;
	[tilespmem:$0x2880] =	vst v63  }
0x27: {  	_ =	swait.ge [sflag:s7], $0x50  }
0x28: {  	[sflag:s7] =	ssyncset.done $0x0  }
0x29: {  	[sflag:s7] =	ssyncadd.s32 $0xFFFFFFB0  }
0x2a: {  	[tilespmem:s9], [sflag:$0x1] =	stream.indirect.gather [hbm4b:s3+s8], $0x80, s2, s8, $0xb8;
	[tilespmem:$0x2880] =	vst v63  }
0x2b: {  	s11 =	sadd.s32 $0x1, s11;
	_ =	swait.ge [sflag:s10], $0x2800  }
0x2c: {  	p0 =	sne.s32 s11, s4;
	[sflag:s10] =	ssyncset.done $0x0  }
.Ltmp1:
0x2d: {  	[sflag:s10] =	ssyncadd.s32 $0xFFFFD800;
	(pc) =	sbr.rel @p0 .LBB2_1-.Ltmp1, $4  }
0x2e: {  	[hbm4b:s12+s2] =	stream.linear.scatter [tilespmem:s9], [sflag:$0x2], $0x2800, $0x38;
	[tilespmem:$0x2880] =	vst v63  }
0x2f: {  	_ =	swait.ge [sflag:s7], $0x2800  }
0x30: {  	[sflag:s7] =	ssyncset.done $0x0  }
0x31: {  	[sflag:s7] =	ssyncadd.s32 $0xFFFFD800  }
0x32: {  	_ =	sfence.sel $0x180000  }
0x33: {  	[bflag:$0x0] =	sbarrier.arrive $0xFFFF  }
0x34: {  	p0 =	sne.s32 s1, $0x0;
	_ =	strace $0x90000065  }
0x35: {  	s0 =	sadd.s32 @!p0 $0x100000, s0;
	[bflag:$0x2] =	sbarrier.arrive $0xFFFF  }
0x36: {  	[sflag:s0] =	ssyncadd.tile.s32 @!p0 $0x1;
	_ =	shalt  }
.Lfunc_end2:
_tile_overlayer_lowered:
.L_overlay_start_2:
0x37: {  	(tag) =	ssettag $0x2  }
0x38: {  	s0 =	rddreg [dreg:$0x0];
	s2 =	stileid.u32  }
0x39: {  	s1 =	rddreg [dreg:$0x1];
	p0 =	sne.s32 s2, $0x0  }
0x3a: {  	s3 =	rddreg [dreg:$0x2];
	[bflag:$0x3] =	sbarrier.arrive $0xFFFF;
	s2 =	simm.s32 @!p0 $0x1C02  }
0x3b: {  	[timem:s3], [sflag:s2] =	dma.local @!p0 [hbm:s0], s1  }
0x3c: {  	s0 =	simm.s32 @!p0 $0x2  }
0x3d: {  	_ =	swait.ge @!p0 [sflag:s0], s1  }
0x3e: {  	s1 =	ssub.s32 @!p0 $0x0, s1;
	[sflag:s0] =	ssyncset.done @!p0 $0x0  }
0x3f: {  	[sflag:s0] =	ssyncadd.s32 @!p0 s1  }
0x40: {  	[bflag:$0x3] =	sbarrier.arrive $0xFFFF  }
0x41: {  	_ =	shalt  }

// kernel: kernel.58.cloned.1.call-start
scs
__scs_entry_jumppad:
0x0: {  	(pc) =	sbr.rel $0x88, $3  }
0x1: {  	(tag) =	ssettag $0x0;
	lr =	simm.s32 $0x1  }
0x2: {  	[smem:$0x3F41] =	sst lr;
	_ =	strace $0xD0000000  }
0x3: {  	_ = 	snop  }
0x4: {  	_ = 	snop  }
0x5: {  	_ = 	snop  }
0x6: {  	_ = 	snop  }
0x7: {  	_ = 	snop  }
__scs_overlays_trampoline_lowered:
0x8: {  	[smem:$0x3F50] =	sst s0  }
0x9: {  	[smem:$0x3F51] =	sst s1  }
0xa: {  	[smem:$0x3F52] =	sst s2  }
0xb: {  	[smem:$0x3F53] =	sst s3  }
0xc: {  	[smem:$0x3F54] =	sst s4  }
0xd: {  	[smem:$0x3F55] =	sst s5  }
0xe: {  	[smem:$0x3F56] =	sst s6  }
0xf: {  	[smem:$0x3F57] =	sst s7  }
0x10: {  	[smem:$0x3F58] =	sst s8  }
0x11: {  	[smem:$0x3F59] =	sst s9;
	s0 =	simm.s32 @!p0 $0x0  }
0x12: {  	s1 =	sld [smem:$0x3F3F];
	s0 =	simm.s32 @p0 $0x1  }
0x13: {  	[smem:$0x3F5A] =	sst s0;
	s0 =	simm.s32 @!p1 $0x0  }
0x14: {  	s2 =	sld [smem:$0x3F3E];
	s0 =	simm.s32 @p1 $0x1  }
0x15: {  	[smem:$0x3F5B] =	sst s0;
	s0 =	simm.s32 @!p2 $0x0  }
0x16: {  	s3 =	sld [smem:$0x3FDB];
	s0 =	simm.s32 @p2 $0x1  }
0x17: {  	s4 =	simm.s32 $0x1BF5;
	[smem:$0x3F5D] =	sst s0  }
0x18: {  	s0 =	sld [smem:$0x3F40];
	_ =	swait.ge [sflag:s4], $0x0  }
0x19: {  	s7 =	sld [smem:$0x3F41]  }
0x1a: {  	s8 =	sadd.s32 $0xFFFFE003, lr  }
0x1b: {  	s9 =	sadd.s32 $0xFFFFFEF7, lr;
	s5 =	simm.s32 $0xFFFFFFFF;
	p2 =	slt.u32 s8, $0xFFFFF086  }
0x1c: {  	p1 =	slt.u32 s9, $0xF7A;
	s5 =	simm.s32 @!p2 $0x0  }
0x1d: {  	s5 =	simm.s32 @p1 $0x1;
	p0 =	seq.s32 s7, s2  }
0x1e: {  	s7 =	smul.u32 @!p0 $0xF7A, s2;
	p2 =	seq.s32 @!p0 s5, $0x0  }
0x1f: {  	s9 =	smul.u32 $0xF7A, s1;
	s8 =	simm.s32 @!p0 $0x1BF5;
	p2 =	por !p2, p0  }
0x20: {  	[sflag:s8] =	ssyncset.s32 @!p0 $0xFFFFF086;
	s6 =	sadd.s32 @!p0 s3, s7;
	s7 =	simm.s32 @!p0 $0x108  }
0x21: {  	s3 =	sadd.s32 s3, s9;
	s6 =	sadd.s32 @!p0 $0x88, s6;
	s7 =	simm.s32 @p2 $0x1082  }
0x22: {  	[simem:s7], [sflag:s8] =	dma.local @!p0 [hbm:s6], $0xF7A  }
0x23: {  	s9 =	sor.u32 $0xD0000000, s2;
	s6 =	simm.s32 $0x108;
	_ =	swait.ge @!p0 [sflag:s8], $0x0  }
0x24: {  	s3 =	sadd.s32 $0x88, s3;
	s6 =	simm.s32 @!p1 $0x1082;
	[sflag:s4] =	ssyncset.s32 $0xFFFFF086  }
0x25: {  	[simem:s6], [sflag:s4] =	dma.local [hbm:s3], $0xF7A  }
0x26: {  	[smem:$0x3F41] =	sst s1;
	(tag) =	ssettag s2;
	_ =	strace s9  }
0x27: {  	s1 =	sld [smem:$0x3F51]  }
0x28: {  	s2 =	sld [smem:$0x3F52]  }
0x29: {  	s4 =	sld [smem:$0x3F54]  }
0x2a: {  	p0 =	seq.s32 s5, $0x0;
	s5 =	sld [smem:$0x3F55]  }
0x2b: {  	s6 =	sld [smem:$0x3F56]  }
0x2c: {  	s7 =	sld [smem:$0x3F57]  }
0x2d: {  	s3 =	simm.s32 $0x108;
	s8 =	sld [smem:$0x3F58]  }
0x2e: {  	s3 =	simm.s32 @!p0 $0x1082;
	s9 =	sld [smem:$0x3F59]  }
0x2f: {  	lr =	sadd.s32 s0, s3;
	s0 =	sld [smem:$0x3F50]  }
0x30: {  	s3 =	sld [smem:$0x3F53]  }
0x31: {  	[smem:$0x3F5C] =	sst s10  }
0x32: {  	s10 =	sld [smem:$0x3F5A];
	_ =	sdelay $0x3  }
0x33: {  	p0 =	seq.s32 s10, $0x1;
	s10 =	sld [smem:$0x3F5C];
	_ =	sdelay $0x3  }
0x34: {  	[smem:$0x3F5C] =	sst s10  }
0x35: {  	s10 =	sld [smem:$0x3F5B];
	_ =	sdelay $0x3  }
0x36: {  	p1 =	seq.s32 s10, $0x1;
	s10 =	sld [smem:$0x3F5C];
	_ =	sdelay $0x3  }
0x37: {  	[smem:$0x3F5C] =	sst s10  }
0x38: {  	s10 =	sld [smem:$0x3F5D]  }
0x39: {  	_ = 	snop;
	(pc) =	sbr.ind lr, $3  }
0x3a: {  	_ = 	snop  }
0x3b: {  	_ = 	snop  }
0x3c: {  	p2 =	seq.s32 s10, $0x1;
	s10 =	sld [smem:$0x3F5C]  }
0x3d: {  	_ =	shalt  }
0x3e: {  	_ =	shalt  }
0x3f: {  	_ =	shalt  }
0x40: {  	_ =	shalt  }
0x41: {  	_ =	shalt  }
0x42: {  	_ =	shalt  }
0x43: {  	_ =	shalt  }
0x44: {  	_ =	shalt  }
0x45: {  	_ =	shalt  }
0x46: {  	_ =	shalt  }
0x47: {  	_ =	shalt  }
0x48: {  	_ =	shalt  }
0x49: {  	_ =	shalt  }
0x4a: {  	_ =	shalt  }
0x4b: {  	_ =	shalt  }
0x4c: {  	_ =	shalt  }
0x4d: {  	_ =	shalt  }
0x4e: {  	_ =	shalt  }
0x4f: {  	_ =	shalt  }
0x50: {  	_ =	shalt  }
0x51: {  	_ =	shalt  }
0x52: {  	_ =	shalt  }
0x53: {  	_ =	shalt  }
0x54: {  	_ =	shalt  }
0x55: {  	_ =	shalt  }
0x56: {  	_ =	shalt  }
0x57: {  	_ =	shalt  }
0x58: {  	_ =	shalt  }
0x59: {  	_ =	shalt  }
0x5a: {  	_ =	shalt  }
0x5b: {  	_ =	shalt  }
0x5c: {  	_ =	shalt  }
0x5d: {  	_ =	shalt  }
0x5e: {  	_ =	shalt  }
0x5f: {  	_ =	shalt  }
0x60: {  	_ =	shalt  }
0x61: {  	_ =	shalt  }
0x62: {  	_ =	shalt  }
0x63: {  	_ =	shalt  }
0x64: {  	_ =	shalt  }
0x65: {  	_ =	shalt  }
0x66: {  	_ =	shalt  }
0x67: {  	_ =	shalt  }
0x68: {  	_ =	shalt  }
0x69: {  	_ =	shalt  }
0x6a: {  	_ =	shalt  }
0x6b: {  	_ =	shalt  }
0x6c: {  	_ =	shalt  }
0x6d: {  	_ =	shalt  }
0x6e: {  	_ =	shalt  }
0x6f: {  	_ =	shalt  }
0x70: {  	_ =	shalt  }
0x71: {  	_ =	shalt  }
0x72: {  	_ =	shalt  }
0x73: {  	_ =	shalt  }
0x74: {  	_ =	shalt  }
0x75: {  	_ =	shalt  }
0x76: {  	_ =	shalt  }
0x77: {  	_ =	shalt  }
0x78: {  	_ =	shalt  }
0x79: {  	_ =	shalt  }
0x7a: {  	_ =	shalt  }
0x7b: {  	_ =	shalt  }
0x7c: {  	_ =	shalt  }
0x7d: {  	_ =	shalt  }
0x7e: {  	_ =	shalt  }
0x7f: {  	_ =	shalt  }
0x80: {  	_ =	shalt  }
0x81: {  	_ =	shalt  }
0x82: {  	_ =	shalt  }
0x83: {  	_ =	shalt  }
0x84: {  	_ =	shalt  }
0x85: {  	_ =	shalt  }
0x86: {  	_ =	shalt  }
0x87: {  	_ =	shalt  }
.Lfunc_end0:
.L_simem_size_0:
called_computation.9_lowered:
.L_overlay_start_0:
0x88: {  	s2 =	sld [smem:$0x3FD9]  }
0x89: {  	s3 =	sld [smem:$0x3FFE];
	_ =	sdelay $0x1  }
0x8a: {  	s1 =	srdreg.scid  }
0x8b: {  	s0 =	sand.u32 $0x1, s1  }
0x8c: {  	s17 =	sshll.u32 s0, $0xA;
	s2 =	sadd.s32 s3, s2  }
0x8d: {  	s2 =	sadd.s32 s2, s17  }
0x8e: {  	[smem:$0x3F68] =	sst s2  }
0x8f: {  	_ = 	snop  }
0x90: {  	(tm) =	ssettm $0x1  }
0x91: {  	s18 =	sld [smem:$0x3FFB];
	_ =	sdelay $0x3  }
0x92: {  	_ =	strace s18  }
0x93: {  	s2 =	sld [smem:$0x3FFC];
	_ =	sdelay $0x3  }
0x94: {  	_ =	strace s2  }
0x95: {  	s2 =	sld [smem:$0x3FFD];
	_ =	sdelay $0x3  }
0x96: {  	_ =	strace s2  }
0x97: {  	_ =	strace $0x8FFFFFFF  }
0x98: {  	s19 =	sld [smem:$0x3FDB];
	_ =	sdelay $0x1  }
0x99: {  	s20 =	simm.s32 $_scs_section_size  }
0x9a: {  	s4 =	simm.s32 $_size__tile_overlayer_lowered;
	s5 =	simm.s32 $_tile_overlayer_lowered  }
0x9b: {  	s6 =	simm.s32 $0x1BFF;
	s21 =	sshll.u32 s5, $0x1;
	s3 =	sadd.s32 s20, s19  }
0x9c: {  	s22 =	simm.s32 $0x0;
	s4 =	sshll.u32 s4, $0x1;
	s5 =	sadd.s32 s21, s3  }
0x9d: {  	[timem:s22], [sflag:s6] =	dma.local [hbm:s5], s4  }
0x9e: {  	_ =	swait.ge [sflag:s6], s4  }
0x9f: {  	s4 =	ssub.s32 $0x0, s4;
	[sflag:s6] =	ssyncset.done $0x0  }
0xa0: {  	[sflag:s6] =	ssyncadd.s32 s4;
	_ =	sdelay $0x1  }
0xa1: {  	s23 =	simm.s32 $0x1B8B  }
0xa2: {  	_ =	swait.ge [sflag:s23], $0x1  }
0xa3: {  	[sflag:s23] =	ssyncset.done $0x0  }
0xa4: {  	[sflag:s23] =	ssyncadd.s32 $0xFFFFFFFF  }
0xa5: {  	s4 =	sld [smem:$0x0]  }
0xa6: {  	s5 =	sand.u32 $0xFFFFFFFE, s1  }
0xa7: {  	p0 =	sne.s32 s1, s5  }
0xa8: {  	s5 =	sshll.u32 @p0 s5, $0xE  }
0xa9: {  	s5 =	sadd.s32 @p0 $0x11B8D, s5;
	s6 =	sshll.u32 @p0 s4, $0x11  }
0xaa: {  	s5 =	sor.u32 @p0 s6, s5  }
0xab: {  	[sflag:s5] =	ssyncadd.remote.s32 @p0 $0x1;
	_ =	sdelay $0x1  }
0xac: {  	s5 =	simm.s32 @p0 $0x1B8D  }
0xad: {  	_ =	swait.eq @p0 [sflag:s5], $0x1  }
0xae: {  	[sflag:s5] =	ssyncadd.s32 @p0 $0xFFFFFFFF  }
0xaf: {  	s6 =	sshll.u32 @!p0 s1, $0xE  }
0xb0: {  	s6 =	sor.u32 @!p0 $0x4000, s6;
	s5 =	simm.s32 @!p0 $0x1B8D  }
0xb1: {  	s4 =	sshll.u32 @!p0 s4, $0x11;
	s6 =	sadd.s32 @!p0 $0x11B8D, s6;
	_ =	swait.eq @!p0 [sflag:s5], $0x1  }
0xb2: {  	s4 =	sor.u32 @!p0 s4, s6;
	[sflag:s5] =	ssyncadd.s32 @!p0 $0xFFFFFFFF  }
0xb3: {  	s25 =	simm.s32 $0x1B8E;
	s24 =	sld [smem:$0x3FFE];
	[sflag:s4] =	ssyncadd.remote.s32 @!p0 $0x1  }
0xb4: {  	s26 =	simm.s32 $execute0_lowered;
	[smem:$0x3FD2] =	sst s25  }
0xb5: {  	s5 =	sshll.u32 s26, $0x1;
	_ =	strace $0x80000061;
	[dreg:$0x1] =	wrdreg $0xFFFFFFFF  }
0xb6: {  	s28 =	simm.s32 $_size_execute0_lowered;
	s3 =	sadd.s32 s3, s5;
	[dreg:$0x0] =	wrdreg $0x0  }
0xb7: {  	s5 =	sshll.u32 s28, $0x1;
	[dreg:$0x2] =	wrdreg s3  }
0xb8: {  	[dreg:$0x3] =	wrdreg s5  }
0xb9: {  	[dreg:$0x4] =	wrdreg $0xC0  }
0xba: {  	_ =	task [dreg:s22], $0x5FFFF  }
0xbb: {  	[dreg:$0x1] =	wrdreg $0xFFFFFFFF  }
0xbc: {  	[dreg:$0x0] =	wrdreg $0x60  }
0xbd: {  	[dreg:$0x2] =	wrdreg s24  }
0xbe: {  	[dreg:$0x3] =	wrdreg $0xC  }
0xbf: {  	_ =	task.clear_ibuf [dreg:s22], $0x4FFFF;
	_ =	strace $0x90000061  }
0xc0: {  	s29 =	simm.s32 $0xC;
	_ =	strace $0x80000063  }
0xc1: {  	_ =	swait.ge [sflag:s29], $0x1  }
0xc2: {  	[sflag:s29] =	ssyncadd.s32 $0xFFFFFFFF  }
0xc3: {  	_ =	strace $0x90000063  }
0xc4: {  	_ =	sfence  }
0xc5: {  	s30 =	sld [smem:$0x0];
	_ =	sdelay $0x2  }
0xc6: {  	s31 =	sshll.u32 s1, $0xD;
	s1 =	sshrl.u32 s1, $0x2  }
0xc7: {  	s4 =	sand.u32 $0x4000, s31;
	s1 =	sadd.s32 s1, s30  }
0xc8: {  	s0 =	sor.u32 s4, s0;
	s1 =	sshll.u32 s1, $0x11  }
0xc9: {  	s0 =	sor.u32 s1, s0  }
0xca: {  	s0 =	sadd.s32 $0x8F2B, s0  }
0xcb: {  	[sflag:s0] =	ssyncadd.remote.s32 $0x1  }
0xcc: {  	_ =	sfence.sel $0xFFFF  }
0xcd: {  	[dreg:$0x0] =	wrdreg $0xFFFFFFFF;
	(pc) =	sbr.abs _section_cstart, $3  }
0xce: {  	[dreg:$0x1] =	wrdreg $0xFFFFFFFF  }
0xcf: {  	_ =	task.clear_ibuf [dreg:s22], $0x2FFFF;
	_ =	strace $0x9FFFFFFF  }
0xd0: {  	(tm) =	ssettm $0x7FFFFFFF  }
0xd1: {  	_ =	shalt  }
tec
execute0_lowered:
.L_overlay_start_1:
0x0: {  	(tag) =	ssettag $0x1  }
0x1: {  	s4 =	rddreg [dreg:$0x0]  }
0x2: {  	s0 =	rddreg [dreg:$0x1]  }
0x3: {  	s3 =	srdreg.scid;
	s1 =	stileid.u32;
	s2 =	simm.s32 $0x0  }
0x4: {  	s10 =	simm.s32 $0x1;
	s11 =	simm.s32 $0x0;
	s6 =	smul.u32 $0x4E20, s1  }
0x5: {  	s5 =	sand.u32 $0x1, s3;
	[smem:$0x7FF] =	sst s2;
	s8 =	smul.u32 $0x4E200, s1  }
0x6: {  	s3 =	sadd.s32 $0x563400, s4;
	s7 =	smul.u32 $0x2710, s5;
	s9 =	ssub.s32 $0x2, s5  }
0x7: {  	_ =	strace $0x80000062;
	s5 =	smul.u32 $0x27100, s5;
	s31 =	sshrl.u32 s9, $0x1  }
0x8: {  	s30 =	sadd.s32 s8, s4;
	s6 =	sadd.s32 s7, s6;
	s8 =	ssub.s32 s9, s31  }
0x9: {  	s5 =	sadd.s32 s5, s30;
	s7 =	simm.s32 $0x2;
	s6 =	sshrl.u32 s6, $0x3  }
0xa: {  	s9 =	simm.s32 $0x80;
	s5 =	sadd.s32 $0x5DB400, s5;
	s6 =	sadd.s32 s6, s4  }
0xb: {  	s4 =	smax.u32 s8, $0x1;
	s8 =	simm.s32 $0x50;
	s6 =	sadd.s32 $0x4F600, s6  }
.LBB2_1:
0xc: {  	s12 =	sadd.s32 $0x0, s6  }
0xd: {  	[tilespmem:s2], [sflag:$0x2] =	stream.linear.gather [hbm4b:s12+s2], $0x50, $0x38;
	[tilespmem:$0x2880] =	vst v63  }
0xe: {  	_ =	swait.ge [sflag:s7], $0x50  }
0xf: {  	[sflag:s7] =	ssyncset.done $0x0  }
0x10: {  	[sflag:s7] =	ssyncadd.s32 $0xFFFFFFB0  }
0x11: {  	[tilespmem:s9], [sflag:$0x1] =	stream.indirect.gather [hbm4b:s3+s8], $0x80, s2, s8, $0xb8;
	[tilespmem:$0x2880] =	vst v63  }
0x12: {  	_ =	swait.ge [sflag:s10], $0x2800  }
0x13: {  	[sflag:s10] =	ssyncset.done $0x0  }
0x14: {  	[sflag:s10] =	ssyncadd.s32 $0xFFFFD800  }
0x15: {  	[hbm4b:s5+s2] =	stream.linear.scatter [tilespmem:s9], [sflag:$0x2], $0x2800, $0x38;
	[tilespmem:$0x2880] =	vst v63  }
0x16: {  	s13 =	simm.s32 $0xA;
	_ =	swait.ge [sflag:s7], $0x2800  }
0x17: {  	s14 =	simm.s32 $0x14;
	s12 =	sadd.s32 $0x500, s5;
	[sflag:s7] =	ssyncset.done $0x0  }
.LBB2_2:
0x18: {  	s15 =	sadd.s32 s13, s6  }
0x19: {  	[sflag:s7] =	ssyncadd.s32 $0xFFFFD800;
	s13 =	smov.u32 s14;
	s16 =	sadd.s32 $0xA, s14  }
0x1a: {  	[tilespmem:s2], [sflag:$0x2] =	stream.linear.gather [hbm4b:s15+s2], $0x50, $0x38;
	[tilespmem:$0x2880] =	vst v63  }
0x1b: {  	p0 =	sne.s32 s14, $0x4D8;
	_ =	swait.ge [sflag:s7], $0x50  }
0x1c: {  	[sflag:s7] =	ssyncset.done $0x0  }
0x1d: {  	[sflag:s7] =	ssyncadd.s32 $0xFFFFFFB0  }
0x1e: {  	[tilespmem:s9], [sflag:$0x1] =	stream.indirect.gather [hbm4b:s3+s8], $0x80, s2, s8, $0xb8;
	[tilespmem:$0x2880] =	vst v63  }
0x1f: {  	_ =	swait.ge [sflag:s10], $0x2800  }
.Ltmp0:
0x20: {  	[sflag:s10] =	ssyncset.done $0x0;
	(pc) =	sbr.rel @p0 .LBB2_2-.Ltmp0, $4  }
0x21: {  	[sflag:s10] =	ssyncadd.s32 $0xFFFFD800  }
0x22: {  	[hbm4b:s12+s2] =	stream.linear.scatter [tilespmem:s9], [sflag:$0x2], $0x2800, $0x38;
	[tilespmem:$0x2880] =	vst v63  }
0x23: {  	_ =	swait.ge [sflag:s7], $0x2800  }
0x24: {  	s14 =	smov.u32 s16;
	s12 =	sadd.s32 $0x500, s12;
	[sflag:s7] =	ssyncset.done $0x0  }
0x25: {  	s13 =	sadd.s32 s13, s6;
	[sflag:s7] =	ssyncadd.s32 $0xFFFFD800  }
0x26: {  	[tilespmem:s2], [sflag:$0x2] =	stream.linear.gather [hbm4b:s13+s2], $0x50, $0x38;
	[tilespmem:$0x2880] =	vst v63  }
0x27: {  	_ =	swait.ge [sflag:s7], $0x50  }
0x28: {  	[sflag:s7] =	ssyncset.done $0x0  }
0x29: {  	[sflag:s7] =	ssyncadd.s32 $0xFFFFFFB0  }
0x2a: {  	[tilespmem:s9], [sflag:$0x1] =	stream.indirect.gather [hbm4b:s3+s8], $0x80, s2, s8, $0xb8;
	[tilespmem:$0x2880] =	vst v63  }
0x2b: {  	s11 =	sadd.s32 $0x1, s11;
	_ =	swait.ge [sflag:s10], $0x2800  }
0x2c: {  	p0 =	sne.s32 s11, s4;
	[sflag:s10] =	ssyncset.done $0x0  }
.Ltmp1:
0x2d: {  	[sflag:s10] =	ssyncadd.s32 $0xFFFFD800;
	(pc) =	sbr.rel @p0 .LBB2_1-.Ltmp1, $4  }
0x2e: {  	[hbm4b:s12+s2] =	stream.linear.scatter [tilespmem:s9], [sflag:$0x2], $0x2800, $0x38;
	[tilespmem:$0x2880] =	vst v63  }
0x2f: {  	_ =	swait.ge [sflag:s7], $0x2800  }
0x30: {  	[sflag:s7] =	ssyncset.done $0x0  }
0x31: {  	[sflag:s7] =	ssyncadd.s32 $0xFFFFD800  }
0x32: {  	_ =	sfence.sel $0x180000  }
0x33: {  	[bflag:$0x0] =	sbarrier.arrive $0xFFFF  }
0x34: {  	p0 =	sne.s32 s1, $0x0;
	_ =	strace $0x90000062  }
0x35: {  	s0 =	sadd.s32 @!p0 $0x100000, s0;
	[bflag:$0x2] =	sbarrier.arrive $0xFFFF  }
0x36: {  	[sflag:s0] =	ssyncadd.tile.s32 @!p0 $0x1;
	_ =	shalt  }
.Lfunc_end2:
_tile_overlayer_lowered:
.L_overlay_start_2:
0x37: {  	(tag) =	ssettag $0x2  }
0x38: {  	s0 =	rddreg [dreg:$0x0];
	s2 =	stileid.u32  }
0x39: {  	s1 =	rddreg [dreg:$0x1];
	p0 =	sne.s32 s2, $0x0  }
0x3a: {  	s3 =	rddreg [dreg:$0x2];
	[bflag:$0x3] =	sbarrier.arrive $0xFFFF;
	s2 =	simm.s32 @!p0 $0x1C02  }
0x3b: {  	[timem:s3], [sflag:s2] =	dma.local @!p0 [hbm:s0], s1  }
0x3c: {  	s0 =	simm.s32 @!p0 $0x2  }
0x3d: {  	_ =	swait.ge @!p0 [sflag:s0], s1  }
0x3e: {  	s1 =	ssub.s32 @!p0 $0x0, s1;
	[sflag:s0] =	ssyncset.done @!p0 $0x0  }
0x3f: {  	[sflag:s0] =	ssyncadd.s32 @!p0 s1  }
0x40: {  	[bflag:$0x3] =	sbarrier.arrive $0xFFFF  }
0x41: {  	_ =	shalt  }

// kernel: kernel.61.cloned.1.call-start
scs
__scs_entry_jumppad:
0x0: {  	(pc) =	sbr.rel $0x88, $3  }
0x1: {  	(tag) =	ssettag $0x0;
	lr =	simm.s32 $0x1  }
0x2: {  	[smem:$0x3F41] =	sst lr;
	_ =	strace $0xD0000000  }
0x3: {  	_ = 	snop  }
0x4: {  	_ = 	snop  }
0x5: {  	_ = 	snop  }
0x6: {  	_ = 	snop  }
0x7: {  	_ = 	snop  }
__scs_overlays_trampoline_lowered:
0x8: {  	[smem:$0x3F50] =	sst s0  }
0x9: {  	[smem:$0x3F51] =	sst s1  }
0xa: {  	[smem:$0x3F52] =	sst s2  }
0xb: {  	[smem:$0x3F53] =	sst s3  }
0xc: {  	[smem:$0x3F54] =	sst s4  }
0xd: {  	[smem:$0x3F55] =	sst s5  }
0xe: {  	[smem:$0x3F56] =	sst s6  }
0xf: {  	[smem:$0x3F57] =	sst s7  }
0x10: {  	[smem:$0x3F58] =	sst s8  }
0x11: {  	[smem:$0x3F59] =	sst s9;
	s0 =	simm.s32 @!p0 $0x0  }
0x12: {  	s1 =	sld [smem:$0x3F3F];
	s0 =	simm.s32 @p0 $0x1  }
0x13: {  	[smem:$0x3F5A] =	sst s0;
	s0 =	simm.s32 @!p1 $0x0  }
0x14: {  	s2 =	sld [smem:$0x3F3E];
	s0 =	simm.s32 @p1 $0x1  }
0x15: {  	[smem:$0x3F5B] =	sst s0;
	s0 =	simm.s32 @!p2 $0x0  }
0x16: {  	s3 =	sld [smem:$0x3FDB];
	s0 =	simm.s32 @p2 $0x1  }
0x17: {  	s4 =	simm.s32 $0x1BF5;
	[smem:$0x3F5D] =	sst s0  }
0x18: {  	s0 =	sld [smem:$0x3F40];
	_ =	swait.ge [sflag:s4], $0x0  }
0x19: {  	s7 =	sld [smem:$0x3F41]  }
0x1a: {  	s8 =	sadd.s32 $0xFFFFE003, lr  }
0x1b: {  	s9 =	sadd.s32 $0xFFFFFEF7, lr;
	s5 =	simm.s32 $0xFFFFFFFF;
	p2 =	slt.u32 s8, $0xFFFFF086  }
0x1c: {  	p1 =	slt.u32 s9, $0xF7A;
	s5 =	simm.s32 @!p2 $0x0  }
0x1d: {  	s5 =	simm.s32 @p1 $0x1;
	p0 =	seq.s32 s7, s2  }
0x1e: {  	s7 =	smul.u32 @!p0 $0xF7A, s2;
	p2 =	seq.s32 @!p0 s5, $0x0  }
0x1f: {  	s9 =	smul.u32 $0xF7A, s1;
	s8 =	simm.s32 @!p0 $0x1BF5;
	p2 =	por !p2, p0  }
0x20: {  	[sflag:s8] =	ssyncset.s32 @!p0 $0xFFFFF086;
	s6 =	sadd.s32 @!p0 s3, s7;
	s7 =	simm.s32 @!p0 $0x108  }
0x21: {  	s3 =	sadd.s32 s3, s9;
	s6 =	sadd.s32 @!p0 $0x88, s6;
	s7 =	simm.s32 @p2 $0x1082  }
0x22: {  	[simem:s7], [sflag:s8] =	dma.local @!p0 [hbm:s6], $0xF7A  }
0x23: {  	s9 =	sor.u32 $0xD0000000, s2;
	s6 =	simm.s32 $0x108;
	_ =	swait.ge @!p0 [sflag:s8], $0x0  }
0x24: {  	s3 =	sadd.s32 $0x88, s3;
	s6 =	simm.s32 @!p1 $0x1082;
	[sflag:s4] =	ssyncset.s32 $0xFFFFF086  }
0x25: {  	[simem:s6], [sflag:s4] =	dma.local [hbm:s3], $0xF7A  }
0x26: {  	[smem:$0x3F41] =	sst s1;
	(tag) =	ssettag s2;
	_ =	strace s9  }
0x27: {  	s1 =	sld [smem:$0x3F51]  }
0x28: {  	s2 =	sld [smem:$0x3F52]  }
0x29: {  	s4 =	sld [smem:$0x3F54]  }
0x2a: {  	p0 =	seq.s32 s5, $0x0;
	s5 =	sld [smem:$0x3F55]  }
0x2b: {  	s6 =	sld [smem:$0x3F56]  }
0x2c: {  	s7 =	sld [smem:$0x3F57]  }
0x2d: {  	s3 =	simm.s32 $0x108;
	s8 =	sld [smem:$0x3F58]  }
0x2e: {  	s3 =	simm.s32 @!p0 $0x1082;
	s9 =	sld [smem:$0x3F59]  }
0x2f: {  	lr =	sadd.s32 s0, s3;
	s0 =	sld [smem:$0x3F50]  }
0x30: {  	s3 =	sld [smem:$0x3F53]  }
0x31: {  	[smem:$0x3F5C] =	sst s10  }
0x32: {  	s10 =	sld [smem:$0x3F5A];
	_ =	sdelay $0x3  }
0x33: {  	p0 =	seq.s32 s10, $0x1;
	s10 =	sld [smem:$0x3F5C];
	_ =	sdelay $0x3  }
0x34: {  	[smem:$0x3F5C] =	sst s10  }
0x35: {  	s10 =	sld [smem:$0x3F5B];
	_ =	sdelay $0x3  }
0x36: {  	p1 =	seq.s32 s10, $0x1;
	s10 =	sld [smem:$0x3F5C];
	_ =	sdelay $0x3  }
0x37: {  	[smem:$0x3F5C] =	sst s10  }
0x38: {  	s10 =	sld [smem:$0x3F5D]  }
0x39: {  	_ = 	snop;
	(pc) =	sbr.ind lr, $3  }
0x3a: {  	_ = 	snop  }
0x3b: {  	_ = 	snop  }
0x3c: {  	p2 =	seq.s32 s10, $0x1;
	s10 =	sld [smem:$0x3F5C]  }
0x3d: {  	_ =	shalt  }
0x3e: {  	_ =	shalt  }
0x3f: {  	_ =	shalt  }
0x40: {  	_ =	shalt  }
0x41: {  	_ =	shalt  }
0x42: {  	_ =	shalt  }
0x43: {  	_ =	shalt  }
0x44: {  	_ =	shalt  }
0x45: {  	_ =	shalt  }
0x46: {  	_ =	shalt  }
0x47: {  	_ =	shalt  }
0x48: {  	_ =	shalt  }
0x49: {  	_ =	shalt  }
0x4a: {  	_ =	shalt  }
0x4b: {  	_ =	shalt  }
0x4c: {  	_ =	shalt  }
0x4d: {  	_ =	shalt  }
0x4e: {  	_ =	shalt  }
0x4f: {  	_ =	shalt  }
0x50: {  	_ =	shalt  }
0x51: {  	_ =	shalt  }
0x52: {  	_ =	shalt  }
0x53: {  	_ =	shalt  }
0x54: {  	_ =	shalt  }
0x55: {  	_ =	shalt  }
0x56: {  	_ =	shalt  }
0x57: {  	_ =	shalt  }
0x58: {  	_ =	shalt  }
0x59: {  	_ =	shalt  }
0x5a: {  	_ =	shalt  }
0x5b: {  	_ =	shalt  }
0x5c: {  	_ =	shalt  }
0x5d: {  	_ =	shalt  }
0x5e: {  	_ =	shalt  }
0x5f: {  	_ =	shalt  }
0x60: {  	_ =	shalt  }
0x61: {  	_ =	shalt  }
0x62: {  	_ =	shalt  }
0x63: {  	_ =	shalt  }
0x64: {  	_ =	shalt  }
0x65: {  	_ =	shalt  }
0x66: {  	_ =	shalt  }
0x67: {  	_ =	shalt  }
0x68: {  	_ =	shalt  }
0x69: {  	_ =	shalt  }
0x6a: {  	_ =	shalt  }
0x6b: {  	_ =	shalt  }
0x6c: {  	_ =	shalt  }
0x6d: {  	_ =	shalt  }
0x6e: {  	_ =	shalt  }
0x6f: {  	_ =	shalt  }
0x70: {  	_ =	shalt  }
0x71: {  	_ =	shalt  }
0x72: {  	_ =	shalt  }
0x73: {  	_ =	shalt  }
0x74: {  	_ =	shalt  }
0x75: {  	_ =	shalt  }
0x76: {  	_ =	shalt  }
0x77: {  	_ =	shalt  }
0x78: {  	_ =	shalt  }
0x79: {  	_ =	shalt  }
0x7a: {  	_ =	shalt  }
0x7b: {  	_ =	shalt  }
0x7c: {  	_ =	shalt  }
0x7d: {  	_ =	shalt  }
0x7e: {  	_ =	shalt  }
0x7f: {  	_ =	shalt  }
0x80: {  	_ =	shalt  }
0x81: {  	_ =	shalt  }
0x82: {  	_ =	shalt  }
0x83: {  	_ =	shalt  }
0x84: {  	_ =	shalt  }
0x85: {  	_ =	shalt  }
0x86: {  	_ =	shalt  }
0x87: {  	_ =	shalt  }
.Lfunc_end0:
.L_simem_size_0:
called_computation.10_lowered:
.L_overlay_start_0:
0x88: {  	s2 =	sld [smem:$0x3FD9]  }
0x89: {  	s3 =	sld [smem:$0x3FFE];
	_ =	sdelay $0x1  }
0x8a: {  	s1 =	srdreg.scid  }
0x8b: {  	s0 =	sand.u32 $0x1, s1  }
0x8c: {  	s17 =	sshll.u32 s0, $0xA;
	s2 =	sadd.s32 s3, s2  }
0x8d: {  	s2 =	sadd.s32 s2, s17  }
0x8e: {  	[smem:$0x3F68] =	sst s2  }
0x8f: {  	_ = 	snop  }
0x90: {  	(tm) =	ssettm $0x1  }
0x91: {  	s18 =	sld [smem:$0x3FFB];
	_ =	sdelay $0x3  }
0x92: {  	_ =	strace s18  }
0x93: {  	s2 =	sld [smem:$0x3FFC];
	_ =	sdelay $0x3  }
0x94: {  	_ =	strace s2  }
0x95: {  	s2 =	sld [smem:$0x3FFD];
	_ =	sdelay $0x3  }
0x96: {  	_ =	strace s2  }
0x97: {  	_ =	strace $0x8FFFFFFF  }
0x98: {  	s19 =	sld [smem:$0x3FDB];
	_ =	sdelay $0x1  }
0x99: {  	s20 =	simm.s32 $_scs_section_size  }
0x9a: {  	s4 =	simm.s32 $_size__tile_overlayer_lowered;
	s5 =	simm.s32 $_tile_overlayer_lowered  }
0x9b: {  	s6 =	simm.s32 $0x1BFF;
	s21 =	sshll.u32 s5, $0x1;
	s3 =	sadd.s32 s20, s19  }
0x9c: {  	s22 =	simm.s32 $0x0;
	s4 =	sshll.u32 s4, $0x1;
	s5 =	sadd.s32 s21, s3  }
0x9d: {  	[timem:s22], [sflag:s6] =	dma.local [hbm:s5], s4  }
0x9e: {  	_ =	swait.ge [sflag:s6], s4  }
0x9f: {  	s4 =	ssub.s32 $0x0, s4;
	[sflag:s6] =	ssyncset.done $0x0  }
0xa0: {  	[sflag:s6] =	ssyncadd.s32 s4;
	_ =	sdelay $0x1  }
0xa1: {  	s23 =	simm.s32 $0x1B8B  }
0xa2: {  	_ =	swait.ge [sflag:s23], $0x1  }
0xa3: {  	[sflag:s23] =	ssyncset.done $0x0  }
0xa4: {  	[sflag:s23] =	ssyncadd.s32 $0xFFFFFFFF  }
0xa5: {  	s4 =	sld [smem:$0x0]  }
0xa6: {  	s5 =	sand.u32 $0xFFFFFFFE, s1  }
0xa7: {  	p0 =	sne.s32 s1, s5  }
0xa8: {  	s5 =	sshll.u32 @p0 s5, $0xE  }
0xa9: {  	s5 =	sadd.s32 @p0 $0x11B8D, s5;
	s6 =	sshll.u32 @p0 s4, $0x11  }
0xaa: {  	s5 =	sor.u32 @p0 s6, s5  }
0xab: {  	[sflag:s5] =	ssyncadd.remote.s32 @p0 $0x1;
	_ =	sdelay $0x1  }
0xac: {  	s5 =	simm.s32 @p0 $0x1B8D  }
0xad: {  	_ =	swait.eq @p0 [sflag:s5], $0x1  }
0xae: {  	[sflag:s5] =	ssyncadd.s32 @p0 $0xFFFFFFFF  }
0xaf: {  	s6 =	sshll.u32 @!p0 s1, $0xE  }
0xb0: {  	s6 =	sor.u32 @!p0 $0x4000, s6;
	s5 =	simm.s32 @!p0 $0x1B8D  }
0xb1: {  	s4 =	sshll.u32 @!p0 s4, $0x11;
	s6 =	sadd.s32 @!p0 $0x11B8D, s6;
	_ =	swait.eq @!p0 [sflag:s5], $0x1  }
0xb2: {  	s4 =	sor.u32 @!p0 s4, s6;
	[sflag:s5] =	ssyncadd.s32 @!p0 $0xFFFFFFFF  }
0xb3: {  	s25 =	simm.s32 $0x1B8E;
	s24 =	sld [smem:$0x3FFE];
	[sflag:s4] =	ssyncadd.remote.s32 @!p0 $0x1  }
0xb4: {  	s26 =	simm.s32 $execute0_lowered;
	[smem:$0x3FD2] =	sst s25  }
0xb5: {  	s5 =	sshll.u32 s26, $0x1;
	_ =	strace $0x8000005E;
	[dreg:$0x1] =	wrdreg $0xFFFFFFFF  }
0xb6: {  	s28 =	simm.s32 $_size_execute0_lowered;
	s3 =	sadd.s32 s3, s5;
	[dreg:$0x0] =	wrdreg $0x0  }
0xb7: {  	s5 =	sshll.u32 s28, $0x1;
	[dreg:$0x2] =	wrdreg s3  }
0xb8: {  	[dreg:$0x3] =	wrdreg s5  }
0xb9: {  	[dreg:$0x4] =	wrdreg $0xC0  }
0xba: {  	_ =	task [dreg:s22], $0x5FFFF  }
0xbb: {  	[dreg:$0x1] =	wrdreg $0xFFFFFFFF  }
0xbc: {  	[dreg:$0x0] =	wrdreg $0x60  }
0xbd: {  	[dreg:$0x2] =	wrdreg s24  }
0xbe: {  	[dreg:$0x3] =	wrdreg $0xA  }
0xbf: {  	_ =	task.clear_ibuf [dreg:s22], $0x4FFFF;
	_ =	strace $0x9000005E  }
0xc0: {  	s29 =	simm.s32 $0xA;
	_ =	strace $0x80000060  }
0xc1: {  	_ =	swait.ge [sflag:s29], $0x1  }
0xc2: {  	[sflag:s29] =	ssyncadd.s32 $0xFFFFFFFF  }
0xc3: {  	_ =	strace $0x90000060  }
0xc4: {  	_ =	sfence  }
0xc5: {  	s30 =	sld [smem:$0x0];
	_ =	sdelay $0x2  }
0xc6: {  	s31 =	sshll.u32 s1, $0xD;
	s1 =	sshrl.u32 s1, $0x2  }
0xc7: {  	s4 =	sand.u32 $0x4000, s31;
	s1 =	sadd.s32 s1, s30  }
0xc8: {  	s0 =	sor.u32 s4, s0;
	s1 =	sshll.u32 s1, $0x11  }
0xc9: {  	s0 =	sor.u32 s1, s0  }
0xca: {  	s0 =	sadd.s32 $0x8F2B, s0  }
0xcb: {  	[sflag:s0] =	ssyncadd.remote.s32 $0x1  }
0xcc: {  	_ =	sfence.sel $0xFFFF  }
0xcd: {  	[dreg:$0x0] =	wrdreg $0xFFFFFFFF;
	(pc) =	sbr.abs _section_cstart, $3  }
0xce: {  	[dreg:$0x1] =	wrdreg $0xFFFFFFFF  }
0xcf: {  	_ =	task.clear_ibuf [dreg:s22], $0x2FFFF;
	_ =	strace $0x9FFFFFFF  }
0xd0: {  	(tm) =	ssettm $0x7FFFFFFF  }
0xd1: {  	_ =	shalt  }
tec
execute0_lowered:
.L_overlay_start_1:
0x0: {  	(tag) =	ssettag $0x1  }
0x1: {  	s4 =	rddreg [dreg:$0x0]  }
0x2: {  	s0 =	rddreg [dreg:$0x1]  }
0x3: {  	s3 =	srdreg.scid;
	s1 =	stileid.u32;
	s2 =	simm.s32 $0x0  }
0x4: {  	s10 =	simm.s32 $0x1;
	s11 =	simm.s32 $0x0;
	s6 =	smul.u32 $0x4E20, s1  }
0x5: {  	s5 =	sand.u32 $0x1, s3;
	[smem:$0x7FF] =	sst s2;
	s8 =	smul.u32 $0x4E200, s1  }
0x6: {  	s3 =	sadd.s32 $0xF9F400, s4;
	s7 =	smul.u32 $0x2710, s5;
	s9 =	ssub.s32 $0x2, s5  }
0x7: {  	_ =	strace $0x8000005F;
	s5 =	smul.u32 $0x27100, s5;
	s31 =	sshrl.u32 s9, $0x1  }
0x8: {  	s30 =	sadd.s32 s8, s4;
	s6 =	sadd.s32 s7, s6;
	s8 =	ssub.s32 s9, s31  }
0x9: {  	s5 =	sadd.s32 s5, s30;
	s7 =	simm.s32 $0x2;
	s6 =	sshrl.u32 s6, $0x3  }
0xa: {  	s9 =	simm.s32 $0x80;
	s5 =	sadd.s32 $0x1481400, s5;
	s6 =	sadd.s32 s6, s4  }
0xb: {  	s4 =	smax.u32 s8, $0x1;
	s8 =	simm.s32 $0x50;
	s6 =	sadd.s32 $0x27E00, s6  }
.LBB2_1:
0xc: {  	s12 =	sadd.s32 $0x0, s6  }
0xd: {  	[tilespmem:s2], [sflag:$0x2] =	stream.linear.gather [hbm4b:s12+s2], $0x50, $0x38;
	[tilespmem:$0x2880] =	vst v63  }
0xe: {  	_ =	swait.ge [sflag:s7], $0x50  }
0xf: {  	[sflag:s7] =	ssyncset.done $0x0  }
0x10: {  	[sflag:s7] =	ssyncadd.s32 $0xFFFFFFB0  }
0x11: {  	[tilespmem:s9], [sflag:$0x1] =	stream.indirect.gather [hbm4b:s3+s8], $0x80, s2, s8, $0xb8;
	[tilespmem:$0x2880] =	vst v63  }
0x12: {  	_ =	swait.ge [sflag:s10], $0x2800  }
0x13: {  	[sflag:s10] =	ssyncset.done $0x0  }
0x14: {  	[sflag:s10] =	ssyncadd.s32 $0xFFFFD800  }
0x15: {  	[hbm4b:s5+s2] =	stream.linear.scatter [tilespmem:s9], [sflag:$0x2], $0x2800, $0x38;
	[tilespmem:$0x2880] =	vst v63  }
0x16: {  	s13 =	simm.s32 $0xA;
	_ =	swait.ge [sflag:s7], $0x2800  }
0x17: {  	s14 =	simm.s32 $0x14;
	s12 =	sadd.s32 $0x500, s5;
	[sflag:s7] =	ssyncset.done $0x0  }
.LBB2_2:
0x18: {  	s15 =	sadd.s32 s13, s6  }
0x19: {  	[sflag:s7] =	ssyncadd.s32 $0xFFFFD800;
	s13 =	smov.u32 s14;
	s16 =	sadd.s32 $0xA, s14  }
0x1a: {  	[tilespmem:s2], [sflag:$0x2] =	stream.linear.gather [hbm4b:s15+s2], $0x50, $0x38;
	[tilespmem:$0x2880] =	vst v63  }
0x1b: {  	p0 =	sne.s32 s14, $0x4D8;
	_ =	swait.ge [sflag:s7], $0x50  }
0x1c: {  	[sflag:s7] =	ssyncset.done $0x0  }
0x1d: {  	[sflag:s7] =	ssyncadd.s32 $0xFFFFFFB0  }
0x1e: {  	[tilespmem:s9], [sflag:$0x1] =	stream.indirect.gather [hbm4b:s3+s8], $0x80, s2, s8, $0xb8;
	[tilespmem:$0x2880] =	vst v63  }
0x1f: {  	_ =	swait.ge [sflag:s10], $0x2800  }
.Ltmp0:
0x20: {  	[sflag:s10] =	ssyncset.done $0x0;
	(pc) =	sbr.rel @p0 .LBB2_2-.Ltmp0, $4  }
0x21: {  	[sflag:s10] =	ssyncadd.s32 $0xFFFFD800  }
0x22: {  	[hbm4b:s12+s2] =	stream.linear.scatter [tilespmem:s9], [sflag:$0x2], $0x2800, $0x38;
	[tilespmem:$0x2880] =	vst v63  }
0x23: {  	_ =	swait.ge [sflag:s7], $0x2800  }
0x24: {  	s14 =	smov.u32 s16;
	s12 =	sadd.s32 $0x500, s12;
	[sflag:s7] =	ssyncset.done $0x0  }
0x25: {  	s13 =	sadd.s32 s13, s6;
	[sflag:s7] =	ssyncadd.s32 $0xFFFFD800  }
0x26: {  	[tilespmem:s2], [sflag:$0x2] =	stream.linear.gather [hbm4b:s13+s2], $0x50, $0x38;
	[tilespmem:$0x2880] =	vst v63  }
0x27: {  	_ =	swait.ge [sflag:s7], $0x50  }
0x28: {  	[sflag:s7] =	ssyncset.done $0x0  }
0x29: {  	[sflag:s7] =	ssyncadd.s32 $0xFFFFFFB0  }
0x2a: {  	[tilespmem:s9], [sflag:$0x1] =	stream.indirect.gather [hbm4b:s3+s8], $0x80, s2, s8, $0xb8;
	[tilespmem:$0x2880] =	vst v63  }
0x2b: {  	s11 =	sadd.s32 $0x1, s11;
	_ =	swait.ge [sflag:s10], $0x2800  }
0x2c: {  	p0 =	sne.s32 s11, s4;
	[sflag:s10] =	ssyncset.done $0x0  }
.Ltmp1:
0x2d: {  	[sflag:s10] =	ssyncadd.s32 $0xFFFFD800;
	(pc) =	sbr.rel @p0 .LBB2_1-.Ltmp1, $4  }
0x2e: {  	[hbm4b:s12+s2] =	stream.linear.scatter [tilespmem:s9], [sflag:$0x2], $0x2800, $0x38;
	[tilespmem:$0x2880] =	vst v63  }
0x2f: {  	_ =	swait.ge [sflag:s7], $0x2800  }
0x30: {  	[sflag:s7] =	ssyncset.done $0x0  }
0x31: {  	[sflag:s7] =	ssyncadd.s32 $0xFFFFD800  }
0x32: {  	_ =	sfence.sel $0x180000  }
0x33: {  	[bflag:$0x0] =	sbarrier.arrive $0xFFFF  }
0x34: {  	p0 =	sne.s32 s1, $0x0;
	_ =	strace $0x9000005F  }
0x35: {  	s0 =	sadd.s32 @!p0 $0x100000, s0;
	[bflag:$0x2] =	sbarrier.arrive $0xFFFF  }
0x36: {  	[sflag:s0] =	ssyncadd.tile.s32 @!p0 $0x1;
	_ =	shalt  }
.Lfunc_end2:
_tile_overlayer_lowered:
.L_overlay_start_2:
0x37: {  	(tag) =	ssettag $0x2  }
0x38: {  	s0 =	rddreg [dreg:$0x0];
	s2 =	stileid.u32  }
0x39: {  	s1 =	rddreg [dreg:$0x1];
	p0 =	sne.s32 s2, $0x0  }
0x3a: {  	s3 =	rddreg [dreg:$0x2];
	[bflag:$0x3] =	sbarrier.arrive $0xFFFF;
	s2 =	simm.s32 @!p0 $0x1C02  }
0x3b: {  	[timem:s3], [sflag:s2] =	dma.local @!p0 [hbm:s0], s1  }
0x3c: {  	s0 =	simm.s32 @!p0 $0x2  }
0x3d: {  	_ =	swait.ge @!p0 [sflag:s0], s1  }
0x3e: {  	s1 =	ssub.s32 @!p0 $0x0, s1;
	[sflag:s0] =	ssyncset.done @!p0 $0x0  }
0x3f: {  	[sflag:s0] =	ssyncadd.s32 @!p0 s1  }
0x40: {  	[bflag:$0x3] =	sbarrier.arrive $0xFFFF  }
0x41: {  	_ =	shalt  }

// kernel: kernel.64.cloned.1.call-start
scs
__scs_entry_jumppad:
0x0: {  	(pc) =	sbr.rel $0x88, $3  }
0x1: {  	(tag) =	ssettag $0x0;
	lr =	simm.s32 $0x1  }
0x2: {  	[smem:$0x3F41] =	sst lr;
	_ =	strace $0xD0000000  }
0x3: {  	_ = 	snop  }
0x4: {  	_ = 	snop  }
0x5: {  	_ = 	snop  }
0x6: {  	_ = 	snop  }
0x7: {  	_ = 	snop  }
__scs_overlays_trampoline_lowered:
0x8: {  	[smem:$0x3F50] =	sst s0  }
0x9: {  	[smem:$0x3F51] =	sst s1  }
0xa: {  	[smem:$0x3F52] =	sst s2  }
0xb: {  	[smem:$0x3F53] =	sst s3  }
0xc: {  	[smem:$0x3F54] =	sst s4  }
0xd: {  	[smem:$0x3F55] =	sst s5  }
0xe: {  	[smem:$0x3F56] =	sst s6  }
0xf: {  	[smem:$0x3F57] =	sst s7  }
0x10: {  	[smem:$0x3F58] =	sst s8  }
0x11: {  	[smem:$0x3F59] =	sst s9;
	s0 =	simm.s32 @!p0 $0x0  }
0x12: {  	s1 =	sld [smem:$0x3F3F];
	s0 =	simm.s32 @p0 $0x1  }
0x13: {  	[smem:$0x3F5A] =	sst s0;
	s0 =	simm.s32 @!p1 $0x0  }
0x14: {  	s2 =	sld [smem:$0x3F3E];
	s0 =	simm.s32 @p1 $0x1  }
0x15: {  	[smem:$0x3F5B] =	sst s0;
	s0 =	simm.s32 @!p2 $0x0  }
0x16: {  	s3 =	sld [smem:$0x3FDB];
	s0 =	simm.s32 @p2 $0x1  }
0x17: {  	s4 =	simm.s32 $0x1BF5;
	[smem:$0x3F5D] =	sst s0  }
0x18: {  	s0 =	sld [smem:$0x3F40];
	_ =	swait.ge [sflag:s4], $0x0  }
0x19: {  	s7 =	sld [smem:$0x3F41]  }
0x1a: {  	s8 =	sadd.s32 $0xFFFFE003, lr  }
0x1b: {  	s9 =	sadd.s32 $0xFFFFFEF7, lr;
	s5 =	simm.s32 $0xFFFFFFFF;
	p2 =	slt.u32 s8, $0xFFFFF086  }
0x1c: {  	p1 =	slt.u32 s9, $0xF7A;
	s5 =	simm.s32 @!p2 $0x0  }
0x1d: {  	s5 =	simm.s32 @p1 $0x1;
	p0 =	seq.s32 s7, s2  }
0x1e: {  	s7 =	smul.u32 @!p0 $0xF7A, s2;
	p2 =	seq.s32 @!p0 s5, $0x0  }
0x1f: {  	s9 =	smul.u32 $0xF7A, s1;
	s8 =	simm.s32 @!p0 $0x1BF5;
	p2 =	por !p2, p0  }
0x20: {  	[sflag:s8] =	ssyncset.s32 @!p0 $0xFFFFF086;
	s6 =	sadd.s32 @!p0 s3, s7;
	s7 =	simm.s32 @!p0 $0x108  }
0x21: {  	s3 =	sadd.s32 s3, s9;
	s6 =	sadd.s32 @!p0 $0x88, s6;
	s7 =	simm.s32 @p2 $0x1082  }
0x22: {  	[simem:s7], [sflag:s8] =	dma.local @!p0 [hbm:s6], $0xF7A  }
0x23: {  	s9 =	sor.u32 $0xD0000000, s2;
	s6 =	simm.s32 $0x108;
	_ =	swait.ge @!p0 [sflag:s8], $0x0  }
0x24: {  	s3 =	sadd.s32 $0x88, s3;
	s6 =	simm.s32 @!p1 $0x1082;
	[sflag:s4] =	ssyncset.s32 $0xFFFFF086  }
0x25: {  	[simem:s6], [sflag:s4] =	dma.local [hbm:s3], $0xF7A  }
0x26: {  	[smem:$0x3F41] =	sst s1;
	(tag) =	ssettag s2;
	_ =	strace s9  }
0x27: {  	s1 =	sld [smem:$0x3F51]  }
0x28: {  	s2 =	sld [smem:$0x3F52]  }
0x29: {  	s4 =	sld [smem:$0x3F54]  }
0x2a: {  	p0 =	seq.s32 s5, $0x0;
	s5 =	sld [smem:$0x3F55]  }
0x2b: {  	s6 =	sld [smem:$0x3F56]  }
0x2c: {  	s7 =	sld [smem:$0x3F57]  }
0x2d: {  	s3 =	simm.s32 $0x108;
	s8 =	sld [smem:$0x3F58]  }
0x2e: {  	s3 =	simm.s32 @!p0 $0x1082;
	s9 =	sld [smem:$0x3F59]  }
0x2f: {  	lr =	sadd.s32 s0, s3;
	s0 =	sld [smem:$0x3F50]  }
0x30: {  	s3 =	sld [smem:$0x3F53]  }
0x31: {  	[smem:$0x3F5C] =	sst s10  }
0x32: {  	s10 =	sld [smem:$0x3F5A];
	_ =	sdelay $0x3  }
0x33: {  	p0 =	seq.s32 s10, $0x1;
	s10 =	sld [smem:$0x3F5C];
	_ =	sdelay $0x3  }
0x34: {  	[smem:$0x3F5C] =	sst s10  }
0x35: {  	s10 =	sld [smem:$0x3F5B];
	_ =	sdelay $0x3  }
0x36: {  	p1 =	seq.s32 s10, $0x1;
	s10 =	sld [smem:$0x3F5C];
	_ =	sdelay $0x3  }
0x37: {  	[smem:$0x3F5C] =	sst s10  }
0x38: {  	s10 =	sld [smem:$0x3F5D]  }
0x39: {  	_ = 	snop;
	(pc) =	sbr.ind lr, $3  }
0x3a: {  	_ = 	snop  }
0x3b: {  	_ = 	snop  }
0x3c: {  	p2 =	seq.s32 s10, $0x1;
	s10 =	sld [smem:$0x3F5C]  }
0x3d: {  	_ =	shalt  }
0x3e: {  	_ =	shalt  }
0x3f: {  	_ =	shalt  }
0x40: {  	_ =	shalt  }
0x41: {  	_ =	shalt  }
0x42: {  	_ =	shalt  }
0x43: {  	_ =	shalt  }
0x44: {  	_ =	shalt  }
0x45: {  	_ =	shalt  }
0x46: {  	_ =	shalt  }
0x47: {  	_ =	shalt  }
0x48: {  	_ =	shalt  }
0x49: {  	_ =	shalt  }
0x4a: {  	_ =	shalt  }
0x4b: {  	_ =	shalt  }
0x4c: {  	_ =	shalt  }
0x4d: {  	_ =	shalt  }
0x4e: {  	_ =	shalt  }
0x4f: {  	_ =	shalt  }
0x50: {  	_ =	shalt  }
0x51: {  	_ =	shalt  }
0x52: {  	_ =	shalt  }
0x53: {  	_ =	shalt  }
0x54: {  	_ =	shalt  }
0x55: {  	_ =	shalt  }
0x56: {  	_ =	shalt  }
0x57: {  	_ =	shalt  }
0x58: {  	_ =	shalt  }
0x59: {  	_ =	shalt  }
0x5a: {  	_ =	shalt  }
0x5b: {  	_ =	shalt  }
0x5c: {  	_ =	shalt  }
0x5d: {  	_ =	shalt  }
0x5e: {  	_ =	shalt  }
0x5f: {  	_ =	shalt  }
0x60: {  	_ =	shalt  }
0x61: {  	_ =	shalt  }
0x62: {  	_ =	shalt  }
0x63: {  	_ =	shalt  }
0x64: {  	_ =	shalt  }
0x65: {  	_ =	shalt  }
0x66: {  	_ =	shalt  }
0x67: {  	_ =	shalt  }
0x68: {  	_ =	shalt  }
0x69: {  	_ =	shalt  }
0x6a: {  	_ =	shalt  }
0x6b: {  	_ =	shalt  }
0x6c: {  	_ =	shalt  }
0x6d: {  	_ =	shalt  }
0x6e: {  	_ =	shalt  }
0x6f: {  	_ =	shalt  }
0x70: {  	_ =	shalt  }
0x71: {  	_ =	shalt  }
0x72: {  	_ =	shalt  }
0x73: {  	_ =	shalt  }
0x74: {  	_ =	shalt  }
0x75: {  	_ =	shalt  }
0x76: {  	_ =	shalt  }
0x77: {  	_ =	shalt  }
0x78: {  	_ =	shalt  }
0x79: {  	_ =	shalt  }
0x7a: {  	_ =	shalt  }
0x7b: {  	_ =	shalt  }
0x7c: {  	_ =	shalt  }
0x7d: {  	_ =	shalt  }
0x7e: {  	_ =	shalt  }
0x7f: {  	_ =	shalt  }
0x80: {  	_ =	shalt  }
0x81: {  	_ =	shalt  }
0x82: {  	_ =	shalt  }
0x83: {  	_ =	shalt  }
0x84: {  	_ =	shalt  }
0x85: {  	_ =	shalt  }
0x86: {  	_ =	shalt  }
0x87: {  	_ =	shalt  }
.Lfunc_end0:
.L_simem_size_0:
called_computation.11_lowered:
.L_overlay_start_0:
0x88: {  	s2 =	sld [smem:$0x3FD9]  }
0x89: {  	s3 =	sld [smem:$0x3FFE];
	_ =	sdelay $0x1  }
0x8a: {  	s1 =	srdreg.scid  }
0x8b: {  	s0 =	sand.u32 $0x1, s1  }
0x8c: {  	s17 =	sshll.u32 s0, $0xA;
	s2 =	sadd.s32 s3, s2  }
0x8d: {  	s2 =	sadd.s32 s2, s17  }
0x8e: {  	[smem:$0x3F68] =	sst s2  }
0x8f: {  	_ = 	snop  }
0x90: {  	(tm) =	ssettm $0x1  }
0x91: {  	s18 =	sld [smem:$0x3FFB];
	_ =	sdelay $0x3  }
0x92: {  	_ =	strace s18  }
0x93: {  	s2 =	sld [smem:$0x3FFC];
	_ =	sdelay $0x3  }
0x94: {  	_ =	strace s2  }
0x95: {  	s2 =	sld [smem:$0x3FFD];
	_ =	sdelay $0x3  }
0x96: {  	_ =	strace s2  }
0x97: {  	_ =	strace $0x8FFFFFFF  }
0x98: {  	s19 =	sld [smem:$0x3FDB];
	_ =	sdelay $0x1  }
0x99: {  	s20 =	simm.s32 $_scs_section_size  }
0x9a: {  	s4 =	simm.s32 $_size__tile_overlayer_lowered;
	s5 =	simm.s32 $_tile_overlayer_lowered  }
0x9b: {  	s6 =	simm.s32 $0x1BFF;
	s21 =	sshll.u32 s5, $0x1;
	s3 =	sadd.s32 s20, s19  }
0x9c: {  	s22 =	simm.s32 $0x0;
	s4 =	sshll.u32 s4, $0x1;
	s5 =	sadd.s32 s21, s3  }
0x9d: {  	[timem:s22], [sflag:s6] =	dma.local [hbm:s5], s4  }
0x9e: {  	_ =	swait.ge [sflag:s6], s4  }
0x9f: {  	s4 =	ssub.s32 $0x0, s4;
	[sflag:s6] =	ssyncset.done $0x0  }
0xa0: {  	[sflag:s6] =	ssyncadd.s32 s4;
	_ =	sdelay $0x1  }
0xa1: {  	s23 =	simm.s32 $0x1B8B  }
0xa2: {  	_ =	swait.ge [sflag:s23], $0x1  }
0xa3: {  	[sflag:s23] =	ssyncset.done $0x0  }
0xa4: {  	[sflag:s23] =	ssyncadd.s32 $0xFFFFFFFF  }
0xa5: {  	s4 =	sld [smem:$0x0]  }
0xa6: {  	s5 =	sand.u32 $0xFFFFFFFE, s1  }
0xa7: {  	p0 =	sne.s32 s1, s5  }
0xa8: {  	s5 =	sshll.u32 @p0 s5, $0xE  }
0xa9: {  	s5 =	sadd.s32 @p0 $0x11B8D, s5;
	s6 =	sshll.u32 @p0 s4, $0x11  }
0xaa: {  	s5 =	sor.u32 @p0 s6, s5  }
0xab: {  	[sflag:s5] =	ssyncadd.remote.s32 @p0 $0x1;
	_ =	sdelay $0x1  }
0xac: {  	s5 =	simm.s32 @p0 $0x1B8D  }
0xad: {  	_ =	swait.eq @p0 [sflag:s5], $0x1  }
0xae: {  	[sflag:s5] =	ssyncadd.s32 @p0 $0xFFFFFFFF  }
0xaf: {  	s6 =	sshll.u32 @!p0 s1, $0xE  }
0xb0: {  	s6 =	sor.u32 @!p0 $0x4000, s6;
	s5 =	simm.s32 @!p0 $0x1B8D  }
0xb1: {  	s4 =	sshll.u32 @!p0 s4, $0x11;
	s6 =	sadd.s32 @!p0 $0x11B8D, s6;
	_ =	swait.eq @!p0 [sflag:s5], $0x1  }
0xb2: {  	s4 =	sor.u32 @!p0 s4, s6;
	[sflag:s5] =	ssyncadd.s32 @!p0 $0xFFFFFFFF  }
0xb3: {  	s25 =	simm.s32 $0x1B8E;
	s24 =	sld [smem:$0x3FFE];
	[sflag:s4] =	ssyncadd.remote.s32 @!p0 $0x1  }
0xb4: {  	s26 =	simm.s32 $execute0_lowered;
	[smem:$0x3FD2] =	sst s25  }
0xb5: {  	s5 =	sshll.u32 s26, $0x1;
	_ =	strace $0x8000006D;
	[dreg:$0x1] =	wrdreg $0xFFFFFFFF  }
0xb6: {  	s28 =	simm.s32 $_size_execute0_lowered;
	s3 =	sadd.s32 s3, s5;
	[dreg:$0x0] =	wrdreg $0x0  }
0xb7: {  	s5 =	sshll.u32 s28, $0x1;
	[dreg:$0x2] =	wrdreg s3  }
0xb8: {  	[dreg:$0x3] =	wrdreg s5  }
0xb9: {  	[dreg:$0x4] =	wrdreg $0xC0  }
0xba: {  	_ =	task [dreg:s22], $0x5FFFF  }
0xbb: {  	[dreg:$0x1] =	wrdreg $0xFFFFFFFF  }
0xbc: {  	[dreg:$0x0] =	wrdreg $0x60  }
0xbd: {  	[dreg:$0x2] =	wrdreg s24  }
0xbe: {  	[dreg:$0x3] =	wrdreg $0xA  }
0xbf: {  	_ =	task.clear_ibuf [dreg:s22], $0x4FFFF;
	_ =	strace $0x9000006D  }
0xc0: {  	s29 =	simm.s32 $0xA;
	_ =	strace $0x8000006F  }
0xc1: {  	_ =	swait.ge [sflag:s29], $0x1  }
0xc2: {  	[sflag:s29] =	ssyncadd.s32 $0xFFFFFFFF  }
0xc3: {  	_ =	strace $0x9000006F  }
0xc4: {  	_ =	sfence  }
0xc5: {  	s30 =	sld [smem:$0x0];
	_ =	sdelay $0x2  }
0xc6: {  	s31 =	sshll.u32 s1, $0xD;
	s1 =	sshrl.u32 s1, $0x2  }
0xc7: {  	s4 =	sand.u32 $0x4000, s31;
	s1 =	sadd.s32 s1, s30  }
0xc8: {  	s0 =	sor.u32 s4, s0;
	s1 =	sshll.u32 s1, $0x11  }
0xc9: {  	s0 =	sor.u32 s1, s0  }
0xca: {  	s0 =	sadd.s32 $0x8F2B, s0  }
0xcb: {  	[sflag:s0] =	ssyncadd.remote.s32 $0x1  }
0xcc: {  	_ =	sfence.sel $0xFFFF  }
0xcd: {  	[dreg:$0x0] =	wrdreg $0xFFFFFFFF;
	(pc) =	sbr.abs _section_cstart, $3  }
0xce: {  	[dreg:$0x1] =	wrdreg $0xFFFFFFFF  }
0xcf: {  	_ =	task.clear_ibuf [dreg:s22], $0x2FFFF;
	_ =	strace $0x9FFFFFFF  }
0xd0: {  	(tm) =	ssettm $0x7FFFFFFF  }
0xd1: {  	_ =	shalt  }
tec
execute0_lowered:
.L_overlay_start_1:
0x0: {  	(tag) =	ssettag $0x1  }
0x1: {  	s4 =	rddreg [dreg:$0x0]  }
0x2: {  	s0 =	rddreg [dreg:$0x1]  }
0x3: {  	s3 =	srdreg.scid;
	s1 =	stileid.u32;
	s2 =	simm.s32 $0x0  }
0x4: {  	s10 =	simm.s32 $0x1;
	s11 =	simm.s32 $0x0;
	s6 =	smul.u32 $0x4E20, s1  }
0x5: {  	s5 =	sand.u32 $0x1, s3;
	[smem:$0x7FF] =	sst s2;
	s8 =	smul.u32 $0x4E200, s1  }
0x6: {  	s3 =	sadd.s32 $0x58B400, s4;
	s7 =	smul.u32 $0x2710, s5;
	s9 =	ssub.s32 $0x2, s5  }
0x7: {  	_ =	strace $0x8000006E;
	s5 =	smul.u32 $0x27100, s5;
	s31 =	sshrl.u32 s9, $0x1  }
0x8: {  	s30 =	sadd.s32 s8, s4;
	s6 =	sadd.s32 s7, s6;
	s8 =	ssub.s32 s9, s31  }
0x9: {  	s5 =	sadd.s32 s5, s30;
	s7 =	simm.s32 $0x2;
	s6 =	sshrl.u32 s6, $0x3  }
0xa: {  	s9 =	simm.s32 $0x80;
	s5 =	sadd.s32 $0xABD400, s5;
	s6 =	sadd.s32 s6, s4  }
0xb: {  	s4 =	smax.u32 s8, $0x1;
	s8 =	simm.s32 $0x50;
	s6 =	sadd.s32 $0x4F600, s6  }
.LBB2_1:
0xc: {  	s12 =	sadd.s32 $0x0, s6  }
0xd: {  	[tilespmem:s2], [sflag:$0x2] =	stream.linear.gather [hbm4b:s12+s2], $0x50, $0x38;
	[tilespmem:$0x2880] =	vst v63  }
0xe: {  	_ =	swait.ge [sflag:s7], $0x50  }
0xf: {  	[sflag:s7] =	ssyncset.done $0x0  }
0x10: {  	[sflag:s7] =	ssyncadd.s32 $0xFFFFFFB0  }
0x11: {  	[tilespmem:s9], [sflag:$0x1] =	stream.indirect.gather [hbm4b:s3+s8], $0x80, s2, s8, $0xb8;
	[tilespmem:$0x2880] =	vst v63  }
0x12: {  	_ =	swait.ge [sflag:s10], $0x2800  }
0x13: {  	[sflag:s10] =	ssyncset.done $0x0  }
0x14: {  	[sflag:s10] =	ssyncadd.s32 $0xFFFFD800  }
0x15: {  	[hbm4b:s5+s2] =	stream.linear.scatter [tilespmem:s9], [sflag:$0x2], $0x2800, $0x38;
	[tilespmem:$0x2880] =	vst v63  }
0x16: {  	s13 =	simm.s32 $0xA;
	_ =	swait.ge [sflag:s7], $0x2800  }
0x17: {  	s14 =	simm.s32 $0x14;
	s12 =	sadd.s32 $0x500, s5;
	[sflag:s7] =	ssyncset.done $0x0  }
.LBB2_2:
0x18: {  	s15 =	sadd.s32 s13, s6  }
0x19: {  	[sflag:s7] =	ssyncadd.s32 $0xFFFFD800;
	s13 =	smov.u32 s14;
	s16 =	sadd.s32 $0xA, s14  }
0x1a: {  	[tilespmem:s2], [sflag:$0x2] =	stream.linear.gather [hbm4b:s15+s2], $0x50, $0x38;
	[tilespmem:$0x2880] =	vst v63  }
0x1b: {  	p0 =	sne.s32 s14, $0x4D8;
	_ =	swait.ge [sflag:s7], $0x50  }
0x1c: {  	[sflag:s7] =	ssyncset.done $0x0  }
0x1d: {  	[sflag:s7] =	ssyncadd.s32 $0xFFFFFFB0  }
0x1e: {  	[tilespmem:s9], [sflag:$0x1] =	stream.indirect.gather [hbm4b:s3+s8], $0x80, s2, s8, $0xb8;
	[tilespmem:$0x2880] =	vst v63  }
0x1f: {  	_ =	swait.ge [sflag:s10], $0x2800  }
.Ltmp0:
0x20: {  	[sflag:s10] =	ssyncset.done $0x0;
	(pc) =	sbr.rel @p0 .LBB2_2-.Ltmp0, $4  }
0x21: {  	[sflag:s10] =	ssyncadd.s32 $0xFFFFD800  }
0x22: {  	[hbm4b:s12+s2] =	stream.linear.scatter [tilespmem:s9], [sflag:$0x2], $0x2800, $0x38;
	[tilespmem:$0x2880] =	vst v63  }
0x23: {  	_ =	swait.ge [sflag:s7], $0x2800  }
0x24: {  	s14 =	smov.u32 s16;
	s12 =	sadd.s32 $0x500, s12;
	[sflag:s7] =	ssyncset.done $0x0  }
0x25: {  	s13 =	sadd.s32 s13, s6;
	[sflag:s7] =	ssyncadd.s32 $0xFFFFD800  }
0x26: {  	[tilespmem:s2], [sflag:$0x2] =	stream.linear.gather [hbm4b:s13+s2], $0x50, $0x38;
	[tilespmem:$0x2880] =	vst v63  }
0x27: {  	_ =	swait.ge [sflag:s7], $0x50  }
0x28: {  	[sflag:s7] =	ssyncset.done $0x0  }
0x29: {  	[sflag:s7] =	ssyncadd.s32 $0xFFFFFFB0  }
0x2a: {  	[tilespmem:s9], [sflag:$0x1] =	stream.indirect.gather [hbm4b:s3+s8], $0x80, s2, s8, $0xb8;
	[tilespmem:$0x2880] =	vst v63  }
0x2b: {  	s11 =	sadd.s32 $0x1, s11;
	_ =	swait.ge [sflag:s10], $0x2800  }
0x2c: {  	p0 =	sne.s32 s11, s4;
	[sflag:s10] =	ssyncset.done $0x0  }
.Ltmp1:
0x2d: {  	[sflag:s10] =	ssyncadd.s32 $0xFFFFD800;
	(pc) =	sbr.rel @p0 .LBB2_1-.Ltmp1, $4  }
0x2e: {  	[hbm4b:s12+s2] =	stream.linear.scatter [tilespmem:s9], [sflag:$0x2], $0x2800, $0x38;
	[tilespmem:$0x2880] =	vst v63  }
0x2f: {  	_ =	swait.ge [sflag:s7], $0x2800  }
0x30: {  	[sflag:s7] =	ssyncset.done $0x0  }
0x31: {  	[sflag:s7] =	ssyncadd.s32 $0xFFFFD800  }
0x32: {  	_ =	sfence.sel $0x180000  }
0x33: {  	[bflag:$0x0] =	sbarrier.arrive $0xFFFF  }
0x34: {  	p0 =	sne.s32 s1, $0x0;
	_ =	strace $0x9000006E  }
0x35: {  	s0 =	sadd.s32 @!p0 $0x100000, s0;
	[bflag:$0x2] =	sbarrier.arrive $0xFFFF  }
0x36: {  	[sflag:s0] =	ssyncadd.tile.s32 @!p0 $0x1;
	_ =	shalt  }
.Lfunc_end2:
_tile_overlayer_lowered:
.L_overlay_start_2:
0x37: {  	(tag) =	ssettag $0x2  }
0x38: {  	s0 =	rddreg [dreg:$0x0];
	s2 =	stileid.u32  }
0x39: {  	s1 =	rddreg [dreg:$0x1];
	p0 =	sne.s32 s2, $0x0  }
0x3a: {  	s3 =	rddreg [dreg:$0x2];
	[bflag:$0x3] =	sbarrier.arrive $0xFFFF;
	s2 =	simm.s32 @!p0 $0x1C02  }
0x3b: {  	[timem:s3], [sflag:s2] =	dma.local @!p0 [hbm:s0], s1  }
0x3c: {  	s0 =	simm.s32 @!p0 $0x2  }
0x3d: {  	_ =	swait.ge @!p0 [sflag:s0], s1  }
0x3e: {  	s1 =	ssub.s32 @!p0 $0x0, s1;
	[sflag:s0] =	ssyncset.done @!p0 $0x0  }
0x3f: {  	[sflag:s0] =	ssyncadd.s32 @!p0 s1  }
0x40: {  	[bflag:$0x3] =	sbarrier.arrive $0xFFFF  }
0x41: {  	_ =	shalt  }

// kernel: kernel.67.cloned.1.call-start
scs
__scs_entry_jumppad:
0x0: {  	(pc) =	sbr.rel $0x88, $3  }
0x1: {  	(tag) =	ssettag $0x0;
	lr =	simm.s32 $0x1  }
0x2: {  	[smem:$0x3F41] =	sst lr;
	_ =	strace $0xD0000000  }
0x3: {  	_ = 	snop  }
0x4: {  	_ = 	snop  }
0x5: {  	_ = 	snop  }
0x6: {  	_ = 	snop  }
0x7: {  	_ = 	snop  }
__scs_overlays_trampoline_lowered:
0x8: {  	[smem:$0x3F50] =	sst s0  }
0x9: {  	[smem:$0x3F51] =	sst s1  }
0xa: {  	[smem:$0x3F52] =	sst s2  }
0xb: {  	[smem:$0x3F53] =	sst s3  }
0xc: {  	[smem:$0x3F54] =	sst s4  }
0xd: {  	[smem:$0x3F55] =	sst s5  }
0xe: {  	[smem:$0x3F56] =	sst s6  }
0xf: {  	[smem:$0x3F57] =	sst s7  }
0x10: {  	[smem:$0x3F58] =	sst s8  }
0x11: {  	[smem:$0x3F59] =	sst s9;
	s0 =	simm.s32 @!p0 $0x0  }
0x12: {  	s1 =	sld [smem:$0x3F3F];
	s0 =	simm.s32 @p0 $0x1  }
0x13: {  	[smem:$0x3F5A] =	sst s0;
	s0 =	simm.s32 @!p1 $0x0  }
0x14: {  	s2 =	sld [smem:$0x3F3E];
	s0 =	simm.s32 @p1 $0x1  }
0x15: {  	[smem:$0x3F5B] =	sst s0;
	s0 =	simm.s32 @!p2 $0x0  }
0x16: {  	s3 =	sld [smem:$0x3FDB];
	s0 =	simm.s32 @p2 $0x1  }
0x17: {  	s4 =	simm.s32 $0x1BF5;
	[smem:$0x3F5D] =	sst s0  }
0x18: {  	s0 =	sld [smem:$0x3F40];
	_ =	swait.ge [sflag:s4], $0x0  }
0x19: {  	s7 =	sld [smem:$0x3F41]  }
0x1a: {  	s8 =	sadd.s32 $0xFFFFE003, lr  }
0x1b: {  	s9 =	sadd.s32 $0xFFFFFEF7, lr;
	s5 =	simm.s32 $0xFFFFFFFF;
	p2 =	slt.u32 s8, $0xFFFFF086  }
0x1c: {  	p1 =	slt.u32 s9, $0xF7A;
	s5 =	simm.s32 @!p2 $0x0  }
0x1d: {  	s5 =	simm.s32 @p1 $0x1;
	p0 =	seq.s32 s7, s2  }
0x1e: {  	s7 =	smul.u32 @!p0 $0xF7A, s2;
	p2 =	seq.s32 @!p0 s5, $0x0  }
0x1f: {  	s9 =	smul.u32 $0xF7A, s1;
	s8 =	simm.s32 @!p0 $0x1BF5;
	p2 =	por !p2, p0  }
0x20: {  	[sflag:s8] =	ssyncset.s32 @!p0 $0xFFFFF086;
	s6 =	sadd.s32 @!p0 s3, s7;
	s7 =	simm.s32 @!p0 $0x108  }
0x21: {  	s3 =	sadd.s32 s3, s9;
	s6 =	sadd.s32 @!p0 $0x88, s6;
	s7 =	simm.s32 @p2 $0x1082  }
0x22: {  	[simem:s7], [sflag:s8] =	dma.local @!p0 [hbm:s6], $0xF7A  }
0x23: {  	s9 =	sor.u32 $0xD0000000, s2;
	s6 =	simm.s32 $0x108;
	_ =	swait.ge @!p0 [sflag:s8], $0x0  }
0x24: {  	s3 =	sadd.s32 $0x88, s3;
	s6 =	simm.s32 @!p1 $0x1082;
	[sflag:s4] =	ssyncset.s32 $0xFFFFF086  }
0x25: {  	[simem:s6], [sflag:s4] =	dma.local [hbm:s3], $0xF7A  }
0x26: {  	[smem:$0x3F41] =	sst s1;
	(tag) =	ssettag s2;
	_ =	strace s9  }
0x27: {  	s1 =	sld [smem:$0x3F51]  }
0x28: {  	s2 =	sld [smem:$0x3F52]  }
0x29: {  	s4 =	sld [smem:$0x3F54]  }
0x2a: {  	p0 =	seq.s32 s5, $0x0;
	s5 =	sld [smem:$0x3F55]  }
0x2b: {  	s6 =	sld [smem:$0x3F56]  }
0x2c: {  	s7 =	sld [smem:$0x3F57]  }
0x2d: {  	s3 =	simm.s32 $0x108;
	s8 =	sld [smem:$0x3F58]  }
0x2e: {  	s3 =	simm.s32 @!p0 $0x1082;
	s9 =	sld [smem:$0x3F59]  }
0x2f: {  	lr =	sadd.s32 s0, s3;
	s0 =	sld [smem:$0x3F50]  }
0x30: {  	s3 =	sld [smem:$0x3F53]  }
0x31: {  	[smem:$0x3F5C] =	sst s10  }
0x32: {  	s10 =	sld [smem:$0x3F5A];
	_ =	sdelay $0x3  }
0x33: {  	p0 =	seq.s32 s10, $0x1;
	s10 =	sld [smem:$0x3F5C];
	_ =	sdelay $0x3  }
0x34: {  	[smem:$0x3F5C] =	sst s10  }
0x35: {  	s10 =	sld [smem:$0x3F5B];
	_ =	sdelay $0x3  }
0x36: {  	p1 =	seq.s32 s10, $0x1;
	s10 =	sld [smem:$0x3F5C];
	_ =	sdelay $0x3  }
0x37: {  	[smem:$0x3F5C] =	sst s10  }
0x38: {  	s10 =	sld [smem:$0x3F5D]  }
0x39: {  	_ = 	snop;
	(pc) =	sbr.ind lr, $3  }
0x3a: {  	_ = 	snop  }
0x3b: {  	_ = 	snop  }
0x3c: {  	p2 =	seq.s32 s10, $0x1;
	s10 =	sld [smem:$0x3F5C]  }
0x3d: {  	_ =	shalt  }
0x3e: {  	_ =	shalt  }
0x3f: {  	_ =	shalt  }
0x40: {  	_ =	shalt  }
0x41: {  	_ =	shalt  }
0x42: {  	_ =	shalt  }
0x43: {  	_ =	shalt  }
0x44: {  	_ =	shalt  }
0x45: {  	_ =	shalt  }
0x46: {  	_ =	shalt  }
0x47: {  	_ =	shalt  }
0x48: {  	_ =	shalt  }
0x49: {  	_ =	shalt  }
0x4a: {  	_ =	shalt  }
0x4b: {  	_ =	shalt  }
0x4c: {  	_ =	shalt  }
0x4d: {  	_ =	shalt  }
0x4e: {  	_ =	shalt  }
0x4f: {  	_ =	shalt  }
0x50: {  	_ =	shalt  }
0x51: {  	_ =	shalt  }
0x52: {  	_ =	shalt  }
0x53: {  	_ =	shalt  }
0x54: {  	_ =	shalt  }
0x55: {  	_ =	shalt  }
0x56: {  	_ =	shalt  }
0x57: {  	_ =	shalt  }
0x58: {  	_ =	shalt  }
0x59: {  	_ =	shalt  }
0x5a: {  	_ =	shalt  }
0x5b: {  	_ =	shalt  }
0x5c: {  	_ =	shalt  }
0x5d: {  	_ =	shalt  }
0x5e: {  	_ =	shalt  }
0x5f: {  	_ =	shalt  }
0x60: {  	_ =	shalt  }
0x61: {  	_ =	shalt  }
0x62: {  	_ =	shalt  }
0x63: {  	_ =	shalt  }
0x64: {  	_ =	shalt  }
0x65: {  	_ =	shalt  }
0x66: {  	_ =	shalt  }
0x67: {  	_ =	shalt  }
0x68: {  	_ =	shalt  }
0x69: {  	_ =	shalt  }
0x6a: {  	_ =	shalt  }
0x6b: {  	_ =	shalt  }
0x6c: {  	_ =	shalt  }
0x6d: {  	_ =	shalt  }
0x6e: {  	_ =	shalt  }
0x6f: {  	_ =	shalt  }
0x70: {  	_ =	shalt  }
0x71: {  	_ =	shalt  }
0x72: {  	_ =	shalt  }
0x73: {  	_ =	shalt  }
0x74: {  	_ =	shalt  }
0x75: {  	_ =	shalt  }
0x76: {  	_ =	shalt  }
0x77: {  	_ =	shalt  }
0x78: {  	_ =	shalt  }
0x79: {  	_ =	shalt  }
0x7a: {  	_ =	shalt  }
0x7b: {  	_ =	shalt  }
0x7c: {  	_ =	shalt  }
0x7d: {  	_ =	shalt  }
0x7e: {  	_ =	shalt  }
0x7f: {  	_ =	shalt  }
0x80: {  	_ =	shalt  }
0x81: {  	_ =	shalt  }
0x82: {  	_ =	shalt  }
0x83: {  	_ =	shalt  }
0x84: {  	_ =	shalt  }
0x85: {  	_ =	shalt  }
0x86: {  	_ =	shalt  }
0x87: {  	_ =	shalt  }
.Lfunc_end0:
.L_simem_size_0:
called_computation.12_lowered:
.L_overlay_start_0:
0x88: {  	s2 =	sld [smem:$0x3FD9]  }
0x89: {  	s3 =	sld [smem:$0x3FFE];
	_ =	sdelay $0x1  }
0x8a: {  	s1 =	srdreg.scid  }
0x8b: {  	s0 =	sand.u32 $0x1, s1  }
0x8c: {  	s17 =	sshll.u32 s0, $0xA;
	s2 =	sadd.s32 s3, s2  }
0x8d: {  	s2 =	sadd.s32 s2, s17  }
0x8e: {  	[smem:$0x3F68] =	sst s2  }
0x8f: {  	_ = 	snop  }
0x90: {  	(tm) =	ssettm $0x1  }
0x91: {  	s18 =	sld [smem:$0x3FFB];
	_ =	sdelay $0x3  }
0x92: {  	_ =	strace s18  }
0x93: {  	s2 =	sld [smem:$0x3FFC];
	_ =	sdelay $0x3  }
0x94: {  	_ =	strace s2  }
0x95: {  	s2 =	sld [smem:$0x3FFD];
	_ =	sdelay $0x3  }
0x96: {  	_ =	strace s2  }
0x97: {  	_ =	strace $0x8FFFFFFF  }
0x98: {  	s19 =	sld [smem:$0x3FDB];
	_ =	sdelay $0x1  }
0x99: {  	s20 =	simm.s32 $_scs_section_size  }
0x9a: {  	s4 =	simm.s32 $_size__tile_overlayer_lowered;
	s5 =	simm.s32 $_tile_overlayer_lowered  }
0x9b: {  	s6 =	simm.s32 $0x1BFF;
	s21 =	sshll.u32 s5, $0x1;
	s3 =	sadd.s32 s20, s19  }
0x9c: {  	s22 =	simm.s32 $0x0;
	s4 =	sshll.u32 s4, $0x1;
	s5 =	sadd.s32 s21, s3  }
0x9d: {  	[timem:s22], [sflag:s6] =	dma.local [hbm:s5], s4  }
0x9e: {  	_ =	swait.ge [sflag:s6], s4  }
0x9f: {  	s4 =	ssub.s32 $0x0, s4;
	[sflag:s6] =	ssyncset.done $0x0  }
0xa0: {  	[sflag:s6] =	ssyncadd.s32 s4;
	_ =	sdelay $0x1  }
0xa1: {  	s23 =	simm.s32 $0x1B8B  }
0xa2: {  	_ =	swait.ge [sflag:s23], $0x1  }
0xa3: {  	[sflag:s23] =	ssyncset.done $0x0  }
0xa4: {  	[sflag:s23] =	ssyncadd.s32 $0xFFFFFFFF  }
0xa5: {  	s4 =	sld [smem:$0x0]  }
0xa6: {  	s5 =	sand.u32 $0xFFFFFFFE, s1  }
0xa7: {  	p0 =	sne.s32 s1, s5  }
0xa8: {  	s5 =	sshll.u32 @p0 s5, $0xE  }
0xa9: {  	s5 =	sadd.s32 @p0 $0x11B8D, s5;
	s6 =	sshll.u32 @p0 s4, $0x11  }
0xaa: {  	s5 =	sor.u32 @p0 s6, s5  }
0xab: {  	[sflag:s5] =	ssyncadd.remote.s32 @p0 $0x1;
	_ =	sdelay $0x1  }
0xac: {  	s5 =	simm.s32 @p0 $0x1B8D  }
0xad: {  	_ =	swait.eq @p0 [sflag:s5], $0x1  }
0xae: {  	[sflag:s5] =	ssyncadd.s32 @p0 $0xFFFFFFFF  }
0xaf: {  	s6 =	sshll.u32 @!p0 s1, $0xE  }
0xb0: {  	s6 =	sor.u32 @!p0 $0x4000, s6;
	s5 =	simm.s32 @!p0 $0x1B8D  }
0xb1: {  	s4 =	sshll.u32 @!p0 s4, $0x11;
	s6 =	sadd.s32 @!p0 $0x11B8D, s6;
	_ =	swait.eq @!p0 [sflag:s5], $0x1  }
0xb2: {  	s4 =	sor.u32 @!p0 s4, s6;
	[sflag:s5] =	ssyncadd.s32 @!p0 $0xFFFFFFFF  }
0xb3: {  	s25 =	simm.s32 $0x1B8E;
	s24 =	sld [smem:$0x3FFE];
	[sflag:s4] =	ssyncadd.remote.s32 @!p0 $0x1  }
0xb4: {  	s26 =	simm.s32 $execute0_lowered;
	[smem:$0x3FD2] =	sst s25  }
0xb5: {  	s5 =	sshll.u32 s26, $0x1;
	_ =	strace $0x8000006A;
	[dreg:$0x1] =	wrdreg $0xFFFFFFFF  }
0xb6: {  	s28 =	simm.s32 $_size_execute0_lowered;
	s3 =	sadd.s32 s3, s5;
	[dreg:$0x0] =	wrdreg $0x0  }
0xb7: {  	s5 =	sshll.u32 s28, $0x1;
	[dreg:$0x2] =	wrdreg s3  }
0xb8: {  	[dreg:$0x3] =	wrdreg s5  }
0xb9: {  	[dreg:$0x4] =	wrdreg $0xC0  }
0xba: {  	_ =	task [dreg:s22], $0x5FFFF  }
0xbb: {  	[dreg:$0x1] =	wrdreg $0xFFFFFFFF  }
0xbc: {  	[dreg:$0x0] =	wrdreg $0x60  }
0xbd: {  	[dreg:$0x2] =	wrdreg s24  }
0xbe: {  	[dreg:$0x3] =	wrdreg $0xB  }
0xbf: {  	_ =	task.clear_ibuf [dreg:s22], $0x4FFFF;
	_ =	strace $0x9000006A  }
0xc0: {  	s29 =	simm.s32 $0xB;
	_ =	strace $0x8000006C  }
0xc1: {  	_ =	swait.ge [sflag:s29], $0x1  }
0xc2: {  	[sflag:s29] =	ssyncadd.s32 $0xFFFFFFFF  }
0xc3: {  	_ =	strace $0x9000006C  }
0xc4: {  	_ =	sfence  }
0xc5: {  	s30 =	sld [smem:$0x0];
	_ =	sdelay $0x2  }
0xc6: {  	s31 =	sshll.u32 s1, $0xD;
	s1 =	sshrl.u32 s1, $0x2  }
0xc7: {  	s4 =	sand.u32 $0x4000, s31;
	s1 =	sadd.s32 s1, s30  }
0xc8: {  	s0 =	sor.u32 s4, s0;
	s1 =	sshll.u32 s1, $0x11  }
0xc9: {  	s0 =	sor.u32 s1, s0  }
0xca: {  	s0 =	sadd.s32 $0x8F2B, s0  }
0xcb: {  	[sflag:s0] =	ssyncadd.remote.s32 $0x1  }
0xcc: {  	_ =	sfence.sel $0xFFFF  }
0xcd: {  	[dreg:$0x0] =	wrdreg $0xFFFFFFFF;
	(pc) =	sbr.abs _section_cstart, $3  }
0xce: {  	[dreg:$0x1] =	wrdreg $0xFFFFFFFF  }
0xcf: {  	_ =	task.clear_ibuf [dreg:s22], $0x2FFFF;
	_ =	strace $0x9FFFFFFF  }
0xd0: {  	(tm) =	ssettm $0x7FFFFFFF  }
0xd1: {  	_ =	shalt  }
tec
execute0_lowered:
.L_overlay_start_1:
0x0: {  	(tag) =	ssettag $0x1  }
0x1: {  	s4 =	rddreg [dreg:$0x0]  }
0x2: {  	s0 =	rddreg [dreg:$0x1]  }
0x3: {  	s3 =	srdreg.scid;
	s1 =	stileid.u32;
	s2 =	simm.s32 $0x0  }
0x4: {  	s10 =	simm.s32 $0x1;
	s11 =	simm.s32 $0x0;
	s6 =	smul.u32 $0x4E20, s1  }
0x5: {  	s5 =	sand.u32 $0x1, s3;
	[smem:$0x7FF] =	sst s2;
	s8 =	smul.u32 $0x4E200, s1  }
0x6: {  	s3 =	sadd.s32 $0x563400, s4;
	s7 =	smul.u32 $0x2710, s5;
	s9 =	ssub.s32 $0x2, s5  }
0x7: {  	_ =	strace $0x8000006B;
	s5 =	smul.u32 $0x27100, s5;
	s31 =	sshrl.u32 s9, $0x1  }
0x8: {  	s30 =	sadd.s32 s8, s4;
	s6 =	sadd.s32 s7, s6;
	s8 =	ssub.s32 s9, s31  }
0x9: {  	s5 =	sadd.s32 s5, s30;
	s7 =	simm.s32 $0x2;
	s6 =	sshrl.u32 s6, $0x3  }
0xa: {  	s9 =	simm.s32 $0x80;
	s5 =	sadd.s32 $0x5DB400, s5;
	s6 =	sadd.s32 s6, s4  }
0xb: {  	s4 =	smax.u32 s8, $0x1;
	s8 =	simm.s32 $0x50;
	s6 =	sadd.s32 $0x4F600, s6  }
.LBB2_1:
0xc: {  	s12 =	sadd.s32 $0x0, s6  }
0xd: {  	[tilespmem:s2], [sflag:$0x2] =	stream.linear.gather [hbm4b:s12+s2], $0x50, $0x38;
	[tilespmem:$0x2880] =	vst v63  }
0xe: {  	_ =	swait.ge [sflag:s7], $0x50  }
0xf: {  	[sflag:s7] =	ssyncset.done $0x0  }
0x10: {  	[sflag:s7] =	ssyncadd.s32 $0xFFFFFFB0  }
0x11: {  	[tilespmem:s9], [sflag:$0x1] =	stream.indirect.gather [hbm4b:s3+s8], $0x80, s2, s8, $0xb8;
	[tilespmem:$0x2880] =	vst v63  }
0x12: {  	_ =	swait.ge [sflag:s10], $0x2800  }
0x13: {  	[sflag:s10] =	ssyncset.done $0x0  }
0x14: {  	[sflag:s10] =	ssyncadd.s32 $0xFFFFD800  }
0x15: {  	[hbm4b:s5+s2] =	stream.linear.scatter [tilespmem:s9], [sflag:$0x2], $0x2800, $0x38;
	[tilespmem:$0x2880] =	vst v63  }
0x16: {  	s13 =	simm.s32 $0xA;
	_ =	swait.ge [sflag:s7], $0x2800  }
0x17: {  	s14 =	simm.s32 $0x14;
	s12 =	sadd.s32 $0x500, s5;
	[sflag:s7] =	ssyncset.done $0x0  }
.LBB2_2:
0x18: {  	s15 =	sadd.s32 s13, s6  }
0x19: {  	[sflag:s7] =	ssyncadd.s32 $0xFFFFD800;
	s13 =	smov.u32 s14;
	s16 =	sadd.s32 $0xA, s14  }
0x1a: {  	[tilespmem:s2], [sflag:$0x2] =	stream.linear.gather [hbm4b:s15+s2], $0x50, $0x38;
	[tilespmem:$0x2880] =	vst v63  }
0x1b: {  	p0 =	sne.s32 s14, $0x4D8;
	_ =	swait.ge [sflag:s7], $0x50  }
0x1c: {  	[sflag:s7] =	ssyncset.done $0x0  }
0x1d: {  	[sflag:s7] =	ssyncadd.s32 $0xFFFFFFB0  }
0x1e: {  	[tilespmem:s9], [sflag:$0x1] =	stream.indirect.gather [hbm4b:s3+s8], $0x80, s2, s8, $0xb8;
	[tilespmem:$0x2880] =	vst v63  }
0x1f: {  	_ =	swait.ge [sflag:s10], $0x2800  }
.Ltmp0:
0x20: {  	[sflag:s10] =	ssyncset.done $0x0;
	(pc) =	sbr.rel @p0 .LBB2_2-.Ltmp0, $4  }
0x21: {  	[sflag:s10] =	ssyncadd.s32 $0xFFFFD800  }
0x22: {  	[hbm4b:s12+s2] =	stream.linear.scatter [tilespmem:s9], [sflag:$0x2], $0x2800, $0x38;
	[tilespmem:$0x2880] =	vst v63  }
0x23: {  	_ =	swait.ge [sflag:s7], $0x2800  }
0x24: {  	s14 =	smov.u32 s16;
	s12 =	sadd.s32 $0x500, s12;
	[sflag:s7] =	ssyncset.done $0x0  }
0x25: {  	s13 =	sadd.s32 s13, s6;
	[sflag:s7] =	ssyncadd.s32 $0xFFFFD800  }
0x26: {  	[tilespmem:s2], [sflag:$0x2] =	stream.linear.gather [hbm4b:s13+s2], $0x50, $0x38;
	[tilespmem:$0x2880] =	vst v63  }
0x27: {  	_ =	swait.ge [sflag:s7], $0x50  }
0x28: {  	[sflag:s7] =	ssyncset.done $0x0  }
0x29: {  	[sflag:s7] =	ssyncadd.s32 $0xFFFFFFB0  }
0x2a: {  	[tilespmem:s9], [sflag:$0x1] =	stream.indirect.gather [hbm4b:s3+s8], $0x80, s2, s8, $0xb8;
	[tilespmem:$0x2880] =	vst v63  }
0x2b: {  	s11 =	sadd.s32 $0x1, s11;
	_ =	swait.ge [sflag:s10], $0x2800  }
0x2c: {  	p0 =	sne.s32 s11, s4;
	[sflag:s10] =	ssyncset.done $0x0  }
.Ltmp1:
0x2d: {  	[sflag:s10] =	ssyncadd.s32 $0xFFFFD800;
	(pc) =	sbr.rel @p0 .LBB2_1-.Ltmp1, $4  }
0x2e: {  	[hbm4b:s12+s2] =	stream.linear.scatter [tilespmem:s9], [sflag:$0x2], $0x2800, $0x38;
	[tilespmem:$0x2880] =	vst v63  }
0x2f: {  	_ =	swait.ge [sflag:s7], $0x2800  }
0x30: {  	[sflag:s7] =	ssyncset.done $0x0  }
0x31: {  	[sflag:s7] =	ssyncadd.s32 $0xFFFFD800  }
0x32: {  	_ =	sfence.sel $0x180000  }
0x33: {  	[bflag:$0x0] =	sbarrier.arrive $0xFFFF  }
0x34: {  	p0 =	sne.s32 s1, $0x0;
	_ =	strace $0x9000006B  }
0x35: {  	s0 =	sadd.s32 @!p0 $0x100000, s0;
	[bflag:$0x2] =	sbarrier.arrive $0xFFFF  }
0x36: {  	[sflag:s0] =	ssyncadd.tile.s32 @!p0 $0x1;
	_ =	shalt  }
.Lfunc_end2:
_tile_overlayer_lowered:
.L_overlay_start_2:
0x37: {  	(tag) =	ssettag $0x2  }
0x38: {  	s0 =	rddreg [dreg:$0x0];
	s2 =	stileid.u32  }
0x39: {  	s1 =	rddreg [dreg:$0x1];
	p0 =	sne.s32 s2, $0x0  }
0x3a: {  	s3 =	rddreg [dreg:$0x2];
	[bflag:$0x3] =	sbarrier.arrive $0xFFFF;
	s2 =	simm.s32 @!p0 $0x1C02  }
0x3b: {  	[timem:s3], [sflag:s2] =	dma.local @!p0 [hbm:s0], s1  }
0x3c: {  	s0 =	simm.s32 @!p0 $0x2  }
0x3d: {  	_ =	swait.ge @!p0 [sflag:s0], s1  }
0x3e: {  	s1 =	ssub.s32 @!p0 $0x0, s1;
	[sflag:s0] =	ssyncset.done @!p0 $0x0  }
0x3f: {  	[sflag:s0] =	ssyncadd.s32 @!p0 s1  }
0x40: {  	[bflag:$0x3] =	sbarrier.arrive $0xFFFF  }
0x41: {  	_ =	shalt  }

// kernel: kernel.70.cloned.1.call-start
scs
__scs_entry_jumppad:
0x0: {  	(pc) =	sbr.rel $0x88, $3  }
0x1: {  	(tag) =	ssettag $0x0;
	lr =	simm.s32 $0x1  }
0x2: {  	[smem:$0x3F41] =	sst lr;
	_ =	strace $0xD0000000  }
0x3: {  	_ = 	snop  }
0x4: {  	_ = 	snop  }
0x5: {  	_ = 	snop  }
0x6: {  	_ = 	snop  }
0x7: {  	_ = 	snop  }
__scs_overlays_trampoline_lowered:
0x8: {  	[smem:$0x3F50] =	sst s0  }
0x9: {  	[smem:$0x3F51] =	sst s1  }
0xa: {  	[smem:$0x3F52] =	sst s2  }
0xb: {  	[smem:$0x3F53] =	sst s3  }
0xc: {  	[smem:$0x3F54] =	sst s4  }
0xd: {  	[smem:$0x3F55] =	sst s5  }
0xe: {  	[smem:$0x3F56] =	sst s6  }
0xf: {  	[smem:$0x3F57] =	sst s7  }
0x10: {  	[smem:$0x3F58] =	sst s8  }
0x11: {  	[smem:$0x3F59] =	sst s9;
	s0 =	simm.s32 @!p0 $0x0  }
0x12: {  	s1 =	sld [smem:$0x3F3F];
	s0 =	simm.s32 @p0 $0x1  }
0x13: {  	[smem:$0x3F5A] =	sst s0;
	s0 =	simm.s32 @!p1 $0x0  }
0x14: {  	s2 =	sld [smem:$0x3F3E];
	s0 =	simm.s32 @p1 $0x1  }
0x15: {  	[smem:$0x3F5B] =	sst s0;
	s0 =	simm.s32 @!p2 $0x0  }
0x16: {  	s3 =	sld [smem:$0x3FDB];
	s0 =	simm.s32 @p2 $0x1  }
0x17: {  	s4 =	simm.s32 $0x1BF5;
	[smem:$0x3F5D] =	sst s0  }
0x18: {  	s0 =	sld [smem:$0x3F40];
	_ =	swait.ge [sflag:s4], $0x0  }
0x19: {  	s7 =	sld [smem:$0x3F41]  }
0x1a: {  	s8 =	sadd.s32 $0xFFFFE003, lr  }
0x1b: {  	s9 =	sadd.s32 $0xFFFFFEF7, lr;
	s5 =	simm.s32 $0xFFFFFFFF;
	p2 =	slt.u32 s8, $0xFFFFF086  }
0x1c: {  	p1 =	slt.u32 s9, $0xF7A;
	s5 =	simm.s32 @!p2 $0x0  }
0x1d: {  	s5 =	simm.s32 @p1 $0x1;
	p0 =	seq.s32 s7, s2  }
0x1e: {  	s7 =	smul.u32 @!p0 $0xF7A, s2;
	p2 =	seq.s32 @!p0 s5, $0x0  }
0x1f: {  	s9 =	smul.u32 $0xF7A, s1;
	s8 =	simm.s32 @!p0 $0x1BF5;
	p2 =	por !p2, p0  }
0x20: {  	[sflag:s8] =	ssyncset.s32 @!p0 $0xFFFFF086;
	s6 =	sadd.s32 @!p0 s3, s7;
	s7 =	simm.s32 @!p0 $0x108  }
0x21: {  	s3 =	sadd.s32 s3, s9;
	s6 =	sadd.s32 @!p0 $0x88, s6;
	s7 =	simm.s32 @p2 $0x1082  }
0x22: {  	[simem:s7], [sflag:s8] =	dma.local @!p0 [hbm:s6], $0xF7A  }
0x23: {  	s9 =	sor.u32 $0xD0000000, s2;
	s6 =	simm.s32 $0x108;
	_ =	swait.ge @!p0 [sflag:s8], $0x0  }
0x24: {  	s3 =	sadd.s32 $0x88, s3;
	s6 =	simm.s32 @!p1 $0x1082;
	[sflag:s4] =	ssyncset.s32 $0xFFFFF086  }
0x25: {  	[simem:s6], [sflag:s4] =	dma.local [hbm:s3], $0xF7A  }
0x26: {  	[smem:$0x3F41] =	sst s1;
	(tag) =	ssettag s2;
	_ =	strace s9  }
0x27: {  	s1 =	sld [smem:$0x3F51]  }
0x28: {  	s2 =	sld [smem:$0x3F52]  }
0x29: {  	s4 =	sld [smem:$0x3F54]  }
0x2a: {  	p0 =	seq.s32 s5, $0x0;
	s5 =	sld [smem:$0x3F55]  }
0x2b: {  	s6 =	sld [smem:$0x3F56]  }
0x2c: {  	s7 =	sld [smem:$0x3F57]  }
0x2d: {  	s3 =	simm.s32 $0x108;
	s8 =	sld [smem:$0x3F58]  }
0x2e: {  	s3 =	simm.s32 @!p0 $0x1082;
	s9 =	sld [smem:$0x3F59]  }
0x2f: {  	lr =	sadd.s32 s0, s3;
	s0 =	sld [smem:$0x3F50]  }
0x30: {  	s3 =	sld [smem:$0x3F53]  }
0x31: {  	[smem:$0x3F5C] =	sst s10  }
0x32: {  	s10 =	sld [smem:$0x3F5A];
	_ =	sdelay $0x3  }
0x33: {  	p0 =	seq.s32 s10, $0x1;
	s10 =	sld [smem:$0x3F5C];
	_ =	sdelay $0x3  }
0x34: {  	[smem:$0x3F5C] =	sst s10  }
0x35: {  	s10 =	sld [smem:$0x3F5B];
	_ =	sdelay $0x3  }
0x36: {  	p1 =	seq.s32 s10, $0x1;
	s10 =	sld [smem:$0x3F5C];
	_ =	sdelay $0x3  }
0x37: {  	[smem:$0x3F5C] =	sst s10  }
0x38: {  	s10 =	sld [smem:$0x3F5D]  }
0x39: {  	_ = 	snop;
	(pc) =	sbr.ind lr, $3  }
0x3a: {  	_ = 	snop  }
0x3b: {  	_ = 	snop  }
0x3c: {  	p2 =	seq.s32 s10, $0x1;
	s10 =	sld [smem:$0x3F5C]  }
0x3d: {  	_ =	shalt  }
0x3e: {  	_ =	shalt  }
0x3f: {  	_ =	shalt  }
0x40: {  	_ =	shalt  }
0x41: {  	_ =	shalt  }
0x42: {  	_ =	shalt  }
0x43: {  	_ =	shalt  }
0x44: {  	_ =	shalt  }
0x45: {  	_ =	shalt  }
0x46: {  	_ =	shalt  }
0x47: {  	_ =	shalt  }
0x48: {  	_ =	shalt  }
0x49: {  	_ =	shalt  }
0x4a: {  	_ =	shalt  }
0x4b: {  	_ =	shalt  }
0x4c: {  	_ =	shalt  }
0x4d: {  	_ =	shalt  }
0x4e: {  	_ =	shalt  }
0x4f: {  	_ =	shalt  }
0x50: {  	_ =	shalt  }
0x51: {  	_ =	shalt  }
0x52: {  	_ =	shalt  }
0x53: {  	_ =	shalt  }
0x54: {  	_ =	shalt  }
0x55: {  	_ =	shalt  }
0x56: {  	_ =	shalt  }
0x57: {  	_ =	shalt  }
0x58: {  	_ =	shalt  }
0x59: {  	_ =	shalt  }
0x5a: {  	_ =	shalt  }
0x5b: {  	_ =	shalt  }
0x5c: {  	_ =	shalt  }
0x5d: {  	_ =	shalt  }
0x5e: {  	_ =	shalt  }
0x5f: {  	_ =	shalt  }
0x60: {  	_ =	shalt  }
0x61: {  	_ =	shalt  }
0x62: {  	_ =	shalt  }
0x63: {  	_ =	shalt  }
0x64: {  	_ =	shalt  }
0x65: {  	_ =	shalt  }
0x66: {  	_ =	shalt  }
0x67: {  	_ =	shalt  }
0x68: {  	_ =	shalt  }
0x69: {  	_ =	shalt  }
0x6a: {  	_ =	shalt  }
0x6b: {  	_ =	shalt  }
0x6c: {  	_ =	shalt  }
0x6d: {  	_ =	shalt  }
0x6e: {  	_ =	shalt  }
0x6f: {  	_ =	shalt  }
0x70: {  	_ =	shalt  }
0x71: {  	_ =	shalt  }
0x72: {  	_ =	shalt  }
0x73: {  	_ =	shalt  }
0x74: {  	_ =	shalt  }
0x75: {  	_ =	shalt  }
0x76: {  	_ =	shalt  }
0x77: {  	_ =	shalt  }
0x78: {  	_ =	shalt  }
0x79: {  	_ =	shalt  }
0x7a: {  	_ =	shalt  }
0x7b: {  	_ =	shalt  }
0x7c: {  	_ =	shalt  }
0x7d: {  	_ =	shalt  }
0x7e: {  	_ =	shalt  }
0x7f: {  	_ =	shalt  }
0x80: {  	_ =	shalt  }
0x81: {  	_ =	shalt  }
0x82: {  	_ =	shalt  }
0x83: {  	_ =	shalt  }
0x84: {  	_ =	shalt  }
0x85: {  	_ =	shalt  }
0x86: {  	_ =	shalt  }
0x87: {  	_ =	shalt  }
.Lfunc_end0:
.L_simem_size_0:
called_computation.13_lowered:
.L_overlay_start_0:
0x88: {  	s2 =	sld [smem:$0x3FD9]  }
0x89: {  	s3 =	sld [smem:$0x3FFE];
	_ =	sdelay $0x1  }
0x8a: {  	s1 =	srdreg.scid  }
0x8b: {  	s0 =	sand.u32 $0x1, s1  }
0x8c: {  	s17 =	sshll.u32 s0, $0xA;
	s2 =	sadd.s32 s3, s2  }
0x8d: {  	s2 =	sadd.s32 s2, s17  }
0x8e: {  	[smem:$0x3F68] =	sst s2  }
0x8f: {  	_ = 	snop  }
0x90: {  	(tm) =	ssettm $0x1  }
0x91: {  	s18 =	sld [smem:$0x3FFB];
	_ =	sdelay $0x3  }
0x92: {  	_ =	strace s18  }
0x93: {  	s2 =	sld [smem:$0x3FFC];
	_ =	sdelay $0x3  }
0x94: {  	_ =	strace s2  }
0x95: {  	s2 =	sld [smem:$0x3FFD];
	_ =	sdelay $0x3  }
0x96: {  	_ =	strace s2  }
0x97: {  	_ =	strace $0x8FFFFFFF  }
0x98: {  	s19 =	sld [smem:$0x3FDB];
	_ =	sdelay $0x1  }
0x99: {  	s20 =	simm.s32 $_scs_section_size  }
0x9a: {  	s4 =	simm.s32 $_size__tile_overlayer_lowered;
	s5 =	simm.s32 $_tile_overlayer_lowered  }
0x9b: {  	s6 =	simm.s32 $0x1BFF;
	s21 =	sshll.u32 s5, $0x1;
	s3 =	sadd.s32 s20, s19  }
0x9c: {  	s22 =	simm.s32 $0x0;
	s4 =	sshll.u32 s4, $0x1;
	s5 =	sadd.s32 s21, s3  }
0x9d: {  	[timem:s22], [sflag:s6] =	dma.local [hbm:s5], s4  }
0x9e: {  	_ =	swait.ge [sflag:s6], s4  }
0x9f: {  	s4 =	ssub.s32 $0x0, s4;
	[sflag:s6] =	ssyncset.done $0x0  }
0xa0: {  	[sflag:s6] =	ssyncadd.s32 s4;
	_ =	sdelay $0x1  }
0xa1: {  	s23 =	simm.s32 $0x1B8B  }
0xa2: {  	_ =	swait.ge [sflag:s23], $0x1  }
0xa3: {  	[sflag:s23] =	ssyncset.done $0x0  }
0xa4: {  	[sflag:s23] =	ssyncadd.s32 $0xFFFFFFFF  }
0xa5: {  	s4 =	sld [smem:$0x0]  }
0xa6: {  	s5 =	sand.u32 $0xFFFFFFFE, s1  }
0xa7: {  	p0 =	sne.s32 s1, s5  }
0xa8: {  	s5 =	sshll.u32 @p0 s5, $0xE  }
0xa9: {  	s5 =	sadd.s32 @p0 $0x11B8D, s5;
	s6 =	sshll.u32 @p0 s4, $0x11  }
0xaa: {  	s5 =	sor.u32 @p0 s6, s5  }
0xab: {  	[sflag:s5] =	ssyncadd.remote.s32 @p0 $0x1;
	_ =	sdelay $0x1  }
0xac: {  	s5 =	simm.s32 @p0 $0x1B8D  }
0xad: {  	_ =	swait.eq @p0 [sflag:s5], $0x1  }
0xae: {  	[sflag:s5] =	ssyncadd.s32 @p0 $0xFFFFFFFF  }
0xaf: {  	s6 =	sshll.u32 @!p0 s1, $0xE  }
0xb0: {  	s6 =	sor.u32 @!p0 $0x4000, s6;
	s5 =	simm.s32 @!p0 $0x1B8D  }
0xb1: {  	s4 =	sshll.u32 @!p0 s4, $0x11;
	s6 =	sadd.s32 @!p0 $0x11B8D, s6;
	_ =	swait.eq @!p0 [sflag:s5], $0x1  }
0xb2: {  	s4 =	sor.u32 @!p0 s4, s6;
	[sflag:s5] =	ssyncadd.s32 @!p0 $0xFFFFFFFF  }
0xb3: {  	s25 =	simm.s32 $0x1B8E;
	s24 =	sld [smem:$0x3FFE];
	[sflag:s4] =	ssyncadd.remote.s32 @!p0 $0x1  }
0xb4: {  	s26 =	simm.s32 $execute0_lowered;
	[smem:$0x3FD2] =	sst s25  }
0xb5: {  	s5 =	sshll.u32 s26, $0x1;
	_ =	strace $0x80000067;
	[dreg:$0x1] =	wrdreg $0xFFFFFFFF  }
0xb6: {  	s28 =	simm.s32 $_size_execute0_lowered;
	s3 =	sadd.s32 s3, s5;
	[dreg:$0x0] =	wrdreg $0x0  }
0xb7: {  	s5 =	sshll.u32 s28, $0x1;
	[dreg:$0x2] =	wrdreg s3  }
0xb8: {  	[dreg:$0x3] =	wrdreg s5  }
0xb9: {  	[dreg:$0x4] =	wrdreg $0xC0  }
0xba: {  	_ =	task [dreg:s22], $0x5FFFF  }
0xbb: {  	[dreg:$0x1] =	wrdreg $0xFFFFFFFF  }
0xbc: {  	[dreg:$0x0] =	wrdreg $0x60  }
0xbd: {  	[dreg:$0x2] =	wrdreg s24  }
0xbe: {  	[dreg:$0x3] =	wrdreg $0x9  }
0xbf: {  	_ =	task.clear_ibuf [dreg:s22], $0x4FFFF;
	_ =	strace $0x90000067  }
0xc0: {  	s29 =	simm.s32 $0x9;
	_ =	strace $0x80000069  }
0xc1: {  	_ =	swait.ge [sflag:s29], $0x1  }
0xc2: {  	[sflag:s29] =	ssyncadd.s32 $0xFFFFFFFF  }
0xc3: {  	_ =	strace $0x90000069  }
0xc4: {  	_ =	sfence  }
0xc5: {  	s30 =	sld [smem:$0x0];
	_ =	sdelay $0x2  }
0xc6: {  	s31 =	sshll.u32 s1, $0xD;
	s1 =	sshrl.u32 s1, $0x2  }
0xc7: {  	s4 =	sand.u32 $0x4000, s31;
	s1 =	sadd.s32 s1, s30  }
0xc8: {  	s0 =	sor.u32 s4, s0;
	s1 =	sshll.u32 s1, $0x11  }
0xc9: {  	s0 =	sor.u32 s1, s0  }
0xca: {  	s0 =	sadd.s32 $0x8F2B, s0  }
0xcb: {  	[sflag:s0] =	ssyncadd.remote.s32 $0x1  }
0xcc: {  	_ =	sfence.sel $0xFFFF  }
0xcd: {  	[dreg:$0x0] =	wrdreg $0xFFFFFFFF;
	(pc) =	sbr.abs _section_cstart, $3  }
0xce: {  	[dreg:$0x1] =	wrdreg $0xFFFFFFFF  }
0xcf: {  	_ =	task.clear_ibuf [dreg:s22], $0x2FFFF;
	_ =	strace $0x9FFFFFFF  }
0xd0: {  	(tm) =	ssettm $0x7FFFFFFF  }
0xd1: {  	_ =	shalt  }
tec
execute0_lowered:
.L_overlay_start_1:
0x0: {  	(tag) =	ssettag $0x1  }
0x1: {  	s4 =	rddreg [dreg:$0x0]  }
0x2: {  	s0 =	rddreg [dreg:$0x1]  }
0x3: {  	s3 =	srdreg.scid;
	s1 =	stileid.u32;
	s2 =	simm.s32 $0x0  }
0x4: {  	s10 =	simm.s32 $0x1;
	s11 =	simm.s32 $0x0;
	s6 =	smul.u32 $0x4E20, s1  }
0x5: {  	s5 =	sand.u32 $0x1, s3;
	[smem:$0x7FF] =	sst s2;
	s8 =	smul.u32 $0x4E200, s1  }
0x6: {  	s3 =	sadd.s32 $0x1963400, s4;
	s7 =	smul.u32 $0x2710, s5;
	s9 =	ssub.s32 $0x2, s5  }
0x7: {  	_ =	strace $0x80000068;
	s5 =	smul.u32 $0x27100, s5;
	s31 =	sshrl.u32 s9, $0x1  }
0x8: {  	s30 =	sadd.s32 s8, s4;
	s6 =	sadd.s32 s7, s6;
	s8 =	ssub.s32 s9, s31  }
0x9: {  	s5 =	sadd.s32 s5, s30;
	s7 =	simm.s32 $0x2;
	s6 =	sshrl.u32 s6, $0x3  }
0xa: {  	s9 =	simm.s32 $0x80;
	s5 =	sadd.s32 $0x59400, s5;
	s6 =	sadd.s32 s6, s4  }
0xb: {  	s4 =	smax.u32 s8, $0x1;
	s8 =	simm.s32 $0x50;
	s6 =	sadd.s32 $0x27E00, s6  }
.LBB2_1:
0xc: {  	s12 =	sadd.s32 $0x0, s6  }
0xd: {  	[tilespmem:s2], [sflag:$0x2] =	stream.linear.gather [hbm4b:s12+s2], $0x50, $0x38;
	[tilespmem:$0x2880] =	vst v63  }
0xe: {  	_ =	swait.ge [sflag:s7], $0x50  }
0xf: {  	[sflag:s7] =	ssyncset.done $0x0  }
0x10: {  	[sflag:s7] =	ssyncadd.s32 $0xFFFFFFB0  }
0x11: {  	[tilespmem:s9], [sflag:$0x1] =	stream.indirect.gather [hbm4b:s3+s8], $0x80, s2, s8, $0xb8;
	[tilespmem:$0x2880] =	vst v63  }
0x12: {  	_ =	swait.ge [sflag:s10], $0x2800  }
0x13: {  	[sflag:s10] =	ssyncset.done $0x0  }
0x14: {  	[sflag:s10] =	ssyncadd.s32 $0xFFFFD800  }
0x15: {  	[hbm4b:s5+s2] =	stream.linear.scatter [tilespmem:s9], [sflag:$0x2], $0x2800, $0x38;
	[tilespmem:$0x2880] =	vst v63  }
0x16: {  	s13 =	simm.s32 $0xA;
	_ =	swait.ge [sflag:s7], $0x2800  }
0x17: {  	s14 =	simm.s32 $0x14;
	s12 =	sadd.s32 $0x500, s5;
	[sflag:s7] =	ssyncset.done $0x0  }
.LBB2_2:
0x18: {  	s15 =	sadd.s32 s13, s6  }
0x19: {  	[sflag:s7] =	ssyncadd.s32 $0xFFFFD800;
	s13 =	smov.u32 s14;
	s16 =	sadd.s32 $0xA, s14  }
0x1a: {  	[tilespmem:s2], [sflag:$0x2] =	stream.linear.gather [hbm4b:s15+s2], $0x50, $0x38;
	[tilespmem:$0x2880] =	vst v63  }
0x1b: {  	p0 =	sne.s32 s14, $0x4D8;
	_ =	swait.ge [sflag:s7], $0x50  }
0x1c: {  	[sflag:s7] =	ssyncset.done $0x0  }
0x1d: {  	[sflag:s7] =	ssyncadd.s32 $0xFFFFFFB0  }
0x1e: {  	[tilespmem:s9], [sflag:$0x1] =	stream.indirect.gather [hbm4b:s3+s8], $0x80, s2, s8, $0xb8;
	[tilespmem:$0x2880] =	vst v63  }
0x1f: {  	_ =	swait.ge [sflag:s10], $0x2800  }
.Ltmp0:
0x20: {  	[sflag:s10] =	ssyncset.done $0x0;
	(pc) =	sbr.rel @p0 .LBB2_2-.Ltmp0, $4  }
0x21: {  	[sflag:s10] =	ssyncadd.s32 $0xFFFFD800  }
0x22: {  	[hbm4b:s12+s2] =	stream.linear.scatter [tilespmem:s9], [sflag:$0x2], $0x2800, $0x38;
	[tilespmem:$0x2880] =	vst v63  }
0x23: {  	_ =	swait.ge [sflag:s7], $0x2800  }
0x24: {  	s14 =	smov.u32 s16;
	s12 =	sadd.s32 $0x500, s12;
	[sflag:s7] =	ssyncset.done $0x0  }
0x25: {  	s13 =	sadd.s32 s13, s6;
	[sflag:s7] =	ssyncadd.s32 $0xFFFFD800  }
0x26: {  	[tilespmem:s2], [sflag:$0x2] =	stream.linear.gather [hbm4b:s13+s2], $0x50, $0x38;
	[tilespmem:$0x2880] =	vst v63  }
0x27: {  	_ =	swait.ge [sflag:s7], $0x50  }
0x28: {  	[sflag:s7] =	ssyncset.done $0x0  }
0x29: {  	[sflag:s7] =	ssyncadd.s32 $0xFFFFFFB0  }
0x2a: {  	[tilespmem:s9], [sflag:$0x1] =	stream.indirect.gather [hbm4b:s3+s8], $0x80, s2, s8, $0xb8;
	[tilespmem:$0x2880] =	vst v63  }
0x2b: {  	s11 =	sadd.s32 $0x1, s11;
	_ =	swait.ge [sflag:s10], $0x2800  }
0x2c: {  	p0 =	sne.s32 s11, s4;
	[sflag:s10] =	ssyncset.done $0x0  }
.Ltmp1:
0x2d: {  	[sflag:s10] =	ssyncadd.s32 $0xFFFFD800;
	(pc) =	sbr.rel @p0 .LBB2_1-.Ltmp1, $4  }
0x2e: {  	[hbm4b:s12+s2] =	stream.linear.scatter [tilespmem:s9], [sflag:$0x2], $0x2800, $0x38;
	[tilespmem:$0x2880] =	vst v63  }
0x2f: {  	_ =	swait.ge [sflag:s7], $0x2800  }
0x30: {  	[sflag:s7] =	ssyncset.done $0x0  }
0x31: {  	[sflag:s7] =	ssyncadd.s32 $0xFFFFD800  }
0x32: {  	_ =	sfence.sel $0x180000  }
0x33: {  	[bflag:$0x0] =	sbarrier.arrive $0xFFFF  }
0x34: {  	p0 =	sne.s32 s1, $0x0;
	_ =	strace $0x90000068  }
0x35: {  	s0 =	sadd.s32 @!p0 $0x100000, s0;
	[bflag:$0x2] =	sbarrier.arrive $0xFFFF  }
0x36: {  	[sflag:s0] =	ssyncadd.tile.s32 @!p0 $0x1;
	_ =	shalt  }
.Lfunc_end2:
_tile_overlayer_lowered:
.L_overlay_start_2:
0x37: {  	(tag) =	ssettag $0x2  }
0x38: {  	s0 =	rddreg [dreg:$0x0];
	s2 =	stileid.u32  }
0x39: {  	s1 =	rddreg [dreg:$0x1];
	p0 =	sne.s32 s2, $0x0  }
0x3a: {  	s3 =	rddreg [dreg:$0x2];
	[bflag:$0x3] =	sbarrier.arrive $0xFFFF;
	s2 =	simm.s32 @!p0 $0x1C02  }
0x3b: {  	[timem:s3], [sflag:s2] =	dma.local @!p0 [hbm:s0], s1  }
0x3c: {  	s0 =	simm.s32 @!p0 $0x2  }
0x3d: {  	_ =	swait.ge @!p0 [sflag:s0], s1  }
0x3e: {  	s1 =	ssub.s32 @!p0 $0x0, s1;
	[sflag:s0] =	ssyncset.done @!p0 $0x0  }
0x3f: {  	[sflag:s0] =	ssyncadd.s32 @!p0 s1  }
0x40: {  	[bflag:$0x3] =	sbarrier.arrive $0xFFFF  }
0x41: {  	_ =	shalt  }

</sc_bundles>
